<compile_context>
chip_gen: v7x
topology: tpu7x:2x2x1
jax: 0.10.2.dev20260603
libtpu: 0.0.44.dev20260713+nightly
codegen_flags: <defaults>
</compile_context>

<pallas_src>
import dataclasses
import functools

import jax
import jax.numpy as jnp
from jax import lax
from jax.experimental import pallas as pl
from jax.experimental.pallas import tpu as pltpu
from jax.experimental.pallas import tpu_sc as plsc

_NC = 2
_NS = 16
_NW = _NC * _NS
_LANES = 16
_C = 64


def _project_table(values_bf, wp_bf, m_block):
    n_coarse, d = values_bf.shape
    n_out = wp_bf.shape[1]

    def body(v_ref, w_ref, o_ref):
        o_ref[...] = lax.dot_general(
            v_ref[...].astype(jnp.bfloat16), w_ref[...],
            (((1,), (0,)), ((), ())),
            preferred_element_type=jnp.float32).astype(jnp.bfloat16)

    return pl.pallas_call(
        body,
        grid=(n_coarse // m_block,),
        in_specs=[
            pl.BlockSpec((m_block, d), lambda m: (m, 0)),
            pl.BlockSpec((d, n_out), lambda m: (0, 0)),
        ],
        out_specs=pl.BlockSpec((m_block, n_out), lambda m: (m, 0)),
        out_shape=jax.ShapeDtypeStruct((n_coarse, n_out), jnp.bfloat16),
    )(values_bf, wp_bf)


def _sc_compiler_params():
    cp = pltpu.CompilerParams(use_tc_tiling_on_sc=False)
    if "needs_layout_passes" in pltpu.CompilerParams.__dataclass_fields__:
        cp = dataclasses.replace(cp, needs_layout_passes=False)
    return cp


def _gather_sum(table, idx_t, fe, nf, n_coarse, bpw, n_pad, n_fine):
    n_ch = bpw // _C
    assert n_ch % 2 == 0
    full_tiles = n_fine // bpw
    rem = n_fine - full_tiles * bpw
    assert rem % _LANES == 0 and full_tiles < _NW
    rows_a = (n_coarse // _NS) & ~7
    rows_b = n_coarse - _NS * rows_a
    mesh = plsc.VectorSubcoreMesh(core_axis_name="c", subcore_axis_name="s")

    @functools.partial(
        pl.kernel,
        out_type=jax.ShapeDtypeStruct((n_pad * nf,), jnp.float32),
        mesh=mesh,
        scratch_types=[
            pltpu.VMEM_SHARED((n_coarse, nf), jnp.bfloat16),
            pltpu.VMEM_SHARED((n_coarse, nf), jnp.bfloat16),
            pltpu.VMEM((bpw, nf), jnp.bfloat16),
            pltpu.VMEM((_C, nf), jnp.bfloat16),
            pltpu.VMEM((_C, nf), jnp.bfloat16),
            pltpu.VMEM((bpw,), jnp.int32),
            pltpu.VMEM((bpw,), jnp.int32),
            pltpu.VMEM((_C * nf,), jnp.float32),
            pltpu.VMEM((_C * nf,), jnp.float32),
            pltpu.SemaphoreType.DMA,
            pltpu.SemaphoreType.DMA,
            pltpu.SemaphoreType.DMA,
            pltpu.SemaphoreType.DMA,
            pltpu.SemaphoreType.DMA,
            pltpu.SemaphoreType.DMA,
            pltpu.SemaphoreType.DMA,
            pltpu.SemaphoreType.DMA,
        ],
        compiler_params=_sc_compiler_params(),
    )
    def body(table_hbm, idx_hbm, out_hbm,
             sh0, sh1, acc_v, r0, r1, ix0, ix1, st0, st1,
             ss0, ss1, sg0, sg1, si0, si1, so0, so1):
        cid = lax.axis_index("c")
        sid = lax.axis_index("s")
        wid = sid * _NC + cid
        sh = (sh0, sh1)
        rows = (r0, r1)
        ix = (ix0, ix1)
        stg = (st0, st1)
        ss = (ss0, ss1)
        sg = (sg0, sg1)
        si = (si0, si1)
        so = (so0, so1)

        def stage_copies(k, q):
            a = sid * rows_a
            cols = pl.ds(k * nf, nf)
            yield (table_hbm.at[pl.ds(a, rows_a), cols],
                   sh[q].at[pl.ds(a, rows_a)], ss[q])
            b = _NS * rows_a
            yield (table_hbm.at[pl.ds(b, rows_b), cols],
                   sh[q].at[pl.ds(b, rows_b)], ss[q])

        def stage_start(k, q):
            cps = list(stage_copies(k, q))
            pltpu.async_copy(*cps[0])

            @pl.when(sid == 0)
            def _():
                pltpu.async_copy(*cps[1])

        def stage_wait(k, q):
            cps = list(stage_copies(k, q))
            pltpu.make_async_copy(*cps[0]).wait()

            @pl.when(sid == 0)
            def _():
                pltpu.make_async_copy(*cps[1]).wait()

        zeros16 = jnp.zeros((_LANES,), jnp.int32)

        def idx_start(k, kp):
            @pl.when(wid < full_tiles)
            def _():
                pltpu.async_copy(idx_hbm.at[k, pl.ds(wid * bpw, bpw)],
                                 ix[kp], si[kp])

            @pl.when(wid == full_tiles)
            def _():
                pltpu.async_copy(
                    idx_hbm.at[k, pl.ds(full_tiles * bpw, rem)],
                    ix[kp].at[pl.ds(0, rem)], si[kp])

                @plsc.parallel_loop(rem // _LANES, bpw // _LANES, 1, unroll=4)
                def _fill(t):
                    ix[kp][pl.ds(t * _LANES, _LANES)] = zeros16

            @pl.when(wid > full_tiles)
            def _():
                @plsc.parallel_loop(0, bpw // _LANES, 1, unroll=4)
                def _fill(t):
                    ix[kp][pl.ds(t * _LANES, _LANES)] = zeros16

        def idx_wait(k, kp):
            @pl.when(wid < full_tiles)
            def _():
                pltpu.make_async_copy(idx_hbm.at[k, pl.ds(wid * bpw, bpw)],
                                      ix[kp], si[kp]).wait()

            @pl.when(wid == full_tiles)
            def _():
                pltpu.make_async_copy(
                    idx_hbm.at[k, pl.ds(full_tiles * bpw, rem)],
                    ix[kp].at[pl.ds(0, rem)], si[kp]).wait()

        def gather(k, q, c, p):
            src = sh[q].at[ix[k % 2].at[pl.ds(c * _C, _C)]]
            if k == 0:
                pltpu.async_copy(src, acc_v.at[pl.ds(c * _C, _C)], sg[p])
            else:
                pltpu.async_copy(src, rows[p], sg[p])

        def gather_wait(k, q, p):
            src = sh[q].at[ix[k % 2].at[pl.ds(0, _C)]]
            if k == 0:
                pltpu.make_async_copy(src, acc_v.at[pl.ds(0, _C)], sg[p]).wait()
            else:
                pltpu.make_async_copy(src, rows[p], sg[p]).wait()

        def accumulate(k, c, p):
            if k == 0:
                return
            w = 2 * _LANES

            if k == fe - 1:
                @pl.when(c >= 2)
                def _():
                    pltpu.make_async_copy(
                        stg[p], out_hbm.at[pl.ds(0, _C * nf)], so[p]).wait()

                @plsc.parallel_loop(0, _C, 1, unroll=4)
                def _row(r):
                    for j in range(nf // w):
                        s = pl.ds(j * w, w)
                        v = acc_v[c * _C + r, s] + rows[p][r, s]
                        a, b = plsc.unpack(v, format=plsc.PackFormat.INTERLEAVED)
                        o = r * nf + j * w
                        stg[p][pl.ds(o, _LANES)] = a
                        stg[p][pl.ds(o + _LANES, _LANES)] = b

                pltpu.async_copy(
                    stg[p],
                    out_hbm.at[pl.ds((wid * bpw + c * _C) * nf, _C * nf)],
                    so[p])
                return

            @plsc.parallel_loop(0, _C, 2, unroll=4)
            def _row(r):
                for rr in range(2):
                    for j in range(nf // w):
                        s = pl.ds(j * w, w)
                        row = c * _C + r + rr
                        acc_v[row, s] = acc_v[row, s] + rows[p][r + rr, s]

        stage_start(0, 0)
        stage_start(1, 1)
        idx_start(0, 0)
        idx_start(1, 1)
        idx_wait(0, 0)
        stage_wait(0, 0)
        plsc.subcore_barrier()

        for k in range(fe):
            q = k % 2
            gather(k, q, 0, 0)

            @pl.loop(0, n_ch, step=2)
            def _pair(c, k=k, q=q):
                gather_wait(k, q, 0)
                gather(k, q, c + 1, 1)
                accumulate(k, c, 0)
                gather_wait(k, q, 1)

                @pl.when(c + 2 < n_ch)
                def _():
                    gather(k, q, c + 2, 0)

                accumulate(k, c + 1, 1)

            if k + 2 <= fe - 1:
                idx_start(k + 2, q)
            if k + 1 <= fe - 1:
                idx_wait(k + 1, 1 - q)
                stage_wait(k + 1, 1 - q)
                plsc.subcore_barrier()
                if k + 2 <= fe - 1:
                    stage_start(k + 2, q)

        for p in range(2):
            pltpu.make_async_copy(
                stg[p], out_hbm.at[pl.ds(0, _C * nf)], so[p]).wait()

    return body(table, idx_t)


def kernel(lattice_coarse_values, neighbor_indices, weight):
    n_coarse, d = lattice_coarse_values.shape
    n_fine, fe = neighbor_indices.shape
    nf = weight.shape[1]

    wp = weight.reshape(fe, d, nf).transpose(1, 0, 2).reshape(d, fe * nf)
    t16 = jnp.arange(16, dtype=jnp.int32)
    perm32 = jnp.stack([t16, t16 + 16], axis=1).reshape(32)
    permnf = jnp.concatenate([perm32 + 32 * h for h in range(nf // 32)])
    permfull = (jnp.arange(fe, dtype=jnp.int32)[:, None] * nf
                + permnf[None, :]).reshape(-1)
    wp = wp[:, permfull]
    table = _project_table(lattice_coarse_values, wp.astype(jnp.bfloat16),
                           m_block=2000)

    per_round = _NW * _C
    n_chunks = -(-n_fine // per_round)
    n_chunks += n_chunks % 2
    n_pad = n_chunks * per_round
    bpw = n_chunks * _C
    idx_t = neighbor_indices.T.astype(jnp.int32)

    out = _gather_sum(table, idx_t, fe, nf, n_coarse, bpw, n_pad, n_fine)
    return out[:n_fine * nf].reshape(n_fine, nf)

# --- scband reference (transcript-rebuilt; emitter-appended) ---
"""Pipeline reference for scband-finefy-lattice-module-25400436588642 (READ-ONLY COPY).

The authoritative reference and input builder live on the scoring server;
editing this copy changes nothing except your own understanding.
"""

import jax, jax.numpy as jnp
import numpy as np
import math

N_COARSE = 10000
N_FINE = 50000
VAL_DIM = 128
FILTER_EXTENT = 9
NR_FILTERS = 64


def setup_inputs(seed: int = 0) -> dict:
    key = jax.random.key(seed)
    k1, k2, k3 = jax.random.split(key, 3)
    lattice_coarse_values = jax.random.normal(k1, (N_COARSE, VAL_DIM), dtype=jnp.float32)
    # neighbor indices of each fine vertex into the coarse lattice (custom CUDA op's
    # implicit splatting structure, modeled as an explicit int index tensor)
    neighbor_indices = jax.random.randint(k2, (N_FINE, FILTER_EXTENT), 0, N_COARSE, dtype=jnp.int64)
    # weight init faithful to reset_parameters: fan_out/2, relu gain, *2, kaiming-uniform bound
    fan = (FILTER_EXTENT * VAL_DIM) / 2.0
    gain = math.sqrt(2.0)
    std = gain / math.sqrt(fan) * 2.0
    bound = math.sqrt(3.0) * std
    weight = jax.random.uniform(k3, (FILTER_EXTENT * VAL_DIM, NR_FILTERS), dtype=jnp.float32, minval=-bound, maxval=bound)
    return {
        "lattice_coarse_values": lattice_coarse_values,
        "neighbor_indices": neighbor_indices,
        "weight": weight,
    }


def reference(lattice_coarse_values, neighbor_indices, weight):
    # FinefyLattice: for every fine-lattice vertex, gather the values of its
    # filter_extent coarse-lattice neighbours (incl. the center vertex since
    # use_center_vertex_from_lattice_neigbhours=True), flatten the receptive
    # field, and apply the learned linear filter -> new fine-lattice values.
    gathered = jnp.take(lattice_coarse_values, neighbor_indices, axis=0)  # [N_fine, FE, val_dim]
    flat = gathered.reshape(gathered.shape[0], FILTER_EXTENT * VAL_DIM)   # [N_fine, FE*val_dim]
    lv = flat @ weight                                                    # [N_fine, nr_filters]
    return lv

if __name__ == "__main__":
    import jax
    _d = setup_inputs()
    print(jax.jit(kernel)(*tuple(_d.values())))

</pallas_src>

<mosaic_0001>
#map = affine_map<(d0, d1) -> (0, 0)>
#map1 = affine_map<(d0, d1) -> (0)>
module attributes {stable_mosaic.version = 14 : i64} {
  func.func @body(%arg0: i32, %arg1: i32, %arg2: memref<10000x576xbf16, #tpu.memory_space<hbm>>, %arg3: memref<9x50000xi32, #tpu.memory_space<hbm>>, %arg4: memref<3407872xf32, #tpu.memory_space<hbm>>, %arg5: memref<10000x64xbf16, #tpu.memory_space<vmem_shared>>, %arg6: memref<10000x64xbf16, #tpu.memory_space<vmem_shared>>, %arg7: memref<1664x64xbf16, #tpu.memory_space<vmem>>, %arg8: memref<64x64xbf16, #tpu.memory_space<vmem>>, %arg9: memref<64x64xbf16, #tpu.memory_space<vmem>>, %arg10: memref<1664xi32, #tpu.memory_space<vmem>>, %arg11: memref<1664xi32, #tpu.memory_space<vmem>>, %arg12: memref<4096xf32, #tpu.memory_space<vmem>>, %arg13: memref<4096xf32, #tpu.memory_space<vmem>>, %arg14: memref<!tpu.dma_semaphore, #tpu.memory_space<semaphore_mem>>, %arg15: memref<!tpu.dma_semaphore, #tpu.memory_space<semaphore_mem>>, %arg16: memref<!tpu.dma_semaphore, #tpu.memory_space<semaphore_mem>>, %arg17: memref<!tpu.dma_semaphore, #tpu.memory_space<semaphore_mem>>, %arg18: memref<!tpu.dma_semaphore, #tpu.memory_space<semaphore_mem>>, %arg19: memref<!tpu.dma_semaphore, #tpu.memory_space<semaphore_mem>>, %arg20: memref<!tpu.dma_semaphore, #tpu.memory_space<semaphore_mem>>, %arg21: memref<!tpu.dma_semaphore, #tpu.memory_space<semaphore_mem>>) attributes {dimension_semantics = [#tpu.dimension_semantics<core_parallel>, #tpu.dimension_semantics<subcore_parallel>], iteration_bounds = array<i64: 2, 16>, scalar_prefetch = 0 : i64, scratch_operands = 17 : i64, tpu.core_type = #tpu.core_type<sc_vector_subcore>, window_params = [{transform_indices = #map}, {transform_indices = #map}, {transform_indices = #map1}]} {
    %mul3A = arith.constant 2 : i32
    %mul3A_0 = arith.muli %arg1, %mul3A : i32
    %add3A = arith.addi %mul3A_0, %arg0 : i32
    %broadcast_in_dim3A = arith.constant 0 : i32
    %broadcast_in_dim3A_1 = vector.broadcast %broadcast_in_dim3A : i32 to vector<16xi32>
    %mul3A_2 = arith.constant 624 : i32
    %mul3A_3 = arith.muli %arg1, %mul3A_2 : i32
    %dma_start3A = arith.constant 0 : i32
    %dma_start3A_4 = tpu.memref_slice %arg5[%mul3A_3, %dma_start3A] : memref<10000x64xbf16, #tpu.memory_space<vmem_shared>> -> memref<624x64xbf16, #tpu.memory_space<vmem_shared>>
    %dma_start3A_5 = arith.constant 0 : i32
    %dma_start3A_6 = tpu.memref_slice %arg2[%mul3A_3, %dma_start3A_5] : memref<10000x576xbf16, #tpu.memory_space<hbm>> -> memref<624x64xbf16, #tpu.memory_space<hbm>>
    tpu.enqueue_dma source(%dma_start3A_6 : memref<624x64xbf16, #tpu.memory_space<hbm>>) target(%dma_start3A_4 : memref<624x64xbf16, #tpu.memory_space<vmem_shared>>) target_semaphore(%arg14 : memref<!tpu.dma_semaphore, #tpu.memory_space<semaphore_mem>>)
    %eq3A = arith.constant 0 : i32
    %eq3A_7 = arith.cmpi eq, %arg1, %eq3A : i32
    %convert_element_type3A = arith.extui %eq3A_7 : i1 to i32
    %cond3A = arith.constant 0 : i32
    %cond3A_8 = arith.cmpi ne, %convert_element_type3A, %cond3A : i32
    scf.if %cond3A_8 {
      %dma_start3A_526 = arith.constant 9984 : i32
      %dma_start3A_527 = arith.constant 0 : i32
      %dma_start3A_528 = tpu.memref_slice %arg5[%dma_start3A_526, %dma_start3A_527] : memref<10000x64xbf16, #tpu.memory_space<vmem_shared>> -> memref<16x64xbf16, #tpu.memory_space<vmem_shared>>
      %dma_start3A_529 = arith.constant 9984 : i32
      %dma_start3A_530 = arith.constant 0 : i32
      %dma_start3A_531 = tpu.memref_slice %arg2[%dma_start3A_529, %dma_start3A_530] : memref<10000x576xbf16, #tpu.memory_space<hbm>> -> memref<16x64xbf16, #tpu.memory_space<hbm>>
      tpu.enqueue_dma source(%dma_start3A_531 : memref<16x64xbf16, #tpu.memory_space<hbm>>) target(%dma_start3A_528 : memref<16x64xbf16, #tpu.memory_space<vmem_shared>>) target_semaphore(%arg14 : memref<!tpu.dma_semaphore, #tpu.memory_space<semaphore_mem>>)
    } else {
    }
    %mul3A_9 = arith.constant 624 : i32
    %mul3A_10 = arith.muli %arg1, %mul3A_9 : i32
    %dma_start3A_11 = arith.constant 0 : i32
    %dma_start3A_12 = tpu.memref_slice %arg6[%mul3A_10, %dma_start3A_11] : memref<10000x64xbf16, #tpu.memory_space<vmem_shared>> -> memref<624x64xbf16, #tpu.memory_space<vmem_shared>>
    %dma_start3A_13 = arith.constant 64 : i32
    %dma_start3A_14 = tpu.memref_slice %arg2[%mul3A_10, %dma_start3A_13] : memref<10000x576xbf16, #tpu.memory_space<hbm>> -> memref<624x64xbf16, #tpu.memory_space<hbm>>
    tpu.enqueue_dma source(%dma_start3A_14 : memref<624x64xbf16, #tpu.memory_space<hbm>>) target(%dma_start3A_12 : memref<624x64xbf16, #tpu.memory_space<vmem_shared>>) target_semaphore(%arg15 : memref<!tpu.dma_semaphore, #tpu.memory_space<semaphore_mem>>)
    %eq3A_15 = arith.constant 0 : i32
    %eq3A_16 = arith.cmpi eq, %arg1, %eq3A_15 : i32
    %convert_element_type3A_17 = arith.extui %eq3A_16 : i1 to i32
    %cond3A_18 = arith.constant 0 : i32
    %cond3A_19 = arith.cmpi ne, %convert_element_type3A_17, %cond3A_18 : i32
    scf.if %cond3A_19 {
      %dma_start3A_526 = arith.constant 9984 : i32
      %dma_start3A_527 = arith.constant 0 : i32
      %dma_start3A_528 = tpu.memref_slice %arg6[%dma_start3A_526, %dma_start3A_527] : memref<10000x64xbf16, #tpu.memory_space<vmem_shared>> -> memref<16x64xbf16, #tpu.memory_space<vmem_shared>>
      %dma_start3A_529 = arith.constant 9984 : i32
      %dma_start3A_530 = arith.constant 64 : i32
      %dma_start3A_531 = tpu.memref_slice %arg2[%dma_start3A_529, %dma_start3A_530] : memref<10000x576xbf16, #tpu.memory_space<hbm>> -> memref<16x64xbf16, #tpu.memory_space<hbm>>
      tpu.enqueue_dma source(%dma_start3A_531 : memref<16x64xbf16, #tpu.memory_space<hbm>>) target(%dma_start3A_528 : memref<16x64xbf16, #tpu.memory_space<vmem_shared>>) target_semaphore(%arg15 : memref<!tpu.dma_semaphore, #tpu.memory_space<semaphore_mem>>)
    } else {
    }
    %lt3A = arith.constant 30 : i32
    %lt3A_20 = arith.cmpi slt, %add3A, %lt3A : i32
    %convert_element_type3A_21 = arith.extui %lt3A_20 : i1 to i32
    %cond3A_22 = arith.constant 0 : i32
    %cond3A_23 = arith.cmpi ne, %convert_element_type3A_21, %cond3A_22 : i32
    scf.if %cond3A_23 {
      %mul3A_526 = arith.constant 1664 : i32
      %mul3A_527 = arith.muli %add3A, %mul3A_526 : i32
      %dma_start3A_528 = arith.constant 0 : i32
      %dma_start3A_529 = tpu.memref_slice %arg3[%dma_start3A_528, %mul3A_527] : memref<9x50000xi32, #tpu.memory_space<hbm>> -> memref<1x1664xi32, #tpu.memory_space<hbm>>
      %dma_start3A_530 = tpu.memref_squeeze %dma_start3A_529 : memref<1x1664xi32, #tpu.memory_space<hbm>> -> memref<1664xi32, #tpu.memory_space<hbm>>
      %dma_start3A_531 = tpu.memref_slice %arg3[%dma_start3A_528, %mul3A_527] : memref<9x50000xi32, #tpu.memory_space<hbm>> -> memref<1x1664xi32, #tpu.memory_space<hbm>>
      %dma_start3A_532 = tpu.memref_squeeze %dma_start3A_531 : memref<1x1664xi32, #tpu.memory_space<hbm>> -> memref<1664xi32, #tpu.memory_space<hbm>>
      tpu.enqueue_dma source(%dma_start3A_532 : memref<1664xi32, #tpu.memory_space<hbm>>) target(%arg10 : memref<1664xi32, #tpu.memory_space<vmem>>) target_semaphore(%arg18 : memref<!tpu.dma_semaphore, #tpu.memory_space<semaphore_mem>>)
    } else {
    }
    %eq3A_24 = arith.constant 30 : i32
    %eq3A_25 = arith.cmpi eq, %add3A, %eq3A_24 : i32
    %convert_element_type3A_26 = arith.extui %eq3A_25 : i1 to i32
    %cond3A_27 = arith.constant 0 : i32
    %cond3A_28 = arith.cmpi ne, %convert_element_type3A_26, %cond3A_27 : i32
    scf.if %cond3A_28 {
      %dma_start3A_526 = arith.constant 0 : i32
      %dma_start3A_527 = arith.constant 0 : i32
      %dma_start3A_528 = tpu.memref_slice %arg10[%dma_start3A_527] : memref<1664xi32, #tpu.memory_space<vmem>> -> memref<80xi32, #tpu.memory_space<vmem>>
      %dma_start3A_529 = arith.constant 49920 : i32
      %dma_start3A_530 = tpu.memref_slice %arg3[%dma_start3A_526, %dma_start3A_529] : memref<9x50000xi32, #tpu.memory_space<hbm>> -> memref<1x80xi32, #tpu.memory_space<hbm>>
      %dma_start3A_531 = tpu.memref_squeeze %dma_start3A_530 : memref<1x80xi32, #tpu.memory_space<hbm>> -> memref<80xi32, #tpu.memory_space<hbm>>
      %dma_start3A_532 = arith.constant 0 : i32
      %dma_start3A_533 = tpu.memref_slice %arg10[%dma_start3A_532] : memref<1664xi32, #tpu.memory_space<vmem>> -> memref<80xi32, #tpu.memory_space<vmem>>
      %dma_start3A_534 = arith.constant 49920 : i32
      %dma_start3A_535 = tpu.memref_slice %arg3[%dma_start3A_526, %dma_start3A_534] : memref<9x50000xi32, #tpu.memory_space<hbm>> -> memref<1x80xi32, #tpu.memory_space<hbm>>
      %dma_start3A_536 = tpu.memref_squeeze %dma_start3A_535 : memref<1x80xi32, #tpu.memory_space<hbm>> -> memref<80xi32, #tpu.memory_space<hbm>>
      tpu.enqueue_dma source(%dma_start3A_536 : memref<80xi32, #tpu.memory_space<hbm>>) target(%dma_start3A_533 : memref<80xi32, #tpu.memory_space<vmem>>) target_semaphore(%arg18 : memref<!tpu.dma_semaphore, #tpu.memory_space<semaphore_mem>>)
      %parallel_loop3A = arith.constant 5 : i32
      %parallel_loop3A_537 = arith.constant 104 : i32
      %parallel_loop3A_538 = arith.constant 1 : i32
      scf.for %parallel_loop3A_539 = %parallel_loop3A to %parallel_loop3A_537 step %parallel_loop3A_538  : i32 {
        %parallel_loop3A_540 = arith.constant 16 : i32
        %parallel_loop3A_541 = arith.muli %parallel_loop3A_539, %parallel_loop3A_540 : i32
        %parallel_loop3A_542 = arith.index_cast %parallel_loop3A_541 : i32 to index
        %parallel_loop3A_543 = tpu.vector_load %arg10[%parallel_loop3A_542] {strides = array<i32>} : memref<1664xi32, #tpu.memory_space<vmem>>, vector<16xi32>,
        tpu.vector_store %arg10[%parallel_loop3A_542], %broadcast_in_dim3A_1 {strides = array<i32>} : memref<1664xi32, #tpu.memory_space<vmem>>, vector<16xi32>,
      } {sc.loop_unroll_factor = 4 : i64, sc.parallel_access}
    } else {
    }
    %gt3A = arith.constant 30 : i32
    %gt3A_29 = arith.cmpi sgt, %add3A, %gt3A : i32
    %convert_element_type3A_30 = arith.extui %gt3A_29 : i1 to i32
    %cond3A_31 = arith.constant 0 : i32
    %cond3A_32 = arith.cmpi ne, %convert_element_type3A_30, %cond3A_31 : i32
    scf.if %cond3A_32 {
      %parallel_loop3A = arith.constant 0 : i32
      %parallel_loop3A_526 = arith.constant 104 : i32
      %parallel_loop3A_527 = arith.constant 1 : i32
      scf.for %parallel_loop3A_528 = %parallel_loop3A to %parallel_loop3A_526 step %parallel_loop3A_527  : i32 {
        %parallel_loop3A_529 = arith.constant 16 : i32
        %parallel_loop3A_530 = arith.muli %parallel_loop3A_528, %parallel_loop3A_529 : i32
        %parallel_loop3A_531 = arith.index_cast %parallel_loop3A_530 : i32 to index
        %parallel_loop3A_532 = tpu.vector_load %arg10[%parallel_loop3A_531] {strides = array<i32>} : memref<1664xi32, #tpu.memory_space<vmem>>, vector<16xi32>,
        tpu.vector_store %arg10[%parallel_loop3A_531], %broadcast_in_dim3A_1 {strides = array<i32>} : memref<1664xi32, #tpu.memory_space<vmem>>, vector<16xi32>,
      } {sc.loop_unroll_factor = 4 : i64, sc.parallel_access}
    } else {
    }
    %lt3A_33 = arith.constant 30 : i32
    %lt3A_34 = arith.cmpi slt, %add3A, %lt3A_33 : i32
    %convert_element_type3A_35 = arith.extui %lt3A_34 : i1 to i32
    %cond3A_36 = arith.constant 0 : i32
    %cond3A_37 = arith.cmpi ne, %convert_element_type3A_35, %cond3A_36 : i32
    scf.if %cond3A_37 {
      %mul3A_526 = arith.constant 1664 : i32
      %mul3A_527 = arith.muli %add3A, %mul3A_526 : i32
      %dma_start3A_528 = arith.constant 1 : i32
      %dma_start3A_529 = tpu.memref_slice %arg3[%dma_start3A_528, %mul3A_527] : memref<9x50000xi32, #tpu.memory_space<hbm>> -> memref<1x1664xi32, #tpu.memory_space<hbm>>
      %dma_start3A_530 = tpu.memref_squeeze %dma_start3A_529 : memref<1x1664xi32, #tpu.memory_space<hbm>> -> memref<1664xi32, #tpu.memory_space<hbm>>
      %dma_start3A_531 = tpu.memref_slice %arg3[%dma_start3A_528, %mul3A_527] : memref<9x50000xi32, #tpu.memory_space<hbm>> -> memref<1x1664xi32, #tpu.memory_space<hbm>>
      %dma_start3A_532 = tpu.memref_squeeze %dma_start3A_531 : memref<1x1664xi32, #tpu.memory_space<hbm>> -> memref<1664xi32, #tpu.memory_space<hbm>>
      tpu.enqueue_dma source(%dma_start3A_532 : memref<1664xi32, #tpu.memory_space<hbm>>) target(%arg11 : memref<1664xi32, #tpu.memory_space<vmem>>) target_semaphore(%arg19 : memref<!tpu.dma_semaphore, #tpu.memory_space<semaphore_mem>>)
    } else {
    }
    %eq3A_38 = arith.constant 30 : i32
    %eq3A_39 = arith.cmpi eq, %add3A, %eq3A_38 : i32
    %convert_element_type3A_40 = arith.extui %eq3A_39 : i1 to i32
    %cond3A_41 = arith.constant 0 : i32
    %cond3A_42 = arith.cmpi ne, %convert_element_type3A_40, %cond3A_41 : i32
    scf.if %cond3A_42 {
      %dma_start3A_526 = arith.constant 1 : i32
      %dma_start3A_527 = arith.constant 0 : i32
      %dma_start3A_528 = tpu.memref_slice %arg11[%dma_start3A_527] : memref<1664xi32, #tpu.memory_space<vmem>> -> memref<80xi32, #tpu.memory_space<vmem>>
      %dma_start3A_529 = arith.constant 49920 : i32
      %dma_start3A_530 = tpu.memref_slice %arg3[%dma_start3A_526, %dma_start3A_529] : memref<9x50000xi32, #tpu.memory_space<hbm>> -> memref<1x80xi32, #tpu.memory_space<hbm>>
      %dma_start3A_531 = tpu.memref_squeeze %dma_start3A_530 : memref<1x80xi32, #tpu.memory_space<hbm>> -> memref<80xi32, #tpu.memory_space<hbm>>
      %dma_start3A_532 = arith.constant 0 : i32
      %dma_start3A_533 = tpu.memref_slice %arg11[%dma_start3A_532] : memref<1664xi32, #tpu.memory_space<vmem>> -> memref<80xi32, #tpu.memory_space<vmem>>
      %dma_start3A_534 = arith.constant 49920 : i32
      %dma_start3A_535 = tpu.memref_slice %arg3[%dma_start3A_526, %dma_start3A_534] : memref<9x50000xi32, #tpu.memory_space<hbm>> -> memref<1x80xi32, #tpu.memory_space<hbm>>
      %dma_start3A_536 = tpu.memref_squeeze %dma_start3A_535 : memref<1x80xi32, #tpu.memory_space<hbm>> -> memref<80xi32, #tpu.memory_space<hbm>>
      tpu.enqueue_dma source(%dma_start3A_536 : memref<80xi32, #tpu.memory_space<hbm>>) target(%dma_start3A_533 : memref<80xi32, #tpu.memory_space<vmem>>) target_semaphore(%arg19 : memref<!tpu.dma_semaphore, #tpu.memory_space<semaphore_mem>>)
      %parallel_loop3A = arith.constant 5 : i32
      %parallel_loop3A_537 = arith.constant 104 : i32
      %parallel_loop3A_538 = arith.constant 1 : i32
      scf.for %parallel_loop3A_539 = %parallel_loop3A to %parallel_loop3A_537 step %parallel_loop3A_538  : i32 {
        %parallel_loop3A_540 = arith.constant 16 : i32
        %parallel_loop3A_541 = arith.muli %parallel_loop3A_539, %parallel_loop3A_540 : i32
        %parallel_loop3A_542 = arith.index_cast %parallel_loop3A_541 : i32 to index
        %parallel_loop3A_543 = tpu.vector_load %arg11[%parallel_loop3A_542] {strides = array<i32>} : memref<1664xi32, #tpu.memory_space<vmem>>, vector<16xi32>,
        tpu.vector_store %arg11[%parallel_loop3A_542], %broadcast_in_dim3A_1 {strides = array<i32>} : memref<1664xi32, #tpu.memory_space<vmem>>, vector<16xi32>,
      } {sc.loop_unroll_factor = 4 : i64, sc.parallel_access}
    } else {
    }
    %gt3A_43 = arith.constant 30 : i32
    %gt3A_44 = arith.cmpi sgt, %add3A, %gt3A_43 : i32
    %convert_element_type3A_45 = arith.extui %gt3A_44 : i1 to i32
    %cond3A_46 = arith.constant 0 : i32
    %cond3A_47 = arith.cmpi ne, %convert_element_type3A_45, %cond3A_46 : i32
    scf.if %cond3A_47 {
      %parallel_loop3A = arith.constant 0 : i32
      %parallel_loop3A_526 = arith.constant 104 : i32
      %parallel_loop3A_527 = arith.constant 1 : i32
      scf.for %parallel_loop3A_528 = %parallel_loop3A to %parallel_loop3A_526 step %parallel_loop3A_527  : i32 {
        %parallel_loop3A_529 = arith.constant 16 : i32
        %parallel_loop3A_530 = arith.muli %parallel_loop3A_528, %parallel_loop3A_529 : i32
        %parallel_loop3A_531 = arith.index_cast %parallel_loop3A_530 : i32 to index
        %parallel_loop3A_532 = tpu.vector_load %arg11[%parallel_loop3A_531] {strides = array<i32>} : memref<1664xi32, #tpu.memory_space<vmem>>, vector<16xi32>,
        tpu.vector_store %arg11[%parallel_loop3A_531], %broadcast_in_dim3A_1 {strides = array<i32>} : memref<1664xi32, #tpu.memory_space<vmem>>, vector<16xi32>,
      } {sc.loop_unroll_factor = 4 : i64, sc.parallel_access}
    } else {
    }
    %lt3A_48 = arith.constant 30 : i32
    %lt3A_49 = arith.cmpi slt, %add3A, %lt3A_48 : i32
    %convert_element_type3A_50 = arith.extui %lt3A_49 : i1 to i32
    %cond3A_51 = arith.constant 0 : i32
    %cond3A_52 = arith.cmpi ne, %convert_element_type3A_50, %cond3A_51 : i32
    scf.if %cond3A_52 {
      %mul3A_526 = arith.constant 1664 : i32
      %mul3A_527 = arith.muli %add3A, %mul3A_526 : i32
      %dma_wait3A_528 = arith.constant 0 : i32
      %dma_wait3A_529 = tpu.memref_slice %arg3[%dma_wait3A_528, %mul3A_527] : memref<9x50000xi32, #tpu.memory_space<hbm>> -> memref<1x1664xi32, #tpu.memory_space<hbm>>
      %dma_wait3A_530 = tpu.memref_squeeze %dma_wait3A_529 : memref<1x1664xi32, #tpu.memory_space<hbm>> -> memref<1664xi32, #tpu.memory_space<hbm>>
      %dma_wait3A_531 = tpu.memref_slice %arg3[%dma_wait3A_528, %mul3A_527] : memref<9x50000xi32, #tpu.memory_space<hbm>> -> memref<1x1664xi32, #tpu.memory_space<hbm>>
      %dma_wait3A_532 = tpu.memref_squeeze %dma_wait3A_531 : memref<1x1664xi32, #tpu.memory_space<hbm>> -> memref<1664xi32, #tpu.memory_space<hbm>>
      tpu.wait_dma2 semaphore(%arg18 : memref<!tpu.dma_semaphore, #tpu.memory_space<semaphore_mem>>) src(%dma_wait3A_532 : memref<1664xi32, #tpu.memory_space<hbm>>) dst(%arg10 : memref<1664xi32, #tpu.memory_space<vmem>>)
    } else {
    }
    %eq3A_53 = arith.constant 30 : i32
    %eq3A_54 = arith.cmpi eq, %add3A, %eq3A_53 : i32
    %convert_element_type3A_55 = arith.extui %eq3A_54 : i1 to i32
    %cond3A_56 = arith.constant 0 : i32
    %cond3A_57 = arith.cmpi ne, %convert_element_type3A_55, %cond3A_56 : i32
    scf.if %cond3A_57 {
      %dma_wait3A_526 = arith.constant 0 : i32
      %dma_wait3A_527 = arith.constant 0 : i32
      %dma_wait3A_528 = tpu.memref_slice %arg10[%dma_wait3A_527] : memref<1664xi32, #tpu.memory_space<vmem>> -> memref<80xi32, #tpu.memory_space<vmem>>
      %dma_wait3A_529 = arith.constant 49920 : i32
      %dma_wait3A_530 = tpu.memref_slice %arg3[%dma_wait3A_526, %dma_wait3A_529] : memref<9x50000xi32, #tpu.memory_space<hbm>> -> memref<1x80xi32, #tpu.memory_space<hbm>>
      %dma_wait3A_531 = tpu.memref_squeeze %dma_wait3A_530 : memref<1x80xi32, #tpu.memory_space<hbm>> -> memref<80xi32, #tpu.memory_space<hbm>>
      %dma_wait3A_532 = arith.constant 0 : i32
      %dma_wait3A_533 = tpu.memref_slice %arg10[%dma_wait3A_532] : memref<1664xi32, #tpu.memory_space<vmem>> -> memref<80xi32, #tpu.memory_space<vmem>>
      %dma_wait3A_534 = arith.constant 49920 : i32
      %dma_wait3A_535 = tpu.memref_slice %arg3[%dma_wait3A_526, %dma_wait3A_534] : memref<9x50000xi32, #tpu.memory_space<hbm>> -> memref<1x80xi32, #tpu.memory_space<hbm>>
      %dma_wait3A_536 = tpu.memref_squeeze %dma_wait3A_535 : memref<1x80xi32, #tpu.memory_space<hbm>> -> memref<80xi32, #tpu.memory_space<hbm>>
      tpu.wait_dma2 semaphore(%arg18 : memref<!tpu.dma_semaphore, #tpu.memory_space<semaphore_mem>>) src(%dma_wait3A_536 : memref<80xi32, #tpu.memory_space<hbm>>) dst(%dma_wait3A_533 : memref<80xi32, #tpu.memory_space<vmem>>)
    } else {
    }
    %mul3A_58 = arith.constant 624 : i32
    %mul3A_59 = arith.muli %arg1, %mul3A_58 : i32
    %dma_wait3A = arith.constant 0 : i32
    %dma_wait3A_60 = tpu.memref_slice %arg5[%mul3A_59, %dma_wait3A] : memref<10000x64xbf16, #tpu.memory_space<vmem_shared>> -> memref<624x64xbf16, #tpu.memory_space<vmem_shared>>
    %dma_wait3A_61 = arith.constant 0 : i32
    %dma_wait3A_62 = tpu.memref_slice %arg2[%mul3A_59, %dma_wait3A_61] : memref<10000x576xbf16, #tpu.memory_space<hbm>> -> memref<624x64xbf16, #tpu.memory_space<hbm>>
    tpu.wait_dma2 semaphore(%arg14 : memref<!tpu.dma_semaphore, #tpu.memory_space<semaphore_mem>>) src(%dma_wait3A_62 : memref<624x64xbf16, #tpu.memory_space<hbm>>) dst(%dma_wait3A_60 : memref<624x64xbf16, #tpu.memory_space<vmem_shared>>)
    %eq3A_63 = arith.constant 0 : i32
    %eq3A_64 = arith.cmpi eq, %arg1, %eq3A_63 : i32
    %convert_element_type3A_65 = arith.extui %eq3A_64 : i1 to i32
    %cond3A_66 = arith.constant 0 : i32
    %cond3A_67 = arith.cmpi ne, %convert_element_type3A_65, %cond3A_66 : i32
    scf.if %cond3A_67 {
      %dma_wait3A_526 = arith.constant 9984 : i32
      %dma_wait3A_527 = arith.constant 0 : i32
      %dma_wait3A_528 = tpu.memref_slice %arg5[%dma_wait3A_526, %dma_wait3A_527] : memref<10000x64xbf16, #tpu.memory_space<vmem_shared>> -> memref<16x64xbf16, #tpu.memory_space<vmem_shared>>
      %dma_wait3A_529 = arith.constant 9984 : i32
      %dma_wait3A_530 = arith.constant 0 : i32
      %dma_wait3A_531 = tpu.memref_slice %arg2[%dma_wait3A_529, %dma_wait3A_530] : memref<10000x576xbf16, #tpu.memory_space<hbm>> -> memref<16x64xbf16, #tpu.memory_space<hbm>>
      tpu.wait_dma2 semaphore(%arg14 : memref<!tpu.dma_semaphore, #tpu.memory_space<semaphore_mem>>) src(%dma_wait3A_531 : memref<16x64xbf16, #tpu.memory_space<hbm>>) dst(%dma_wait3A_528 : memref<16x64xbf16, #tpu.memory_space<vmem_shared>>)
    } else {
    }
    %barrier3A = arith.constant 0 : index
    tpu.barrier barrier_id(%barrier3A)
    %dma_start3A_68 = arith.constant 0 : i32
    %dma_start3A_69 = arith.constant 0 : i32
    %dma_start3A_70 = tpu.memref_slice %arg7[%dma_start3A_68, %dma_start3A_69] : memref<1664x64xbf16, #tpu.memory_space<vmem>> -> memref<64x64xbf16, #tpu.memory_space<vmem>>
    %dma_start3A_71 = arith.constant 0 : i32
    %dma_start3A_72 = tpu.memref_slice %arg10[%dma_start3A_71] : memref<1664xi32, #tpu.memory_space<vmem>> -> memref<64xi32, #tpu.memory_space<vmem>>
    %dma_start3A_73 = arith.constant 0 : i32
    %dma_start3A_74 = arith.constant 0 : i32
    %dma_start3A_75 = tpu.memref_slice %arg5[%dma_start3A_73, %dma_start3A_74] : memref<10000x64xbf16, #tpu.memory_space<vmem_shared>> -> memref<10000x64xbf16, #tpu.memory_space<vmem_shared>>
    tpu.enqueue_indirect_dma source(%dma_start3A_75 : memref<10000x64xbf16, #tpu.memory_space<vmem_shared>>) target(%dma_start3A_70 : memref<64x64xbf16, #tpu.memory_space<vmem>>) offsets(%dma_start3A_72 : memref<64xi32, #tpu.memory_space<vmem>>) semaphore(%arg16 : memref<!tpu.dma_semaphore, #tpu.memory_space<semaphore_mem>>)
    %scan3A = arith.constant 0 : i32
    %scan3A_76 = arith.constant 13 : i32
    %scan3A_77 = arith.addi %scan3A, %scan3A_76 : i32
    %scan3A_78 = arith.constant 1 : i32
    scf.for %scan3A_526 = %scan3A to %scan3A_77 step %scan3A_78  : i32 {
      %mul3A_527 = arith.constant 2 : i32
      %mul3A_528 = arith.muli %scan3A_526, %mul3A_527 : i32
      %add3A_529 = arith.constant 0 : i32
      %add3A_530 = arith.addi %add3A_529, %mul3A_528 : i32
      %dma_wait3A_531 = arith.constant 0 : i32
      %dma_wait3A_532 = arith.constant 0 : i32
      %dma_wait3A_533 = tpu.memref_slice %arg7[%dma_wait3A_531, %dma_wait3A_532] : memref<1664x64xbf16, #tpu.memory_space<vmem>> -> memref<64x64xbf16, #tpu.memory_space<vmem>>
      %dma_wait3A_534 = arith.constant 0 : i32
      %dma_wait3A_535 = tpu.memref_slice %arg10[%dma_wait3A_534] : memref<1664xi32, #tpu.memory_space<vmem>> -> memref<64xi32, #tpu.memory_space<vmem>>
      %dma_wait3A_536 = arith.constant 0 : i32
      %dma_wait3A_537 = arith.constant 0 : i32
      %dma_wait3A_538 = tpu.memref_slice %arg5[%dma_wait3A_536, %dma_wait3A_537] : memref<10000x64xbf16, #tpu.memory_space<vmem_shared>> -> memref<10000x64xbf16, #tpu.memory_space<vmem_shared>>
      tpu.wait_indirect_dma semaphore(%arg16 : memref<!tpu.dma_semaphore, #tpu.memory_space<semaphore_mem>>) src(%dma_wait3A_538 : memref<10000x64xbf16, #tpu.memory_space<vmem_shared>>) dst(%dma_wait3A_533 : memref<64x64xbf16, #tpu.memory_space<vmem>>)
      %add3A_539 = arith.constant 1 : i32
      %add3A_540 = arith.addi %add3A_530, %add3A_539 : i32
      %mul3A_541 = arith.constant 64 : i32
      %mul3A_542 = arith.muli %add3A_540, %mul3A_541 : i32
      %mul3A_543 = arith.constant 64 : i32
      %mul3A_544 = arith.muli %add3A_540, %mul3A_543 : i32
      %dma_start3A_545 = arith.constant 0 : i32
      %dma_start3A_546 = tpu.memref_slice %arg7[%mul3A_544, %dma_start3A_545] : memref<1664x64xbf16, #tpu.memory_space<vmem>> -> memref<64x64xbf16, #tpu.memory_space<vmem>>
      %dma_start3A_547 = tpu.memref_slice %arg10[%mul3A_542] : memref<1664xi32, #tpu.memory_space<vmem>> -> memref<64xi32, #tpu.memory_space<vmem>>
      %dma_start3A_548 = arith.constant 0 : i32
      %dma_start3A_549 = arith.constant 0 : i32
      %dma_start3A_550 = tpu.memref_slice %arg5[%dma_start3A_548, %dma_start3A_549] : memref<10000x64xbf16, #tpu.memory_space<vmem_shared>> -> memref<10000x64xbf16, #tpu.memory_space<vmem_shared>>
      tpu.enqueue_indirect_dma source(%dma_start3A_550 : memref<10000x64xbf16, #tpu.memory_space<vmem_shared>>) target(%dma_start3A_546 : memref<64x64xbf16, #tpu.memory_space<vmem>>) offsets(%dma_start3A_547 : memref<64xi32, #tpu.memory_space<vmem>>) semaphore(%arg17 : memref<!tpu.dma_semaphore, #tpu.memory_space<semaphore_mem>>)
      %dma_wait3A_551 = arith.constant 0 : i32
      %dma_wait3A_552 = arith.constant 0 : i32
      %dma_wait3A_553 = tpu.memref_slice %arg7[%dma_wait3A_551, %dma_wait3A_552] : memref<1664x64xbf16, #tpu.memory_space<vmem>> -> memref<64x64xbf16, #tpu.memory_space<vmem>>
      %dma_wait3A_554 = arith.constant 0 : i32
      %dma_wait3A_555 = tpu.memref_slice %arg10[%dma_wait3A_554] : memref<1664xi32, #tpu.memory_space<vmem>> -> memref<64xi32, #tpu.memory_space<vmem>>
      %dma_wait3A_556 = arith.constant 0 : i32
      %dma_wait3A_557 = arith.constant 0 : i32
      %dma_wait3A_558 = tpu.memref_slice %arg5[%dma_wait3A_556, %dma_wait3A_557] : memref<10000x64xbf16, #tpu.memory_space<vmem_shared>> -> memref<10000x64xbf16, #tpu.memory_space<vmem_shared>>
      tpu.wait_indirect_dma semaphore(%arg17 : memref<!tpu.dma_semaphore, #tpu.memory_space<semaphore_mem>>) src(%dma_wait3A_558 : memref<10000x64xbf16, #tpu.memory_space<vmem_shared>>) dst(%dma_wait3A_553 : memref<64x64xbf16, #tpu.memory_space<vmem>>)
      %add3A_559 = arith.constant 2 : i32
      %add3A_560 = arith.addi %add3A_530, %add3A_559 : i32
      %lt3A_561 = arith.constant 26 : i32
      %lt3A_562 = arith.cmpi slt, %add3A_560, %lt3A_561 : i32
      %convert_element_type3A_563 = arith.extui %lt3A_562 : i1 to i32
      %cond3A_564 = arith.constant 0 : i32
      %cond3A_565 = arith.cmpi ne, %convert_element_type3A_563, %cond3A_564 : i32
      scf.if %cond3A_565 {
        %add3A_568 = arith.constant 2 : i32
        %add3A_569 = arith.addi %add3A_530, %add3A_568 : i32
        %mul3A_570 = arith.constant 64 : i32
        %mul3A_571 = arith.muli %add3A_569, %mul3A_570 : i32
        %mul3A_572 = arith.constant 64 : i32
        %mul3A_573 = arith.muli %add3A_569, %mul3A_572 : i32
        %dma_start3A_574 = arith.constant 0 : i32
        %dma_start3A_575 = tpu.memref_slice %arg7[%mul3A_573, %dma_start3A_574] : memref<1664x64xbf16, #tpu.memory_space<vmem>> -> memref<64x64xbf16, #tpu.memory_space<vmem>>
        %dma_start3A_576 = tpu.memref_slice %arg10[%mul3A_571] : memref<1664xi32, #tpu.memory_space<vmem>> -> memref<64xi32, #tpu.memory_space<vmem>>
        %dma_start3A_577 = arith.constant 0 : i32
        %dma_start3A_578 = arith.constant 0 : i32
        %dma_start3A_579 = tpu.memref_slice %arg5[%dma_start3A_577, %dma_start3A_578] : memref<10000x64xbf16, #tpu.memory_space<vmem_shared>> -> memref<10000x64xbf16, #tpu.memory_space<vmem_shared>>
        tpu.enqueue_indirect_dma source(%dma_start3A_579 : memref<10000x64xbf16, #tpu.memory_space<vmem_shared>>) target(%dma_start3A_575 : memref<64x64xbf16, #tpu.memory_space<vmem>>) offsets(%dma_start3A_576 : memref<64xi32, #tpu.memory_space<vmem>>) semaphore(%arg16 : memref<!tpu.dma_semaphore, #tpu.memory_space<semaphore_mem>>)
      } else {
      }
      %add3A_566 = arith.constant 1 : i32
      %add3A_567 = arith.addi %add3A_530, %add3A_566 : i32
    }
    %scan3A_79 = arith.constant 13 : i32
    %lt3A_80 = arith.constant 30 : i32
    %lt3A_81 = arith.cmpi slt, %add3A, %lt3A_80 : i32
    %convert_element_type3A_82 = arith.extui %lt3A_81 : i1 to i32
    %cond3A_83 = arith.constant 0 : i32
    %cond3A_84 = arith.cmpi ne, %convert_element_type3A_82, %cond3A_83 : i32
    scf.if %cond3A_84 {
      %mul3A_526 = arith.constant 1664 : i32
      %mul3A_527 = arith.muli %add3A, %mul3A_526 : i32
      %dma_start3A_528 = arith.constant 2 : i32
      %dma_start3A_529 = tpu.memref_slice %arg3[%dma_start3A_528, %mul3A_527] : memref<9x50000xi32, #tpu.memory_space<hbm>> -> memref<1x1664xi32, #tpu.memory_space<hbm>>
      %dma_start3A_530 = tpu.memref_squeeze %dma_start3A_529 : memref<1x1664xi32, #tpu.memory_space<hbm>> -> memref<1664xi32, #tpu.memory_space<hbm>>
      %dma_start3A_531 = tpu.memref_slice %arg3[%dma_start3A_528, %mul3A_527] : memref<9x50000xi32, #tpu.memory_space<hbm>> -> memref<1x1664xi32, #tpu.memory_space<hbm>>
      %dma_start3A_532 = tpu.memref_squeeze %dma_start3A_531 : memref<1x1664xi32, #tpu.memory_space<hbm>> -> memref<1664xi32, #tpu.memory_space<hbm>>
      tpu.enqueue_dma source(%dma_start3A_532 : memref<1664xi32, #tpu.memory_space<hbm>>) target(%arg10 : memref<1664xi32, #tpu.memory_space<vmem>>) target_semaphore(%arg18 : memref<!tpu.dma_semaphore, #tpu.memory_space<semaphore_mem>>)
    } else {
    }
    %eq3A_85 = arith.constant 30 : i32
    %eq3A_86 = arith.cmpi eq, %add3A, %eq3A_85 : i32
    %convert_element_type3A_87 = arith.extui %eq3A_86 : i1 to i32
    %cond3A_88 = arith.constant 0 : i32
    %cond3A_89 = arith.cmpi ne, %convert_element_type3A_87, %cond3A_88 : i32
    scf.if %cond3A_89 {
      %dma_start3A_526 = arith.constant 2 : i32
      %dma_start3A_527 = arith.constant 0 : i32
      %dma_start3A_528 = tpu.memref_slice %arg10[%dma_start3A_527] : memref<1664xi32, #tpu.memory_space<vmem>> -> memref<80xi32, #tpu.memory_space<vmem>>
      %dma_start3A_529 = arith.constant 49920 : i32
      %dma_start3A_530 = tpu.memref_slice %arg3[%dma_start3A_526, %dma_start3A_529] : memref<9x50000xi32, #tpu.memory_space<hbm>> -> memref<1x80xi32, #tpu.memory_space<hbm>>
      %dma_start3A_531 = tpu.memref_squeeze %dma_start3A_530 : memref<1x80xi32, #tpu.memory_space<hbm>> -> memref<80xi32, #tpu.memory_space<hbm>>
      %dma_start3A_532 = arith.constant 0 : i32
      %dma_start3A_533 = tpu.memref_slice %arg10[%dma_start3A_532] : memref<1664xi32, #tpu.memory_space<vmem>> -> memref<80xi32, #tpu.memory_space<vmem>>
      %dma_start3A_534 = arith.constant 49920 : i32
      %dma_start3A_535 = tpu.memref_slice %arg3[%dma_start3A_526, %dma_start3A_534] : memref<9x50000xi32, #tpu.memory_space<hbm>> -> memref<1x80xi32, #tpu.memory_space<hbm>>
      %dma_start3A_536 = tpu.memref_squeeze %dma_start3A_535 : memref<1x80xi32, #tpu.memory_space<hbm>> -> memref<80xi32, #tpu.memory_space<hbm>>
      tpu.enqueue_dma source(%dma_start3A_536 : memref<80xi32, #tpu.memory_space<hbm>>) target(%dma_start3A_533 : memref<80xi32, #tpu.memory_space<vmem>>) target_semaphore(%arg18 : memref<!tpu.dma_semaphore, #tpu.memory_space<semaphore_mem>>)
      %parallel_loop3A = arith.constant 5 : i32
      %parallel_loop3A_537 = arith.constant 104 : i32
      %parallel_loop3A_538 = arith.constant 1 : i32
      scf.for %parallel_loop3A_539 = %parallel_loop3A to %parallel_loop3A_537 step %parallel_loop3A_538  : i32 {
        %parallel_loop3A_540 = arith.constant 16 : i32
        %parallel_loop3A_541 = arith.muli %parallel_loop3A_539, %parallel_loop3A_540 : i32
        %parallel_loop3A_542 = arith.index_cast %parallel_loop3A_541 : i32 to index
        %parallel_loop3A_543 = tpu.vector_load %arg10[%parallel_loop3A_542] {strides = array<i32>} : memref<1664xi32, #tpu.memory_space<vmem>>, vector<16xi32>,
        tpu.vector_store %arg10[%parallel_loop3A_542], %broadcast_in_dim3A_1 {strides = array<i32>} : memref<1664xi32, #tpu.memory_space<vmem>>, vector<16xi32>,
      } {sc.loop_unroll_factor = 4 : i64, sc.parallel_access}
    } else {
    }
    %gt3A_90 = arith.constant 30 : i32
    %gt3A_91 = arith.cmpi sgt, %add3A, %gt3A_90 : i32
    %convert_element_type3A_92 = arith.extui %gt3A_91 : i1 to i32
    %cond3A_93 = arith.constant 0 : i32
    %cond3A_94 = arith.cmpi ne, %convert_element_type3A_92, %cond3A_93 : i32
    scf.if %cond3A_94 {
      %parallel_loop3A = arith.constant 0 : i32
      %parallel_loop3A_526 = arith.constant 104 : i32
      %parallel_loop3A_527 = arith.constant 1 : i32
      scf.for %parallel_loop3A_528 = %parallel_loop3A to %parallel_loop3A_526 step %parallel_loop3A_527  : i32 {
        %parallel_loop3A_529 = arith.constant 16 : i32
        %parallel_loop3A_530 = arith.muli %parallel_loop3A_528, %parallel_loop3A_529 : i32
        %parallel_loop3A_531 = arith.index_cast %parallel_loop3A_530 : i32 to index
        %parallel_loop3A_532 = tpu.vector_load %arg10[%parallel_loop3A_531] {strides = array<i32>} : memref<1664xi32, #tpu.memory_space<vmem>>, vector<16xi32>,
        tpu.vector_store %arg10[%parallel_loop3A_531], %broadcast_in_dim3A_1 {strides = array<i32>} : memref<1664xi32, #tpu.memory_space<vmem>>, vector<16xi32>,
      } {sc.loop_unroll_factor = 4 : i64, sc.parallel_access}
    } else {
    }
    %lt3A_95 = arith.constant 30 : i32
    %lt3A_96 = arith.cmpi slt, %add3A, %lt3A_95 : i32
    %convert_element_type3A_97 = arith.extui %lt3A_96 : i1 to i32
    %cond3A_98 = arith.constant 0 : i32
    %cond3A_99 = arith.cmpi ne, %convert_element_type3A_97, %cond3A_98 : i32
    scf.if %cond3A_99 {
      %mul3A_526 = arith.constant 1664 : i32
      %mul3A_527 = arith.muli %add3A, %mul3A_526 : i32
      %dma_wait3A_528 = arith.constant 1 : i32
      %dma_wait3A_529 = tpu.memref_slice %arg3[%dma_wait3A_528, %mul3A_527] : memref<9x50000xi32, #tpu.memory_space<hbm>> -> memref<1x1664xi32, #tpu.memory_space<hbm>>
      %dma_wait3A_530 = tpu.memref_squeeze %dma_wait3A_529 : memref<1x1664xi32, #tpu.memory_space<hbm>> -> memref<1664xi32, #tpu.memory_space<hbm>>
      %dma_wait3A_531 = tpu.memref_slice %arg3[%dma_wait3A_528, %mul3A_527] : memref<9x50000xi32, #tpu.memory_space<hbm>> -> memref<1x1664xi32, #tpu.memory_space<hbm>>
      %dma_wait3A_532 = tpu.memref_squeeze %dma_wait3A_531 : memref<1x1664xi32, #tpu.memory_space<hbm>> -> memref<1664xi32, #tpu.memory_space<hbm>>
      tpu.wait_dma2 semaphore(%arg19 : memref<!tpu.dma_semaphore, #tpu.memory_space<semaphore_mem>>) src(%dma_wait3A_532 : memref<1664xi32, #tpu.memory_space<hbm>>) dst(%arg11 : memref<1664xi32, #tpu.memory_space<vmem>>)
    } else {
    }
    %eq3A_100 = arith.constant 30 : i32
    %eq3A_101 = arith.cmpi eq, %add3A, %eq3A_100 : i32
    %convert_element_type3A_102 = arith.extui %eq3A_101 : i1 to i32
    %cond3A_103 = arith.constant 0 : i32
    %cond3A_104 = arith.cmpi ne, %convert_element_type3A_102, %cond3A_103 : i32
    scf.if %cond3A_104 {
      %dma_wait3A_526 = arith.constant 1 : i32
      %dma_wait3A_527 = arith.constant 0 : i32
      %dma_wait3A_528 = tpu.memref_slice %arg11[%dma_wait3A_527] : memref<1664xi32, #tpu.memory_space<vmem>> -> memref<80xi32, #tpu.memory_space<vmem>>
      %dma_wait3A_529 = arith.constant 49920 : i32
      %dma_wait3A_530 = tpu.memref_slice %arg3[%dma_wait3A_526, %dma_wait3A_529] : memref<9x50000xi32, #tpu.memory_space<hbm>> -> memref<1x80xi32, #tpu.memory_space<hbm>>
      %dma_wait3A_531 = tpu.memref_squeeze %dma_wait3A_530 : memref<1x80xi32, #tpu.memory_space<hbm>> -> memref<80xi32, #tpu.memory_space<hbm>>
      %dma_wait3A_532 = arith.constant 0 : i32
      %dma_wait3A_533 = tpu.memref_slice %arg11[%dma_wait3A_532] : memref<1664xi32, #tpu.memory_space<vmem>> -> memref<80xi32, #tpu.memory_space<vmem>>
      %dma_wait3A_534 = arith.constant 49920 : i32
      %dma_wait3A_535 = tpu.memref_slice %arg3[%dma_wait3A_526, %dma_wait3A_534] : memref<9x50000xi32, #tpu.memory_space<hbm>> -> memref<1x80xi32, #tpu.memory_space<hbm>>
      %dma_wait3A_536 = tpu.memref_squeeze %dma_wait3A_535 : memref<1x80xi32, #tpu.memory_space<hbm>> -> memref<80xi32, #tpu.memory_space<hbm>>
      tpu.wait_dma2 semaphore(%arg19 : memref<!tpu.dma_semaphore, #tpu.memory_space<semaphore_mem>>) src(%dma_wait3A_536 : memref<80xi32, #tpu.memory_space<hbm>>) dst(%dma_wait3A_533 : memref<80xi32, #tpu.memory_space<vmem>>)
    } else {
    }
    %mul3A_105 = arith.constant 624 : i32
    %mul3A_106 = arith.muli %arg1, %mul3A_105 : i32
    %dma_wait3A_107 = arith.constant 0 : i32
    %dma_wait3A_108 = tpu.memref_slice %arg6[%mul3A_106, %dma_wait3A_107] : memref<10000x64xbf16, #tpu.memory_space<vmem_shared>> -> memref<624x64xbf16, #tpu.memory_space<vmem_shared>>
    %dma_wait3A_109 = arith.constant 64 : i32
    %dma_wait3A_110 = tpu.memref_slice %arg2[%mul3A_106, %dma_wait3A_109] : memref<10000x576xbf16, #tpu.memory_space<hbm>> -> memref<624x64xbf16, #tpu.memory_space<hbm>>
    tpu.wait_dma2 semaphore(%arg15 : memref<!tpu.dma_semaphore, #tpu.memory_space<semaphore_mem>>) src(%dma_wait3A_110 : memref<624x64xbf16, #tpu.memory_space<hbm>>) dst(%dma_wait3A_108 : memref<624x64xbf16, #tpu.memory_space<vmem_shared>>)
    %eq3A_111 = arith.constant 0 : i32
    %eq3A_112 = arith.cmpi eq, %arg1, %eq3A_111 : i32
    %convert_element_type3A_113 = arith.extui %eq3A_112 : i1 to i32
    %cond3A_114 = arith.constant 0 : i32
    %cond3A_115 = arith.cmpi ne, %convert_element_type3A_113, %cond3A_114 : i32
    scf.if %cond3A_115 {
      %dma_wait3A_526 = arith.constant 9984 : i32
      %dma_wait3A_527 = arith.constant 0 : i32
      %dma_wait3A_528 = tpu.memref_slice %arg6[%dma_wait3A_526, %dma_wait3A_527] : memref<10000x64xbf16, #tpu.memory_space<vmem_shared>> -> memref<16x64xbf16, #tpu.memory_space<vmem_shared>>
      %dma_wait3A_529 = arith.constant 9984 : i32
      %dma_wait3A_530 = arith.constant 64 : i32
      %dma_wait3A_531 = tpu.memref_slice %arg2[%dma_wait3A_529, %dma_wait3A_530] : memref<10000x576xbf16, #tpu.memory_space<hbm>> -> memref<16x64xbf16, #tpu.memory_space<hbm>>
      tpu.wait_dma2 semaphore(%arg15 : memref<!tpu.dma_semaphore, #tpu.memory_space<semaphore_mem>>) src(%dma_wait3A_531 : memref<16x64xbf16, #tpu.memory_space<hbm>>) dst(%dma_wait3A_528 : memref<16x64xbf16, #tpu.memory_space<vmem_shared>>)
    } else {
    }
    %barrier3A_116 = arith.constant 0 : index
    tpu.barrier barrier_id(%barrier3A_116)
    %mul3A_117 = arith.constant 624 : i32
    %mul3A_118 = arith.muli %arg1, %mul3A_117 : i32
    %dma_start3A_119 = arith.constant 0 : i32
    %dma_start3A_120 = tpu.memref_slice %arg5[%mul3A_118, %dma_start3A_119] : memref<10000x64xbf16, #tpu.memory_space<vmem_shared>> -> memref<624x64xbf16, #tpu.memory_space<vmem_shared>>
    %dma_start3A_121 = arith.constant 128 : i32
    %dma_start3A_122 = tpu.memref_slice %arg2[%mul3A_118, %dma_start3A_121] : memref<10000x576xbf16, #tpu.memory_space<hbm>> -> memref<624x64xbf16, #tpu.memory_space<hbm>>
    tpu.enqueue_dma source(%dma_start3A_122 : memref<624x64xbf16, #tpu.memory_space<hbm>>) target(%dma_start3A_120 : memref<624x64xbf16, #tpu.memory_space<vmem_shared>>) target_semaphore(%arg14 : memref<!tpu.dma_semaphore, #tpu.memory_space<semaphore_mem>>)
    %eq3A_123 = arith.constant 0 : i32
    %eq3A_124 = arith.cmpi eq, %arg1, %eq3A_123 : i32
    %convert_element_type3A_125 = arith.extui %eq3A_124 : i1 to i32
    %cond3A_126 = arith.constant 0 : i32
    %cond3A_127 = arith.cmpi ne, %convert_element_type3A_125, %cond3A_126 : i32
    scf.if %cond3A_127 {
      %dma_start3A_526 = arith.constant 9984 : i32
      %dma_start3A_527 = arith.constant 0 : i32
      %dma_start3A_528 = tpu.memref_slice %arg5[%dma_start3A_526, %dma_start3A_527] : memref<10000x64xbf16, #tpu.memory_space<vmem_shared>> -> memref<16x64xbf16, #tpu.memory_space<vmem_shared>>
      %dma_start3A_529 = arith.constant 9984 : i32
      %dma_start3A_530 = arith.constant 128 : i32
      %dma_start3A_531 = tpu.memref_slice %arg2[%dma_start3A_529, %dma_start3A_530] : memref<10000x576xbf16, #tpu.memory_space<hbm>> -> memref<16x64xbf16, #tpu.memory_space<hbm>>
      tpu.enqueue_dma source(%dma_start3A_531 : memref<16x64xbf16, #tpu.memory_space<hbm>>) target(%dma_start3A_528 : memref<16x64xbf16, #tpu.memory_space<vmem_shared>>) target_semaphore(%arg14 : memref<!tpu.dma_semaphore, #tpu.memory_space<semaphore_mem>>)
    } else {
    }
    %dma_start3A_128 = arith.constant 0 : i32
    %dma_start3A_129 = tpu.memref_slice %arg11[%dma_start3A_128] : memref<1664xi32, #tpu.memory_space<vmem>> -> memref<64xi32, #tpu.memory_space<vmem>>
    %dma_start3A_130 = arith.constant 0 : i32
    %dma_start3A_131 = arith.constant 0 : i32
    %dma_start3A_132 = tpu.memref_slice %arg6[%dma_start3A_130, %dma_start3A_131] : memref<10000x64xbf16, #tpu.memory_space<vmem_shared>> -> memref<10000x64xbf16, #tpu.memory_space<vmem_shared>>
    tpu.enqueue_indirect_dma source(%dma_start3A_132 : memref<10000x64xbf16, #tpu.memory_space<vmem_shared>>) target(%arg8 : memref<64x64xbf16, #tpu.memory_space<vmem>>) offsets(%dma_start3A_129 : memref<64xi32, #tpu.memory_space<vmem>>) semaphore(%arg16 : memref<!tpu.dma_semaphore, #tpu.memory_space<semaphore_mem>>)
    %scan3A_133 = arith.constant 0 : i32
    %scan3A_134 = arith.constant 13 : i32
    %scan3A_135 = arith.addi %scan3A_133, %scan3A_134 : i32
    %scan3A_136 = arith.constant 1 : i32
    scf.for %scan3A_526 = %scan3A_133 to %scan3A_135 step %scan3A_136  : i32 {
      %mul3A_527 = arith.constant 2 : i32
      %mul3A_528 = arith.muli %scan3A_526, %mul3A_527 : i32
      %add3A_529 = arith.constant 0 : i32
      %add3A_530 = arith.addi %add3A_529, %mul3A_528 : i32
      %dma_wait3A_531 = arith.constant 0 : i32
      %dma_wait3A_532 = tpu.memref_slice %arg11[%dma_wait3A_531] : memref<1664xi32, #tpu.memory_space<vmem>> -> memref<64xi32, #tpu.memory_space<vmem>>
      %dma_wait3A_533 = arith.constant 0 : i32
      %dma_wait3A_534 = arith.constant 0 : i32
      %dma_wait3A_535 = tpu.memref_slice %arg6[%dma_wait3A_533, %dma_wait3A_534] : memref<10000x64xbf16, #tpu.memory_space<vmem_shared>> -> memref<10000x64xbf16, #tpu.memory_space<vmem_shared>>
      tpu.wait_indirect_dma semaphore(%arg16 : memref<!tpu.dma_semaphore, #tpu.memory_space<semaphore_mem>>) src(%dma_wait3A_535 : memref<10000x64xbf16, #tpu.memory_space<vmem_shared>>) dst(%arg8 : memref<64x64xbf16, #tpu.memory_space<vmem>>)
      %add3A_536 = arith.constant 1 : i32
      %add3A_537 = arith.addi %add3A_530, %add3A_536 : i32
      %mul3A_538 = arith.constant 64 : i32
      %mul3A_539 = arith.muli %add3A_537, %mul3A_538 : i32
      %dma_start3A_540 = tpu.memref_slice %arg11[%mul3A_539] : memref<1664xi32, #tpu.memory_space<vmem>> -> memref<64xi32, #tpu.memory_space<vmem>>
      %dma_start3A_541 = arith.constant 0 : i32
      %dma_start3A_542 = arith.constant 0 : i32
      %dma_start3A_543 = tpu.memref_slice %arg6[%dma_start3A_541, %dma_start3A_542] : memref<10000x64xbf16, #tpu.memory_space<vmem_shared>> -> memref<10000x64xbf16, #tpu.memory_space<vmem_shared>>
      tpu.enqueue_indirect_dma source(%dma_start3A_543 : memref<10000x64xbf16, #tpu.memory_space<vmem_shared>>) target(%arg9 : memref<64x64xbf16, #tpu.memory_space<vmem>>) offsets(%dma_start3A_540 : memref<64xi32, #tpu.memory_space<vmem>>) semaphore(%arg17 : memref<!tpu.dma_semaphore, #tpu.memory_space<semaphore_mem>>)
      %parallel_loop3A = arith.constant 0 : i32
      %parallel_loop3A_544 = arith.constant 64 : i32
      %parallel_loop3A_545 = arith.constant 2 : i32
      scf.for %parallel_loop3A_563 = %parallel_loop3A to %parallel_loop3A_544 step %parallel_loop3A_545  : i32 {
        %parallel_loop3A_564 = arith.constant 64 : i32
        %parallel_loop3A_565 = arith.muli %add3A_530, %parallel_loop3A_564 : i32
        %parallel_loop3A_566 = arith.addi %parallel_loop3A_565, %parallel_loop3A_563 : i32
        %parallel_loop3A_567 = arith.constant 0 : i32
        %parallel_loop3A_568 = arith.addi %parallel_loop3A_566, %parallel_loop3A_567 : i32
        %parallel_loop3A_569 = arith.index_cast %parallel_loop3A_568 : i32 to index
        %parallel_loop3A_570 = arith.constant 0 : index
        %parallel_loop3A_571 = tpu.vector_load %arg7[%parallel_loop3A_569, %parallel_loop3A_570] {strides = array<i32>} : memref<1664x64xbf16, #tpu.memory_space<vmem>>, vector<32xbf16>,
        %parallel_loop3A_572 = arith.constant 0 : i32
        %parallel_loop3A_573 = arith.addi %parallel_loop3A_563, %parallel_loop3A_572 : i32
        %parallel_loop3A_574 = arith.index_cast %parallel_loop3A_573 : i32 to index
        %parallel_loop3A_575 = arith.constant 0 : index
        %parallel_loop3A_576 = tpu.vector_load %arg8[%parallel_loop3A_574, %parallel_loop3A_575] {strides = array<i32>} : memref<64x64xbf16, #tpu.memory_space<vmem>>, vector<32xbf16>,
        %parallel_loop3A_577 = arith.addf %parallel_loop3A_571, %parallel_loop3A_576 : vector<32xbf16>
        %parallel_loop3A_578 = arith.index_cast %parallel_loop3A_568 : i32 to index
        %parallel_loop3A_579 = arith.constant 0 : index
        %parallel_loop3A_580 = tpu.vector_load %arg7[%parallel_loop3A_578, %parallel_loop3A_579] {strides = array<i32>} : memref<1664x64xbf16, #tpu.memory_space<vmem>>, vector<32xbf16>,
        tpu.vector_store %arg7[%parallel_loop3A_578, %parallel_loop3A_579], %parallel_loop3A_577 {strides = array<i32>} : memref<1664x64xbf16, #tpu.memory_space<vmem>>, vector<32xbf16>,
        %parallel_loop3A_581 = arith.constant 64 : i32
        %parallel_loop3A_582 = arith.muli %add3A_530, %parallel_loop3A_581 : i32
        %parallel_loop3A_583 = arith.addi %parallel_loop3A_582, %parallel_loop3A_563 : i32
        %parallel_loop3A_584 = arith.constant 0 : i32
        %parallel_loop3A_585 = arith.addi %parallel_loop3A_583, %parallel_loop3A_584 : i32
        %parallel_loop3A_586 = arith.index_cast %parallel_loop3A_585 : i32 to index
        %parallel_loop3A_587 = arith.constant 32 : index
        %parallel_loop3A_588 = tpu.vector_load %arg7[%parallel_loop3A_586, %parallel_loop3A_587] {strides = array<i32>} : memref<1664x64xbf16, #tpu.memory_space<vmem>>, vector<32xbf16>,
        %parallel_loop3A_589 = arith.constant 0 : i32
        %parallel_loop3A_590 = arith.addi %parallel_loop3A_563, %parallel_loop3A_589 : i32
        %parallel_loop3A_591 = arith.index_cast %parallel_loop3A_590 : i32 to index
        %parallel_loop3A_592 = arith.constant 32 : index
        %parallel_loop3A_593 = tpu.vector_load %arg8[%parallel_loop3A_591, %parallel_loop3A_592] {strides = array<i32>} : memref<64x64xbf16, #tpu.memory_space<vmem>>, vector<32xbf16>,
        %parallel_loop3A_594 = arith.addf %parallel_loop3A_588, %parallel_loop3A_593 : vector<32xbf16>
        %parallel_loop3A_595 = arith.index_cast %parallel_loop3A_585 : i32 to index
        %parallel_loop3A_596 = arith.constant 32 : index
        %parallel_loop3A_597 = tpu.vector_load %arg7[%parallel_loop3A_595, %parallel_loop3A_596] {strides = array<i32>} : memref<1664x64xbf16, #tpu.memory_space<vmem>>, vector<32xbf16>,
        tpu.vector_store %arg7[%parallel_loop3A_595, %parallel_loop3A_596], %parallel_loop3A_594 {strides = array<i32>} : memref<1664x64xbf16, #tpu.memory_space<vmem>>, vector<32xbf16>,
        %parallel_loop3A_598 = arith.constant 64 : i32
        %parallel_loop3A_599 = arith.muli %add3A_530, %parallel_loop3A_598 : i32
        %parallel_loop3A_600 = arith.addi %parallel_loop3A_599, %parallel_loop3A_563 : i32
        %parallel_loop3A_601 = arith.constant 1 : i32
        %parallel_loop3A_602 = arith.addi %parallel_loop3A_600, %parallel_loop3A_601 : i32
        %parallel_loop3A_603 = arith.index_cast %parallel_loop3A_602 : i32 to index
        %parallel_loop3A_604 = arith.constant 0 : index
        %parallel_loop3A_605 = tpu.vector_load %arg7[%parallel_loop3A_603, %parallel_loop3A_604] {strides = array<i32>} : memref<1664x64xbf16, #tpu.memory_space<vmem>>, vector<32xbf16>,
        %parallel_loop3A_606 = arith.constant 1 : i32
        %parallel_loop3A_607 = arith.addi %parallel_loop3A_563, %parallel_loop3A_606 : i32
        %parallel_loop3A_608 = arith.index_cast %parallel_loop3A_607 : i32 to index
        %parallel_loop3A_609 = arith.constant 0 : index
        %parallel_loop3A_610 = tpu.vector_load %arg8[%parallel_loop3A_608, %parallel_loop3A_609] {strides = array<i32>} : memref<64x64xbf16, #tpu.memory_space<vmem>>, vector<32xbf16>,
        %parallel_loop3A_611 = arith.addf %parallel_loop3A_605, %parallel_loop3A_610 : vector<32xbf16>
        %parallel_loop3A_612 = arith.index_cast %parallel_loop3A_602 : i32 to index
        %parallel_loop3A_613 = arith.constant 0 : index
        %parallel_loop3A_614 = tpu.vector_load %arg7[%parallel_loop3A_612, %parallel_loop3A_613] {strides = array<i32>} : memref<1664x64xbf16, #tpu.memory_space<vmem>>, vector<32xbf16>,
        tpu.vector_store %arg7[%parallel_loop3A_612, %parallel_loop3A_613], %parallel_loop3A_611 {strides = array<i32>} : memref<1664x64xbf16, #tpu.memory_space<vmem>>, vector<32xbf16>,
        %parallel_loop3A_615 = arith.constant 64 : i32
        %parallel_loop3A_616 = arith.muli %add3A_530, %parallel_loop3A_615 : i32
        %parallel_loop3A_617 = arith.addi %parallel_loop3A_616, %parallel_loop3A_563 : i32
        %parallel_loop3A_618 = arith.constant 1 : i32
        %parallel_loop3A_619 = arith.addi %parallel_loop3A_617, %parallel_loop3A_618 : i32
        %parallel_loop3A_620 = arith.index_cast %parallel_loop3A_619 : i32 to index
        %parallel_loop3A_621 = arith.constant 32 : index
        %parallel_loop3A_622 = tpu.vector_load %arg7[%parallel_loop3A_620, %parallel_loop3A_621] {strides = array<i32>} : memref<1664x64xbf16, #tpu.memory_space<vmem>>, vector<32xbf16>,
        %parallel_loop3A_623 = arith.constant 1 : i32
        %parallel_loop3A_624 = arith.addi %parallel_loop3A_563, %parallel_loop3A_623 : i32
        %parallel_loop3A_625 = arith.index_cast %parallel_loop3A_624 : i32 to index
        %parallel_loop3A_626 = arith.constant 32 : index
        %parallel_loop3A_627 = tpu.vector_load %arg8[%parallel_loop3A_625, %parallel_loop3A_626] {strides = array<i32>} : memref<64x64xbf16, #tpu.memory_space<vmem>>, vector<32xbf16>,
        %parallel_loop3A_628 = arith.addf %parallel_loop3A_622, %parallel_loop3A_627 : vector<32xbf16>
        %parallel_loop3A_629 = arith.index_cast %parallel_loop3A_619 : i32 to index
        %parallel_loop3A_630 = arith.constant 32 : index
        %parallel_loop3A_631 = tpu.vector_load %arg7[%parallel_loop3A_629, %parallel_loop3A_630] {strides = array<i32>} : memref<1664x64xbf16, #tpu.memory_space<vmem>>, vector<32xbf16>,
        tpu.vector_store %arg7[%parallel_loop3A_629, %parallel_loop3A_630], %parallel_loop3A_628 {strides = array<i32>} : memref<1664x64xbf16, #tpu.memory_space<vmem>>, vector<32xbf16>,
      } {sc.loop_unroll_factor = 4 : i64, sc.parallel_access}
      %dma_wait3A_546 = arith.constant 0 : i32
      %dma_wait3A_547 = tpu.memref_slice %arg11[%dma_wait3A_546] : memref<1664xi32, #tpu.memory_space<vmem>> -> memref<64xi32, #tpu.memory_space<vmem>>
      %dma_wait3A_548 = arith.constant 0 : i32
      %dma_wait3A_549 = arith.constant 0 : i32
      %dma_wait3A_550 = tpu.memref_slice %arg6[%dma_wait3A_548, %dma_wait3A_549] : memref<10000x64xbf16, #tpu.memory_space<vmem_shared>> -> memref<10000x64xbf16, #tpu.memory_space<vmem_shared>>
      tpu.wait_indirect_dma semaphore(%arg17 : memref<!tpu.dma_semaphore, #tpu.memory_space<semaphore_mem>>) src(%dma_wait3A_550 : memref<10000x64xbf16, #tpu.memory_space<vmem_shared>>) dst(%arg9 : memref<64x64xbf16, #tpu.memory_space<vmem>>)
      %add3A_551 = arith.constant 2 : i32
      %add3A_552 = arith.addi %add3A_530, %add3A_551 : i32
      %lt3A_553 = arith.constant 26 : i32
      %lt3A_554 = arith.cmpi slt, %add3A_552, %lt3A_553 : i32
      %convert_element_type3A_555 = arith.extui %lt3A_554 : i1 to i32
      %cond3A_556 = arith.constant 0 : i32
      %cond3A_557 = arith.cmpi ne, %convert_element_type3A_555, %cond3A_556 : i32
      scf.if %cond3A_557 {
        %add3A_563 = arith.constant 2 : i32
        %add3A_564 = arith.addi %add3A_530, %add3A_563 : i32
        %mul3A_565 = arith.constant 64 : i32
        %mul3A_566 = arith.muli %add3A_564, %mul3A_565 : i32
        %dma_start3A_567 = tpu.memref_slice %arg11[%mul3A_566] : memref<1664xi32, #tpu.memory_space<vmem>> -> memref<64xi32, #tpu.memory_space<vmem>>
        %dma_start3A_568 = arith.constant 0 : i32
        %dma_start3A_569 = arith.constant 0 : i32
        %dma_start3A_570 = tpu.memref_slice %arg6[%dma_start3A_568, %dma_start3A_569] : memref<10000x64xbf16, #tpu.memory_space<vmem_shared>> -> memref<10000x64xbf16, #tpu.memory_space<vmem_shared>>
        tpu.enqueue_indirect_dma source(%dma_start3A_570 : memref<10000x64xbf16, #tpu.memory_space<vmem_shared>>) target(%arg8 : memref<64x64xbf16, #tpu.memory_space<vmem>>) offsets(%dma_start3A_567 : memref<64xi32, #tpu.memory_space<vmem>>) semaphore(%arg16 : memref<!tpu.dma_semaphore, #tpu.memory_space<semaphore_mem>>)
      } else {
      }
      %add3A_558 = arith.constant 1 : i32
      %add3A_559 = arith.addi %add3A_530, %add3A_558 : i32
      %parallel_loop3A_560 = arith.constant 0 : i32
      %parallel_loop3A_561 = arith.constant 64 : i32
      %parallel_loop3A_562 = arith.constant 2 : i32
      scf.for %parallel_loop3A_563 = %parallel_loop3A_560 to %parallel_loop3A_561 step %parallel_loop3A_562  : i32 {
        %parallel_loop3A_564 = arith.constant 64 : i32
        %parallel_loop3A_565 = arith.muli %add3A_559, %parallel_loop3A_564 : i32
        %parallel_loop3A_566 = arith.addi %parallel_loop3A_565, %parallel_loop3A_563 : i32
        %parallel_loop3A_567 = arith.constant 0 : i32
        %parallel_loop3A_568 = arith.addi %parallel_loop3A_566, %parallel_loop3A_567 : i32
        %parallel_loop3A_569 = arith.index_cast %parallel_loop3A_568 : i32 to index
        %parallel_loop3A_570 = arith.constant 0 : index
        %parallel_loop3A_571 = tpu.vector_load %arg7[%parallel_loop3A_569, %parallel_loop3A_570] {strides = array<i32>} : memref<1664x64xbf16, #tpu.memory_space<vmem>>, vector<32xbf16>,
        %parallel_loop3A_572 = arith.constant 0 : i32
        %parallel_loop3A_573 = arith.addi %parallel_loop3A_563, %parallel_loop3A_572 : i32
        %parallel_loop3A_574 = arith.index_cast %parallel_loop3A_573 : i32 to index
        %parallel_loop3A_575 = arith.constant 0 : index
        %parallel_loop3A_576 = tpu.vector_load %arg9[%parallel_loop3A_574, %parallel_loop3A_575] {strides = array<i32>} : memref<64x64xbf16, #tpu.memory_space<vmem>>, vector<32xbf16>,
        %parallel_loop3A_577 = arith.addf %parallel_loop3A_571, %parallel_loop3A_576 : vector<32xbf16>
        %parallel_loop3A_578 = arith.index_cast %parallel_loop3A_568 : i32 to index
        %parallel_loop3A_579 = arith.constant 0 : index
        %parallel_loop3A_580 = tpu.vector_load %arg7[%parallel_loop3A_578, %parallel_loop3A_579] {strides = array<i32>} : memref<1664x64xbf16, #tpu.memory_space<vmem>>, vector<32xbf16>,
        tpu.vector_store %arg7[%parallel_loop3A_578, %parallel_loop3A_579], %parallel_loop3A_577 {strides = array<i32>} : memref<1664x64xbf16, #tpu.memory_space<vmem>>, vector<32xbf16>,
        %parallel_loop3A_581 = arith.constant 64 : i32
        %parallel_loop3A_582 = arith.muli %add3A_559, %parallel_loop3A_581 : i32
        %parallel_loop3A_583 = arith.addi %parallel_loop3A_582, %parallel_loop3A_563 : i32
        %parallel_loop3A_584 = arith.constant 0 : i32
        %parallel_loop3A_585 = arith.addi %parallel_loop3A_583, %parallel_loop3A_584 : i32
        %parallel_loop3A_586 = arith.index_cast %parallel_loop3A_585 : i32 to index
        %parallel_loop3A_587 = arith.constant 32 : index
        %parallel_loop3A_588 = tpu.vector_load %arg7[%parallel_loop3A_586, %parallel_loop3A_587] {strides = array<i32>} : memref<1664x64xbf16, #tpu.memory_space<vmem>>, vector<32xbf16>,
        %parallel_loop3A_589 = arith.constant 0 : i32
        %parallel_loop3A_590 = arith.addi %parallel_loop3A_563, %parallel_loop3A_589 : i32
        %parallel_loop3A_591 = arith.index_cast %parallel_loop3A_590 : i32 to index
        %parallel_loop3A_592 = arith.constant 32 : index
        %parallel_loop3A_593 = tpu.vector_load %arg9[%parallel_loop3A_591, %parallel_loop3A_592] {strides = array<i32>} : memref<64x64xbf16, #tpu.memory_space<vmem>>, vector<32xbf16>,
        %parallel_loop3A_594 = arith.addf %parallel_loop3A_588, %parallel_loop3A_593 : vector<32xbf16>
        %parallel_loop3A_595 = arith.index_cast %parallel_loop3A_585 : i32 to index
        %parallel_loop3A_596 = arith.constant 32 : index
        %parallel_loop3A_597 = tpu.vector_load %arg7[%parallel_loop3A_595, %parallel_loop3A_596] {strides = array<i32>} : memref<1664x64xbf16, #tpu.memory_space<vmem>>, vector<32xbf16>,
        tpu.vector_store %arg7[%parallel_loop3A_595, %parallel_loop3A_596], %parallel_loop3A_594 {strides = array<i32>} : memref<1664x64xbf16, #tpu.memory_space<vmem>>, vector<32xbf16>,
        %parallel_loop3A_598 = arith.constant 64 : i32
        %parallel_loop3A_599 = arith.muli %add3A_559, %parallel_loop3A_598 : i32
        %parallel_loop3A_600 = arith.addi %parallel_loop3A_599, %parallel_loop3A_563 : i32
        %parallel_loop3A_601 = arith.constant 1 : i32
        %parallel_loop3A_602 = arith.addi %parallel_loop3A_600, %parallel_loop3A_601 : i32
        %parallel_loop3A_603 = arith.index_cast %parallel_loop3A_602 : i32 to index
        %parallel_loop3A_604 = arith.constant 0 : index
        %parallel_loop3A_605 = tpu.vector_load %arg7[%parallel_loop3A_603, %parallel_loop3A_604] {strides = array<i32>} : memref<1664x64xbf16, #tpu.memory_space<vmem>>, vector<32xbf16>,
        %parallel_loop3A_606 = arith.constant 1 : i32
        %parallel_loop3A_607 = arith.addi %parallel_loop3A_563, %parallel_loop3A_606 : i32
        %parallel_loop3A_608 = arith.index_cast %parallel_loop3A_607 : i32 to index
        %parallel_loop3A_609 = arith.constant 0 : index
        %parallel_loop3A_610 = tpu.vector_load %arg9[%parallel_loop3A_608, %parallel_loop3A_609] {strides = array<i32>} : memref<64x64xbf16, #tpu.memory_space<vmem>>, vector<32xbf16>,
        %parallel_loop3A_611 = arith.addf %parallel_loop3A_605, %parallel_loop3A_610 : vector<32xbf16>
        %parallel_loop3A_612 = arith.index_cast %parallel_loop3A_602 : i32 to index
        %parallel_loop3A_613 = arith.constant 0 : index
        %parallel_loop3A_614 = tpu.vector_load %arg7[%parallel_loop3A_612, %parallel_loop3A_613] {strides = array<i32>} : memref<1664x64xbf16, #tpu.memory_space<vmem>>, vector<32xbf16>,
        tpu.vector_store %arg7[%parallel_loop3A_612, %parallel_loop3A_613], %parallel_loop3A_611 {strides = array<i32>} : memref<1664x64xbf16, #tpu.memory_space<vmem>>, vector<32xbf16>,
        %parallel_loop3A_615 = arith.constant 64 : i32
        %parallel_loop3A_616 = arith.muli %add3A_559, %parallel_loop3A_615 : i32
        %parallel_loop3A_617 = arith.addi %parallel_loop3A_616, %parallel_loop3A_563 : i32
        %parallel_loop3A_618 = arith.constant 1 : i32
        %parallel_loop3A_619 = arith.addi %parallel_loop3A_617, %parallel_loop3A_618 : i32
        %parallel_loop3A_620 = arith.index_cast %parallel_loop3A_619 : i32 to index
        %parallel_loop3A_621 = arith.constant 32 : index
        %parallel_loop3A_622 = tpu.vector_load %arg7[%parallel_loop3A_620, %parallel_loop3A_621] {strides = array<i32>} : memref<1664x64xbf16, #tpu.memory_space<vmem>>, vector<32xbf16>,
        %parallel_loop3A_623 = arith.constant 1 : i32
        %parallel_loop3A_624 = arith.addi %parallel_loop3A_563, %parallel_loop3A_623 : i32
        %parallel_loop3A_625 = arith.index_cast %parallel_loop3A_624 : i32 to index
        %parallel_loop3A_626 = arith.constant 32 : index
        %parallel_loop3A_627 = tpu.vector_load %arg9[%parallel_loop3A_625, %parallel_loop3A_626] {strides = array<i32>} : memref<64x64xbf16, #tpu.memory_space<vmem>>, vector<32xbf16>,
        %parallel_loop3A_628 = arith.addf %parallel_loop3A_622, %parallel_loop3A_627 : vector<32xbf16>
        %parallel_loop3A_629 = arith.index_cast %parallel_loop3A_619 : i32 to index
        %parallel_loop3A_630 = arith.constant 32 : index
        %parallel_loop3A_631 = tpu.vector_load %arg7[%parallel_loop3A_629, %parallel_loop3A_630] {strides = array<i32>} : memref<1664x64xbf16, #tpu.memory_space<vmem>>, vector<32xbf16>,
        tpu.vector_store %arg7[%parallel_loop3A_629, %parallel_loop3A_630], %parallel_loop3A_628 {strides = array<i32>} : memref<1664x64xbf16, #tpu.memory_space<vmem>>, vector<32xbf16>,
      } {sc.loop_unroll_factor = 4 : i64, sc.parallel_access}
    }
    %scan3A_137 = arith.constant 13 : i32
    %lt3A_138 = arith.constant 30 : i32
    %lt3A_139 = arith.cmpi slt, %add3A, %lt3A_138 : i32
    %convert_element_type3A_140 = arith.extui %lt3A_139 : i1 to i32
    %cond3A_141 = arith.constant 0 : i32
    %cond3A_142 = arith.cmpi ne, %convert_element_type3A_140, %cond3A_141 : i32
    scf.if %cond3A_142 {
      %mul3A_526 = arith.constant 1664 : i32
      %mul3A_527 = arith.muli %add3A, %mul3A_526 : i32
      %dma_start3A_528 = arith.constant 3 : i32
      %dma_start3A_529 = tpu.memref_slice %arg3[%dma_start3A_528, %mul3A_527] : memref<9x50000xi32, #tpu.memory_space<hbm>> -> memref<1x1664xi32, #tpu.memory_space<hbm>>
      %dma_start3A_530 = tpu.memref_squeeze %dma_start3A_529 : memref<1x1664xi32, #tpu.memory_space<hbm>> -> memref<1664xi32, #tpu.memory_space<hbm>>
      %dma_start3A_531 = tpu.memref_slice %arg3[%dma_start3A_528, %mul3A_527] : memref<9x50000xi32, #tpu.memory_space<hbm>> -> memref<1x1664xi32, #tpu.memory_space<hbm>>
      %dma_start3A_532 = tpu.memref_squeeze %dma_start3A_531 : memref<1x1664xi32, #tpu.memory_space<hbm>> -> memref<1664xi32, #tpu.memory_space<hbm>>
      tpu.enqueue_dma source(%dma_start3A_532 : memref<1664xi32, #tpu.memory_space<hbm>>) target(%arg11 : memref<1664xi32, #tpu.memory_space<vmem>>) target_semaphore(%arg19 : memref<!tpu.dma_semaphore, #tpu.memory_space<semaphore_mem>>)
    } else {
    }
    %eq3A_143 = arith.constant 30 : i32
    %eq3A_144 = arith.cmpi eq, %add3A, %eq3A_143 : i32
    %convert_element_type3A_145 = arith.extui %eq3A_144 : i1 to i32
    %cond3A_146 = arith.constant 0 : i32
    %cond3A_147 = arith.cmpi ne, %convert_element_type3A_145, %cond3A_146 : i32
    scf.if %cond3A_147 {
      %dma_start3A_526 = arith.constant 3 : i32
      %dma_start3A_527 = arith.constant 0 : i32
      %dma_start3A_528 = tpu.memref_slice %arg11[%dma_start3A_527] : memref<1664xi32, #tpu.memory_space<vmem>> -> memref<80xi32, #tpu.memory_space<vmem>>
      %dma_start3A_529 = arith.constant 49920 : i32
      %dma_start3A_530 = tpu.memref_slice %arg3[%dma_start3A_526, %dma_start3A_529] : memref<9x50000xi32, #tpu.memory_space<hbm>> -> memref<1x80xi32, #tpu.memory_space<hbm>>
      %dma_start3A_531 = tpu.memref_squeeze %dma_start3A_530 : memref<1x80xi32, #tpu.memory_space<hbm>> -> memref<80xi32, #tpu.memory_space<hbm>>
      %dma_start3A_532 = arith.constant 0 : i32
      %dma_start3A_533 = tpu.memref_slice %arg11[%dma_start3A_532] : memref<1664xi32, #tpu.memory_space<vmem>> -> memref<80xi32, #tpu.memory_space<vmem>>
      %dma_start3A_534 = arith.constant 49920 : i32
      %dma_start3A_535 = tpu.memref_slice %arg3[%dma_start3A_526, %dma_start3A_534] : memref<9x50000xi32, #tpu.memory_space<hbm>> -> memref<1x80xi32, #tpu.memory_space<hbm>>
      %dma_start3A_536 = tpu.memref_squeeze %dma_start3A_535 : memref<1x80xi32, #tpu.memory_space<hbm>> -> memref<80xi32, #tpu.memory_space<hbm>>
      tpu.enqueue_dma source(%dma_start3A_536 : memref<80xi32, #tpu.memory_space<hbm>>) target(%dma_start3A_533 : memref<80xi32, #tpu.memory_space<vmem>>) target_semaphore(%arg19 : memref<!tpu.dma_semaphore, #tpu.memory_space<semaphore_mem>>)
      %parallel_loop3A = arith.constant 5 : i32
      %parallel_loop3A_537 = arith.constant 104 : i32
      %parallel_loop3A_538 = arith.constant 1 : i32
      scf.for %parallel_loop3A_539 = %parallel_loop3A to %parallel_loop3A_537 step %parallel_loop3A_538  : i32 {
        %parallel_loop3A_540 = arith.constant 16 : i32
        %parallel_loop3A_541 = arith.muli %parallel_loop3A_539, %parallel_loop3A_540 : i32
        %parallel_loop3A_542 = arith.index_cast %parallel_loop3A_541 : i32 to index
        %parallel_loop3A_543 = tpu.vector_load %arg11[%parallel_loop3A_542] {strides = array<i32>} : memref<1664xi32, #tpu.memory_space<vmem>>, vector<16xi32>,
        tpu.vector_store %arg11[%parallel_loop3A_542], %broadcast_in_dim3A_1 {strides = array<i32>} : memref<1664xi32, #tpu.memory_space<vmem>>, vector<16xi32>,
      } {sc.loop_unroll_factor = 4 : i64, sc.parallel_access}
    } else {
    }
    %gt3A_148 = arith.constant 30 : i32
    %gt3A_149 = arith.cmpi sgt, %add3A, %gt3A_148 : i32
    %convert_element_type3A_150 = arith.extui %gt3A_149 : i1 to i32
    %cond3A_151 = arith.constant 0 : i32
    %cond3A_152 = arith.cmpi ne, %convert_element_type3A_150, %cond3A_151 : i32
    scf.if %cond3A_152 {
      %parallel_loop3A = arith.constant 0 : i32
      %parallel_loop3A_526 = arith.constant 104 : i32
      %parallel_loop3A_527 = arith.constant 1 : i32
      scf.for %parallel_loop3A_528 = %parallel_loop3A to %parallel_loop3A_526 step %parallel_loop3A_527  : i32 {
        %parallel_loop3A_529 = arith.constant 16 : i32
        %parallel_loop3A_530 = arith.muli %parallel_loop3A_528, %parallel_loop3A_529 : i32
        %parallel_loop3A_531 = arith.index_cast %parallel_loop3A_530 : i32 to index
        %parallel_loop3A_532 = tpu.vector_load %arg11[%parallel_loop3A_531] {strides = array<i32>} : memref<1664xi32, #tpu.memory_space<vmem>>, vector<16xi32>,
        tpu.vector_store %arg11[%parallel_loop3A_531], %broadcast_in_dim3A_1 {strides = array<i32>} : memref<1664xi32, #tpu.memory_space<vmem>>, vector<16xi32>,
      } {sc.loop_unroll_factor = 4 : i64, sc.parallel_access}
    } else {
    }
    %lt3A_153 = arith.constant 30 : i32
    %lt3A_154 = arith.cmpi slt, %add3A, %lt3A_153 : i32
    %convert_element_type3A_155 = arith.extui %lt3A_154 : i1 to i32
    %cond3A_156 = arith.constant 0 : i32
    %cond3A_157 = arith.cmpi ne, %convert_element_type3A_155, %cond3A_156 : i32
    scf.if %cond3A_157 {
      %mul3A_526 = arith.constant 1664 : i32
      %mul3A_527 = arith.muli %add3A, %mul3A_526 : i32
      %dma_wait3A_528 = arith.constant 2 : i32
      %dma_wait3A_529 = tpu.memref_slice %arg3[%dma_wait3A_528, %mul3A_527] : memref<9x50000xi32, #tpu.memory_space<hbm>> -> memref<1x1664xi32, #tpu.memory_space<hbm>>
      %dma_wait3A_530 = tpu.memref_squeeze %dma_wait3A_529 : memref<1x1664xi32, #tpu.memory_space<hbm>> -> memref<1664xi32, #tpu.memory_space<hbm>>
      %dma_wait3A_531 = tpu.memref_slice %arg3[%dma_wait3A_528, %mul3A_527] : memref<9x50000xi32, #tpu.memory_space<hbm>> -> memref<1x1664xi32, #tpu.memory_space<hbm>>
      %dma_wait3A_532 = tpu.memref_squeeze %dma_wait3A_531 : memref<1x1664xi32, #tpu.memory_space<hbm>> -> memref<1664xi32, #tpu.memory_space<hbm>>
      tpu.wait_dma2 semaphore(%arg18 : memref<!tpu.dma_semaphore, #tpu.memory_space<semaphore_mem>>) src(%dma_wait3A_532 : memref<1664xi32, #tpu.memory_space<hbm>>) dst(%arg10 : memref<1664xi32, #tpu.memory_space<vmem>>)
    } else {
    }
    %eq3A_158 = arith.constant 30 : i32
    %eq3A_159 = arith.cmpi eq, %add3A, %eq3A_158 : i32
    %convert_element_type3A_160 = arith.extui %eq3A_159 : i1 to i32
    %cond3A_161 = arith.constant 0 : i32
    %cond3A_162 = arith.cmpi ne, %convert_element_type3A_160, %cond3A_161 : i32
    scf.if %cond3A_162 {
      %dma_wait3A_526 = arith.constant 2 : i32
      %dma_wait3A_527 = arith.constant 0 : i32
      %dma_wait3A_528 = tpu.memref_slice %arg10[%dma_wait3A_527] : memref<1664xi32, #tpu.memory_space<vmem>> -> memref<80xi32, #tpu.memory_space<vmem>>
      %dma_wait3A_529 = arith.constant 49920 : i32
      %dma_wait3A_530 = tpu.memref_slice %arg3[%dma_wait3A_526, %dma_wait3A_529] : memref<9x50000xi32, #tpu.memory_space<hbm>> -> memref<1x80xi32, #tpu.memory_space<hbm>>
      %dma_wait3A_531 = tpu.memref_squeeze %dma_wait3A_530 : memref<1x80xi32, #tpu.memory_space<hbm>> -> memref<80xi32, #tpu.memory_space<hbm>>
      %dma_wait3A_532 = arith.constant 0 : i32
      %dma_wait3A_533 = tpu.memref_slice %arg10[%dma_wait3A_532] : memref<1664xi32, #tpu.memory_space<vmem>> -> memref<80xi32, #tpu.memory_space<vmem>>
      %dma_wait3A_534 = arith.constant 49920 : i32
      %dma_wait3A_535 = tpu.memref_slice %arg3[%dma_wait3A_526, %dma_wait3A_534] : memref<9x50000xi32, #tpu.memory_space<hbm>> -> memref<1x80xi32, #tpu.memory_space<hbm>>
      %dma_wait3A_536 = tpu.memref_squeeze %dma_wait3A_535 : memref<1x80xi32, #tpu.memory_space<hbm>> -> memref<80xi32, #tpu.memory_space<hbm>>
      tpu.wait_dma2 semaphore(%arg18 : memref<!tpu.dma_semaphore, #tpu.memory_space<semaphore_mem>>) src(%dma_wait3A_536 : memref<80xi32, #tpu.memory_space<hbm>>) dst(%dma_wait3A_533 : memref<80xi32, #tpu.memory_space<vmem>>)
    } else {
    }
    %mul3A_163 = arith.constant 624 : i32
    %mul3A_164 = arith.muli %arg1, %mul3A_163 : i32
    %dma_wait3A_165 = arith.constant 0 : i32
    %dma_wait3A_166 = tpu.memref_slice %arg5[%mul3A_164, %dma_wait3A_165] : memref<10000x64xbf16, #tpu.memory_space<vmem_shared>> -> memref<624x64xbf16, #tpu.memory_space<vmem_shared>>
    %dma_wait3A_167 = arith.constant 128 : i32
    %dma_wait3A_168 = tpu.memref_slice %arg2[%mul3A_164, %dma_wait3A_167] : memref<10000x576xbf16, #tpu.memory_space<hbm>> -> memref<624x64xbf16, #tpu.memory_space<hbm>>
    tpu.wait_dma2 semaphore(%arg14 : memref<!tpu.dma_semaphore, #tpu.memory_space<semaphore_mem>>) src(%dma_wait3A_168 : memref<624x64xbf16, #tpu.memory_space<hbm>>) dst(%dma_wait3A_166 : memref<624x64xbf16, #tpu.memory_space<vmem_shared>>)
    %eq3A_169 = arith.constant 0 : i32
    %eq3A_170 = arith.cmpi eq, %arg1, %eq3A_169 : i32
    %convert_element_type3A_171 = arith.extui %eq3A_170 : i1 to i32
    %cond3A_172 = arith.constant 0 : i32
    %cond3A_173 = arith.cmpi ne, %convert_element_type3A_171, %cond3A_172 : i32
    scf.if %cond3A_173 {
      %dma_wait3A_526 = arith.constant 9984 : i32
      %dma_wait3A_527 = arith.constant 0 : i32
      %dma_wait3A_528 = tpu.memref_slice %arg5[%dma_wait3A_526, %dma_wait3A_527] : memref<10000x64xbf16, #tpu.memory_space<vmem_shared>> -> memref<16x64xbf16, #tpu.memory_space<vmem_shared>>
      %dma_wait3A_529 = arith.constant 9984 : i32
      %dma_wait3A_530 = arith.constant 128 : i32
      %dma_wait3A_531 = tpu.memref_slice %arg2[%dma_wait3A_529, %dma_wait3A_530] : memref<10000x576xbf16, #tpu.memory_space<hbm>> -> memref<16x64xbf16, #tpu.memory_space<hbm>>
      tpu.wait_dma2 semaphore(%arg14 : memref<!tpu.dma_semaphore, #tpu.memory_space<semaphore_mem>>) src(%dma_wait3A_531 : memref<16x64xbf16, #tpu.memory_space<hbm>>) dst(%dma_wait3A_528 : memref<16x64xbf16, #tpu.memory_space<vmem_shared>>)
    } else {
    }
    %barrier3A_174 = arith.constant 0 : index
    tpu.barrier barrier_id(%barrier3A_174)
    %mul3A_175 = arith.constant 624 : i32
    %mul3A_176 = arith.muli %arg1, %mul3A_175 : i32
    %dma_start3A_177 = arith.constant 0 : i32
    %dma_start3A_178 = tpu.memref_slice %arg6[%mul3A_176, %dma_start3A_177] : memref<10000x64xbf16, #tpu.memory_space<vmem_shared>> -> memref<624x64xbf16, #tpu.memory_space<vmem_shared>>
    %dma_start3A_179 = arith.constant 192 : i32
    %dma_start3A_180 = tpu.memref_slice %arg2[%mul3A_176, %dma_start3A_179] : memref<10000x576xbf16, #tpu.memory_space<hbm>> -> memref<624x64xbf16, #tpu.memory_space<hbm>>
    tpu.enqueue_dma source(%dma_start3A_180 : memref<624x64xbf16, #tpu.memory_space<hbm>>) target(%dma_start3A_178 : memref<624x64xbf16, #tpu.memory_space<vmem_shared>>) target_semaphore(%arg15 : memref<!tpu.dma_semaphore, #tpu.memory_space<semaphore_mem>>)
    %eq3A_181 = arith.constant 0 : i32
    %eq3A_182 = arith.cmpi eq, %arg1, %eq3A_181 : i32
    %convert_element_type3A_183 = arith.extui %eq3A_182 : i1 to i32
    %cond3A_184 = arith.constant 0 : i32
    %cond3A_185 = arith.cmpi ne, %convert_element_type3A_183, %cond3A_184 : i32
    scf.if %cond3A_185 {
      %dma_start3A_526 = arith.constant 9984 : i32
      %dma_start3A_527 = arith.constant 0 : i32
      %dma_start3A_528 = tpu.memref_slice %arg6[%dma_start3A_526, %dma_start3A_527] : memref<10000x64xbf16, #tpu.memory_space<vmem_shared>> -> memref<16x64xbf16, #tpu.memory_space<vmem_shared>>
      %dma_start3A_529 = arith.constant 9984 : i32
      %dma_start3A_530 = arith.constant 192 : i32
      %dma_start3A_531 = tpu.memref_slice %arg2[%dma_start3A_529, %dma_start3A_530] : memref<10000x576xbf16, #tpu.memory_space<hbm>> -> memref<16x64xbf16, #tpu.memory_space<hbm>>
      tpu.enqueue_dma source(%dma_start3A_531 : memref<16x64xbf16, #tpu.memory_space<hbm>>) target(%dma_start3A_528 : memref<16x64xbf16, #tpu.memory_space<vmem_shared>>) target_semaphore(%arg15 : memref<!tpu.dma_semaphore, #tpu.memory_space<semaphore_mem>>)
    } else {
    }
    %dma_start3A_186 = arith.constant 0 : i32
    %dma_start3A_187 = tpu.memref_slice %arg10[%dma_start3A_186] : memref<1664xi32, #tpu.memory_space<vmem>> -> memref<64xi32, #tpu.memory_space<vmem>>
    %dma_start3A_188 = arith.constant 0 : i32
    %dma_start3A_189 = arith.constant 0 : i32
    %dma_start3A_190 = tpu.memref_slice %arg5[%dma_start3A_188, %dma_start3A_189] : memref<10000x64xbf16, #tpu.memory_space<vmem_shared>> -> memref<10000x64xbf16, #tpu.memory_space<vmem_shared>>
    tpu.enqueue_indirect_dma source(%dma_start3A_190 : memref<10000x64xbf16, #tpu.memory_space<vmem_shared>>) target(%arg8 : memref<64x64xbf16, #tpu.memory_space<vmem>>) offsets(%dma_start3A_187 : memref<64xi32, #tpu.memory_space<vmem>>) semaphore(%arg16 : memref<!tpu.dma_semaphore, #tpu.memory_space<semaphore_mem>>)
    %scan3A_191 = arith.constant 0 : i32
    %scan3A_192 = arith.constant 13 : i32
    %scan3A_193 = arith.addi %scan3A_191, %scan3A_192 : i32
    %scan3A_194 = arith.constant 1 : i32
    scf.for %scan3A_526 = %scan3A_191 to %scan3A_193 step %scan3A_194  : i32 {
      %mul3A_527 = arith.constant 2 : i32
      %mul3A_528 = arith.muli %scan3A_526, %mul3A_527 : i32
      %add3A_529 = arith.constant 0 : i32
      %add3A_530 = arith.addi %add3A_529, %mul3A_528 : i32
      %dma_wait3A_531 = arith.constant 0 : i32
      %dma_wait3A_532 = tpu.memref_slice %arg10[%dma_wait3A_531] : memref<1664xi32, #tpu.memory_space<vmem>> -> memref<64xi32, #tpu.memory_space<vmem>>
      %dma_wait3A_533 = arith.constant 0 : i32
      %dma_wait3A_534 = arith.constant 0 : i32
      %dma_wait3A_535 = tpu.memref_slice %arg5[%dma_wait3A_533, %dma_wait3A_534] : memref<10000x64xbf16, #tpu.memory_space<vmem_shared>> -> memref<10000x64xbf16, #tpu.memory_space<vmem_shared>>
      tpu.wait_indirect_dma semaphore(%arg16 : memref<!tpu.dma_semaphore, #tpu.memory_space<semaphore_mem>>) src(%dma_wait3A_535 : memref<10000x64xbf16, #tpu.memory_space<vmem_shared>>) dst(%arg8 : memref<64x64xbf16, #tpu.memory_space<vmem>>)
      %add3A_536 = arith.constant 1 : i32
      %add3A_537 = arith.addi %add3A_530, %add3A_536 : i32
      %mul3A_538 = arith.constant 64 : i32
      %mul3A_539 = arith.muli %add3A_537, %mul3A_538 : i32
      %dma_start3A_540 = tpu.memref_slice %arg10[%mul3A_539] : memref<1664xi32, #tpu.memory_space<vmem>> -> memref<64xi32, #tpu.memory_space<vmem>>
      %dma_start3A_541 = arith.constant 0 : i32
      %dma_start3A_542 = arith.constant 0 : i32
      %dma_start3A_543 = tpu.memref_slice %arg5[%dma_start3A_541, %dma_start3A_542] : memref<10000x64xbf16, #tpu.memory_space<vmem_shared>> -> memref<10000x64xbf16, #tpu.memory_space<vmem_shared>>
      tpu.enqueue_indirect_dma source(%dma_start3A_543 : memref<10000x64xbf16, #tpu.memory_space<vmem_shared>>) target(%arg9 : memref<64x64xbf16, #tpu.memory_space<vmem>>) offsets(%dma_start3A_540 : memref<64xi32, #tpu.memory_space<vmem>>) semaphore(%arg17 : memref<!tpu.dma_semaphore, #tpu.memory_space<semaphore_mem>>)
      %parallel_loop3A = arith.constant 0 : i32
      %parallel_loop3A_544 = arith.constant 64 : i32
      %parallel_loop3A_545 = arith.constant 2 : i32
      scf.for %parallel_loop3A_563 = %parallel_loop3A to %parallel_loop3A_544 step %parallel_loop3A_545  : i32 {
        %parallel_loop3A_564 = arith.constant 64 : i32
        %parallel_loop3A_565 = arith.muli %add3A_530, %parallel_loop3A_564 : i32
        %parallel_loop3A_566 = arith.addi %parallel_loop3A_565, %parallel_loop3A_563 : i32
        %parallel_loop3A_567 = arith.constant 0 : i32
        %parallel_loop3A_568 = arith.addi %parallel_loop3A_566, %parallel_loop3A_567 : i32
        %parallel_loop3A_569 = arith.index_cast %parallel_loop3A_568 : i32 to index
        %parallel_loop3A_570 = arith.constant 0 : index
        %parallel_loop3A_571 = tpu.vector_load %arg7[%parallel_loop3A_569, %parallel_loop3A_570] {strides = array<i32>} : memref<1664x64xbf16, #tpu.memory_space<vmem>>, vector<32xbf16>,
        %parallel_loop3A_572 = arith.constant 0 : i32
        %parallel_loop3A_573 = arith.addi %parallel_loop3A_563, %parallel_loop3A_572 : i32
        %parallel_loop3A_574 = arith.index_cast %parallel_loop3A_573 : i32 to index
        %parallel_loop3A_575 = arith.constant 0 : index
        %parallel_loop3A_576 = tpu.vector_load %arg8[%parallel_loop3A_574, %parallel_loop3A_575] {strides = array<i32>} : memref<64x64xbf16, #tpu.memory_space<vmem>>, vector<32xbf16>,
        %parallel_loop3A_577 = arith.addf %parallel_loop3A_571, %parallel_loop3A_576 : vector<32xbf16>
        %parallel_loop3A_578 = arith.index_cast %parallel_loop3A_568 : i32 to index
        %parallel_loop3A_579 = arith.constant 0 : index
        %parallel_loop3A_580 = tpu.vector_load %arg7[%parallel_loop3A_578, %parallel_loop3A_579] {strides = array<i32>} : memref<1664x64xbf16, #tpu.memory_space<vmem>>, vector<32xbf16>,
        tpu.vector_store %arg7[%parallel_loop3A_578, %parallel_loop3A_579], %parallel_loop3A_577 {strides = array<i32>} : memref<1664x64xbf16, #tpu.memory_space<vmem>>, vector<32xbf16>,
        %parallel_loop3A_581 = arith.constant 64 : i32
        %parallel_loop3A_582 = arith.muli %add3A_530, %parallel_loop3A_581 : i32
        %parallel_loop3A_583 = arith.addi %parallel_loop3A_582, %parallel_loop3A_563 : i32
        %parallel_loop3A_584 = arith.constant 0 : i32
        %parallel_loop3A_585 = arith.addi %parallel_loop3A_583, %parallel_loop3A_584 : i32
        %parallel_loop3A_586 = arith.index_cast %parallel_loop3A_585 : i32 to index
        %parallel_loop3A_587 = arith.constant 32 : index
        %parallel_loop3A_588 = tpu.vector_load %arg7[%parallel_loop3A_586, %parallel_loop3A_587] {strides = array<i32>} : memref<1664x64xbf16, #tpu.memory_space<vmem>>, vector<32xbf16>,
        %parallel_loop3A_589 = arith.constant 0 : i32
        %parallel_loop3A_590 = arith.addi %parallel_loop3A_563, %parallel_loop3A_589 : i32
        %parallel_loop3A_591 = arith.index_cast %parallel_loop3A_590 : i32 to index
        %parallel_loop3A_592 = arith.constant 32 : index
        %parallel_loop3A_593 = tpu.vector_load %arg8[%parallel_loop3A_591, %parallel_loop3A_592] {strides = array<i32>} : memref<64x64xbf16, #tpu.memory_space<vmem>>, vector<32xbf16>,
        %parallel_loop3A_594 = arith.addf %parallel_loop3A_588, %parallel_loop3A_593 : vector<32xbf16>
        %parallel_loop3A_595 = arith.index_cast %parallel_loop3A_585 : i32 to index
        %parallel_loop3A_596 = arith.constant 32 : index
        %parallel_loop3A_597 = tpu.vector_load %arg7[%parallel_loop3A_595, %parallel_loop3A_596] {strides = array<i32>} : memref<1664x64xbf16, #tpu.memory_space<vmem>>, vector<32xbf16>,
        tpu.vector_store %arg7[%parallel_loop3A_595, %parallel_loop3A_596], %parallel_loop3A_594 {strides = array<i32>} : memref<1664x64xbf16, #tpu.memory_space<vmem>>, vector<32xbf16>,
        %parallel_loop3A_598 = arith.constant 64 : i32
        %parallel_loop3A_599 = arith.muli %add3A_530, %parallel_loop3A_598 : i32
        %parallel_loop3A_600 = arith.addi %parallel_loop3A_599, %parallel_loop3A_563 : i32
        %parallel_loop3A_601 = arith.constant 1 : i32
        %parallel_loop3A_602 = arith.addi %parallel_loop3A_600, %parallel_loop3A_601 : i32
        %parallel_loop3A_603 = arith.index_cast %parallel_loop3A_602 : i32 to index
        %parallel_loop3A_604 = arith.constant 0 : index
        %parallel_loop3A_605 = tpu.vector_load %arg7[%parallel_loop3A_603, %parallel_loop3A_604] {strides = array<i32>} : memref<1664x64xbf16, #tpu.memory_space<vmem>>, vector<32xbf16>,
        %parallel_loop3A_606 = arith.constant 1 : i32
        %parallel_loop3A_607 = arith.addi %parallel_loop3A_563, %parallel_loop3A_606 : i32
        %parallel_loop3A_608 = arith.index_cast %parallel_loop3A_607 : i32 to index
        %parallel_loop3A_609 = arith.constant 0 : index
        %parallel_loop3A_610 = tpu.vector_load %arg8[%parallel_loop3A_608, %parallel_loop3A_609] {strides = array<i32>} : memref<64x64xbf16, #tpu.memory_space<vmem>>, vector<32xbf16>,
        %parallel_loop3A_611 = arith.addf %parallel_loop3A_605, %parallel_loop3A_610 : vector<32xbf16>
        %parallel_loop3A_612 = arith.index_cast %parallel_loop3A_602 : i32 to index
        %parallel_loop3A_613 = arith.constant 0 : index
        %parallel_loop3A_614 = tpu.vector_load %arg7[%parallel_loop3A_612, %parallel_loop3A_613] {strides = array<i32>} : memref<1664x64xbf16, #tpu.memory_space<vmem>>, vector<32xbf16>,
        tpu.vector_store %arg7[%parallel_loop3A_612, %parallel_loop3A_613], %parallel_loop3A_611 {strides = array<i32>} : memref<1664x64xbf16, #tpu.memory_space<vmem>>, vector<32xbf16>,
        %parallel_loop3A_615 = arith.constant 64 : i32
        %parallel_loop3A_616 = arith.muli %add3A_530, %parallel_loop3A_615 : i32
        %parallel_loop3A_617 = arith.addi %parallel_loop3A_616, %parallel_loop3A_563 : i32
        %parallel_loop3A_618 = arith.constant 1 : i32
        %parallel_loop3A_619 = arith.addi %parallel_loop3A_617, %parallel_loop3A_618 : i32
        %parallel_loop3A_620 = arith.index_cast %parallel_loop3A_619 : i32 to index
        %parallel_loop3A_621 = arith.constant 32 : index
        %parallel_loop3A_622 = tpu.vector_load %arg7[%parallel_loop3A_620, %parallel_loop3A_621] {strides = array<i32>} : memref<1664x64xbf16, #tpu.memory_space<vmem>>, vector<32xbf16>,
        %parallel_loop3A_623 = arith.constant 1 : i32
        %parallel_loop3A_624 = arith.addi %parallel_loop3A_563, %parallel_loop3A_623 : i32
        %parallel_loop3A_625 = arith.index_cast %parallel_loop3A_624 : i32 to index
        %parallel_loop3A_626 = arith.constant 32 : index
        %parallel_loop3A_627 = tpu.vector_load %arg8[%parallel_loop3A_625, %parallel_loop3A_626] {strides = array<i32>} : memref<64x64xbf16, #tpu.memory_space<vmem>>, vector<32xbf16>,
        %parallel_loop3A_628 = arith.addf %parallel_loop3A_622, %parallel_loop3A_627 : vector<32xbf16>
        %parallel_loop3A_629 = arith.index_cast %parallel_loop3A_619 : i32 to index
        %parallel_loop3A_630 = arith.constant 32 : index
        %parallel_loop3A_631 = tpu.vector_load %arg7[%parallel_loop3A_629, %parallel_loop3A_630] {strides = array<i32>} : memref<1664x64xbf16, #tpu.memory_space<vmem>>, vector<32xbf16>,
        tpu.vector_store %arg7[%parallel_loop3A_629, %parallel_loop3A_630], %parallel_loop3A_628 {strides = array<i32>} : memref<1664x64xbf16, #tpu.memory_space<vmem>>, vector<32xbf16>,
      } {sc.loop_unroll_factor = 4 : i64, sc.parallel_access}
      %dma_wait3A_546 = arith.constant 0 : i32
      %dma_wait3A_547 = tpu.memref_slice %arg10[%dma_wait3A_546] : memref<1664xi32, #tpu.memory_space<vmem>> -> memref<64xi32, #tpu.memory_space<vmem>>
      %dma_wait3A_548 = arith.constant 0 : i32
      %dma_wait3A_549 = arith.constant 0 : i32
      %dma_wait3A_550 = tpu.memref_slice %arg5[%dma_wait3A_548, %dma_wait3A_549] : memref<10000x64xbf16, #tpu.memory_space<vmem_shared>> -> memref<10000x64xbf16, #tpu.memory_space<vmem_shared>>
      tpu.wait_indirect_dma semaphore(%arg17 : memref<!tpu.dma_semaphore, #tpu.memory_space<semaphore_mem>>) src(%dma_wait3A_550 : memref<10000x64xbf16, #tpu.memory_space<vmem_shared>>) dst(%arg9 : memref<64x64xbf16, #tpu.memory_space<vmem>>)
      %add3A_551 = arith.constant 2 : i32
      %add3A_552 = arith.addi %add3A_530, %add3A_551 : i32
      %lt3A_553 = arith.constant 26 : i32
      %lt3A_554 = arith.cmpi slt, %add3A_552, %lt3A_553 : i32
      %convert_element_type3A_555 = arith.extui %lt3A_554 : i1 to i32
      %cond3A_556 = arith.constant 0 : i32
      %cond3A_557 = arith.cmpi ne, %convert_element_type3A_555, %cond3A_556 : i32
      scf.if %cond3A_557 {
        %add3A_563 = arith.constant 2 : i32
        %add3A_564 = arith.addi %add3A_530, %add3A_563 : i32
        %mul3A_565 = arith.constant 64 : i32
        %mul3A_566 = arith.muli %add3A_564, %mul3A_565 : i32
        %dma_start3A_567 = tpu.memref_slice %arg10[%mul3A_566] : memref<1664xi32, #tpu.memory_space<vmem>> -> memref<64xi32, #tpu.memory_space<vmem>>
        %dma_start3A_568 = arith.constant 0 : i32
        %dma_start3A_569 = arith.constant 0 : i32
        %dma_start3A_570 = tpu.memref_slice %arg5[%dma_start3A_568, %dma_start3A_569] : memref<10000x64xbf16, #tpu.memory_space<vmem_shared>> -> memref<10000x64xbf16, #tpu.memory_space<vmem_shared>>
        tpu.enqueue_indirect_dma source(%dma_start3A_570 : memref<10000x64xbf16, #tpu.memory_space<vmem_shared>>) target(%arg8 : memref<64x64xbf16, #tpu.memory_space<vmem>>) offsets(%dma_start3A_567 : memref<64xi32, #tpu.memory_space<vmem>>) semaphore(%arg16 : memref<!tpu.dma_semaphore, #tpu.memory_space<semaphore_mem>>)
      } else {
      }
      %add3A_558 = arith.constant 1 : i32
      %add3A_559 = arith.addi %add3A_530, %add3A_558 : i32
      %parallel_loop3A_560 = arith.constant 0 : i32
      %parallel_loop3A_561 = arith.constant 64 : i32
      %parallel_loop3A_562 = arith.constant 2 : i32
      scf.for %parallel_loop3A_563 = %parallel_loop3A_560 to %parallel_loop3A_561 step %parallel_loop3A_562  : i32 {
        %parallel_loop3A_564 = arith.constant 64 : i32
        %parallel_loop3A_565 = arith.muli %add3A_559, %parallel_loop3A_564 : i32
        %parallel_loop3A_566 = arith.addi %parallel_loop3A_565, %parallel_loop3A_563 : i32
        %parallel_loop3A_567 = arith.constant 0 : i32
        %parallel_loop3A_568 = arith.addi %parallel_loop3A_566, %parallel_loop3A_567 : i32
        %parallel_loop3A_569 = arith.index_cast %parallel_loop3A_568 : i32 to index
        %parallel_loop3A_570 = arith.constant 0 : index
        %parallel_loop3A_571 = tpu.vector_load %arg7[%parallel_loop3A_569, %parallel_loop3A_570] {strides = array<i32>} : memref<1664x64xbf16, #tpu.memory_space<vmem>>, vector<32xbf16>,
        %parallel_loop3A_572 = arith.constant 0 : i32
        %parallel_loop3A_573 = arith.addi %parallel_loop3A_563, %parallel_loop3A_572 : i32
        %parallel_loop3A_574 = arith.index_cast %parallel_loop3A_573 : i32 to index
        %parallel_loop3A_575 = arith.constant 0 : index
        %parallel_loop3A_576 = tpu.vector_load %arg9[%parallel_loop3A_574, %parallel_loop3A_575] {strides = array<i32>} : memref<64x64xbf16, #tpu.memory_space<vmem>>, vector<32xbf16>,
        %parallel_loop3A_577 = arith.addf %parallel_loop3A_571, %parallel_loop3A_576 : vector<32xbf16>
        %parallel_loop3A_578 = arith.index_cast %parallel_loop3A_568 : i32 to index
        %parallel_loop3A_579 = arith.constant 0 : index
        %parallel_loop3A_580 = tpu.vector_load %arg7[%parallel_loop3A_578, %parallel_loop3A_579] {strides = array<i32>} : memref<1664x64xbf16, #tpu.memory_space<vmem>>, vector<32xbf16>,
        tpu.vector_store %arg7[%parallel_loop3A_578, %parallel_loop3A_579], %parallel_loop3A_577 {strides = array<i32>} : memref<1664x64xbf16, #tpu.memory_space<vmem>>, vector<32xbf16>,
        %parallel_loop3A_581 = arith.constant 64 : i32
        %parallel_loop3A_582 = arith.muli %add3A_559, %parallel_loop3A_581 : i32
        %parallel_loop3A_583 = arith.addi %parallel_loop3A_582, %parallel_loop3A_563 : i32
        %parallel_loop3A_584 = arith.constant 0 : i32
        %parallel_loop3A_585 = arith.addi %parallel_loop3A_583, %parallel_loop3A_584 : i32
        %parallel_loop3A_586 = arith.index_cast %parallel_loop3A_585 : i32 to index
        %parallel_loop3A_587 = arith.constant 32 : index
        %parallel_loop3A_588 = tpu.vector_load %arg7[%parallel_loop3A_586, %parallel_loop3A_587] {strides = array<i32>} : memref<1664x64xbf16, #tpu.memory_space<vmem>>, vector<32xbf16>,
        %parallel_loop3A_589 = arith.constant 0 : i32
        %parallel_loop3A_590 = arith.addi %parallel_loop3A_563, %parallel_loop3A_589 : i32
        %parallel_loop3A_591 = arith.index_cast %parallel_loop3A_590 : i32 to index
        %parallel_loop3A_592 = arith.constant 32 : index
        %parallel_loop3A_593 = tpu.vector_load %arg9[%parallel_loop3A_591, %parallel_loop3A_592] {strides = array<i32>} : memref<64x64xbf16, #tpu.memory_space<vmem>>, vector<32xbf16>,
        %parallel_loop3A_594 = arith.addf %parallel_loop3A_588, %parallel_loop3A_593 : vector<32xbf16>
        %parallel_loop3A_595 = arith.index_cast %parallel_loop3A_585 : i32 to index
        %parallel_loop3A_596 = arith.constant 32 : index
        %parallel_loop3A_597 = tpu.vector_load %arg7[%parallel_loop3A_595, %parallel_loop3A_596] {strides = array<i32>} : memref<1664x64xbf16, #tpu.memory_space<vmem>>, vector<32xbf16>,
        tpu.vector_store %arg7[%parallel_loop3A_595, %parallel_loop3A_596], %parallel_loop3A_594 {strides = array<i32>} : memref<1664x64xbf16, #tpu.memory_space<vmem>>, vector<32xbf16>,
        %parallel_loop3A_598 = arith.constant 64 : i32
        %parallel_loop3A_599 = arith.muli %add3A_559, %parallel_loop3A_598 : i32
        %parallel_loop3A_600 = arith.addi %parallel_loop3A_599, %parallel_loop3A_563 : i32
        %parallel_loop3A_601 = arith.constant 1 : i32
        %parallel_loop3A_602 = arith.addi %parallel_loop3A_600, %parallel_loop3A_601 : i32
        %parallel_loop3A_603 = arith.index_cast %parallel_loop3A_602 : i32 to index
        %parallel_loop3A_604 = arith.constant 0 : index
        %parallel_loop3A_605 = tpu.vector_load %arg7[%parallel_loop3A_603, %parallel_loop3A_604] {strides = array<i32>} : memref<1664x64xbf16, #tpu.memory_space<vmem>>, vector<32xbf16>,
        %parallel_loop3A_606 = arith.constant 1 : i32
        %parallel_loop3A_607 = arith.addi %parallel_loop3A_563, %parallel_loop3A_606 : i32
        %parallel_loop3A_608 = arith.index_cast %parallel_loop3A_607 : i32 to index
        %parallel_loop3A_609 = arith.constant 0 : index
        %parallel_loop3A_610 = tpu.vector_load %arg9[%parallel_loop3A_608, %parallel_loop3A_609] {strides = array<i32>} : memref<64x64xbf16, #tpu.memory_space<vmem>>, vector<32xbf16>,
        %parallel_loop3A_611 = arith.addf %parallel_loop3A_605, %parallel_loop3A_610 : vector<32xbf16>
        %parallel_loop3A_612 = arith.index_cast %parallel_loop3A_602 : i32 to index
        %parallel_loop3A_613 = arith.constant 0 : index
        %parallel_loop3A_614 = tpu.vector_load %arg7[%parallel_loop3A_612, %parallel_loop3A_613] {strides = array<i32>} : memref<1664x64xbf16, #tpu.memory_space<vmem>>, vector<32xbf16>,
        tpu.vector_store %arg7[%parallel_loop3A_612, %parallel_loop3A_613], %parallel_loop3A_611 {strides = array<i32>} : memref<1664x64xbf16, #tpu.memory_space<vmem>>, vector<32xbf16>,
        %parallel_loop3A_615 = arith.constant 64 : i32
        %parallel_loop3A_616 = arith.muli %add3A_559, %parallel_loop3A_615 : i32
        %parallel_loop3A_617 = arith.addi %parallel_loop3A_616, %parallel_loop3A_563 : i32
        %parallel_loop3A_618 = arith.constant 1 : i32
        %parallel_loop3A_619 = arith.addi %parallel_loop3A_617, %parallel_loop3A_618 : i32
        %parallel_loop3A_620 = arith.index_cast %parallel_loop3A_619 : i32 to index
        %parallel_loop3A_621 = arith.constant 32 : index
        %parallel_loop3A_622 = tpu.vector_load %arg7[%parallel_loop3A_620, %parallel_loop3A_621] {strides = array<i32>} : memref<1664x64xbf16, #tpu.memory_space<vmem>>, vector<32xbf16>,
        %parallel_loop3A_623 = arith.constant 1 : i32
        %parallel_loop3A_624 = arith.addi %parallel_loop3A_563, %parallel_loop3A_623 : i32
        %parallel_loop3A_625 = arith.index_cast %parallel_loop3A_624 : i32 to index
        %parallel_loop3A_626 = arith.constant 32 : index
        %parallel_loop3A_627 = tpu.vector_load %arg9[%parallel_loop3A_625, %parallel_loop3A_626] {strides = array<i32>} : memref<64x64xbf16, #tpu.memory_space<vmem>>, vector<32xbf16>,
        %parallel_loop3A_628 = arith.addf %parallel_loop3A_622, %parallel_loop3A_627 : vector<32xbf16>
        %parallel_loop3A_629 = arith.index_cast %parallel_loop3A_619 : i32 to index
        %parallel_loop3A_630 = arith.constant 32 : index
        %parallel_loop3A_631 = tpu.vector_load %arg7[%parallel_loop3A_629, %parallel_loop3A_630] {strides = array<i32>} : memref<1664x64xbf16, #tpu.memory_space<vmem>>, vector<32xbf16>,
        tpu.vector_store %arg7[%parallel_loop3A_629, %parallel_loop3A_630], %parallel_loop3A_628 {strides = array<i32>} : memref<1664x64xbf16, #tpu.memory_space<vmem>>, vector<32xbf16>,
      } {sc.loop_unroll_factor = 4 : i64, sc.parallel_access}
    }
    %scan3A_195 = arith.constant 13 : i32
    %lt3A_196 = arith.constant 30 : i32
    %lt3A_197 = arith.cmpi slt, %add3A, %lt3A_196 : i32
    %convert_element_type3A_198 = arith.extui %lt3A_197 : i1 to i32
    %cond3A_199 = arith.constant 0 : i32
    %cond3A_200 = arith.cmpi ne, %convert_element_type3A_198, %cond3A_199 : i32
    scf.if %cond3A_200 {
      %mul3A_526 = arith.constant 1664 : i32
      %mul3A_527 = arith.muli %add3A, %mul3A_526 : i32
      %dma_start3A_528 = arith.constant 4 : i32
      %dma_start3A_529 = tpu.memref_slice %arg3[%dma_start3A_528, %mul3A_527] : memref<9x50000xi32, #tpu.memory_space<hbm>> -> memref<1x1664xi32, #tpu.memory_space<hbm>>
      %dma_start3A_530 = tpu.memref_squeeze %dma_start3A_529 : memref<1x1664xi32, #tpu.memory_space<hbm>> -> memref<1664xi32, #tpu.memory_space<hbm>>
      %dma_start3A_531 = tpu.memref_slice %arg3[%dma_start3A_528, %mul3A_527] : memref<9x50000xi32, #tpu.memory_space<hbm>> -> memref<1x1664xi32, #tpu.memory_space<hbm>>
      %dma_start3A_532 = tpu.memref_squeeze %dma_start3A_531 : memref<1x1664xi32, #tpu.memory_space<hbm>> -> memref<1664xi32, #tpu.memory_space<hbm>>
      tpu.enqueue_dma source(%dma_start3A_532 : memref<1664xi32, #tpu.memory_space<hbm>>) target(%arg10 : memref<1664xi32, #tpu.memory_space<vmem>>) target_semaphore(%arg18 : memref<!tpu.dma_semaphore, #tpu.memory_space<semaphore_mem>>)
    } else {
    }
    %eq3A_201 = arith.constant 30 : i32
    %eq3A_202 = arith.cmpi eq, %add3A, %eq3A_201 : i32
    %convert_element_type3A_203 = arith.extui %eq3A_202 : i1 to i32
    %cond3A_204 = arith.constant 0 : i32
    %cond3A_205 = arith.cmpi ne, %convert_element_type3A_203, %cond3A_204 : i32
    scf.if %cond3A_205 {
      %dma_start3A_526 = arith.constant 4 : i32
      %dma_start3A_527 = arith.constant 0 : i32
      %dma_start3A_528 = tpu.memref_slice %arg10[%dma_start3A_527] : memref<1664xi32, #tpu.memory_space<vmem>> -> memref<80xi32, #tpu.memory_space<vmem>>
      %dma_start3A_529 = arith.constant 49920 : i32
      %dma_start3A_530 = tpu.memref_slice %arg3[%dma_start3A_526, %dma_start3A_529] : memref<9x50000xi32, #tpu.memory_space<hbm>> -> memref<1x80xi32, #tpu.memory_space<hbm>>
      %dma_start3A_531 = tpu.memref_squeeze %dma_start3A_530 : memref<1x80xi32, #tpu.memory_space<hbm>> -> memref<80xi32, #tpu.memory_space<hbm>>
      %dma_start3A_532 = arith.constant 0 : i32
      %dma_start3A_533 = tpu.memref_slice %arg10[%dma_start3A_532] : memref<1664xi32, #tpu.memory_space<vmem>> -> memref<80xi32, #tpu.memory_space<vmem>>
      %dma_start3A_534 = arith.constant 49920 : i32
      %dma_start3A_535 = tpu.memref_slice %arg3[%dma_start3A_526, %dma_start3A_534] : memref<9x50000xi32, #tpu.memory_space<hbm>> -> memref<1x80xi32, #tpu.memory_space<hbm>>
      %dma_start3A_536 = tpu.memref_squeeze %dma_start3A_535 : memref<1x80xi32, #tpu.memory_space<hbm>> -> memref<80xi32, #tpu.memory_space<hbm>>
      tpu.enqueue_dma source(%dma_start3A_536 : memref<80xi32, #tpu.memory_space<hbm>>) target(%dma_start3A_533 : memref<80xi32, #tpu.memory_space<vmem>>) target_semaphore(%arg18 : memref<!tpu.dma_semaphore, #tpu.memory_space<semaphore_mem>>)
      %parallel_loop3A = arith.constant 5 : i32
      %parallel_loop3A_537 = arith.constant 104 : i32
      %parallel_loop3A_538 = arith.constant 1 : i32
      scf.for %parallel_loop3A_539 = %parallel_loop3A to %parallel_loop3A_537 step %parallel_loop3A_538  : i32 {
        %parallel_loop3A_540 = arith.constant 16 : i32
        %parallel_loop3A_541 = arith.muli %parallel_loop3A_539, %parallel_loop3A_540 : i32
        %parallel_loop3A_542 = arith.index_cast %parallel_loop3A_541 : i32 to index
        %parallel_loop3A_543 = tpu.vector_load %arg10[%parallel_loop3A_542] {strides = array<i32>} : memref<1664xi32, #tpu.memory_space<vmem>>, vector<16xi32>,
        tpu.vector_store %arg10[%parallel_loop3A_542], %broadcast_in_dim3A_1 {strides = array<i32>} : memref<1664xi32, #tpu.memory_space<vmem>>, vector<16xi32>,
      } {sc.loop_unroll_factor = 4 : i64, sc.parallel_access}
    } else {
    }
    %gt3A_206 = arith.constant 30 : i32
    %gt3A_207 = arith.cmpi sgt, %add3A, %gt3A_206 : i32
    %convert_element_type3A_208 = arith.extui %gt3A_207 : i1 to i32
    %cond3A_209 = arith.constant 0 : i32
    %cond3A_210 = arith.cmpi ne, %convert_element_type3A_208, %cond3A_209 : i32
    scf.if %cond3A_210 {
      %parallel_loop3A = arith.constant 0 : i32
      %parallel_loop3A_526 = arith.constant 104 : i32
      %parallel_loop3A_527 = arith.constant 1 : i32
      scf.for %parallel_loop3A_528 = %parallel_loop3A to %parallel_loop3A_526 step %parallel_loop3A_527  : i32 {
        %parallel_loop3A_529 = arith.constant 16 : i32
        %parallel_loop3A_530 = arith.muli %parallel_loop3A_528, %parallel_loop3A_529 : i32
        %parallel_loop3A_531 = arith.index_cast %parallel_loop3A_530 : i32 to index
        %parallel_loop3A_532 = tpu.vector_load %arg10[%parallel_loop3A_531] {strides = array<i32>} : memref<1664xi32, #tpu.memory_space<vmem>>, vector<16xi32>,
        tpu.vector_store %arg10[%parallel_loop3A_531], %broadcast_in_dim3A_1 {strides = array<i32>} : memref<1664xi32, #tpu.memory_space<vmem>>, vector<16xi32>,
      } {sc.loop_unroll_factor = 4 : i64, sc.parallel_access}
    } else {
    }
    %lt3A_211 = arith.constant 30 : i32
    %lt3A_212 = arith.cmpi slt, %add3A, %lt3A_211 : i32
    %convert_element_type3A_213 = arith.extui %lt3A_212 : i1 to i32
    %cond3A_214 = arith.constant 0 : i32
    %cond3A_215 = arith.cmpi ne, %convert_element_type3A_213, %cond3A_214 : i32
    scf.if %cond3A_215 {
      %mul3A_526 = arith.constant 1664 : i32
      %mul3A_527 = arith.muli %add3A, %mul3A_526 : i32
      %dma_wait3A_528 = arith.constant 3 : i32
      %dma_wait3A_529 = tpu.memref_slice %arg3[%dma_wait3A_528, %mul3A_527] : memref<9x50000xi32, #tpu.memory_space<hbm>> -> memref<1x1664xi32, #tpu.memory_space<hbm>>
      %dma_wait3A_530 = tpu.memref_squeeze %dma_wait3A_529 : memref<1x1664xi32, #tpu.memory_space<hbm>> -> memref<1664xi32, #tpu.memory_space<hbm>>
      %dma_wait3A_531 = tpu.memref_slice %arg3[%dma_wait3A_528, %mul3A_527] : memref<9x50000xi32, #tpu.memory_space<hbm>> -> memref<1x1664xi32, #tpu.memory_space<hbm>>
      %dma_wait3A_532 = tpu.memref_squeeze %dma_wait3A_531 : memref<1x1664xi32, #tpu.memory_space<hbm>> -> memref<1664xi32, #tpu.memory_space<hbm>>
      tpu.wait_dma2 semaphore(%arg19 : memref<!tpu.dma_semaphore, #tpu.memory_space<semaphore_mem>>) src(%dma_wait3A_532 : memref<1664xi32, #tpu.memory_space<hbm>>) dst(%arg11 : memref<1664xi32, #tpu.memory_space<vmem>>)
    } else {
    }
    %eq3A_216 = arith.constant 30 : i32
    %eq3A_217 = arith.cmpi eq, %add3A, %eq3A_216 : i32
    %convert_element_type3A_218 = arith.extui %eq3A_217 : i1 to i32
    %cond3A_219 = arith.constant 0 : i32
    %cond3A_220 = arith.cmpi ne, %convert_element_type3A_218, %cond3A_219 : i32
    scf.if %cond3A_220 {
      %dma_wait3A_526 = arith.constant 3 : i32
      %dma_wait3A_527 = arith.constant 0 : i32
      %dma_wait3A_528 = tpu.memref_slice %arg11[%dma_wait3A_527] : memref<1664xi32, #tpu.memory_space<vmem>> -> memref<80xi32, #tpu.memory_space<vmem>>
      %dma_wait3A_529 = arith.constant 49920 : i32
      %dma_wait3A_530 = tpu.memref_slice %arg3[%dma_wait3A_526, %dma_wait3A_529] : memref<9x50000xi32, #tpu.memory_space<hbm>> -> memref<1x80xi32, #tpu.memory_space<hbm>>
      %dma_wait3A_531 = tpu.memref_squeeze %dma_wait3A_530 : memref<1x80xi32, #tpu.memory_space<hbm>> -> memref<80xi32, #tpu.memory_space<hbm>>
      %dma_wait3A_532 = arith.constant 0 : i32
      %dma_wait3A_533 = tpu.memref_slice %arg11[%dma_wait3A_532] : memref<1664xi32, #tpu.memory_space<vmem>> -> memref<80xi32, #tpu.memory_space<vmem>>
      %dma_wait3A_534 = arith.constant 49920 : i32
      %dma_wait3A_535 = tpu.memref_slice %arg3[%dma_wait3A_526, %dma_wait3A_534] : memref<9x50000xi32, #tpu.memory_space<hbm>> -> memref<1x80xi32, #tpu.memory_space<hbm>>
      %dma_wait3A_536 = tpu.memref_squeeze %dma_wait3A_535 : memref<1x80xi32, #tpu.memory_space<hbm>> -> memref<80xi32, #tpu.memory_space<hbm>>
      tpu.wait_dma2 semaphore(%arg19 : memref<!tpu.dma_semaphore, #tpu.memory_space<semaphore_mem>>) src(%dma_wait3A_536 : memref<80xi32, #tpu.memory_space<hbm>>) dst(%dma_wait3A_533 : memref<80xi32, #tpu.memory_space<vmem>>)
    } else {
    }
    %mul3A_221 = arith.constant 624 : i32
    %mul3A_222 = arith.muli %arg1, %mul3A_221 : i32
    %dma_wait3A_223 = arith.constant 0 : i32
    %dma_wait3A_224 = tpu.memref_slice %arg6[%mul3A_222, %dma_wait3A_223] : memref<10000x64xbf16, #tpu.memory_space<vmem_shared>> -> memref<624x64xbf16, #tpu.memory_space<vmem_shared>>
    %dma_wait3A_225 = arith.constant 192 : i32
    %dma_wait3A_226 = tpu.memref_slice %arg2[%mul3A_222, %dma_wait3A_225] : memref<10000x576xbf16, #tpu.memory_space<hbm>> -> memref<624x64xbf16, #tpu.memory_space<hbm>>
    tpu.wait_dma2 semaphore(%arg15 : memref<!tpu.dma_semaphore, #tpu.memory_space<semaphore_mem>>) src(%dma_wait3A_226 : memref<624x64xbf16, #tpu.memory_space<hbm>>) dst(%dma_wait3A_224 : memref<624x64xbf16, #tpu.memory_space<vmem_shared>>)
    %eq3A_227 = arith.constant 0 : i32
    %eq3A_228 = arith.cmpi eq, %arg1, %eq3A_227 : i32
    %convert_element_type3A_229 = arith.extui %eq3A_228 : i1 to i32
    %cond3A_230 = arith.constant 0 : i32
    %cond3A_231 = arith.cmpi ne, %convert_element_type3A_229, %cond3A_230 : i32
    scf.if %cond3A_231 {
      %dma_wait3A_526 = arith.constant 9984 : i32
      %dma_wait3A_527 = arith.constant 0 : i32
      %dma_wait3A_528 = tpu.memref_slice %arg6[%dma_wait3A_526, %dma_wait3A_527] : memref<10000x64xbf16, #tpu.memory_space<vmem_shared>> -> memref<16x64xbf16, #tpu.memory_space<vmem_shared>>
      %dma_wait3A_529 = arith.constant 9984 : i32
      %dma_wait3A_530 = arith.constant 192 : i32
      %dma_wait3A_531 = tpu.memref_slice %arg2[%dma_wait3A_529, %dma_wait3A_530] : memref<10000x576xbf16, #tpu.memory_space<hbm>> -> memref<16x64xbf16, #tpu.memory_space<hbm>>
      tpu.wait_dma2 semaphore(%arg15 : memref<!tpu.dma_semaphore, #tpu.memory_space<semaphore_mem>>) src(%dma_wait3A_531 : memref<16x64xbf16, #tpu.memory_space<hbm>>) dst(%dma_wait3A_528 : memref<16x64xbf16, #tpu.memory_space<vmem_shared>>)
    } else {
    }
    %barrier3A_232 = arith.constant 0 : index
    tpu.barrier barrier_id(%barrier3A_232)
    %mul3A_233 = arith.constant 624 : i32
    %mul3A_234 = arith.muli %arg1, %mul3A_233 : i32
    %dma_start3A_235 = arith.constant 0 : i32
    %dma_start3A_236 = tpu.memref_slice %arg5[%mul3A_234, %dma_start3A_235] : memref<10000x64xbf16, #tpu.memory_space<vmem_shared>> -> memref<624x64xbf16, #tpu.memory_space<vmem_shared>>
    %dma_start3A_237 = arith.constant 256 : i32
    %dma_start3A_238 = tpu.memref_slice %arg2[%mul3A_234, %dma_start3A_237] : memref<10000x576xbf16, #tpu.memory_space<hbm>> -> memref<624x64xbf16, #tpu.memory_space<hbm>>
    tpu.enqueue_dma source(%dma_start3A_238 : memref<624x64xbf16, #tpu.memory_space<hbm>>) target(%dma_start3A_236 : memref<624x64xbf16, #tpu.memory_space<vmem_shared>>) target_semaphore(%arg14 : memref<!tpu.dma_semaphore, #tpu.memory_space<semaphore_mem>>)
    %eq3A_239 = arith.constant 0 : i32
    %eq3A_240 = arith.cmpi eq, %arg1, %eq3A_239 : i32
    %convert_element_type3A_241 = arith.extui %eq3A_240 : i1 to i32
    %cond3A_242 = arith.constant 0 : i32
    %cond3A_243 = arith.cmpi ne, %convert_element_type3A_241, %cond3A_242 : i32
    scf.if %cond3A_243 {
      %dma_start3A_526 = arith.constant 9984 : i32
      %dma_start3A_527 = arith.constant 0 : i32
      %dma_start3A_528 = tpu.memref_slice %arg5[%dma_start3A_526, %dma_start3A_527] : memref<10000x64xbf16, #tpu.memory_space<vmem_shared>> -> memref<16x64xbf16, #tpu.memory_space<vmem_shared>>
      %dma_start3A_529 = arith.constant 9984 : i32
      %dma_start3A_530 = arith.constant 256 : i32
      %dma_start3A_531 = tpu.memref_slice %arg2[%dma_start3A_529, %dma_start3A_530] : memref<10000x576xbf16, #tpu.memory_space<hbm>> -> memref<16x64xbf16, #tpu.memory_space<hbm>>
      tpu.enqueue_dma source(%dma_start3A_531 : memref<16x64xbf16, #tpu.memory_space<hbm>>) target(%dma_start3A_528 : memref<16x64xbf16, #tpu.memory_space<vmem_shared>>) target_semaphore(%arg14 : memref<!tpu.dma_semaphore, #tpu.memory_space<semaphore_mem>>)
    } else {
    }
    %dma_start3A_244 = arith.constant 0 : i32
    %dma_start3A_245 = tpu.memref_slice %arg11[%dma_start3A_244] : memref<1664xi32, #tpu.memory_space<vmem>> -> memref<64xi32, #tpu.memory_space<vmem>>
    %dma_start3A_246 = arith.constant 0 : i32
    %dma_start3A_247 = arith.constant 0 : i32
    %dma_start3A_248 = tpu.memref_slice %arg6[%dma_start3A_246, %dma_start3A_247] : memref<10000x64xbf16, #tpu.memory_space<vmem_shared>> -> memref<10000x64xbf16, #tpu.memory_space<vmem_shared>>
    tpu.enqueue_indirect_dma source(%dma_start3A_248 : memref<10000x64xbf16, #tpu.memory_space<vmem_shared>>) target(%arg8 : memref<64x64xbf16, #tpu.memory_space<vmem>>) offsets(%dma_start3A_245 : memref<64xi32, #tpu.memory_space<vmem>>) semaphore(%arg16 : memref<!tpu.dma_semaphore, #tpu.memory_space<semaphore_mem>>)
    %scan3A_249 = arith.constant 0 : i32
    %scan3A_250 = arith.constant 13 : i32
    %scan3A_251 = arith.addi %scan3A_249, %scan3A_250 : i32
    %scan3A_252 = arith.constant 1 : i32
    scf.for %scan3A_526 = %scan3A_249 to %scan3A_251 step %scan3A_252  : i32 {
      %mul3A_527 = arith.constant 2 : i32
      %mul3A_528 = arith.muli %scan3A_526, %mul3A_527 : i32
      %add3A_529 = arith.constant 0 : i32
      %add3A_530 = arith.addi %add3A_529, %mul3A_528 : i32
      %dma_wait3A_531 = arith.constant 0 : i32
      %dma_wait3A_532 = tpu.memref_slice %arg11[%dma_wait3A_531] : memref<1664xi32, #tpu.memory_space<vmem>> -> memref<64xi32, #tpu.memory_space<vmem>>
      %dma_wait3A_533 = arith.constant 0 : i32
      %dma_wait3A_534 = arith.constant 0 : i32
      %dma_wait3A_535 = tpu.memref_slice %arg6[%dma_wait3A_533, %dma_wait3A_534] : memref<10000x64xbf16, #tpu.memory_space<vmem_shared>> -> memref<10000x64xbf16, #tpu.memory_space<vmem_shared>>
      tpu.wait_indirect_dma semaphore(%arg16 : memref<!tpu.dma_semaphore, #tpu.memory_space<semaphore_mem>>) src(%dma_wait3A_535 : memref<10000x64xbf16, #tpu.memory_space<vmem_shared>>) dst(%arg8 : memref<64x64xbf16, #tpu.memory_space<vmem>>)
      %add3A_536 = arith.constant 1 : i32
      %add3A_537 = arith.addi %add3A_530, %add3A_536 : i32
      %mul3A_538 = arith.constant 64 : i32
      %mul3A_539 = arith.muli %add3A_537, %mul3A_538 : i32
      %dma_start3A_540 = tpu.memref_slice %arg11[%mul3A_539] : memref<1664xi32, #tpu.memory_space<vmem>> -> memref<64xi32, #tpu.memory_space<vmem>>
      %dma_start3A_541 = arith.constant 0 : i32
      %dma_start3A_542 = arith.constant 0 : i32
      %dma_start3A_543 = tpu.memref_slice %arg6[%dma_start3A_541, %dma_start3A_542] : memref<10000x64xbf16, #tpu.memory_space<vmem_shared>> -> memref<10000x64xbf16, #tpu.memory_space<vmem_shared>>
      tpu.enqueue_indirect_dma source(%dma_start3A_543 : memref<10000x64xbf16, #tpu.memory_space<vmem_shared>>) target(%arg9 : memref<64x64xbf16, #tpu.memory_space<vmem>>) offsets(%dma_start3A_540 : memref<64xi32, #tpu.memory_space<vmem>>) semaphore(%arg17 : memref<!tpu.dma_semaphore, #tpu.memory_space<semaphore_mem>>)
      %parallel_loop3A = arith.constant 0 : i32
      %parallel_loop3A_544 = arith.constant 64 : i32
      %parallel_loop3A_545 = arith.constant 2 : i32
      scf.for %parallel_loop3A_563 = %parallel_loop3A to %parallel_loop3A_544 step %parallel_loop3A_545  : i32 {
        %parallel_loop3A_564 = arith.constant 64 : i32
        %parallel_loop3A_565 = arith.muli %add3A_530, %parallel_loop3A_564 : i32
        %parallel_loop3A_566 = arith.addi %parallel_loop3A_565, %parallel_loop3A_563 : i32
        %parallel_loop3A_567 = arith.constant 0 : i32
        %parallel_loop3A_568 = arith.addi %parallel_loop3A_566, %parallel_loop3A_567 : i32
        %parallel_loop3A_569 = arith.index_cast %parallel_loop3A_568 : i32 to index
        %parallel_loop3A_570 = arith.constant 0 : index
        %parallel_loop3A_571 = tpu.vector_load %arg7[%parallel_loop3A_569, %parallel_loop3A_570] {strides = array<i32>} : memref<1664x64xbf16, #tpu.memory_space<vmem>>, vector<32xbf16>,
        %parallel_loop3A_572 = arith.constant 0 : i32
        %parallel_loop3A_573 = arith.addi %parallel_loop3A_563, %parallel_loop3A_572 : i32
        %parallel_loop3A_574 = arith.index_cast %parallel_loop3A_573 : i32 to index
        %parallel_loop3A_575 = arith.constant 0 : index
        %parallel_loop3A_576 = tpu.vector_load %arg8[%parallel_loop3A_574, %parallel_loop3A_575] {strides = array<i32>} : memref<64x64xbf16, #tpu.memory_space<vmem>>, vector<32xbf16>,
        %parallel_loop3A_577 = arith.addf %parallel_loop3A_571, %parallel_loop3A_576 : vector<32xbf16>
        %parallel_loop3A_578 = arith.index_cast %parallel_loop3A_568 : i32 to index
        %parallel_loop3A_579 = arith.constant 0 : index
        %parallel_loop3A_580 = tpu.vector_load %arg7[%parallel_loop3A_578, %parallel_loop3A_579] {strides = array<i32>} : memref<1664x64xbf16, #tpu.memory_space<vmem>>, vector<32xbf16>,
        tpu.vector_store %arg7[%parallel_loop3A_578, %parallel_loop3A_579], %parallel_loop3A_577 {strides = array<i32>} : memref<1664x64xbf16, #tpu.memory_space<vmem>>, vector<32xbf16>,
        %parallel_loop3A_581 = arith.constant 64 : i32
        %parallel_loop3A_582 = arith.muli %add3A_530, %parallel_loop3A_581 : i32
        %parallel_loop3A_583 = arith.addi %parallel_loop3A_582, %parallel_loop3A_563 : i32
        %parallel_loop3A_584 = arith.constant 0 : i32
        %parallel_loop3A_585 = arith.addi %parallel_loop3A_583, %parallel_loop3A_584 : i32
        %parallel_loop3A_586 = arith.index_cast %parallel_loop3A_585 : i32 to index
        %parallel_loop3A_587 = arith.constant 32 : index
        %parallel_loop3A_588 = tpu.vector_load %arg7[%parallel_loop3A_586, %parallel_loop3A_587] {strides = array<i32>} : memref<1664x64xbf16, #tpu.memory_space<vmem>>, vector<32xbf16>,
        %parallel_loop3A_589 = arith.constant 0 : i32
        %parallel_loop3A_590 = arith.addi %parallel_loop3A_563, %parallel_loop3A_589 : i32
        %parallel_loop3A_591 = arith.index_cast %parallel_loop3A_590 : i32 to index
        %parallel_loop3A_592 = arith.constant 32 : index
        %parallel_loop3A_593 = tpu.vector_load %arg8[%parallel_loop3A_591, %parallel_loop3A_592] {strides = array<i32>} : memref<64x64xbf16, #tpu.memory_space<vmem>>, vector<32xbf16>,
        %parallel_loop3A_594 = arith.addf %parallel_loop3A_588, %parallel_loop3A_593 : vector<32xbf16>
        %parallel_loop3A_595 = arith.index_cast %parallel_loop3A_585 : i32 to index
        %parallel_loop3A_596 = arith.constant 32 : index
        %parallel_loop3A_597 = tpu.vector_load %arg7[%parallel_loop3A_595, %parallel_loop3A_596] {strides = array<i32>} : memref<1664x64xbf16, #tpu.memory_space<vmem>>, vector<32xbf16>,
        tpu.vector_store %arg7[%parallel_loop3A_595, %parallel_loop3A_596], %parallel_loop3A_594 {strides = array<i32>} : memref<1664x64xbf16, #tpu.memory_space<vmem>>, vector<32xbf16>,
        %parallel_loop3A_598 = arith.constant 64 : i32
        %parallel_loop3A_599 = arith.muli %add3A_530, %parallel_loop3A_598 : i32
        %parallel_loop3A_600 = arith.addi %parallel_loop3A_599, %parallel_loop3A_563 : i32
        %parallel_loop3A_601 = arith.constant 1 : i32
        %parallel_loop3A_602 = arith.addi %parallel_loop3A_600, %parallel_loop3A_601 : i32
        %parallel_loop3A_603 = arith.index_cast %parallel_loop3A_602 : i32 to index
        %parallel_loop3A_604 = arith.constant 0 : index
        %parallel_loop3A_605 = tpu.vector_load %arg7[%parallel_loop3A_603, %parallel_loop3A_604] {strides = array<i32>} : memref<1664x64xbf16, #tpu.memory_space<vmem>>, vector<32xbf16>,
        %parallel_loop3A_606 = arith.constant 1 : i32
        %parallel_loop3A_607 = arith.addi %parallel_loop3A_563, %parallel_loop3A_606 : i32
        %parallel_loop3A_608 = arith.index_cast %parallel_loop3A_607 : i32 to index
        %parallel_loop3A_609 = arith.constant 0 : index
        %parallel_loop3A_610 = tpu.vector_load %arg8[%parallel_loop3A_608, %parallel_loop3A_609] {strides = array<i32>} : memref<64x64xbf16, #tpu.memory_space<vmem>>, vector<32xbf16>,
        %parallel_loop3A_611 = arith.addf %parallel_loop3A_605, %parallel_loop3A_610 : vector<32xbf16>
        %parallel_loop3A_612 = arith.index_cast %parallel_loop3A_602 : i32 to index
        %parallel_loop3A_613 = arith.constant 0 : index
        %parallel_loop3A_614 = tpu.vector_load %arg7[%parallel_loop3A_612, %parallel_loop3A_613] {strides = array<i32>} : memref<1664x64xbf16, #tpu.memory_space<vmem>>, vector<32xbf16>,
        tpu.vector_store %arg7[%parallel_loop3A_612, %parallel_loop3A_613], %parallel_loop3A_611 {strides = array<i32>} : memref<1664x64xbf16, #tpu.memory_space<vmem>>, vector<32xbf16>,
        %parallel_loop3A_615 = arith.constant 64 : i32
        %parallel_loop3A_616 = arith.muli %add3A_530, %parallel_loop3A_615 : i32
        %parallel_loop3A_617 = arith.addi %parallel_loop3A_616, %parallel_loop3A_563 : i32
        %parallel_loop3A_618 = arith.constant 1 : i32
        %parallel_loop3A_619 = arith.addi %parallel_loop3A_617, %parallel_loop3A_618 : i32
        %parallel_loop3A_620 = arith.index_cast %parallel_loop3A_619 : i32 to index
        %parallel_loop3A_621 = arith.constant 32 : index
        %parallel_loop3A_622 = tpu.vector_load %arg7[%parallel_loop3A_620, %parallel_loop3A_621] {strides = array<i32>} : memref<1664x64xbf16, #tpu.memory_space<vmem>>, vector<32xbf16>,
        %parallel_loop3A_623 = arith.constant 1 : i32
        %parallel_loop3A_624 = arith.addi %parallel_loop3A_563, %parallel_loop3A_623 : i32
        %parallel_loop3A_625 = arith.index_cast %parallel_loop3A_624 : i32 to index
        %parallel_loop3A_626 = arith.constant 32 : index
        %parallel_loop3A_627 = tpu.vector_load %arg8[%parallel_loop3A_625, %parallel_loop3A_626] {strides = array<i32>} : memref<64x64xbf16, #tpu.memory_space<vmem>>, vector<32xbf16>,
        %parallel_loop3A_628 = arith.addf %parallel_loop3A_622, %parallel_loop3A_627 : vector<32xbf16>
        %parallel_loop3A_629 = arith.index_cast %parallel_loop3A_619 : i32 to index
        %parallel_loop3A_630 = arith.constant 32 : index
        %parallel_loop3A_631 = tpu.vector_load %arg7[%parallel_loop3A_629, %parallel_loop3A_630] {strides = array<i32>} : memref<1664x64xbf16, #tpu.memory_space<vmem>>, vector<32xbf16>,
        tpu.vector_store %arg7[%parallel_loop3A_629, %parallel_loop3A_630], %parallel_loop3A_628 {strides = array<i32>} : memref<1664x64xbf16, #tpu.memory_space<vmem>>, vector<32xbf16>,
      } {sc.loop_unroll_factor = 4 : i64, sc.parallel_access}
      %dma_wait3A_546 = arith.constant 0 : i32
      %dma_wait3A_547 = tpu.memref_slice %arg11[%dma_wait3A_546] : memref<1664xi32, #tpu.memory_space<vmem>> -> memref<64xi32, #tpu.memory_space<vmem>>
      %dma_wait3A_548 = arith.constant 0 : i32
      %dma_wait3A_549 = arith.constant 0 : i32
      %dma_wait3A_550 = tpu.memref_slice %arg6[%dma_wait3A_548, %dma_wait3A_549] : memref<10000x64xbf16, #tpu.memory_space<vmem_shared>> -> memref<10000x64xbf16, #tpu.memory_space<vmem_shared>>
      tpu.wait_indirect_dma semaphore(%arg17 : memref<!tpu.dma_semaphore, #tpu.memory_space<semaphore_mem>>) src(%dma_wait3A_550 : memref<10000x64xbf16, #tpu.memory_space<vmem_shared>>) dst(%arg9 : memref<64x64xbf16, #tpu.memory_space<vmem>>)
      %add3A_551 = arith.constant 2 : i32
      %add3A_552 = arith.addi %add3A_530, %add3A_551 : i32
      %lt3A_553 = arith.constant 26 : i32
      %lt3A_554 = arith.cmpi slt, %add3A_552, %lt3A_553 : i32
      %convert_element_type3A_555 = arith.extui %lt3A_554 : i1 to i32
      %cond3A_556 = arith.constant 0 : i32
      %cond3A_557 = arith.cmpi ne, %convert_element_type3A_555, %cond3A_556 : i32
      scf.if %cond3A_557 {
        %add3A_563 = arith.constant 2 : i32
        %add3A_564 = arith.addi %add3A_530, %add3A_563 : i32
        %mul3A_565 = arith.constant 64 : i32
        %mul3A_566 = arith.muli %add3A_564, %mul3A_565 : i32
        %dma_start3A_567 = tpu.memref_slice %arg11[%mul3A_566] : memref<1664xi32, #tpu.memory_space<vmem>> -> memref<64xi32, #tpu.memory_space<vmem>>
        %dma_start3A_568 = arith.constant 0 : i32
        %dma_start3A_569 = arith.constant 0 : i32
        %dma_start3A_570 = tpu.memref_slice %arg6[%dma_start3A_568, %dma_start3A_569] : memref<10000x64xbf16, #tpu.memory_space<vmem_shared>> -> memref<10000x64xbf16, #tpu.memory_space<vmem_shared>>
        tpu.enqueue_indirect_dma source(%dma_start3A_570 : memref<10000x64xbf16, #tpu.memory_space<vmem_shared>>) target(%arg8 : memref<64x64xbf16, #tpu.memory_space<vmem>>) offsets(%dma_start3A_567 : memref<64xi32, #tpu.memory_space<vmem>>) semaphore(%arg16 : memref<!tpu.dma_semaphore, #tpu.memory_space<semaphore_mem>>)
      } else {
      }
      %add3A_558 = arith.constant 1 : i32
      %add3A_559 = arith.addi %add3A_530, %add3A_558 : i32
      %parallel_loop3A_560 = arith.constant 0 : i32
      %parallel_loop3A_561 = arith.constant 64 : i32
      %parallel_loop3A_562 = arith.constant 2 : i32
      scf.for %parallel_loop3A_563 = %parallel_loop3A_560 to %parallel_loop3A_561 step %parallel_loop3A_562  : i32 {
        %parallel_loop3A_564 = arith.constant 64 : i32
        %parallel_loop3A_565 = arith.muli %add3A_559, %parallel_loop3A_564 : i32
        %parallel_loop3A_566 = arith.addi %parallel_loop3A_565, %parallel_loop3A_563 : i32
        %parallel_loop3A_567 = arith.constant 0 : i32
        %parallel_loop3A_568 = arith.addi %parallel_loop3A_566, %parallel_loop3A_567 : i32
        %parallel_loop3A_569 = arith.index_cast %parallel_loop3A_568 : i32 to index
        %parallel_loop3A_570 = arith.constant 0 : index
        %parallel_loop3A_571 = tpu.vector_load %arg7[%parallel_loop3A_569, %parallel_loop3A_570] {strides = array<i32>} : memref<1664x64xbf16, #tpu.memory_space<vmem>>, vector<32xbf16>,
        %parallel_loop3A_572 = arith.constant 0 : i32
        %parallel_loop3A_573 = arith.addi %parallel_loop3A_563, %parallel_loop3A_572 : i32
        %parallel_loop3A_574 = arith.index_cast %parallel_loop3A_573 : i32 to index
        %parallel_loop3A_575 = arith.constant 0 : index
        %parallel_loop3A_576 = tpu.vector_load %arg9[%parallel_loop3A_574, %parallel_loop3A_575] {strides = array<i32>} : memref<64x64xbf16, #tpu.memory_space<vmem>>, vector<32xbf16>,
        %parallel_loop3A_577 = arith.addf %parallel_loop3A_571, %parallel_loop3A_576 : vector<32xbf16>
        %parallel_loop3A_578 = arith.index_cast %parallel_loop3A_568 : i32 to index
        %parallel_loop3A_579 = arith.constant 0 : index
        %parallel_loop3A_580 = tpu.vector_load %arg7[%parallel_loop3A_578, %parallel_loop3A_579] {strides = array<i32>} : memref<1664x64xbf16, #tpu.memory_space<vmem>>, vector<32xbf16>,
        tpu.vector_store %arg7[%parallel_loop3A_578, %parallel_loop3A_579], %parallel_loop3A_577 {strides = array<i32>} : memref<1664x64xbf16, #tpu.memory_space<vmem>>, vector<32xbf16>,
        %parallel_loop3A_581 = arith.constant 64 : i32
        %parallel_loop3A_582 = arith.muli %add3A_559, %parallel_loop3A_581 : i32
        %parallel_loop3A_583 = arith.addi %parallel_loop3A_582, %parallel_loop3A_563 : i32
        %parallel_loop3A_584 = arith.constant 0 : i32
        %parallel_loop3A_585 = arith.addi %parallel_loop3A_583, %parallel_loop3A_584 : i32
        %parallel_loop3A_586 = arith.index_cast %parallel_loop3A_585 : i32 to index
        %parallel_loop3A_587 = arith.constant 32 : index
        %parallel_loop3A_588 = tpu.vector_load %arg7[%parallel_loop3A_586, %parallel_loop3A_587] {strides = array<i32>} : memref<1664x64xbf16, #tpu.memory_space<vmem>>, vector<32xbf16>,
        %parallel_loop3A_589 = arith.constant 0 : i32
        %parallel_loop3A_590 = arith.addi %parallel_loop3A_563, %parallel_loop3A_589 : i32
        %parallel_loop3A_591 = arith.index_cast %parallel_loop3A_590 : i32 to index
        %parallel_loop3A_592 = arith.constant 32 : index
        %parallel_loop3A_593 = tpu.vector_load %arg9[%parallel_loop3A_591, %parallel_loop3A_592] {strides = array<i32>} : memref<64x64xbf16, #tpu.memory_space<vmem>>, vector<32xbf16>,
        %parallel_loop3A_594 = arith.addf %parallel_loop3A_588, %parallel_loop3A_593 : vector<32xbf16>
        %parallel_loop3A_595 = arith.index_cast %parallel_loop3A_585 : i32 to index
        %parallel_loop3A_596 = arith.constant 32 : index
        %parallel_loop3A_597 = tpu.vector_load %arg7[%parallel_loop3A_595, %parallel_loop3A_596] {strides = array<i32>} : memref<1664x64xbf16, #tpu.memory_space<vmem>>, vector<32xbf16>,
        tpu.vector_store %arg7[%parallel_loop3A_595, %parallel_loop3A_596], %parallel_loop3A_594 {strides = array<i32>} : memref<1664x64xbf16, #tpu.memory_space<vmem>>, vector<32xbf16>,
        %parallel_loop3A_598 = arith.constant 64 : i32
        %parallel_loop3A_599 = arith.muli %add3A_559, %parallel_loop3A_598 : i32
        %parallel_loop3A_600 = arith.addi %parallel_loop3A_599, %parallel_loop3A_563 : i32
        %parallel_loop3A_601 = arith.constant 1 : i32
        %parallel_loop3A_602 = arith.addi %parallel_loop3A_600, %parallel_loop3A_601 : i32
        %parallel_loop3A_603 = arith.index_cast %parallel_loop3A_602 : i32 to index
        %parallel_loop3A_604 = arith.constant 0 : index
        %parallel_loop3A_605 = tpu.vector_load %arg7[%parallel_loop3A_603, %parallel_loop3A_604] {strides = array<i32>} : memref<1664x64xbf16, #tpu.memory_space<vmem>>, vector<32xbf16>,
        %parallel_loop3A_606 = arith.constant 1 : i32
        %parallel_loop3A_607 = arith.addi %parallel_loop3A_563, %parallel_loop3A_606 : i32
        %parallel_loop3A_608 = arith.index_cast %parallel_loop3A_607 : i32 to index
        %parallel_loop3A_609 = arith.constant 0 : index
        %parallel_loop3A_610 = tpu.vector_load %arg9[%parallel_loop3A_608, %parallel_loop3A_609] {strides = array<i32>} : memref<64x64xbf16, #tpu.memory_space<vmem>>, vector<32xbf16>,
        %parallel_loop3A_611 = arith.addf %parallel_loop3A_605, %parallel_loop3A_610 : vector<32xbf16>
        %parallel_loop3A_612 = arith.index_cast %parallel_loop3A_602 : i32 to index
        %parallel_loop3A_613 = arith.constant 0 : index
        %parallel_loop3A_614 = tpu.vector_load %arg7[%parallel_loop3A_612, %parallel_loop3A_613] {strides = array<i32>} : memref<1664x64xbf16, #tpu.memory_space<vmem>>, vector<32xbf16>,
        tpu.vector_store %arg7[%parallel_loop3A_612, %parallel_loop3A_613], %parallel_loop3A_611 {strides = array<i32>} : memref<1664x64xbf16, #tpu.memory_space<vmem>>, vector<32xbf16>,
        %parallel_loop3A_615 = arith.constant 64 : i32
        %parallel_loop3A_616 = arith.muli %add3A_559, %parallel_loop3A_615 : i32
        %parallel_loop3A_617 = arith.addi %parallel_loop3A_616, %parallel_loop3A_563 : i32
        %parallel_loop3A_618 = arith.constant 1 : i32
        %parallel_loop3A_619 = arith.addi %parallel_loop3A_617, %parallel_loop3A_618 : i32
        %parallel_loop3A_620 = arith.index_cast %parallel_loop3A_619 : i32 to index
        %parallel_loop3A_621 = arith.constant 32 : index
        %parallel_loop3A_622 = tpu.vector_load %arg7[%parallel_loop3A_620, %parallel_loop3A_621] {strides = array<i32>} : memref<1664x64xbf16, #tpu.memory_space<vmem>>, vector<32xbf16>,
        %parallel_loop3A_623 = arith.constant 1 : i32
        %parallel_loop3A_624 = arith.addi %parallel_loop3A_563, %parallel_loop3A_623 : i32
        %parallel_loop3A_625 = arith.index_cast %parallel_loop3A_624 : i32 to index
        %parallel_loop3A_626 = arith.constant 32 : index
        %parallel_loop3A_627 = tpu.vector_load %arg9[%parallel_loop3A_625, %parallel_loop3A_626] {strides = array<i32>} : memref<64x64xbf16, #tpu.memory_space<vmem>>, vector<32xbf16>,
        %parallel_loop3A_628 = arith.addf %parallel_loop3A_622, %parallel_loop3A_627 : vector<32xbf16>
        %parallel_loop3A_629 = arith.index_cast %parallel_loop3A_619 : i32 to index
        %parallel_loop3A_630 = arith.constant 32 : index
        %parallel_loop3A_631 = tpu.vector_load %arg7[%parallel_loop3A_629, %parallel_loop3A_630] {strides = array<i32>} : memref<1664x64xbf16, #tpu.memory_space<vmem>>, vector<32xbf16>,
        tpu.vector_store %arg7[%parallel_loop3A_629, %parallel_loop3A_630], %parallel_loop3A_628 {strides = array<i32>} : memref<1664x64xbf16, #tpu.memory_space<vmem>>, vector<32xbf16>,
      } {sc.loop_unroll_factor = 4 : i64, sc.parallel_access}
    }
    %scan3A_253 = arith.constant 13 : i32
    %lt3A_254 = arith.constant 30 : i32
    %lt3A_255 = arith.cmpi slt, %add3A, %lt3A_254 : i32
    %convert_element_type3A_256 = arith.extui %lt3A_255 : i1 to i32
    %cond3A_257 = arith.constant 0 : i32
    %cond3A_258 = arith.cmpi ne, %convert_element_type3A_256, %cond3A_257 : i32
    scf.if %cond3A_258 {
      %mul3A_526 = arith.constant 1664 : i32
      %mul3A_527 = arith.muli %add3A, %mul3A_526 : i32
      %dma_start3A_528 = arith.constant 5 : i32
      %dma_start3A_529 = tpu.memref_slice %arg3[%dma_start3A_528, %mul3A_527] : memref<9x50000xi32, #tpu.memory_space<hbm>> -> memref<1x1664xi32, #tpu.memory_space<hbm>>
      %dma_start3A_530 = tpu.memref_squeeze %dma_start3A_529 : memref<1x1664xi32, #tpu.memory_space<hbm>> -> memref<1664xi32, #tpu.memory_space<hbm>>
      %dma_start3A_531 = tpu.memref_slice %arg3[%dma_start3A_528, %mul3A_527] : memref<9x50000xi32, #tpu.memory_space<hbm>> -> memref<1x1664xi32, #tpu.memory_space<hbm>>
      %dma_start3A_532 = tpu.memref_squeeze %dma_start3A_531 : memref<1x1664xi32, #tpu.memory_space<hbm>> -> memref<1664xi32, #tpu.memory_space<hbm>>
      tpu.enqueue_dma source(%dma_start3A_532 : memref<1664xi32, #tpu.memory_space<hbm>>) target(%arg11 : memref<1664xi32, #tpu.memory_space<vmem>>) target_semaphore(%arg19 : memref<!tpu.dma_semaphore, #tpu.memory_space<semaphore_mem>>)
    } else {
    }
    %eq3A_259 = arith.constant 30 : i32
    %eq3A_260 = arith.cmpi eq, %add3A, %eq3A_259 : i32
    %convert_element_type3A_261 = arith.extui %eq3A_260 : i1 to i32
    %cond3A_262 = arith.constant 0 : i32
    %cond3A_263 = arith.cmpi ne, %convert_element_type3A_261, %cond3A_262 : i32
    scf.if %cond3A_263 {
      %dma_start3A_526 = arith.constant 5 : i32
      %dma_start3A_527 = arith.constant 0 : i32
      %dma_start3A_528 = tpu.memref_slice %arg11[%dma_start3A_527] : memref<1664xi32, #tpu.memory_space<vmem>> -> memref<80xi32, #tpu.memory_space<vmem>>
      %dma_start3A_529 = arith.constant 49920 : i32
      %dma_start3A_530 = tpu.memref_slice %arg3[%dma_start3A_526, %dma_start3A_529] : memref<9x50000xi32, #tpu.memory_space<hbm>> -> memref<1x80xi32, #tpu.memory_space<hbm>>
      %dma_start3A_531 = tpu.memref_squeeze %dma_start3A_530 : memref<1x80xi32, #tpu.memory_space<hbm>> -> memref<80xi32, #tpu.memory_space<hbm>>
      %dma_start3A_532 = arith.constant 0 : i32
      %dma_start3A_533 = tpu.memref_slice %arg11[%dma_start3A_532] : memref<1664xi32, #tpu.memory_space<vmem>> -> memref<80xi32, #tpu.memory_space<vmem>>
      %dma_start3A_534 = arith.constant 49920 : i32
      %dma_start3A_535 = tpu.memref_slice %arg3[%dma_start3A_526, %dma_start3A_534] : memref<9x50000xi32, #tpu.memory_space<hbm>> -> memref<1x80xi32, #tpu.memory_space<hbm>>
      %dma_start3A_536 = tpu.memref_squeeze %dma_start3A_535 : memref<1x80xi32, #tpu.memory_space<hbm>> -> memref<80xi32, #tpu.memory_space<hbm>>
      tpu.enqueue_dma source(%dma_start3A_536 : memref<80xi32, #tpu.memory_space<hbm>>) target(%dma_start3A_533 : memref<80xi32, #tpu.memory_space<vmem>>) target_semaphore(%arg19 : memref<!tpu.dma_semaphore, #tpu.memory_space<semaphore_mem>>)
      %parallel_loop3A = arith.constant 5 : i32
      %parallel_loop3A_537 = arith.constant 104 : i32
      %parallel_loop3A_538 = arith.constant 1 : i32
      scf.for %parallel_loop3A_539 = %parallel_loop3A to %parallel_loop3A_537 step %parallel_loop3A_538  : i32 {
        %parallel_loop3A_540 = arith.constant 16 : i32
        %parallel_loop3A_541 = arith.muli %parallel_loop3A_539, %parallel_loop3A_540 : i32
        %parallel_loop3A_542 = arith.index_cast %parallel_loop3A_541 : i32 to index
        %parallel_loop3A_543 = tpu.vector_load %arg11[%parallel_loop3A_542] {strides = array<i32>} : memref<1664xi32, #tpu.memory_space<vmem>>, vector<16xi32>,
        tpu.vector_store %arg11[%parallel_loop3A_542], %broadcast_in_dim3A_1 {strides = array<i32>} : memref<1664xi32, #tpu.memory_space<vmem>>, vector<16xi32>,
      } {sc.loop_unroll_factor = 4 : i64, sc.parallel_access}
    } else {
    }
    %gt3A_264 = arith.constant 30 : i32
    %gt3A_265 = arith.cmpi sgt, %add3A, %gt3A_264 : i32
    %convert_element_type3A_266 = arith.extui %gt3A_265 : i1 to i32
    %cond3A_267 = arith.constant 0 : i32
    %cond3A_268 = arith.cmpi ne, %convert_element_type3A_266, %cond3A_267 : i32
    scf.if %cond3A_268 {
      %parallel_loop3A = arith.constant 0 : i32
      %parallel_loop3A_526 = arith.constant 104 : i32
      %parallel_loop3A_527 = arith.constant 1 : i32
      scf.for %parallel_loop3A_528 = %parallel_loop3A to %parallel_loop3A_526 step %parallel_loop3A_527  : i32 {
        %parallel_loop3A_529 = arith.constant 16 : i32
        %parallel_loop3A_530 = arith.muli %parallel_loop3A_528, %parallel_loop3A_529 : i32
        %parallel_loop3A_531 = arith.index_cast %parallel_loop3A_530 : i32 to index
        %parallel_loop3A_532 = tpu.vector_load %arg11[%parallel_loop3A_531] {strides = array<i32>} : memref<1664xi32, #tpu.memory_space<vmem>>, vector<16xi32>,
        tpu.vector_store %arg11[%parallel_loop3A_531], %broadcast_in_dim3A_1 {strides = array<i32>} : memref<1664xi32, #tpu.memory_space<vmem>>, vector<16xi32>,
      } {sc.loop_unroll_factor = 4 : i64, sc.parallel_access}
    } else {
    }
    %lt3A_269 = arith.constant 30 : i32
    %lt3A_270 = arith.cmpi slt, %add3A, %lt3A_269 : i32
    %convert_element_type3A_271 = arith.extui %lt3A_270 : i1 to i32
    %cond3A_272 = arith.constant 0 : i32
    %cond3A_273 = arith.cmpi ne, %convert_element_type3A_271, %cond3A_272 : i32
    scf.if %cond3A_273 {
      %mul3A_526 = arith.constant 1664 : i32
      %mul3A_527 = arith.muli %add3A, %mul3A_526 : i32
      %dma_wait3A_528 = arith.constant 4 : i32
      %dma_wait3A_529 = tpu.memref_slice %arg3[%dma_wait3A_528, %mul3A_527] : memref<9x50000xi32, #tpu.memory_space<hbm>> -> memref<1x1664xi32, #tpu.memory_space<hbm>>
      %dma_wait3A_530 = tpu.memref_squeeze %dma_wait3A_529 : memref<1x1664xi32, #tpu.memory_space<hbm>> -> memref<1664xi32, #tpu.memory_space<hbm>>
      %dma_wait3A_531 = tpu.memref_slice %arg3[%dma_wait3A_528, %mul3A_527] : memref<9x50000xi32, #tpu.memory_space<hbm>> -> memref<1x1664xi32, #tpu.memory_space<hbm>>
      %dma_wait3A_532 = tpu.memref_squeeze %dma_wait3A_531 : memref<1x1664xi32, #tpu.memory_space<hbm>> -> memref<1664xi32, #tpu.memory_space<hbm>>
      tpu.wait_dma2 semaphore(%arg18 : memref<!tpu.dma_semaphore, #tpu.memory_space<semaphore_mem>>) src(%dma_wait3A_532 : memref<1664xi32, #tpu.memory_space<hbm>>) dst(%arg10 : memref<1664xi32, #tpu.memory_space<vmem>>)
    } else {
    }
    %eq3A_274 = arith.constant 30 : i32
    %eq3A_275 = arith.cmpi eq, %add3A, %eq3A_274 : i32
    %convert_element_type3A_276 = arith.extui %eq3A_275 : i1 to i32
    %cond3A_277 = arith.constant 0 : i32
    %cond3A_278 = arith.cmpi ne, %convert_element_type3A_276, %cond3A_277 : i32
    scf.if %cond3A_278 {
      %dma_wait3A_526 = arith.constant 4 : i32
      %dma_wait3A_527 = arith.constant 0 : i32
      %dma_wait3A_528 = tpu.memref_slice %arg10[%dma_wait3A_527] : memref<1664xi32, #tpu.memory_space<vmem>> -> memref<80xi32, #tpu.memory_space<vmem>>
      %dma_wait3A_529 = arith.constant 49920 : i32
      %dma_wait3A_530 = tpu.memref_slice %arg3[%dma_wait3A_526, %dma_wait3A_529] : memref<9x50000xi32, #tpu.memory_space<hbm>> -> memref<1x80xi32, #tpu.memory_space<hbm>>
      %dma_wait3A_531 = tpu.memref_squeeze %dma_wait3A_530 : memref<1x80xi32, #tpu.memory_space<hbm>> -> memref<80xi32, #tpu.memory_space<hbm>>
      %dma_wait3A_532 = arith.constant 0 : i32
      %dma_wait3A_533 = tpu.memref_slice %arg10[%dma_wait3A_532] : memref<1664xi32, #tpu.memory_space<vmem>> -> memref<80xi32, #tpu.memory_space<vmem>>
      %dma_wait3A_534 = arith.constant 49920 : i32
      %dma_wait3A_535 = tpu.memref_slice %arg3[%dma_wait3A_526, %dma_wait3A_534] : memref<9x50000xi32, #tpu.memory_space<hbm>> -> memref<1x80xi32, #tpu.memory_space<hbm>>
      %dma_wait3A_536 = tpu.memref_squeeze %dma_wait3A_535 : memref<1x80xi32, #tpu.memory_space<hbm>> -> memref<80xi32, #tpu.memory_space<hbm>>
      tpu.wait_dma2 semaphore(%arg18 : memref<!tpu.dma_semaphore, #tpu.memory_space<semaphore_mem>>) src(%dma_wait3A_536 : memref<80xi32, #tpu.memory_space<hbm>>) dst(%dma_wait3A_533 : memref<80xi32, #tpu.memory_space<vmem>>)
    } else {
    }
    %mul3A_279 = arith.constant 624 : i32
    %mul3A_280 = arith.muli %arg1, %mul3A_279 : i32
    %dma_wait3A_281 = arith.constant 0 : i32
    %dma_wait3A_282 = tpu.memref_slice %arg5[%mul3A_280, %dma_wait3A_281] : memref<10000x64xbf16, #tpu.memory_space<vmem_shared>> -> memref<624x64xbf16, #tpu.memory_space<vmem_shared>>
    %dma_wait3A_283 = arith.constant 256 : i32
    %dma_wait3A_284 = tpu.memref_slice %arg2[%mul3A_280, %dma_wait3A_283] : memref<10000x576xbf16, #tpu.memory_space<hbm>> -> memref<624x64xbf16, #tpu.memory_space<hbm>>
    tpu.wait_dma2 semaphore(%arg14 : memref<!tpu.dma_semaphore, #tpu.memory_space<semaphore_mem>>) src(%dma_wait3A_284 : memref<624x64xbf16, #tpu.memory_space<hbm>>) dst(%dma_wait3A_282 : memref<624x64xbf16, #tpu.memory_space<vmem_shared>>)
    %eq3A_285 = arith.constant 0 : i32
    %eq3A_286 = arith.cmpi eq, %arg1, %eq3A_285 : i32
    %convert_element_type3A_287 = arith.extui %eq3A_286 : i1 to i32
    %cond3A_288 = arith.constant 0 : i32
    %cond3A_289 = arith.cmpi ne, %convert_element_type3A_287, %cond3A_288 : i32
    scf.if %cond3A_289 {
      %dma_wait3A_526 = arith.constant 9984 : i32
      %dma_wait3A_527 = arith.constant 0 : i32
      %dma_wait3A_528 = tpu.memref_slice %arg5[%dma_wait3A_526, %dma_wait3A_527] : memref<10000x64xbf16, #tpu.memory_space<vmem_shared>> -> memref<16x64xbf16, #tpu.memory_space<vmem_shared>>
      %dma_wait3A_529 = arith.constant 9984 : i32
      %dma_wait3A_530 = arith.constant 256 : i32
      %dma_wait3A_531 = tpu.memref_slice %arg2[%dma_wait3A_529, %dma_wait3A_530] : memref<10000x576xbf16, #tpu.memory_space<hbm>> -> memref<16x64xbf16, #tpu.memory_space<hbm>>
      tpu.wait_dma2 semaphore(%arg14 : memref<!tpu.dma_semaphore, #tpu.memory_space<semaphore_mem>>) src(%dma_wait3A_531 : memref<16x64xbf16, #tpu.memory_space<hbm>>) dst(%dma_wait3A_528 : memref<16x64xbf16, #tpu.memory_space<vmem_shared>>)
    } else {
    }
    %barrier3A_290 = arith.constant 0 : index
    tpu.barrier barrier_id(%barrier3A_290)
    %mul3A_291 = arith.constant 624 : i32
    %mul3A_292 = arith.muli %arg1, %mul3A_291 : i32
    %dma_start3A_293 = arith.constant 0 : i32
    %dma_start3A_294 = tpu.memref_slice %arg6[%mul3A_292, %dma_start3A_293] : memref<10000x64xbf16, #tpu.memory_space<vmem_shared>> -> memref<624x64xbf16, #tpu.memory_space<vmem_shared>>
    %dma_start3A_295 = arith.constant 320 : i32
    %dma_start3A_296 = tpu.memref_slice %arg2[%mul3A_292, %dma_start3A_295] : memref<10000x576xbf16, #tpu.memory_space<hbm>> -> memref<624x64xbf16, #tpu.memory_space<hbm>>
    tpu.enqueue_dma source(%dma_start3A_296 : memref<624x64xbf16, #tpu.memory_space<hbm>>) target(%dma_start3A_294 : memref<624x64xbf16, #tpu.memory_space<vmem_shared>>) target_semaphore(%arg15 : memref<!tpu.dma_semaphore, #tpu.memory_space<semaphore_mem>>)
    %eq3A_297 = arith.constant 0 : i32
    %eq3A_298 = arith.cmpi eq, %arg1, %eq3A_297 : i32
    %convert_element_type3A_299 = arith.extui %eq3A_298 : i1 to i32
    %cond3A_300 = arith.constant 0 : i32
    %cond3A_301 = arith.cmpi ne, %convert_element_type3A_299, %cond3A_300 : i32
    scf.if %cond3A_301 {
      %dma_start3A_526 = arith.constant 9984 : i32
      %dma_start3A_527 = arith.constant 0 : i32
      %dma_start3A_528 = tpu.memref_slice %arg6[%dma_start3A_526, %dma_start3A_527] : memref<10000x64xbf16, #tpu.memory_space<vmem_shared>> -> memref<16x64xbf16, #tpu.memory_space<vmem_shared>>
      %dma_start3A_529 = arith.constant 9984 : i32
      %dma_start3A_530 = arith.constant 320 : i32
      %dma_start3A_531 = tpu.memref_slice %arg2[%dma_start3A_529, %dma_start3A_530] : memref<10000x576xbf16, #tpu.memory_space<hbm>> -> memref<16x64xbf16, #tpu.memory_space<hbm>>
      tpu.enqueue_dma source(%dma_start3A_531 : memref<16x64xbf16, #tpu.memory_space<hbm>>) target(%dma_start3A_528 : memref<16x64xbf16, #tpu.memory_space<vmem_shared>>) target_semaphore(%arg15 : memref<!tpu.dma_semaphore, #tpu.memory_space<semaphore_mem>>)
    } else {
    }
    %dma_start3A_302 = arith.constant 0 : i32
    %dma_start3A_303 = tpu.memref_slice %arg10[%dma_start3A_302] : memref<1664xi32, #tpu.memory_space<vmem>> -> memref<64xi32, #tpu.memory_space<vmem>>
    %dma_start3A_304 = arith.constant 0 : i32
    %dma_start3A_305 = arith.constant 0 : i32
    %dma_start3A_306 = tpu.memref_slice %arg5[%dma_start3A_304, %dma_start3A_305] : memref<10000x64xbf16, #tpu.memory_space<vmem_shared>> -> memref<10000x64xbf16, #tpu.memory_space<vmem_shared>>
    tpu.enqueue_indirect_dma source(%dma_start3A_306 : memref<10000x64xbf16, #tpu.memory_space<vmem_shared>>) target(%arg8 : memref<64x64xbf16, #tpu.memory_space<vmem>>) offsets(%dma_start3A_303 : memref<64xi32, #tpu.memory_space<vmem>>) semaphore(%arg16 : memref<!tpu.dma_semaphore, #tpu.memory_space<semaphore_mem>>)
    %scan3A_307 = arith.constant 0 : i32
    %scan3A_308 = arith.constant 13 : i32
    %scan3A_309 = arith.addi %scan3A_307, %scan3A_308 : i32
    %scan3A_310 = arith.constant 1 : i32
    scf.for %scan3A_526 = %scan3A_307 to %scan3A_309 step %scan3A_310  : i32 {
      %mul3A_527 = arith.constant 2 : i32
      %mul3A_528 = arith.muli %scan3A_526, %mul3A_527 : i32
      %add3A_529 = arith.constant 0 : i32
      %add3A_530 = arith.addi %add3A_529, %mul3A_528 : i32
      %dma_wait3A_531 = arith.constant 0 : i32
      %dma_wait3A_532 = tpu.memref_slice %arg10[%dma_wait3A_531] : memref<1664xi32, #tpu.memory_space<vmem>> -> memref<64xi32, #tpu.memory_space<vmem>>
      %dma_wait3A_533 = arith.constant 0 : i32
      %dma_wait3A_534 = arith.constant 0 : i32
      %dma_wait3A_535 = tpu.memref_slice %arg5[%dma_wait3A_533, %dma_wait3A_534] : memref<10000x64xbf16, #tpu.memory_space<vmem_shared>> -> memref<10000x64xbf16, #tpu.memory_space<vmem_shared>>
      tpu.wait_indirect_dma semaphore(%arg16 : memref<!tpu.dma_semaphore, #tpu.memory_space<semaphore_mem>>) src(%dma_wait3A_535 : memref<10000x64xbf16, #tpu.memory_space<vmem_shared>>) dst(%arg8 : memref<64x64xbf16, #tpu.memory_space<vmem>>)
      %add3A_536 = arith.constant 1 : i32
      %add3A_537 = arith.addi %add3A_530, %add3A_536 : i32
      %mul3A_538 = arith.constant 64 : i32
      %mul3A_539 = arith.muli %add3A_537, %mul3A_538 : i32
      %dma_start3A_540 = tpu.memref_slice %arg10[%mul3A_539] : memref<1664xi32, #tpu.memory_space<vmem>> -> memref<64xi32, #tpu.memory_space<vmem>>
      %dma_start3A_541 = arith.constant 0 : i32
      %dma_start3A_542 = arith.constant 0 : i32
      %dma_start3A_543 = tpu.memref_slice %arg5[%dma_start3A_541, %dma_start3A_542] : memref<10000x64xbf16, #tpu.memory_space<vmem_shared>> -> memref<10000x64xbf16, #tpu.memory_space<vmem_shared>>
      tpu.enqueue_indirect_dma source(%dma_start3A_543 : memref<10000x64xbf16, #tpu.memory_space<vmem_shared>>) target(%arg9 : memref<64x64xbf16, #tpu.memory_space<vmem>>) offsets(%dma_start3A_540 : memref<64xi32, #tpu.memory_space<vmem>>) semaphore(%arg17 : memref<!tpu.dma_semaphore, #tpu.memory_space<semaphore_mem>>)
      %parallel_loop3A = arith.constant 0 : i32
      %parallel_loop3A_544 = arith.constant 64 : i32
      %parallel_loop3A_545 = arith.constant 2 : i32
      scf.for %parallel_loop3A_563 = %parallel_loop3A to %parallel_loop3A_544 step %parallel_loop3A_545  : i32 {
        %parallel_loop3A_564 = arith.constant 64 : i32
        %parallel_loop3A_565 = arith.muli %add3A_530, %parallel_loop3A_564 : i32
        %parallel_loop3A_566 = arith.addi %parallel_loop3A_565, %parallel_loop3A_563 : i32
        %parallel_loop3A_567 = arith.constant 0 : i32
        %parallel_loop3A_568 = arith.addi %parallel_loop3A_566, %parallel_loop3A_567 : i32
        %parallel_loop3A_569 = arith.index_cast %parallel_loop3A_568 : i32 to index
        %parallel_loop3A_570 = arith.constant 0 : index
        %parallel_loop3A_571 = tpu.vector_load %arg7[%parallel_loop3A_569, %parallel_loop3A_570] {strides = array<i32>} : memref<1664x64xbf16, #tpu.memory_space<vmem>>, vector<32xbf16>,
        %parallel_loop3A_572 = arith.constant 0 : i32
        %parallel_loop3A_573 = arith.addi %parallel_loop3A_563, %parallel_loop3A_572 : i32
        %parallel_loop3A_574 = arith.index_cast %parallel_loop3A_573 : i32 to index
        %parallel_loop3A_575 = arith.constant 0 : index
        %parallel_loop3A_576 = tpu.vector_load %arg8[%parallel_loop3A_574, %parallel_loop3A_575] {strides = array<i32>} : memref<64x64xbf16, #tpu.memory_space<vmem>>, vector<32xbf16>,
        %parallel_loop3A_577 = arith.addf %parallel_loop3A_571, %parallel_loop3A_576 : vector<32xbf16>
        %parallel_loop3A_578 = arith.index_cast %parallel_loop3A_568 : i32 to index
        %parallel_loop3A_579 = arith.constant 0 : index
        %parallel_loop3A_580 = tpu.vector_load %arg7[%parallel_loop3A_578, %parallel_loop3A_579] {strides = array<i32>} : memref<1664x64xbf16, #tpu.memory_space<vmem>>, vector<32xbf16>,
        tpu.vector_store %arg7[%parallel_loop3A_578, %parallel_loop3A_579], %parallel_loop3A_577 {strides = array<i32>} : memref<1664x64xbf16, #tpu.memory_space<vmem>>, vector<32xbf16>,
        %parallel_loop3A_581 = arith.constant 64 : i32
        %parallel_loop3A_582 = arith.muli %add3A_530, %parallel_loop3A_581 : i32
        %parallel_loop3A_583 = arith.addi %parallel_loop3A_582, %parallel_loop3A_563 : i32
        %parallel_loop3A_584 = arith.constant 0 : i32
        %parallel_loop3A_585 = arith.addi %parallel_loop3A_583, %parallel_loop3A_584 : i32
        %parallel_loop3A_586 = arith.index_cast %parallel_loop3A_585 : i32 to index
        %parallel_loop3A_587 = arith.constant 32 : index
        %parallel_loop3A_588 = tpu.vector_load %arg7[%parallel_loop3A_586, %parallel_loop3A_587] {strides = array<i32>} : memref<1664x64xbf16, #tpu.memory_space<vmem>>, vector<32xbf16>,
        %parallel_loop3A_589 = arith.constant 0 : i32
        %parallel_loop3A_590 = arith.addi %parallel_loop3A_563, %parallel_loop3A_589 : i32
        %parallel_loop3A_591 = arith.index_cast %parallel_loop3A_590 : i32 to index
        %parallel_loop3A_592 = arith.constant 32 : index
        %parallel_loop3A_593 = tpu.vector_load %arg8[%parallel_loop3A_591, %parallel_loop3A_592] {strides = array<i32>} : memref<64x64xbf16, #tpu.memory_space<vmem>>, vector<32xbf16>,
        %parallel_loop3A_594 = arith.addf %parallel_loop3A_588, %parallel_loop3A_593 : vector<32xbf16>
        %parallel_loop3A_595 = arith.index_cast %parallel_loop3A_585 : i32 to index
        %parallel_loop3A_596 = arith.constant 32 : index
        %parallel_loop3A_597 = tpu.vector_load %arg7[%parallel_loop3A_595, %parallel_loop3A_596] {strides = array<i32>} : memref<1664x64xbf16, #tpu.memory_space<vmem>>, vector<32xbf16>,
        tpu.vector_store %arg7[%parallel_loop3A_595, %parallel_loop3A_596], %parallel_loop3A_594 {strides = array<i32>} : memref<1664x64xbf16, #tpu.memory_space<vmem>>, vector<32xbf16>,
        %parallel_loop3A_598 = arith.constant 64 : i32
        %parallel_loop3A_599 = arith.muli %add3A_530, %parallel_loop3A_598 : i32
        %parallel_loop3A_600 = arith.addi %parallel_loop3A_599, %parallel_loop3A_563 : i32
        %parallel_loop3A_601 = arith.constant 1 : i32
        %parallel_loop3A_602 = arith.addi %parallel_loop3A_600, %parallel_loop3A_601 : i32
        %parallel_loop3A_603 = arith.index_cast %parallel_loop3A_602 : i32 to index
        %parallel_loop3A_604 = arith.constant 0 : index
        %parallel_loop3A_605 = tpu.vector_load %arg7[%parallel_loop3A_603, %parallel_loop3A_604] {strides = array<i32>} : memref<1664x64xbf16, #tpu.memory_space<vmem>>, vector<32xbf16>,
        %parallel_loop3A_606 = arith.constant 1 : i32
        %parallel_loop3A_607 = arith.addi %parallel_loop3A_563, %parallel_loop3A_606 : i32
        %parallel_loop3A_608 = arith.index_cast %parallel_loop3A_607 : i32 to index
        %parallel_loop3A_609 = arith.constant 0 : index
        %parallel_loop3A_610 = tpu.vector_load %arg8[%parallel_loop3A_608, %parallel_loop3A_609] {strides = array<i32>} : memref<64x64xbf16, #tpu.memory_space<vmem>>, vector<32xbf16>,
        %parallel_loop3A_611 = arith.addf %parallel_loop3A_605, %parallel_loop3A_610 : vector<32xbf16>
        %parallel_loop3A_612 = arith.index_cast %parallel_loop3A_602 : i32 to index
        %parallel_loop3A_613 = arith.constant 0 : index
        %parallel_loop3A_614 = tpu.vector_load %arg7[%parallel_loop3A_612, %parallel_loop3A_613] {strides = array<i32>} : memref<1664x64xbf16, #tpu.memory_space<vmem>>, vector<32xbf16>,
        tpu.vector_store %arg7[%parallel_loop3A_612, %parallel_loop3A_613], %parallel_loop3A_611 {strides = array<i32>} : memref<1664x64xbf16, #tpu.memory_space<vmem>>, vector<32xbf16>,
        %parallel_loop3A_615 = arith.constant 64 : i32
        %parallel_loop3A_616 = arith.muli %add3A_530, %parallel_loop3A_615 : i32
        %parallel_loop3A_617 = arith.addi %parallel_loop3A_616, %parallel_loop3A_563 : i32
        %parallel_loop3A_618 = arith.constant 1 : i32
        %parallel_loop3A_619 = arith.addi %parallel_loop3A_617, %parallel_loop3A_618 : i32
        %parallel_loop3A_620 = arith.index_cast %parallel_loop3A_619 : i32 to index
        %parallel_loop3A_621 = arith.constant 32 : index
        %parallel_loop3A_622 = tpu.vector_load %arg7[%parallel_loop3A_620, %parallel_loop3A_621] {strides = array<i32>} : memref<1664x64xbf16, #tpu.memory_space<vmem>>, vector<32xbf16>,
        %parallel_loop3A_623 = arith.constant 1 : i32
        %parallel_loop3A_624 = arith.addi %parallel_loop3A_563, %parallel_loop3A_623 : i32
        %parallel_loop3A_625 = arith.index_cast %parallel_loop3A_624 : i32 to index
        %parallel_loop3A_626 = arith.constant 32 : index
        %parallel_loop3A_627 = tpu.vector_load %arg8[%parallel_loop3A_625, %parallel_loop3A_626] {strides = array<i32>} : memref<64x64xbf16, #tpu.memory_space<vmem>>, vector<32xbf16>,
        %parallel_loop3A_628 = arith.addf %parallel_loop3A_622, %parallel_loop3A_627 : vector<32xbf16>
        %parallel_loop3A_629 = arith.index_cast %parallel_loop3A_619 : i32 to index
        %parallel_loop3A_630 = arith.constant 32 : index
        %parallel_loop3A_631 = tpu.vector_load %arg7[%parallel_loop3A_629, %parallel_loop3A_630] {strides = array<i32>} : memref<1664x64xbf16, #tpu.memory_space<vmem>>, vector<32xbf16>,
        tpu.vector_store %arg7[%parallel_loop3A_629, %parallel_loop3A_630], %parallel_loop3A_628 {strides = array<i32>} : memref<1664x64xbf16, #tpu.memory_space<vmem>>, vector<32xbf16>,
      } {sc.loop_unroll_factor = 4 : i64, sc.parallel_access}
      %dma_wait3A_546 = arith.constant 0 : i32
      %dma_wait3A_547 = tpu.memref_slice %arg10[%dma_wait3A_546] : memref<1664xi32, #tpu.memory_space<vmem>> -> memref<64xi32, #tpu.memory_space<vmem>>
      %dma_wait3A_548 = arith.constant 0 : i32
      %dma_wait3A_549 = arith.constant 0 : i32
      %dma_wait3A_550 = tpu.memref_slice %arg5[%dma_wait3A_548, %dma_wait3A_549] : memref<10000x64xbf16, #tpu.memory_space<vmem_shared>> -> memref<10000x64xbf16, #tpu.memory_space<vmem_shared>>
      tpu.wait_indirect_dma semaphore(%arg17 : memref<!tpu.dma_semaphore, #tpu.memory_space<semaphore_mem>>) src(%dma_wait3A_550 : memref<10000x64xbf16, #tpu.memory_space<vmem_shared>>) dst(%arg9 : memref<64x64xbf16, #tpu.memory_space<vmem>>)
      %add3A_551 = arith.constant 2 : i32
      %add3A_552 = arith.addi %add3A_530, %add3A_551 : i32
      %lt3A_553 = arith.constant 26 : i32
      %lt3A_554 = arith.cmpi slt, %add3A_552, %lt3A_553 : i32
      %convert_element_type3A_555 = arith.extui %lt3A_554 : i1 to i32
      %cond3A_556 = arith.constant 0 : i32
      %cond3A_557 = arith.cmpi ne, %convert_element_type3A_555, %cond3A_556 : i32
      scf.if %cond3A_557 {
        %add3A_563 = arith.constant 2 : i32
        %add3A_564 = arith.addi %add3A_530, %add3A_563 : i32
        %mul3A_565 = arith.constant 64 : i32
        %mul3A_566 = arith.muli %add3A_564, %mul3A_565 : i32
        %dma_start3A_567 = tpu.memref_slice %arg10[%mul3A_566] : memref<1664xi32, #tpu.memory_space<vmem>> -> memref<64xi32, #tpu.memory_space<vmem>>
        %dma_start3A_568 = arith.constant 0 : i32
        %dma_start3A_569 = arith.constant 0 : i32
        %dma_start3A_570 = tpu.memref_slice %arg5[%dma_start3A_568, %dma_start3A_569] : memref<10000x64xbf16, #tpu.memory_space<vmem_shared>> -> memref<10000x64xbf16, #tpu.memory_space<vmem_shared>>
        tpu.enqueue_indirect_dma source(%dma_start3A_570 : memref<10000x64xbf16, #tpu.memory_space<vmem_shared>>) target(%arg8 : memref<64x64xbf16, #tpu.memory_space<vmem>>) offsets(%dma_start3A_567 : memref<64xi32, #tpu.memory_space<vmem>>) semaphore(%arg16 : memref<!tpu.dma_semaphore, #tpu.memory_space<semaphore_mem>>)
      } else {
      }
      %add3A_558 = arith.constant 1 : i32
      %add3A_559 = arith.addi %add3A_530, %add3A_558 : i32
      %parallel_loop3A_560 = arith.constant 0 : i32
      %parallel_loop3A_561 = arith.constant 64 : i32
      %parallel_loop3A_562 = arith.constant 2 : i32
      scf.for %parallel_loop3A_563 = %parallel_loop3A_560 to %parallel_loop3A_561 step %parallel_loop3A_562  : i32 {
        %parallel_loop3A_564 = arith.constant 64 : i32
        %parallel_loop3A_565 = arith.muli %add3A_559, %parallel_loop3A_564 : i32
        %parallel_loop3A_566 = arith.addi %parallel_loop3A_565, %parallel_loop3A_563 : i32
        %parallel_loop3A_567 = arith.constant 0 : i32
        %parallel_loop3A_568 = arith.addi %parallel_loop3A_566, %parallel_loop3A_567 : i32
        %parallel_loop3A_569 = arith.index_cast %parallel_loop3A_568 : i32 to index
        %parallel_loop3A_570 = arith.constant 0 : index
        %parallel_loop3A_571 = tpu.vector_load %arg7[%parallel_loop3A_569, %parallel_loop3A_570] {strides = array<i32>} : memref<1664x64xbf16, #tpu.memory_space<vmem>>, vector<32xbf16>,
        %parallel_loop3A_572 = arith.constant 0 : i32
        %parallel_loop3A_573 = arith.addi %parallel_loop3A_563, %parallel_loop3A_572 : i32
        %parallel_loop3A_574 = arith.index_cast %parallel_loop3A_573 : i32 to index
        %parallel_loop3A_575 = arith.constant 0 : index
        %parallel_loop3A_576 = tpu.vector_load %arg9[%parallel_loop3A_574, %parallel_loop3A_575] {strides = array<i32>} : memref<64x64xbf16, #tpu.memory_space<vmem>>, vector<32xbf16>,
        %parallel_loop3A_577 = arith.addf %parallel_loop3A_571, %parallel_loop3A_576 : vector<32xbf16>
        %parallel_loop3A_578 = arith.index_cast %parallel_loop3A_568 : i32 to index
        %parallel_loop3A_579 = arith.constant 0 : index
        %parallel_loop3A_580 = tpu.vector_load %arg7[%parallel_loop3A_578, %parallel_loop3A_579] {strides = array<i32>} : memref<1664x64xbf16, #tpu.memory_space<vmem>>, vector<32xbf16>,
        tpu.vector_store %arg7[%parallel_loop3A_578, %parallel_loop3A_579], %parallel_loop3A_577 {strides = array<i32>} : memref<1664x64xbf16, #tpu.memory_space<vmem>>, vector<32xbf16>,
        %parallel_loop3A_581 = arith.constant 64 : i32
        %parallel_loop3A_582 = arith.muli %add3A_559, %parallel_loop3A_581 : i32
        %parallel_loop3A_583 = arith.addi %parallel_loop3A_582, %parallel_loop3A_563 : i32
        %parallel_loop3A_584 = arith.constant 0 : i32
        %parallel_loop3A_585 = arith.addi %parallel_loop3A_583, %parallel_loop3A_584 : i32
        %parallel_loop3A_586 = arith.index_cast %parallel_loop3A_585 : i32 to index
        %parallel_loop3A_587 = arith.constant 32 : index
        %parallel_loop3A_588 = tpu.vector_load %arg7[%parallel_loop3A_586, %parallel_loop3A_587] {strides = array<i32>} : memref<1664x64xbf16, #tpu.memory_space<vmem>>, vector<32xbf16>,
        %parallel_loop3A_589 = arith.constant 0 : i32
        %parallel_loop3A_590 = arith.addi %parallel_loop3A_563, %parallel_loop3A_589 : i32
        %parallel_loop3A_591 = arith.index_cast %parallel_loop3A_590 : i32 to index
        %parallel_loop3A_592 = arith.constant 32 : index
        %parallel_loop3A_593 = tpu.vector_load %arg9[%parallel_loop3A_591, %parallel_loop3A_592] {strides = array<i32>} : memref<64x64xbf16, #tpu.memory_space<vmem>>, vector<32xbf16>,
        %parallel_loop3A_594 = arith.addf %parallel_loop3A_588, %parallel_loop3A_593 : vector<32xbf16>
        %parallel_loop3A_595 = arith.index_cast %parallel_loop3A_585 : i32 to index
        %parallel_loop3A_596 = arith.constant 32 : index
        %parallel_loop3A_597 = tpu.vector_load %arg7[%parallel_loop3A_595, %parallel_loop3A_596] {strides = array<i32>} : memref<1664x64xbf16, #tpu.memory_space<vmem>>, vector<32xbf16>,
        tpu.vector_store %arg7[%parallel_loop3A_595, %parallel_loop3A_596], %parallel_loop3A_594 {strides = array<i32>} : memref<1664x64xbf16, #tpu.memory_space<vmem>>, vector<32xbf16>,
        %parallel_loop3A_598 = arith.constant 64 : i32
        %parallel_loop3A_599 = arith.muli %add3A_559, %parallel_loop3A_598 : i32
        %parallel_loop3A_600 = arith.addi %parallel_loop3A_599, %parallel_loop3A_563 : i32
        %parallel_loop3A_601 = arith.constant 1 : i32
        %parallel_loop3A_602 = arith.addi %parallel_loop3A_600, %parallel_loop3A_601 : i32
        %parallel_loop3A_603 = arith.index_cast %parallel_loop3A_602 : i32 to index
        %parallel_loop3A_604 = arith.constant 0 : index
        %parallel_loop3A_605 = tpu.vector_load %arg7[%parallel_loop3A_603, %parallel_loop3A_604] {strides = array<i32>} : memref<1664x64xbf16, #tpu.memory_space<vmem>>, vector<32xbf16>,
        %parallel_loop3A_606 = arith.constant 1 : i32
        %parallel_loop3A_607 = arith.addi %parallel_loop3A_563, %parallel_loop3A_606 : i32
        %parallel_loop3A_608 = arith.index_cast %parallel_loop3A_607 : i32 to index
        %parallel_loop3A_609 = arith.constant 0 : index
        %parallel_loop3A_610 = tpu.vector_load %arg9[%parallel_loop3A_608, %parallel_loop3A_609] {strides = array<i32>} : memref<64x64xbf16, #tpu.memory_space<vmem>>, vector<32xbf16>,
        %parallel_loop3A_611 = arith.addf %parallel_loop3A_605, %parallel_loop3A_610 : vector<32xbf16>
        %parallel_loop3A_612 = arith.index_cast %parallel_loop3A_602 : i32 to index
        %parallel_loop3A_613 = arith.constant 0 : index
        %parallel_loop3A_614 = tpu.vector_load %arg7[%parallel_loop3A_612, %parallel_loop3A_613] {strides = array<i32>} : memref<1664x64xbf16, #tpu.memory_space<vmem>>, vector<32xbf16>,
        tpu.vector_store %arg7[%parallel_loop3A_612, %parallel_loop3A_613], %parallel_loop3A_611 {strides = array<i32>} : memref<1664x64xbf16, #tpu.memory_space<vmem>>, vector<32xbf16>,
        %parallel_loop3A_615 = arith.constant 64 : i32
        %parallel_loop3A_616 = arith.muli %add3A_559, %parallel_loop3A_615 : i32
        %parallel_loop3A_617 = arith.addi %parallel_loop3A_616, %parallel_loop3A_563 : i32
        %parallel_loop3A_618 = arith.constant 1 : i32
        %parallel_loop3A_619 = arith.addi %parallel_loop3A_617, %parallel_loop3A_618 : i32
        %parallel_loop3A_620 = arith.index_cast %parallel_loop3A_619 : i32 to index
        %parallel_loop3A_621 = arith.constant 32 : index
        %parallel_loop3A_622 = tpu.vector_load %arg7[%parallel_loop3A_620, %parallel_loop3A_621] {strides = array<i32>} : memref<1664x64xbf16, #tpu.memory_space<vmem>>, vector<32xbf16>,
        %parallel_loop3A_623 = arith.constant 1 : i32
        %parallel_loop3A_624 = arith.addi %parallel_loop3A_563, %parallel_loop3A_623 : i32
        %parallel_loop3A_625 = arith.index_cast %parallel_loop3A_624 : i32 to index
        %parallel_loop3A_626 = arith.constant 32 : index
        %parallel_loop3A_627 = tpu.vector_load %arg9[%parallel_loop3A_625, %parallel_loop3A_626] {strides = array<i32>} : memref<64x64xbf16, #tpu.memory_space<vmem>>, vector<32xbf16>,
        %parallel_loop3A_628 = arith.addf %parallel_loop3A_622, %parallel_loop3A_627 : vector<32xbf16>
        %parallel_loop3A_629 = arith.index_cast %parallel_loop3A_619 : i32 to index
        %parallel_loop3A_630 = arith.constant 32 : index
        %parallel_loop3A_631 = tpu.vector_load %arg7[%parallel_loop3A_629, %parallel_loop3A_630] {strides = array<i32>} : memref<1664x64xbf16, #tpu.memory_space<vmem>>, vector<32xbf16>,
        tpu.vector_store %arg7[%parallel_loop3A_629, %parallel_loop3A_630], %parallel_loop3A_628 {strides = array<i32>} : memref<1664x64xbf16, #tpu.memory_space<vmem>>, vector<32xbf16>,
      } {sc.loop_unroll_factor = 4 : i64, sc.parallel_access}
    }
    %scan3A_311 = arith.constant 13 : i32
    %lt3A_312 = arith.constant 30 : i32
    %lt3A_313 = arith.cmpi slt, %add3A, %lt3A_312 : i32
    %convert_element_type3A_314 = arith.extui %lt3A_313 : i1 to i32
    %cond3A_315 = arith.constant 0 : i32
    %cond3A_316 = arith.cmpi ne, %convert_element_type3A_314, %cond3A_315 : i32
    scf.if %cond3A_316 {
      %mul3A_526 = arith.constant 1664 : i32
      %mul3A_527 = arith.muli %add3A, %mul3A_526 : i32
      %dma_start3A_528 = arith.constant 6 : i32
      %dma_start3A_529 = tpu.memref_slice %arg3[%dma_start3A_528, %mul3A_527] : memref<9x50000xi32, #tpu.memory_space<hbm>> -> memref<1x1664xi32, #tpu.memory_space<hbm>>
      %dma_start3A_530 = tpu.memref_squeeze %dma_start3A_529 : memref<1x1664xi32, #tpu.memory_space<hbm>> -> memref<1664xi32, #tpu.memory_space<hbm>>
      %dma_start3A_531 = tpu.memref_slice %arg3[%dma_start3A_528, %mul3A_527] : memref<9x50000xi32, #tpu.memory_space<hbm>> -> memref<1x1664xi32, #tpu.memory_space<hbm>>
      %dma_start3A_532 = tpu.memref_squeeze %dma_start3A_531 : memref<1x1664xi32, #tpu.memory_space<hbm>> -> memref<1664xi32, #tpu.memory_space<hbm>>
      tpu.enqueue_dma source(%dma_start3A_532 : memref<1664xi32, #tpu.memory_space<hbm>>) target(%arg10 : memref<1664xi32, #tpu.memory_space<vmem>>) target_semaphore(%arg18 : memref<!tpu.dma_semaphore, #tpu.memory_space<semaphore_mem>>)
    } else {
    }
    %eq3A_317 = arith.constant 30 : i32
    %eq3A_318 = arith.cmpi eq, %add3A, %eq3A_317 : i32
    %convert_element_type3A_319 = arith.extui %eq3A_318 : i1 to i32
    %cond3A_320 = arith.constant 0 : i32
    %cond3A_321 = arith.cmpi ne, %convert_element_type3A_319, %cond3A_320 : i32
    scf.if %cond3A_321 {
      %dma_start3A_526 = arith.constant 6 : i32
      %dma_start3A_527 = arith.constant 0 : i32
      %dma_start3A_528 = tpu.memref_slice %arg10[%dma_start3A_527] : memref<1664xi32, #tpu.memory_space<vmem>> -> memref<80xi32, #tpu.memory_space<vmem>>
      %dma_start3A_529 = arith.constant 49920 : i32
      %dma_start3A_530 = tpu.memref_slice %arg3[%dma_start3A_526, %dma_start3A_529] : memref<9x50000xi32, #tpu.memory_space<hbm>> -> memref<1x80xi32, #tpu.memory_space<hbm>>
      %dma_start3A_531 = tpu.memref_squeeze %dma_start3A_530 : memref<1x80xi32, #tpu.memory_space<hbm>> -> memref<80xi32, #tpu.memory_space<hbm>>
      %dma_start3A_532 = arith.constant 0 : i32
      %dma_start3A_533 = tpu.memref_slice %arg10[%dma_start3A_532] : memref<1664xi32, #tpu.memory_space<vmem>> -> memref<80xi32, #tpu.memory_space<vmem>>
      %dma_start3A_534 = arith.constant 49920 : i32
      %dma_start3A_535 = tpu.memref_slice %arg3[%dma_start3A_526, %dma_start3A_534] : memref<9x50000xi32, #tpu.memory_space<hbm>> -> memref<1x80xi32, #tpu.memory_space<hbm>>
      %dma_start3A_536 = tpu.memref_squeeze %dma_start3A_535 : memref<1x80xi32, #tpu.memory_space<hbm>> -> memref<80xi32, #tpu.memory_space<hbm>>
      tpu.enqueue_dma source(%dma_start3A_536 : memref<80xi32, #tpu.memory_space<hbm>>) target(%dma_start3A_533 : memref<80xi32, #tpu.memory_space<vmem>>) target_semaphore(%arg18 : memref<!tpu.dma_semaphore, #tpu.memory_space<semaphore_mem>>)
      %parallel_loop3A = arith.constant 5 : i32
      %parallel_loop3A_537 = arith.constant 104 : i32
      %parallel_loop3A_538 = arith.constant 1 : i32
      scf.for %parallel_loop3A_539 = %parallel_loop3A to %parallel_loop3A_537 step %parallel_loop3A_538  : i32 {
        %parallel_loop3A_540 = arith.constant 16 : i32
        %parallel_loop3A_541 = arith.muli %parallel_loop3A_539, %parallel_loop3A_540 : i32
        %parallel_loop3A_542 = arith.index_cast %parallel_loop3A_541 : i32 to index
        %parallel_loop3A_543 = tpu.vector_load %arg10[%parallel_loop3A_542] {strides = array<i32>} : memref<1664xi32, #tpu.memory_space<vmem>>, vector<16xi32>,
        tpu.vector_store %arg10[%parallel_loop3A_542], %broadcast_in_dim3A_1 {strides = array<i32>} : memref<1664xi32, #tpu.memory_space<vmem>>, vector<16xi32>,
      } {sc.loop_unroll_factor = 4 : i64, sc.parallel_access}
    } else {
    }
    %gt3A_322 = arith.constant 30 : i32
    %gt3A_323 = arith.cmpi sgt, %add3A, %gt3A_322 : i32
    %convert_element_type3A_324 = arith.extui %gt3A_323 : i1 to i32
    %cond3A_325 = arith.constant 0 : i32
    %cond3A_326 = arith.cmpi ne, %convert_element_type3A_324, %cond3A_325 : i32
    scf.if %cond3A_326 {
      %parallel_loop3A = arith.constant 0 : i32
      %parallel_loop3A_526 = arith.constant 104 : i32
      %parallel_loop3A_527 = arith.constant 1 : i32
      scf.for %parallel_loop3A_528 = %parallel_loop3A to %parallel_loop3A_526 step %parallel_loop3A_527  : i32 {
        %parallel_loop3A_529 = arith.constant 16 : i32
        %parallel_loop3A_530 = arith.muli %parallel_loop3A_528, %parallel_loop3A_529 : i32
        %parallel_loop3A_531 = arith.index_cast %parallel_loop3A_530 : i32 to index
        %parallel_loop3A_532 = tpu.vector_load %arg10[%parallel_loop3A_531] {strides = array<i32>} : memref<1664xi32, #tpu.memory_space<vmem>>, vector<16xi32>,
        tpu.vector_store %arg10[%parallel_loop3A_531], %broadcast_in_dim3A_1 {strides = array<i32>} : memref<1664xi32, #tpu.memory_space<vmem>>, vector<16xi32>,
      } {sc.loop_unroll_factor = 4 : i64, sc.parallel_access}
    } else {
    }
    %lt3A_327 = arith.constant 30 : i32
    %lt3A_328 = arith.cmpi slt, %add3A, %lt3A_327 : i32
    %convert_element_type3A_329 = arith.extui %lt3A_328 : i1 to i32
    %cond3A_330 = arith.constant 0 : i32
    %cond3A_331 = arith.cmpi ne, %convert_element_type3A_329, %cond3A_330 : i32
    scf.if %cond3A_331 {
      %mul3A_526 = arith.constant 1664 : i32
      %mul3A_527 = arith.muli %add3A, %mul3A_526 : i32
      %dma_wait3A_528 = arith.constant 5 : i32
      %dma_wait3A_529 = tpu.memref_slice %arg3[%dma_wait3A_528, %mul3A_527] : memref<9x50000xi32, #tpu.memory_space<hbm>> -> memref<1x1664xi32, #tpu.memory_space<hbm>>
      %dma_wait3A_530 = tpu.memref_squeeze %dma_wait3A_529 : memref<1x1664xi32, #tpu.memory_space<hbm>> -> memref<1664xi32, #tpu.memory_space<hbm>>
      %dma_wait3A_531 = tpu.memref_slice %arg3[%dma_wait3A_528, %mul3A_527] : memref<9x50000xi32, #tpu.memory_space<hbm>> -> memref<1x1664xi32, #tpu.memory_space<hbm>>
      %dma_wait3A_532 = tpu.memref_squeeze %dma_wait3A_531 : memref<1x1664xi32, #tpu.memory_space<hbm>> -> memref<1664xi32, #tpu.memory_space<hbm>>
      tpu.wait_dma2 semaphore(%arg19 : memref<!tpu.dma_semaphore, #tpu.memory_space<semaphore_mem>>) src(%dma_wait3A_532 : memref<1664xi32, #tpu.memory_space<hbm>>) dst(%arg11 : memref<1664xi32, #tpu.memory_space<vmem>>)
    } else {
    }
    %eq3A_332 = arith.constant 30 : i32
    %eq3A_333 = arith.cmpi eq, %add3A, %eq3A_332 : i32
    %convert_element_type3A_334 = arith.extui %eq3A_333 : i1 to i32
    %cond3A_335 = arith.constant 0 : i32
    %cond3A_336 = arith.cmpi ne, %convert_element_type3A_334, %cond3A_335 : i32
    scf.if %cond3A_336 {
      %dma_wait3A_526 = arith.constant 5 : i32
      %dma_wait3A_527 = arith.constant 0 : i32
      %dma_wait3A_528 = tpu.memref_slice %arg11[%dma_wait3A_527] : memref<1664xi32, #tpu.memory_space<vmem>> -> memref<80xi32, #tpu.memory_space<vmem>>
      %dma_wait3A_529 = arith.constant 49920 : i32
      %dma_wait3A_530 = tpu.memref_slice %arg3[%dma_wait3A_526, %dma_wait3A_529] : memref<9x50000xi32, #tpu.memory_space<hbm>> -> memref<1x80xi32, #tpu.memory_space<hbm>>
      %dma_wait3A_531 = tpu.memref_squeeze %dma_wait3A_530 : memref<1x80xi32, #tpu.memory_space<hbm>> -> memref<80xi32, #tpu.memory_space<hbm>>
      %dma_wait3A_532 = arith.constant 0 : i32
      %dma_wait3A_533 = tpu.memref_slice %arg11[%dma_wait3A_532] : memref<1664xi32, #tpu.memory_space<vmem>> -> memref<80xi32, #tpu.memory_space<vmem>>
      %dma_wait3A_534 = arith.constant 49920 : i32
      %dma_wait3A_535 = tpu.memref_slice %arg3[%dma_wait3A_526, %dma_wait3A_534] : memref<9x50000xi32, #tpu.memory_space<hbm>> -> memref<1x80xi32, #tpu.memory_space<hbm>>
      %dma_wait3A_536 = tpu.memref_squeeze %dma_wait3A_535 : memref<1x80xi32, #tpu.memory_space<hbm>> -> memref<80xi32, #tpu.memory_space<hbm>>
      tpu.wait_dma2 semaphore(%arg19 : memref<!tpu.dma_semaphore, #tpu.memory_space<semaphore_mem>>) src(%dma_wait3A_536 : memref<80xi32, #tpu.memory_space<hbm>>) dst(%dma_wait3A_533 : memref<80xi32, #tpu.memory_space<vmem>>)
    } else {
    }
    %mul3A_337 = arith.constant 624 : i32
    %mul3A_338 = arith.muli %arg1, %mul3A_337 : i32
    %dma_wait3A_339 = arith.constant 0 : i32
    %dma_wait3A_340 = tpu.memref_slice %arg6[%mul3A_338, %dma_wait3A_339] : memref<10000x64xbf16, #tpu.memory_space<vmem_shared>> -> memref<624x64xbf16, #tpu.memory_space<vmem_shared>>
    %dma_wait3A_341 = arith.constant 320 : i32
    %dma_wait3A_342 = tpu.memref_slice %arg2[%mul3A_338, %dma_wait3A_341] : memref<10000x576xbf16, #tpu.memory_space<hbm>> -> memref<624x64xbf16, #tpu.memory_space<hbm>>
    tpu.wait_dma2 semaphore(%arg15 : memref<!tpu.dma_semaphore, #tpu.memory_space<semaphore_mem>>) src(%dma_wait3A_342 : memref<624x64xbf16, #tpu.memory_space<hbm>>) dst(%dma_wait3A_340 : memref<624x64xbf16, #tpu.memory_space<vmem_shared>>)
    %eq3A_343 = arith.constant 0 : i32
    %eq3A_344 = arith.cmpi eq, %arg1, %eq3A_343 : i32
    %convert_element_type3A_345 = arith.extui %eq3A_344 : i1 to i32
    %cond3A_346 = arith.constant 0 : i32
    %cond3A_347 = arith.cmpi ne, %convert_element_type3A_345, %cond3A_346 : i32
    scf.if %cond3A_347 {
      %dma_wait3A_526 = arith.constant 9984 : i32
      %dma_wait3A_527 = arith.constant 0 : i32
      %dma_wait3A_528 = tpu.memref_slice %arg6[%dma_wait3A_526, %dma_wait3A_527] : memref<10000x64xbf16, #tpu.memory_space<vmem_shared>> -> memref<16x64xbf16, #tpu.memory_space<vmem_shared>>
      %dma_wait3A_529 = arith.constant 9984 : i32
      %dma_wait3A_530 = arith.constant 320 : i32
      %dma_wait3A_531 = tpu.memref_slice %arg2[%dma_wait3A_529, %dma_wait3A_530] : memref<10000x576xbf16, #tpu.memory_space<hbm>> -> memref<16x64xbf16, #tpu.memory_space<hbm>>
      tpu.wait_dma2 semaphore(%arg15 : memref<!tpu.dma_semaphore, #tpu.memory_space<semaphore_mem>>) src(%dma_wait3A_531 : memref<16x64xbf16, #tpu.memory_space<hbm>>) dst(%dma_wait3A_528 : memref<16x64xbf16, #tpu.memory_space<vmem_shared>>)
    } else {
    }
    %barrier3A_348 = arith.constant 0 : index
    tpu.barrier barrier_id(%barrier3A_348)
    %mul3A_349 = arith.constant 624 : i32
    %mul3A_350 = arith.muli %arg1, %mul3A_349 : i32
    %dma_start3A_351 = arith.constant 0 : i32
    %dma_start3A_352 = tpu.memref_slice %arg5[%mul3A_350, %dma_start3A_351] : memref<10000x64xbf16, #tpu.memory_space<vmem_shared>> -> memref<624x64xbf16, #tpu.memory_space<vmem_shared>>
    %dma_start3A_353 = arith.constant 384 : i32
    %dma_start3A_354 = tpu.memref_slice %arg2[%mul3A_350, %dma_start3A_353] : memref<10000x576xbf16, #tpu.memory_space<hbm>> -> memref<624x64xbf16, #tpu.memory_space<hbm>>
    tpu.enqueue_dma source(%dma_start3A_354 : memref<624x64xbf16, #tpu.memory_space<hbm>>) target(%dma_start3A_352 : memref<624x64xbf16, #tpu.memory_space<vmem_shared>>) target_semaphore(%arg14 : memref<!tpu.dma_semaphore, #tpu.memory_space<semaphore_mem>>)
    %eq3A_355 = arith.constant 0 : i32
    %eq3A_356 = arith.cmpi eq, %arg1, %eq3A_355 : i32
    %convert_element_type3A_357 = arith.extui %eq3A_356 : i1 to i32
    %cond3A_358 = arith.constant 0 : i32
    %cond3A_359 = arith.cmpi ne, %convert_element_type3A_357, %cond3A_358 : i32
    scf.if %cond3A_359 {
      %dma_start3A_526 = arith.constant 9984 : i32
      %dma_start3A_527 = arith.constant 0 : i32
      %dma_start3A_528 = tpu.memref_slice %arg5[%dma_start3A_526, %dma_start3A_527] : memref<10000x64xbf16, #tpu.memory_space<vmem_shared>> -> memref<16x64xbf16, #tpu.memory_space<vmem_shared>>
      %dma_start3A_529 = arith.constant 9984 : i32
      %dma_start3A_530 = arith.constant 384 : i32
      %dma_start3A_531 = tpu.memref_slice %arg2[%dma_start3A_529, %dma_start3A_530] : memref<10000x576xbf16, #tpu.memory_space<hbm>> -> memref<16x64xbf16, #tpu.memory_space<hbm>>
      tpu.enqueue_dma source(%dma_start3A_531 : memref<16x64xbf16, #tpu.memory_space<hbm>>) target(%dma_start3A_528 : memref<16x64xbf16, #tpu.memory_space<vmem_shared>>) target_semaphore(%arg14 : memref<!tpu.dma_semaphore, #tpu.memory_space<semaphore_mem>>)
    } else {
    }
    %dma_start3A_360 = arith.constant 0 : i32
    %dma_start3A_361 = tpu.memref_slice %arg11[%dma_start3A_360] : memref<1664xi32, #tpu.memory_space<vmem>> -> memref<64xi32, #tpu.memory_space<vmem>>
    %dma_start3A_362 = arith.constant 0 : i32
    %dma_start3A_363 = arith.constant 0 : i32
    %dma_start3A_364 = tpu.memref_slice %arg6[%dma_start3A_362, %dma_start3A_363] : memref<10000x64xbf16, #tpu.memory_space<vmem_shared>> -> memref<10000x64xbf16, #tpu.memory_space<vmem_shared>>
    tpu.enqueue_indirect_dma source(%dma_start3A_364 : memref<10000x64xbf16, #tpu.memory_space<vmem_shared>>) target(%arg8 : memref<64x64xbf16, #tpu.memory_space<vmem>>) offsets(%dma_start3A_361 : memref<64xi32, #tpu.memory_space<vmem>>) semaphore(%arg16 : memref<!tpu.dma_semaphore, #tpu.memory_space<semaphore_mem>>)
    %scan3A_365 = arith.constant 0 : i32
    %scan3A_366 = arith.constant 13 : i32
    %scan3A_367 = arith.addi %scan3A_365, %scan3A_366 : i32
    %scan3A_368 = arith.constant 1 : i32
    scf.for %scan3A_526 = %scan3A_365 to %scan3A_367 step %scan3A_368  : i32 {
      %mul3A_527 = arith.constant 2 : i32
      %mul3A_528 = arith.muli %scan3A_526, %mul3A_527 : i32
      %add3A_529 = arith.constant 0 : i32
      %add3A_530 = arith.addi %add3A_529, %mul3A_528 : i32
      %dma_wait3A_531 = arith.constant 0 : i32
      %dma_wait3A_532 = tpu.memref_slice %arg11[%dma_wait3A_531] : memref<1664xi32, #tpu.memory_space<vmem>> -> memref<64xi32, #tpu.memory_space<vmem>>
      %dma_wait3A_533 = arith.constant 0 : i32
      %dma_wait3A_534 = arith.constant 0 : i32
      %dma_wait3A_535 = tpu.memref_slice %arg6[%dma_wait3A_533, %dma_wait3A_534] : memref<10000x64xbf16, #tpu.memory_space<vmem_shared>> -> memref<10000x64xbf16, #tpu.memory_space<vmem_shared>>
      tpu.wait_indirect_dma semaphore(%arg16 : memref<!tpu.dma_semaphore, #tpu.memory_space<semaphore_mem>>) src(%dma_wait3A_535 : memref<10000x64xbf16, #tpu.memory_space<vmem_shared>>) dst(%arg8 : memref<64x64xbf16, #tpu.memory_space<vmem>>)
      %add3A_536 = arith.constant 1 : i32
      %add3A_537 = arith.addi %add3A_530, %add3A_536 : i32
      %mul3A_538 = arith.constant 64 : i32
      %mul3A_539 = arith.muli %add3A_537, %mul3A_538 : i32
      %dma_start3A_540 = tpu.memref_slice %arg11[%mul3A_539] : memref<1664xi32, #tpu.memory_space<vmem>> -> memref<64xi32, #tpu.memory_space<vmem>>
      %dma_start3A_541 = arith.constant 0 : i32
      %dma_start3A_542 = arith.constant 0 : i32
      %dma_start3A_543 = tpu.memref_slice %arg6[%dma_start3A_541, %dma_start3A_542] : memref<10000x64xbf16, #tpu.memory_space<vmem_shared>> -> memref<10000x64xbf16, #tpu.memory_space<vmem_shared>>
      tpu.enqueue_indirect_dma source(%dma_start3A_543 : memref<10000x64xbf16, #tpu.memory_space<vmem_shared>>) target(%arg9 : memref<64x64xbf16, #tpu.memory_space<vmem>>) offsets(%dma_start3A_540 : memref<64xi32, #tpu.memory_space<vmem>>) semaphore(%arg17 : memref<!tpu.dma_semaphore, #tpu.memory_space<semaphore_mem>>)
      %parallel_loop3A = arith.constant 0 : i32
      %parallel_loop3A_544 = arith.constant 64 : i32
      %parallel_loop3A_545 = arith.constant 2 : i32
      scf.for %parallel_loop3A_563 = %parallel_loop3A to %parallel_loop3A_544 step %parallel_loop3A_545  : i32 {
        %parallel_loop3A_564 = arith.constant 64 : i32
        %parallel_loop3A_565 = arith.muli %add3A_530, %parallel_loop3A_564 : i32
        %parallel_loop3A_566 = arith.addi %parallel_loop3A_565, %parallel_loop3A_563 : i32
        %parallel_loop3A_567 = arith.constant 0 : i32
        %parallel_loop3A_568 = arith.addi %parallel_loop3A_566, %parallel_loop3A_567 : i32
        %parallel_loop3A_569 = arith.index_cast %parallel_loop3A_568 : i32 to index
        %parallel_loop3A_570 = arith.constant 0 : index
        %parallel_loop3A_571 = tpu.vector_load %arg7[%parallel_loop3A_569, %parallel_loop3A_570] {strides = array<i32>} : memref<1664x64xbf16, #tpu.memory_space<vmem>>, vector<32xbf16>,
        %parallel_loop3A_572 = arith.constant 0 : i32
        %parallel_loop3A_573 = arith.addi %parallel_loop3A_563, %parallel_loop3A_572 : i32
        %parallel_loop3A_574 = arith.index_cast %parallel_loop3A_573 : i32 to index
        %parallel_loop3A_575 = arith.constant 0 : index
        %parallel_loop3A_576 = tpu.vector_load %arg8[%parallel_loop3A_574, %parallel_loop3A_575] {strides = array<i32>} : memref<64x64xbf16, #tpu.memory_space<vmem>>, vector<32xbf16>,
        %parallel_loop3A_577 = arith.addf %parallel_loop3A_571, %parallel_loop3A_576 : vector<32xbf16>
        %parallel_loop3A_578 = arith.index_cast %parallel_loop3A_568 : i32 to index
        %parallel_loop3A_579 = arith.constant 0 : index
        %parallel_loop3A_580 = tpu.vector_load %arg7[%parallel_loop3A_578, %parallel_loop3A_579] {strides = array<i32>} : memref<1664x64xbf16, #tpu.memory_space<vmem>>, vector<32xbf16>,
        tpu.vector_store %arg7[%parallel_loop3A_578, %parallel_loop3A_579], %parallel_loop3A_577 {strides = array<i32>} : memref<1664x64xbf16, #tpu.memory_space<vmem>>, vector<32xbf16>,
        %parallel_loop3A_581 = arith.constant 64 : i32
        %parallel_loop3A_582 = arith.muli %add3A_530, %parallel_loop3A_581 : i32
        %parallel_loop3A_583 = arith.addi %parallel_loop3A_582, %parallel_loop3A_563 : i32
        %parallel_loop3A_584 = arith.constant 0 : i32
        %parallel_loop3A_585 = arith.addi %parallel_loop3A_583, %parallel_loop3A_584 : i32
        %parallel_loop3A_586 = arith.index_cast %parallel_loop3A_585 : i32 to index
        %parallel_loop3A_587 = arith.constant 32 : index
        %parallel_loop3A_588 = tpu.vector_load %arg7[%parallel_loop3A_586, %parallel_loop3A_587] {strides = array<i32>} : memref<1664x64xbf16, #tpu.memory_space<vmem>>, vector<32xbf16>,
        %parallel_loop3A_589 = arith.constant 0 : i32
        %parallel_loop3A_590 = arith.addi %parallel_loop3A_563, %parallel_loop3A_589 : i32
        %parallel_loop3A_591 = arith.index_cast %parallel_loop3A_590 : i32 to index
        %parallel_loop3A_592 = arith.constant 32 : index
        %parallel_loop3A_593 = tpu.vector_load %arg8[%parallel_loop3A_591, %parallel_loop3A_592] {strides = array<i32>} : memref<64x64xbf16, #tpu.memory_space<vmem>>, vector<32xbf16>,
        %parallel_loop3A_594 = arith.addf %parallel_loop3A_588, %parallel_loop3A_593 : vector<32xbf16>
        %parallel_loop3A_595 = arith.index_cast %parallel_loop3A_585 : i32 to index
        %parallel_loop3A_596 = arith.constant 32 : index
        %parallel_loop3A_597 = tpu.vector_load %arg7[%parallel_loop3A_595, %parallel_loop3A_596] {strides = array<i32>} : memref<1664x64xbf16, #tpu.memory_space<vmem>>, vector<32xbf16>,
        tpu.vector_store %arg7[%parallel_loop3A_595, %parallel_loop3A_596], %parallel_loop3A_594 {strides = array<i32>} : memref<1664x64xbf16, #tpu.memory_space<vmem>>, vector<32xbf16>,
        %parallel_loop3A_598 = arith.constant 64 : i32
        %parallel_loop3A_599 = arith.muli %add3A_530, %parallel_loop3A_598 : i32
        %parallel_loop3A_600 = arith.addi %parallel_loop3A_599, %parallel_loop3A_563 : i32
        %parallel_loop3A_601 = arith.constant 1 : i32
        %parallel_loop3A_602 = arith.addi %parallel_loop3A_600, %parallel_loop3A_601 : i32
        %parallel_loop3A_603 = arith.index_cast %parallel_loop3A_602 : i32 to index
        %parallel_loop3A_604 = arith.constant 0 : index
        %parallel_loop3A_605 = tpu.vector_load %arg7[%parallel_loop3A_603, %parallel_loop3A_604] {strides = array<i32>} : memref<1664x64xbf16, #tpu.memory_space<vmem>>, vector<32xbf16>,
        %parallel_loop3A_606 = arith.constant 1 : i32
        %parallel_loop3A_607 = arith.addi %parallel_loop3A_563, %parallel_loop3A_606 : i32
        %parallel_loop3A_608 = arith.index_cast %parallel_loop3A_607 : i32 to index
        %parallel_loop3A_609 = arith.constant 0 : index
        %parallel_loop3A_610 = tpu.vector_load %arg8[%parallel_loop3A_608, %parallel_loop3A_609] {strides = array<i32>} : memref<64x64xbf16, #tpu.memory_space<vmem>>, vector<32xbf16>,
        %parallel_loop3A_611 = arith.addf %parallel_loop3A_605, %parallel_loop3A_610 : vector<32xbf16>
        %parallel_loop3A_612 = arith.index_cast %parallel_loop3A_602 : i32 to index
        %parallel_loop3A_613 = arith.constant 0 : index
        %parallel_loop3A_614 = tpu.vector_load %arg7[%parallel_loop3A_612, %parallel_loop3A_613] {strides = array<i32>} : memref<1664x64xbf16, #tpu.memory_space<vmem>>, vector<32xbf16>,
        tpu.vector_store %arg7[%parallel_loop3A_612, %parallel_loop3A_613], %parallel_loop3A_611 {strides = array<i32>} : memref<1664x64xbf16, #tpu.memory_space<vmem>>, vector<32xbf16>,
        %parallel_loop3A_615 = arith.constant 64 : i32
        %parallel_loop3A_616 = arith.muli %add3A_530, %parallel_loop3A_615 : i32
        %parallel_loop3A_617 = arith.addi %parallel_loop3A_616, %parallel_loop3A_563 : i32
        %parallel_loop3A_618 = arith.constant 1 : i32
        %parallel_loop3A_619 = arith.addi %parallel_loop3A_617, %parallel_loop3A_618 : i32
        %parallel_loop3A_620 = arith.index_cast %parallel_loop3A_619 : i32 to index
        %parallel_loop3A_621 = arith.constant 32 : index
        %parallel_loop3A_622 = tpu.vector_load %arg7[%parallel_loop3A_620, %parallel_loop3A_621] {strides = array<i32>} : memref<1664x64xbf16, #tpu.memory_space<vmem>>, vector<32xbf16>,
        %parallel_loop3A_623 = arith.constant 1 : i32
        %parallel_loop3A_624 = arith.addi %parallel_loop3A_563, %parallel_loop3A_623 : i32
        %parallel_loop3A_625 = arith.index_cast %parallel_loop3A_624 : i32 to index
        %parallel_loop3A_626 = arith.constant 32 : index
        %parallel_loop3A_627 = tpu.vector_load %arg8[%parallel_loop3A_625, %parallel_loop3A_626] {strides = array<i32>} : memref<64x64xbf16, #tpu.memory_space<vmem>>, vector<32xbf16>,
        %parallel_loop3A_628 = arith.addf %parallel_loop3A_622, %parallel_loop3A_627 : vector<32xbf16>
        %parallel_loop3A_629 = arith.index_cast %parallel_loop3A_619 : i32 to index
        %parallel_loop3A_630 = arith.constant 32 : index
        %parallel_loop3A_631 = tpu.vector_load %arg7[%parallel_loop3A_629, %parallel_loop3A_630] {strides = array<i32>} : memref<1664x64xbf16, #tpu.memory_space<vmem>>, vector<32xbf16>,
        tpu.vector_store %arg7[%parallel_loop3A_629, %parallel_loop3A_630], %parallel_loop3A_628 {strides = array<i32>} : memref<1664x64xbf16, #tpu.memory_space<vmem>>, vector<32xbf16>,
      } {sc.loop_unroll_factor = 4 : i64, sc.parallel_access}
      %dma_wait3A_546 = arith.constant 0 : i32
      %dma_wait3A_547 = tpu.memref_slice %arg11[%dma_wait3A_546] : memref<1664xi32, #tpu.memory_space<vmem>> -> memref<64xi32, #tpu.memory_space<vmem>>
      %dma_wait3A_548 = arith.constant 0 : i32
      %dma_wait3A_549 = arith.constant 0 : i32
      %dma_wait3A_550 = tpu.memref_slice %arg6[%dma_wait3A_548, %dma_wait3A_549] : memref<10000x64xbf16, #tpu.memory_space<vmem_shared>> -> memref<10000x64xbf16, #tpu.memory_space<vmem_shared>>
      tpu.wait_indirect_dma semaphore(%arg17 : memref<!tpu.dma_semaphore, #tpu.memory_space<semaphore_mem>>) src(%dma_wait3A_550 : memref<10000x64xbf16, #tpu.memory_space<vmem_shared>>) dst(%arg9 : memref<64x64xbf16, #tpu.memory_space<vmem>>)
      %add3A_551 = arith.constant 2 : i32
      %add3A_552 = arith.addi %add3A_530, %add3A_551 : i32
      %lt3A_553 = arith.constant 26 : i32
      %lt3A_554 = arith.cmpi slt, %add3A_552, %lt3A_553 : i32
      %convert_element_type3A_555 = arith.extui %lt3A_554 : i1 to i32
      %cond3A_556 = arith.constant 0 : i32
      %cond3A_557 = arith.cmpi ne, %convert_element_type3A_555, %cond3A_556 : i32
      scf.if %cond3A_557 {
        %add3A_563 = arith.constant 2 : i32
        %add3A_564 = arith.addi %add3A_530, %add3A_563 : i32
        %mul3A_565 = arith.constant 64 : i32
        %mul3A_566 = arith.muli %add3A_564, %mul3A_565 : i32
        %dma_start3A_567 = tpu.memref_slice %arg11[%mul3A_566] : memref<1664xi32, #tpu.memory_space<vmem>> -> memref<64xi32, #tpu.memory_space<vmem>>
        %dma_start3A_568 = arith.constant 0 : i32
        %dma_start3A_569 = arith.constant 0 : i32
        %dma_start3A_570 = tpu.memref_slice %arg6[%dma_start3A_568, %dma_start3A_569] : memref<10000x64xbf16, #tpu.memory_space<vmem_shared>> -> memref<10000x64xbf16, #tpu.memory_space<vmem_shared>>
        tpu.enqueue_indirect_dma source(%dma_start3A_570 : memref<10000x64xbf16, #tpu.memory_space<vmem_shared>>) target(%arg8 : memref<64x64xbf16, #tpu.memory_space<vmem>>) offsets(%dma_start3A_567 : memref<64xi32, #tpu.memory_space<vmem>>) semaphore(%arg16 : memref<!tpu.dma_semaphore, #tpu.memory_space<semaphore_mem>>)
      } else {
      }
      %add3A_558 = arith.constant 1 : i32
      %add3A_559 = arith.addi %add3A_530, %add3A_558 : i32
      %parallel_loop3A_560 = arith.constant 0 : i32
      %parallel_loop3A_561 = arith.constant 64 : i32
      %parallel_loop3A_562 = arith.constant 2 : i32
      scf.for %parallel_loop3A_563 = %parallel_loop3A_560 to %parallel_loop3A_561 step %parallel_loop3A_562  : i32 {
        %parallel_loop3A_564 = arith.constant 64 : i32
        %parallel_loop3A_565 = arith.muli %add3A_559, %parallel_loop3A_564 : i32
        %parallel_loop3A_566 = arith.addi %parallel_loop3A_565, %parallel_loop3A_563 : i32
        %parallel_loop3A_567 = arith.constant 0 : i32
        %parallel_loop3A_568 = arith.addi %parallel_loop3A_566, %parallel_loop3A_567 : i32
        %parallel_loop3A_569 = arith.index_cast %parallel_loop3A_568 : i32 to index
        %parallel_loop3A_570 = arith.constant 0 : index
        %parallel_loop3A_571 = tpu.vector_load %arg7[%parallel_loop3A_569, %parallel_loop3A_570] {strides = array<i32>} : memref<1664x64xbf16, #tpu.memory_space<vmem>>, vector<32xbf16>,
        %parallel_loop3A_572 = arith.constant 0 : i32
        %parallel_loop3A_573 = arith.addi %parallel_loop3A_563, %parallel_loop3A_572 : i32
        %parallel_loop3A_574 = arith.index_cast %parallel_loop3A_573 : i32 to index
        %parallel_loop3A_575 = arith.constant 0 : index
        %parallel_loop3A_576 = tpu.vector_load %arg9[%parallel_loop3A_574, %parallel_loop3A_575] {strides = array<i32>} : memref<64x64xbf16, #tpu.memory_space<vmem>>, vector<32xbf16>,
        %parallel_loop3A_577 = arith.addf %parallel_loop3A_571, %parallel_loop3A_576 : vector<32xbf16>
        %parallel_loop3A_578 = arith.index_cast %parallel_loop3A_568 : i32 to index
        %parallel_loop3A_579 = arith.constant 0 : index
        %parallel_loop3A_580 = tpu.vector_load %arg7[%parallel_loop3A_578, %parallel_loop3A_579] {strides = array<i32>} : memref<1664x64xbf16, #tpu.memory_space<vmem>>, vector<32xbf16>,
        tpu.vector_store %arg7[%parallel_loop3A_578, %parallel_loop3A_579], %parallel_loop3A_577 {strides = array<i32>} : memref<1664x64xbf16, #tpu.memory_space<vmem>>, vector<32xbf16>,
        %parallel_loop3A_581 = arith.constant 64 : i32
        %parallel_loop3A_582 = arith.muli %add3A_559, %parallel_loop3A_581 : i32
        %parallel_loop3A_583 = arith.addi %parallel_loop3A_582, %parallel_loop3A_563 : i32
        %parallel_loop3A_584 = arith.constant 0 : i32
        %parallel_loop3A_585 = arith.addi %parallel_loop3A_583, %parallel_loop3A_584 : i32
        %parallel_loop3A_586 = arith.index_cast %parallel_loop3A_585 : i32 to index
        %parallel_loop3A_587 = arith.constant 32 : index
        %parallel_loop3A_588 = tpu.vector_load %arg7[%parallel_loop3A_586, %parallel_loop3A_587] {strides = array<i32>} : memref<1664x64xbf16, #tpu.memory_space<vmem>>, vector<32xbf16>,
        %parallel_loop3A_589 = arith.constant 0 : i32
        %parallel_loop3A_590 = arith.addi %parallel_loop3A_563, %parallel_loop3A_589 : i32
        %parallel_loop3A_591 = arith.index_cast %parallel_loop3A_590 : i32 to index
        %parallel_loop3A_592 = arith.constant 32 : index
        %parallel_loop3A_593 = tpu.vector_load %arg9[%parallel_loop3A_591, %parallel_loop3A_592] {strides = array<i32>} : memref<64x64xbf16, #tpu.memory_space<vmem>>, vector<32xbf16>,
        %parallel_loop3A_594 = arith.addf %parallel_loop3A_588, %parallel_loop3A_593 : vector<32xbf16>
        %parallel_loop3A_595 = arith.index_cast %parallel_loop3A_585 : i32 to index
        %parallel_loop3A_596 = arith.constant 32 : index
        %parallel_loop3A_597 = tpu.vector_load %arg7[%parallel_loop3A_595, %parallel_loop3A_596] {strides = array<i32>} : memref<1664x64xbf16, #tpu.memory_space<vmem>>, vector<32xbf16>,
        tpu.vector_store %arg7[%parallel_loop3A_595, %parallel_loop3A_596], %parallel_loop3A_594 {strides = array<i32>} : memref<1664x64xbf16, #tpu.memory_space<vmem>>, vector<32xbf16>,
        %parallel_loop3A_598 = arith.constant 64 : i32
        %parallel_loop3A_599 = arith.muli %add3A_559, %parallel_loop3A_598 : i32
        %parallel_loop3A_600 = arith.addi %parallel_loop3A_599, %parallel_loop3A_563 : i32
        %parallel_loop3A_601 = arith.constant 1 : i32
        %parallel_loop3A_602 = arith.addi %parallel_loop3A_600, %parallel_loop3A_601 : i32
        %parallel_loop3A_603 = arith.index_cast %parallel_loop3A_602 : i32 to index
        %parallel_loop3A_604 = arith.constant 0 : index
        %parallel_loop3A_605 = tpu.vector_load %arg7[%parallel_loop3A_603, %parallel_loop3A_604] {strides = array<i32>} : memref<1664x64xbf16, #tpu.memory_space<vmem>>, vector<32xbf16>,
        %parallel_loop3A_606 = arith.constant 1 : i32
        %parallel_loop3A_607 = arith.addi %parallel_loop3A_563, %parallel_loop3A_606 : i32
        %parallel_loop3A_608 = arith.index_cast %parallel_loop3A_607 : i32 to index
        %parallel_loop3A_609 = arith.constant 0 : index
        %parallel_loop3A_610 = tpu.vector_load %arg9[%parallel_loop3A_608, %parallel_loop3A_609] {strides = array<i32>} : memref<64x64xbf16, #tpu.memory_space<vmem>>, vector<32xbf16>,
        %parallel_loop3A_611 = arith.addf %parallel_loop3A_605, %parallel_loop3A_610 : vector<32xbf16>
        %parallel_loop3A_612 = arith.index_cast %parallel_loop3A_602 : i32 to index
        %parallel_loop3A_613 = arith.constant 0 : index
        %parallel_loop3A_614 = tpu.vector_load %arg7[%parallel_loop3A_612, %parallel_loop3A_613] {strides = array<i32>} : memref<1664x64xbf16, #tpu.memory_space<vmem>>, vector<32xbf16>,
        tpu.vector_store %arg7[%parallel_loop3A_612, %parallel_loop3A_613], %parallel_loop3A_611 {strides = array<i32>} : memref<1664x64xbf16, #tpu.memory_space<vmem>>, vector<32xbf16>,
        %parallel_loop3A_615 = arith.constant 64 : i32
        %parallel_loop3A_616 = arith.muli %add3A_559, %parallel_loop3A_615 : i32
        %parallel_loop3A_617 = arith.addi %parallel_loop3A_616, %parallel_loop3A_563 : i32
        %parallel_loop3A_618 = arith.constant 1 : i32
        %parallel_loop3A_619 = arith.addi %parallel_loop3A_617, %parallel_loop3A_618 : i32
        %parallel_loop3A_620 = arith.index_cast %parallel_loop3A_619 : i32 to index
        %parallel_loop3A_621 = arith.constant 32 : index
        %parallel_loop3A_622 = tpu.vector_load %arg7[%parallel_loop3A_620, %parallel_loop3A_621] {strides = array<i32>} : memref<1664x64xbf16, #tpu.memory_space<vmem>>, vector<32xbf16>,
        %parallel_loop3A_623 = arith.constant 1 : i32
        %parallel_loop3A_624 = arith.addi %parallel_loop3A_563, %parallel_loop3A_623 : i32
        %parallel_loop3A_625 = arith.index_cast %parallel_loop3A_624 : i32 to index
        %parallel_loop3A_626 = arith.constant 32 : index
        %parallel_loop3A_627 = tpu.vector_load %arg9[%parallel_loop3A_625, %parallel_loop3A_626] {strides = array<i32>} : memref<64x64xbf16, #tpu.memory_space<vmem>>, vector<32xbf16>,
        %parallel_loop3A_628 = arith.addf %parallel_loop3A_622, %parallel_loop3A_627 : vector<32xbf16>
        %parallel_loop3A_629 = arith.index_cast %parallel_loop3A_619 : i32 to index
        %parallel_loop3A_630 = arith.constant 32 : index
        %parallel_loop3A_631 = tpu.vector_load %arg7[%parallel_loop3A_629, %parallel_loop3A_630] {strides = array<i32>} : memref<1664x64xbf16, #tpu.memory_space<vmem>>, vector<32xbf16>,
        tpu.vector_store %arg7[%parallel_loop3A_629, %parallel_loop3A_630], %parallel_loop3A_628 {strides = array<i32>} : memref<1664x64xbf16, #tpu.memory_space<vmem>>, vector<32xbf16>,
      } {sc.loop_unroll_factor = 4 : i64, sc.parallel_access}
    }
    %scan3A_369 = arith.constant 13 : i32
    %lt3A_370 = arith.constant 30 : i32
    %lt3A_371 = arith.cmpi slt, %add3A, %lt3A_370 : i32
    %convert_element_type3A_372 = arith.extui %lt3A_371 : i1 to i32
    %cond3A_373 = arith.constant 0 : i32
    %cond3A_374 = arith.cmpi ne, %convert_element_type3A_372, %cond3A_373 : i32
    scf.if %cond3A_374 {
      %mul3A_526 = arith.constant 1664 : i32
      %mul3A_527 = arith.muli %add3A, %mul3A_526 : i32
      %dma_start3A_528 = arith.constant 7 : i32
      %dma_start3A_529 = tpu.memref_slice %arg3[%dma_start3A_528, %mul3A_527] : memref<9x50000xi32, #tpu.memory_space<hbm>> -> memref<1x1664xi32, #tpu.memory_space<hbm>>
      %dma_start3A_530 = tpu.memref_squeeze %dma_start3A_529 : memref<1x1664xi32, #tpu.memory_space<hbm>> -> memref<1664xi32, #tpu.memory_space<hbm>>
      %dma_start3A_531 = tpu.memref_slice %arg3[%dma_start3A_528, %mul3A_527] : memref<9x50000xi32, #tpu.memory_space<hbm>> -> memref<1x1664xi32, #tpu.memory_space<hbm>>
      %dma_start3A_532 = tpu.memref_squeeze %dma_start3A_531 : memref<1x1664xi32, #tpu.memory_space<hbm>> -> memref<1664xi32, #tpu.memory_space<hbm>>
      tpu.enqueue_dma source(%dma_start3A_532 : memref<1664xi32, #tpu.memory_space<hbm>>) target(%arg11 : memref<1664xi32, #tpu.memory_space<vmem>>) target_semaphore(%arg19 : memref<!tpu.dma_semaphore, #tpu.memory_space<semaphore_mem>>)
    } else {
    }
    %eq3A_375 = arith.constant 30 : i32
    %eq3A_376 = arith.cmpi eq, %add3A, %eq3A_375 : i32
    %convert_element_type3A_377 = arith.extui %eq3A_376 : i1 to i32
    %cond3A_378 = arith.constant 0 : i32
    %cond3A_379 = arith.cmpi ne, %convert_element_type3A_377, %cond3A_378 : i32
    scf.if %cond3A_379 {
      %dma_start3A_526 = arith.constant 7 : i32
      %dma_start3A_527 = arith.constant 0 : i32
      %dma_start3A_528 = tpu.memref_slice %arg11[%dma_start3A_527] : memref<1664xi32, #tpu.memory_space<vmem>> -> memref<80xi32, #tpu.memory_space<vmem>>
      %dma_start3A_529 = arith.constant 49920 : i32
      %dma_start3A_530 = tpu.memref_slice %arg3[%dma_start3A_526, %dma_start3A_529] : memref<9x50000xi32, #tpu.memory_space<hbm>> -> memref<1x80xi32, #tpu.memory_space<hbm>>
      %dma_start3A_531 = tpu.memref_squeeze %dma_start3A_530 : memref<1x80xi32, #tpu.memory_space<hbm>> -> memref<80xi32, #tpu.memory_space<hbm>>
      %dma_start3A_532 = arith.constant 0 : i32
      %dma_start3A_533 = tpu.memref_slice %arg11[%dma_start3A_532] : memref<1664xi32, #tpu.memory_space<vmem>> -> memref<80xi32, #tpu.memory_space<vmem>>
      %dma_start3A_534 = arith.constant 49920 : i32
      %dma_start3A_535 = tpu.memref_slice %arg3[%dma_start3A_526, %dma_start3A_534] : memref<9x50000xi32, #tpu.memory_space<hbm>> -> memref<1x80xi32, #tpu.memory_space<hbm>>
      %dma_start3A_536 = tpu.memref_squeeze %dma_start3A_535 : memref<1x80xi32, #tpu.memory_space<hbm>> -> memref<80xi32, #tpu.memory_space<hbm>>
      tpu.enqueue_dma source(%dma_start3A_536 : memref<80xi32, #tpu.memory_space<hbm>>) target(%dma_start3A_533 : memref<80xi32, #tpu.memory_space<vmem>>) target_semaphore(%arg19 : memref<!tpu.dma_semaphore, #tpu.memory_space<semaphore_mem>>)
      %parallel_loop3A = arith.constant 5 : i32
      %parallel_loop3A_537 = arith.constant 104 : i32
      %parallel_loop3A_538 = arith.constant 1 : i32
      scf.for %parallel_loop3A_539 = %parallel_loop3A to %parallel_loop3A_537 step %parallel_loop3A_538  : i32 {
        %parallel_loop3A_540 = arith.constant 16 : i32
        %parallel_loop3A_541 = arith.muli %parallel_loop3A_539, %parallel_loop3A_540 : i32
        %parallel_loop3A_542 = arith.index_cast %parallel_loop3A_541 : i32 to index
        %parallel_loop3A_543 = tpu.vector_load %arg11[%parallel_loop3A_542] {strides = array<i32>} : memref<1664xi32, #tpu.memory_space<vmem>>, vector<16xi32>,
        tpu.vector_store %arg11[%parallel_loop3A_542], %broadcast_in_dim3A_1 {strides = array<i32>} : memref<1664xi32, #tpu.memory_space<vmem>>, vector<16xi32>,
      } {sc.loop_unroll_factor = 4 : i64, sc.parallel_access}
    } else {
    }
    %gt3A_380 = arith.constant 30 : i32
    %gt3A_381 = arith.cmpi sgt, %add3A, %gt3A_380 : i32
    %convert_element_type3A_382 = arith.extui %gt3A_381 : i1 to i32
    %cond3A_383 = arith.constant 0 : i32
    %cond3A_384 = arith.cmpi ne, %convert_element_type3A_382, %cond3A_383 : i32
    scf.if %cond3A_384 {
      %parallel_loop3A = arith.constant 0 : i32
      %parallel_loop3A_526 = arith.constant 104 : i32
      %parallel_loop3A_527 = arith.constant 1 : i32
      scf.for %parallel_loop3A_528 = %parallel_loop3A to %parallel_loop3A_526 step %parallel_loop3A_527  : i32 {
        %parallel_loop3A_529 = arith.constant 16 : i32
        %parallel_loop3A_530 = arith.muli %parallel_loop3A_528, %parallel_loop3A_529 : i32
        %parallel_loop3A_531 = arith.index_cast %parallel_loop3A_530 : i32 to index
        %parallel_loop3A_532 = tpu.vector_load %arg11[%parallel_loop3A_531] {strides = array<i32>} : memref<1664xi32, #tpu.memory_space<vmem>>, vector<16xi32>,
        tpu.vector_store %arg11[%parallel_loop3A_531], %broadcast_in_dim3A_1 {strides = array<i32>} : memref<1664xi32, #tpu.memory_space<vmem>>, vector<16xi32>,
      } {sc.loop_unroll_factor = 4 : i64, sc.parallel_access}
    } else {
    }
    %lt3A_385 = arith.constant 30 : i32
    %lt3A_386 = arith.cmpi slt, %add3A, %lt3A_385 : i32
    %convert_element_type3A_387 = arith.extui %lt3A_386 : i1 to i32
    %cond3A_388 = arith.constant 0 : i32
    %cond3A_389 = arith.cmpi ne, %convert_element_type3A_387, %cond3A_388 : i32
    scf.if %cond3A_389 {
      %mul3A_526 = arith.constant 1664 : i32
      %mul3A_527 = arith.muli %add3A, %mul3A_526 : i32
      %dma_wait3A_528 = arith.constant 6 : i32
      %dma_wait3A_529 = tpu.memref_slice %arg3[%dma_wait3A_528, %mul3A_527] : memref<9x50000xi32, #tpu.memory_space<hbm>> -> memref<1x1664xi32, #tpu.memory_space<hbm>>
      %dma_wait3A_530 = tpu.memref_squeeze %dma_wait3A_529 : memref<1x1664xi32, #tpu.memory_space<hbm>> -> memref<1664xi32, #tpu.memory_space<hbm>>
      %dma_wait3A_531 = tpu.memref_slice %arg3[%dma_wait3A_528, %mul3A_527] : memref<9x50000xi32, #tpu.memory_space<hbm>> -> memref<1x1664xi32, #tpu.memory_space<hbm>>
      %dma_wait3A_532 = tpu.memref_squeeze %dma_wait3A_531 : memref<1x1664xi32, #tpu.memory_space<hbm>> -> memref<1664xi32, #tpu.memory_space<hbm>>
      tpu.wait_dma2 semaphore(%arg18 : memref<!tpu.dma_semaphore, #tpu.memory_space<semaphore_mem>>) src(%dma_wait3A_532 : memref<1664xi32, #tpu.memory_space<hbm>>) dst(%arg10 : memref<1664xi32, #tpu.memory_space<vmem>>)
    } else {
    }
    %eq3A_390 = arith.constant 30 : i32
    %eq3A_391 = arith.cmpi eq, %add3A, %eq3A_390 : i32
    %convert_element_type3A_392 = arith.extui %eq3A_391 : i1 to i32
    %cond3A_393 = arith.constant 0 : i32
    %cond3A_394 = arith.cmpi ne, %convert_element_type3A_392, %cond3A_393 : i32
    scf.if %cond3A_394 {
      %dma_wait3A_526 = arith.constant 6 : i32
      %dma_wait3A_527 = arith.constant 0 : i32
      %dma_wait3A_528 = tpu.memref_slice %arg10[%dma_wait3A_527] : memref<1664xi32, #tpu.memory_space<vmem>> -> memref<80xi32, #tpu.memory_space<vmem>>
      %dma_wait3A_529 = arith.constant 49920 : i32
      %dma_wait3A_530 = tpu.memref_slice %arg3[%dma_wait3A_526, %dma_wait3A_529] : memref<9x50000xi32, #tpu.memory_space<hbm>> -> memref<1x80xi32, #tpu.memory_space<hbm>>
      %dma_wait3A_531 = tpu.memref_squeeze %dma_wait3A_530 : memref<1x80xi32, #tpu.memory_space<hbm>> -> memref<80xi32, #tpu.memory_space<hbm>>
      %dma_wait3A_532 = arith.constant 0 : i32
      %dma_wait3A_533 = tpu.memref_slice %arg10[%dma_wait3A_532] : memref<1664xi32, #tpu.memory_space<vmem>> -> memref<80xi32, #tpu.memory_space<vmem>>
      %dma_wait3A_534 = arith.constant 49920 : i32
      %dma_wait3A_535 = tpu.memref_slice %arg3[%dma_wait3A_526, %dma_wait3A_534] : memref<9x50000xi32, #tpu.memory_space<hbm>> -> memref<1x80xi32, #tpu.memory_space<hbm>>
      %dma_wait3A_536 = tpu.memref_squeeze %dma_wait3A_535 : memref<1x80xi32, #tpu.memory_space<hbm>> -> memref<80xi32, #tpu.memory_space<hbm>>
      tpu.wait_dma2 semaphore(%arg18 : memref<!tpu.dma_semaphore, #tpu.memory_space<semaphore_mem>>) src(%dma_wait3A_536 : memref<80xi32, #tpu.memory_space<hbm>>) dst(%dma_wait3A_533 : memref<80xi32, #tpu.memory_space<vmem>>)
    } else {
    }
    %mul3A_395 = arith.constant 624 : i32
    %mul3A_396 = arith.muli %arg1, %mul3A_395 : i32
    %dma_wait3A_397 = arith.constant 0 : i32
    %dma_wait3A_398 = tpu.memref_slice %arg5[%mul3A_396, %dma_wait3A_397] : memref<10000x64xbf16, #tpu.memory_space<vmem_shared>> -> memref<624x64xbf16, #tpu.memory_space<vmem_shared>>
    %dma_wait3A_399 = arith.constant 384 : i32
    %dma_wait3A_400 = tpu.memref_slice %arg2[%mul3A_396, %dma_wait3A_399] : memref<10000x576xbf16, #tpu.memory_space<hbm>> -> memref<624x64xbf16, #tpu.memory_space<hbm>>
    tpu.wait_dma2 semaphore(%arg14 : memref<!tpu.dma_semaphore, #tpu.memory_space<semaphore_mem>>) src(%dma_wait3A_400 : memref<624x64xbf16, #tpu.memory_space<hbm>>) dst(%dma_wait3A_398 : memref<624x64xbf16, #tpu.memory_space<vmem_shared>>)
    %eq3A_401 = arith.constant 0 : i32
    %eq3A_402 = arith.cmpi eq, %arg1, %eq3A_401 : i32
    %convert_element_type3A_403 = arith.extui %eq3A_402 : i1 to i32
    %cond3A_404 = arith.constant 0 : i32
    %cond3A_405 = arith.cmpi ne, %convert_element_type3A_403, %cond3A_404 : i32
    scf.if %cond3A_405 {
      %dma_wait3A_526 = arith.constant 9984 : i32
      %dma_wait3A_527 = arith.constant 0 : i32
      %dma_wait3A_528 = tpu.memref_slice %arg5[%dma_wait3A_526, %dma_wait3A_527] : memref<10000x64xbf16, #tpu.memory_space<vmem_shared>> -> memref<16x64xbf16, #tpu.memory_space<vmem_shared>>
      %dma_wait3A_529 = arith.constant 9984 : i32
      %dma_wait3A_530 = arith.constant 384 : i32
      %dma_wait3A_531 = tpu.memref_slice %arg2[%dma_wait3A_529, %dma_wait3A_530] : memref<10000x576xbf16, #tpu.memory_space<hbm>> -> memref<16x64xbf16, #tpu.memory_space<hbm>>
      tpu.wait_dma2 semaphore(%arg14 : memref<!tpu.dma_semaphore, #tpu.memory_space<semaphore_mem>>) src(%dma_wait3A_531 : memref<16x64xbf16, #tpu.memory_space<hbm>>) dst(%dma_wait3A_528 : memref<16x64xbf16, #tpu.memory_space<vmem_shared>>)
    } else {
    }
    %barrier3A_406 = arith.constant 0 : index
    tpu.barrier barrier_id(%barrier3A_406)
    %mul3A_407 = arith.constant 624 : i32
    %mul3A_408 = arith.muli %arg1, %mul3A_407 : i32
    %dma_start3A_409 = arith.constant 0 : i32
    %dma_start3A_410 = tpu.memref_slice %arg6[%mul3A_408, %dma_start3A_409] : memref<10000x64xbf16, #tpu.memory_space<vmem_shared>> -> memref<624x64xbf16, #tpu.memory_space<vmem_shared>>
    %dma_start3A_411 = arith.constant 448 : i32
    %dma_start3A_412 = tpu.memref_slice %arg2[%mul3A_408, %dma_start3A_411] : memref<10000x576xbf16, #tpu.memory_space<hbm>> -> memref<624x64xbf16, #tpu.memory_space<hbm>>
    tpu.enqueue_dma source(%dma_start3A_412 : memref<624x64xbf16, #tpu.memory_space<hbm>>) target(%dma_start3A_410 : memref<624x64xbf16, #tpu.memory_space<vmem_shared>>) target_semaphore(%arg15 : memref<!tpu.dma_semaphore, #tpu.memory_space<semaphore_mem>>)
    %eq3A_413 = arith.constant 0 : i32
    %eq3A_414 = arith.cmpi eq, %arg1, %eq3A_413 : i32
    %convert_element_type3A_415 = arith.extui %eq3A_414 : i1 to i32
    %cond3A_416 = arith.constant 0 : i32
    %cond3A_417 = arith.cmpi ne, %convert_element_type3A_415, %cond3A_416 : i32
    scf.if %cond3A_417 {
      %dma_start3A_526 = arith.constant 9984 : i32
      %dma_start3A_527 = arith.constant 0 : i32
      %dma_start3A_528 = tpu.memref_slice %arg6[%dma_start3A_526, %dma_start3A_527] : memref<10000x64xbf16, #tpu.memory_space<vmem_shared>> -> memref<16x64xbf16, #tpu.memory_space<vmem_shared>>
      %dma_start3A_529 = arith.constant 9984 : i32
      %dma_start3A_530 = arith.constant 448 : i32
      %dma_start3A_531 = tpu.memref_slice %arg2[%dma_start3A_529, %dma_start3A_530] : memref<10000x576xbf16, #tpu.memory_space<hbm>> -> memref<16x64xbf16, #tpu.memory_space<hbm>>
      tpu.enqueue_dma source(%dma_start3A_531 : memref<16x64xbf16, #tpu.memory_space<hbm>>) target(%dma_start3A_528 : memref<16x64xbf16, #tpu.memory_space<vmem_shared>>) target_semaphore(%arg15 : memref<!tpu.dma_semaphore, #tpu.memory_space<semaphore_mem>>)
    } else {
    }
    %dma_start3A_418 = arith.constant 0 : i32
    %dma_start3A_419 = tpu.memref_slice %arg10[%dma_start3A_418] : memref<1664xi32, #tpu.memory_space<vmem>> -> memref<64xi32, #tpu.memory_space<vmem>>
    %dma_start3A_420 = arith.constant 0 : i32
    %dma_start3A_421 = arith.constant 0 : i32
    %dma_start3A_422 = tpu.memref_slice %arg5[%dma_start3A_420, %dma_start3A_421] : memref<10000x64xbf16, #tpu.memory_space<vmem_shared>> -> memref<10000x64xbf16, #tpu.memory_space<vmem_shared>>
    tpu.enqueue_indirect_dma source(%dma_start3A_422 : memref<10000x64xbf16, #tpu.memory_space<vmem_shared>>) target(%arg8 : memref<64x64xbf16, #tpu.memory_space<vmem>>) offsets(%dma_start3A_419 : memref<64xi32, #tpu.memory_space<vmem>>) semaphore(%arg16 : memref<!tpu.dma_semaphore, #tpu.memory_space<semaphore_mem>>)
    %scan3A_423 = arith.constant 0 : i32
    %scan3A_424 = arith.constant 13 : i32
    %scan3A_425 = arith.addi %scan3A_423, %scan3A_424 : i32
    %scan3A_426 = arith.constant 1 : i32
    scf.for %scan3A_526 = %scan3A_423 to %scan3A_425 step %scan3A_426  : i32 {
      %mul3A_527 = arith.constant 2 : i32
      %mul3A_528 = arith.muli %scan3A_526, %mul3A_527 : i32
      %add3A_529 = arith.constant 0 : i32
      %add3A_530 = arith.addi %add3A_529, %mul3A_528 : i32
      %dma_wait3A_531 = arith.constant 0 : i32
      %dma_wait3A_532 = tpu.memref_slice %arg10[%dma_wait3A_531] : memref<1664xi32, #tpu.memory_space<vmem>> -> memref<64xi32, #tpu.memory_space<vmem>>
      %dma_wait3A_533 = arith.constant 0 : i32
      %dma_wait3A_534 = arith.constant 0 : i32
      %dma_wait3A_535 = tpu.memref_slice %arg5[%dma_wait3A_533, %dma_wait3A_534] : memref<10000x64xbf16, #tpu.memory_space<vmem_shared>> -> memref<10000x64xbf16, #tpu.memory_space<vmem_shared>>
      tpu.wait_indirect_dma semaphore(%arg16 : memref<!tpu.dma_semaphore, #tpu.memory_space<semaphore_mem>>) src(%dma_wait3A_535 : memref<10000x64xbf16, #tpu.memory_space<vmem_shared>>) dst(%arg8 : memref<64x64xbf16, #tpu.memory_space<vmem>>)
      %add3A_536 = arith.constant 1 : i32
      %add3A_537 = arith.addi %add3A_530, %add3A_536 : i32
      %mul3A_538 = arith.constant 64 : i32
      %mul3A_539 = arith.muli %add3A_537, %mul3A_538 : i32
      %dma_start3A_540 = tpu.memref_slice %arg10[%mul3A_539] : memref<1664xi32, #tpu.memory_space<vmem>> -> memref<64xi32, #tpu.memory_space<vmem>>
      %dma_start3A_541 = arith.constant 0 : i32
      %dma_start3A_542 = arith.constant 0 : i32
      %dma_start3A_543 = tpu.memref_slice %arg5[%dma_start3A_541, %dma_start3A_542] : memref<10000x64xbf16, #tpu.memory_space<vmem_shared>> -> memref<10000x64xbf16, #tpu.memory_space<vmem_shared>>
      tpu.enqueue_indirect_dma source(%dma_start3A_543 : memref<10000x64xbf16, #tpu.memory_space<vmem_shared>>) target(%arg9 : memref<64x64xbf16, #tpu.memory_space<vmem>>) offsets(%dma_start3A_540 : memref<64xi32, #tpu.memory_space<vmem>>) semaphore(%arg17 : memref<!tpu.dma_semaphore, #tpu.memory_space<semaphore_mem>>)
      %parallel_loop3A = arith.constant 0 : i32
      %parallel_loop3A_544 = arith.constant 64 : i32
      %parallel_loop3A_545 = arith.constant 2 : i32
      scf.for %parallel_loop3A_563 = %parallel_loop3A to %parallel_loop3A_544 step %parallel_loop3A_545  : i32 {
        %parallel_loop3A_564 = arith.constant 64 : i32
        %parallel_loop3A_565 = arith.muli %add3A_530, %parallel_loop3A_564 : i32
        %parallel_loop3A_566 = arith.addi %parallel_loop3A_565, %parallel_loop3A_563 : i32
        %parallel_loop3A_567 = arith.constant 0 : i32
        %parallel_loop3A_568 = arith.addi %parallel_loop3A_566, %parallel_loop3A_567 : i32
        %parallel_loop3A_569 = arith.index_cast %parallel_loop3A_568 : i32 to index
        %parallel_loop3A_570 = arith.constant 0 : index
        %parallel_loop3A_571 = tpu.vector_load %arg7[%parallel_loop3A_569, %parallel_loop3A_570] {strides = array<i32>} : memref<1664x64xbf16, #tpu.memory_space<vmem>>, vector<32xbf16>,
        %parallel_loop3A_572 = arith.constant 0 : i32
        %parallel_loop3A_573 = arith.addi %parallel_loop3A_563, %parallel_loop3A_572 : i32
        %parallel_loop3A_574 = arith.index_cast %parallel_loop3A_573 : i32 to index
        %parallel_loop3A_575 = arith.constant 0 : index
        %parallel_loop3A_576 = tpu.vector_load %arg8[%parallel_loop3A_574, %parallel_loop3A_575] {strides = array<i32>} : memref<64x64xbf16, #tpu.memory_space<vmem>>, vector<32xbf16>,
        %parallel_loop3A_577 = arith.addf %parallel_loop3A_571, %parallel_loop3A_576 : vector<32xbf16>
        %parallel_loop3A_578 = arith.index_cast %parallel_loop3A_568 : i32 to index
        %parallel_loop3A_579 = arith.constant 0 : index
        %parallel_loop3A_580 = tpu.vector_load %arg7[%parallel_loop3A_578, %parallel_loop3A_579] {strides = array<i32>} : memref<1664x64xbf16, #tpu.memory_space<vmem>>, vector<32xbf16>,
        tpu.vector_store %arg7[%parallel_loop3A_578, %parallel_loop3A_579], %parallel_loop3A_577 {strides = array<i32>} : memref<1664x64xbf16, #tpu.memory_space<vmem>>, vector<32xbf16>,
        %parallel_loop3A_581 = arith.constant 64 : i32
        %parallel_loop3A_582 = arith.muli %add3A_530, %parallel_loop3A_581 : i32
        %parallel_loop3A_583 = arith.addi %parallel_loop3A_582, %parallel_loop3A_563 : i32
        %parallel_loop3A_584 = arith.constant 0 : i32
        %parallel_loop3A_585 = arith.addi %parallel_loop3A_583, %parallel_loop3A_584 : i32
        %parallel_loop3A_586 = arith.index_cast %parallel_loop3A_585 : i32 to index
        %parallel_loop3A_587 = arith.constant 32 : index
        %parallel_loop3A_588 = tpu.vector_load %arg7[%parallel_loop3A_586, %parallel_loop3A_587] {strides = array<i32>} : memref<1664x64xbf16, #tpu.memory_space<vmem>>, vector<32xbf16>,
        %parallel_loop3A_589 = arith.constant 0 : i32
        %parallel_loop3A_590 = arith.addi %parallel_loop3A_563, %parallel_loop3A_589 : i32
        %parallel_loop3A_591 = arith.index_cast %parallel_loop3A_590 : i32 to index
        %parallel_loop3A_592 = arith.constant 32 : index
        %parallel_loop3A_593 = tpu.vector_load %arg8[%parallel_loop3A_591, %parallel_loop3A_592] {strides = array<i32>} : memref<64x64xbf16, #tpu.memory_space<vmem>>, vector<32xbf16>,
        %parallel_loop3A_594 = arith.addf %parallel_loop3A_588, %parallel_loop3A_593 : vector<32xbf16>
        %parallel_loop3A_595 = arith.index_cast %parallel_loop3A_585 : i32 to index
        %parallel_loop3A_596 = arith.constant 32 : index
        %parallel_loop3A_597 = tpu.vector_load %arg7[%parallel_loop3A_595, %parallel_loop3A_596] {strides = array<i32>} : memref<1664x64xbf16, #tpu.memory_space<vmem>>, vector<32xbf16>,
        tpu.vector_store %arg7[%parallel_loop3A_595, %parallel_loop3A_596], %parallel_loop3A_594 {strides = array<i32>} : memref<1664x64xbf16, #tpu.memory_space<vmem>>, vector<32xbf16>,
        %parallel_loop3A_598 = arith.constant 64 : i32
        %parallel_loop3A_599 = arith.muli %add3A_530, %parallel_loop3A_598 : i32
        %parallel_loop3A_600 = arith.addi %parallel_loop3A_599, %parallel_loop3A_563 : i32
        %parallel_loop3A_601 = arith.constant 1 : i32
        %parallel_loop3A_602 = arith.addi %parallel_loop3A_600, %parallel_loop3A_601 : i32
        %parallel_loop3A_603 = arith.index_cast %parallel_loop3A_602 : i32 to index
        %parallel_loop3A_604 = arith.constant 0 : index
        %parallel_loop3A_605 = tpu.vector_load %arg7[%parallel_loop3A_603, %parallel_loop3A_604] {strides = array<i32>} : memref<1664x64xbf16, #tpu.memory_space<vmem>>, vector<32xbf16>,
        %parallel_loop3A_606 = arith.constant 1 : i32
        %parallel_loop3A_607 = arith.addi %parallel_loop3A_563, %parallel_loop3A_606 : i32
        %parallel_loop3A_608 = arith.index_cast %parallel_loop3A_607 : i32 to index
        %parallel_loop3A_609 = arith.constant 0 : index
        %parallel_loop3A_610 = tpu.vector_load %arg8[%parallel_loop3A_608, %parallel_loop3A_609] {strides = array<i32>} : memref<64x64xbf16, #tpu.memory_space<vmem>>, vector<32xbf16>,
        %parallel_loop3A_611 = arith.addf %parallel_loop3A_605, %parallel_loop3A_610 : vector<32xbf16>
        %parallel_loop3A_612 = arith.index_cast %parallel_loop3A_602 : i32 to index
        %parallel_loop3A_613 = arith.constant 0 : index
        %parallel_loop3A_614 = tpu.vector_load %arg7[%parallel_loop3A_612, %parallel_loop3A_613] {strides = array<i32>} : memref<1664x64xbf16, #tpu.memory_space<vmem>>, vector<32xbf16>,
        tpu.vector_store %arg7[%parallel_loop3A_612, %parallel_loop3A_613], %parallel_loop3A_611 {strides = array<i32>} : memref<1664x64xbf16, #tpu.memory_space<vmem>>, vector<32xbf16>,
        %parallel_loop3A_615 = arith.constant 64 : i32
        %parallel_loop3A_616 = arith.muli %add3A_530, %parallel_loop3A_615 : i32
        %parallel_loop3A_617 = arith.addi %parallel_loop3A_616, %parallel_loop3A_563 : i32
        %parallel_loop3A_618 = arith.constant 1 : i32
        %parallel_loop3A_619 = arith.addi %parallel_loop3A_617, %parallel_loop3A_618 : i32
        %parallel_loop3A_620 = arith.index_cast %parallel_loop3A_619 : i32 to index
        %parallel_loop3A_621 = arith.constant 32 : index
        %parallel_loop3A_622 = tpu.vector_load %arg7[%parallel_loop3A_620, %parallel_loop3A_621] {strides = array<i32>} : memref<1664x64xbf16, #tpu.memory_space<vmem>>, vector<32xbf16>,
        %parallel_loop3A_623 = arith.constant 1 : i32
        %parallel_loop3A_624 = arith.addi %parallel_loop3A_563, %parallel_loop3A_623 : i32
        %parallel_loop3A_625 = arith.index_cast %parallel_loop3A_624 : i32 to index
        %parallel_loop3A_626 = arith.constant 32 : index
        %parallel_loop3A_627 = tpu.vector_load %arg8[%parallel_loop3A_625, %parallel_loop3A_626] {strides = array<i32>} : memref<64x64xbf16, #tpu.memory_space<vmem>>, vector<32xbf16>,
        %parallel_loop3A_628 = arith.addf %parallel_loop3A_622, %parallel_loop3A_627 : vector<32xbf16>
        %parallel_loop3A_629 = arith.index_cast %parallel_loop3A_619 : i32 to index
        %parallel_loop3A_630 = arith.constant 32 : index
        %parallel_loop3A_631 = tpu.vector_load %arg7[%parallel_loop3A_629, %parallel_loop3A_630] {strides = array<i32>} : memref<1664x64xbf16, #tpu.memory_space<vmem>>, vector<32xbf16>,
        tpu.vector_store %arg7[%parallel_loop3A_629, %parallel_loop3A_630], %parallel_loop3A_628 {strides = array<i32>} : memref<1664x64xbf16, #tpu.memory_space<vmem>>, vector<32xbf16>,
      } {sc.loop_unroll_factor = 4 : i64, sc.parallel_access}
      %dma_wait3A_546 = arith.constant 0 : i32
      %dma_wait3A_547 = tpu.memref_slice %arg10[%dma_wait3A_546] : memref<1664xi32, #tpu.memory_space<vmem>> -> memref<64xi32, #tpu.memory_space<vmem>>
      %dma_wait3A_548 = arith.constant 0 : i32
      %dma_wait3A_549 = arith.constant 0 : i32
      %dma_wait3A_550 = tpu.memref_slice %arg5[%dma_wait3A_548, %dma_wait3A_549] : memref<10000x64xbf16, #tpu.memory_space<vmem_shared>> -> memref<10000x64xbf16, #tpu.memory_space<vmem_shared>>
      tpu.wait_indirect_dma semaphore(%arg17 : memref<!tpu.dma_semaphore, #tpu.memory_space<semaphore_mem>>) src(%dma_wait3A_550 : memref<10000x64xbf16, #tpu.memory_space<vmem_shared>>) dst(%arg9 : memref<64x64xbf16, #tpu.memory_space<vmem>>)
      %add3A_551 = arith.constant 2 : i32
      %add3A_552 = arith.addi %add3A_530, %add3A_551 : i32
      %lt3A_553 = arith.constant 26 : i32
      %lt3A_554 = arith.cmpi slt, %add3A_552, %lt3A_553 : i32
      %convert_element_type3A_555 = arith.extui %lt3A_554 : i1 to i32
      %cond3A_556 = arith.constant 0 : i32
      %cond3A_557 = arith.cmpi ne, %convert_element_type3A_555, %cond3A_556 : i32
      scf.if %cond3A_557 {
        %add3A_563 = arith.constant 2 : i32
        %add3A_564 = arith.addi %add3A_530, %add3A_563 : i32
        %mul3A_565 = arith.constant 64 : i32
        %mul3A_566 = arith.muli %add3A_564, %mul3A_565 : i32
        %dma_start3A_567 = tpu.memref_slice %arg10[%mul3A_566] : memref<1664xi32, #tpu.memory_space<vmem>> -> memref<64xi32, #tpu.memory_space<vmem>>
        %dma_start3A_568 = arith.constant 0 : i32
        %dma_start3A_569 = arith.constant 0 : i32
        %dma_start3A_570 = tpu.memref_slice %arg5[%dma_start3A_568, %dma_start3A_569] : memref<10000x64xbf16, #tpu.memory_space<vmem_shared>> -> memref<10000x64xbf16, #tpu.memory_space<vmem_shared>>
        tpu.enqueue_indirect_dma source(%dma_start3A_570 : memref<10000x64xbf16, #tpu.memory_space<vmem_shared>>) target(%arg8 : memref<64x64xbf16, #tpu.memory_space<vmem>>) offsets(%dma_start3A_567 : memref<64xi32, #tpu.memory_space<vmem>>) semaphore(%arg16 : memref<!tpu.dma_semaphore, #tpu.memory_space<semaphore_mem>>)
      } else {
      }
      %add3A_558 = arith.constant 1 : i32
      %add3A_559 = arith.addi %add3A_530, %add3A_558 : i32
      %parallel_loop3A_560 = arith.constant 0 : i32
      %parallel_loop3A_561 = arith.constant 64 : i32
      %parallel_loop3A_562 = arith.constant 2 : i32
      scf.for %parallel_loop3A_563 = %parallel_loop3A_560 to %parallel_loop3A_561 step %parallel_loop3A_562  : i32 {
        %parallel_loop3A_564 = arith.constant 64 : i32
        %parallel_loop3A_565 = arith.muli %add3A_559, %parallel_loop3A_564 : i32
        %parallel_loop3A_566 = arith.addi %parallel_loop3A_565, %parallel_loop3A_563 : i32
        %parallel_loop3A_567 = arith.constant 0 : i32
        %parallel_loop3A_568 = arith.addi %parallel_loop3A_566, %parallel_loop3A_567 : i32
        %parallel_loop3A_569 = arith.index_cast %parallel_loop3A_568 : i32 to index
        %parallel_loop3A_570 = arith.constant 0 : index
        %parallel_loop3A_571 = tpu.vector_load %arg7[%parallel_loop3A_569, %parallel_loop3A_570] {strides = array<i32>} : memref<1664x64xbf16, #tpu.memory_space<vmem>>, vector<32xbf16>,
        %parallel_loop3A_572 = arith.constant 0 : i32
        %parallel_loop3A_573 = arith.addi %parallel_loop3A_563, %parallel_loop3A_572 : i32
        %parallel_loop3A_574 = arith.index_cast %parallel_loop3A_573 : i32 to index
        %parallel_loop3A_575 = arith.constant 0 : index
        %parallel_loop3A_576 = tpu.vector_load %arg9[%parallel_loop3A_574, %parallel_loop3A_575] {strides = array<i32>} : memref<64x64xbf16, #tpu.memory_space<vmem>>, vector<32xbf16>,
        %parallel_loop3A_577 = arith.addf %parallel_loop3A_571, %parallel_loop3A_576 : vector<32xbf16>
        %parallel_loop3A_578 = arith.index_cast %parallel_loop3A_568 : i32 to index
        %parallel_loop3A_579 = arith.constant 0 : index
        %parallel_loop3A_580 = tpu.vector_load %arg7[%parallel_loop3A_578, %parallel_loop3A_579] {strides = array<i32>} : memref<1664x64xbf16, #tpu.memory_space<vmem>>, vector<32xbf16>,
        tpu.vector_store %arg7[%parallel_loop3A_578, %parallel_loop3A_579], %parallel_loop3A_577 {strides = array<i32>} : memref<1664x64xbf16, #tpu.memory_space<vmem>>, vector<32xbf16>,
        %parallel_loop3A_581 = arith.constant 64 : i32
        %parallel_loop3A_582 = arith.muli %add3A_559, %parallel_loop3A_581 : i32
        %parallel_loop3A_583 = arith.addi %parallel_loop3A_582, %parallel_loop3A_563 : i32
        %parallel_loop3A_584 = arith.constant 0 : i32
        %parallel_loop3A_585 = arith.addi %parallel_loop3A_583, %parallel_loop3A_584 : i32
        %parallel_loop3A_586 = arith.index_cast %parallel_loop3A_585 : i32 to index
        %parallel_loop3A_587 = arith.constant 32 : index
        %parallel_loop3A_588 = tpu.vector_load %arg7[%parallel_loop3A_586, %parallel_loop3A_587] {strides = array<i32>} : memref<1664x64xbf16, #tpu.memory_space<vmem>>, vector<32xbf16>,
        %parallel_loop3A_589 = arith.constant 0 : i32
        %parallel_loop3A_590 = arith.addi %parallel_loop3A_563, %parallel_loop3A_589 : i32
        %parallel_loop3A_591 = arith.index_cast %parallel_loop3A_590 : i32 to index
        %parallel_loop3A_592 = arith.constant 32 : index
        %parallel_loop3A_593 = tpu.vector_load %arg9[%parallel_loop3A_591, %parallel_loop3A_592] {strides = array<i32>} : memref<64x64xbf16, #tpu.memory_space<vmem>>, vector<32xbf16>,
        %parallel_loop3A_594 = arith.addf %parallel_loop3A_588, %parallel_loop3A_593 : vector<32xbf16>
        %parallel_loop3A_595 = arith.index_cast %parallel_loop3A_585 : i32 to index
        %parallel_loop3A_596 = arith.constant 32 : index
        %parallel_loop3A_597 = tpu.vector_load %arg7[%parallel_loop3A_595, %parallel_loop3A_596] {strides = array<i32>} : memref<1664x64xbf16, #tpu.memory_space<vmem>>, vector<32xbf16>,
        tpu.vector_store %arg7[%parallel_loop3A_595, %parallel_loop3A_596], %parallel_loop3A_594 {strides = array<i32>} : memref<1664x64xbf16, #tpu.memory_space<vmem>>, vector<32xbf16>,
        %parallel_loop3A_598 = arith.constant 64 : i32
        %parallel_loop3A_599 = arith.muli %add3A_559, %parallel_loop3A_598 : i32
        %parallel_loop3A_600 = arith.addi %parallel_loop3A_599, %parallel_loop3A_563 : i32
        %parallel_loop3A_601 = arith.constant 1 : i32
        %parallel_loop3A_602 = arith.addi %parallel_loop3A_600, %parallel_loop3A_601 : i32
        %parallel_loop3A_603 = arith.index_cast %parallel_loop3A_602 : i32 to index
        %parallel_loop3A_604 = arith.constant 0 : index
        %parallel_loop3A_605 = tpu.vector_load %arg7[%parallel_loop3A_603, %parallel_loop3A_604] {strides = array<i32>} : memref<1664x64xbf16, #tpu.memory_space<vmem>>, vector<32xbf16>,
        %parallel_loop3A_606 = arith.constant 1 : i32
        %parallel_loop3A_607 = arith.addi %parallel_loop3A_563, %parallel_loop3A_606 : i32
        %parallel_loop3A_608 = arith.index_cast %parallel_loop3A_607 : i32 to index
        %parallel_loop3A_609 = arith.constant 0 : index
        %parallel_loop3A_610 = tpu.vector_load %arg9[%parallel_loop3A_608, %parallel_loop3A_609] {strides = array<i32>} : memref<64x64xbf16, #tpu.memory_space<vmem>>, vector<32xbf16>,
        %parallel_loop3A_611 = arith.addf %parallel_loop3A_605, %parallel_loop3A_610 : vector<32xbf16>
        %parallel_loop3A_612 = arith.index_cast %parallel_loop3A_602 : i32 to index
        %parallel_loop3A_613 = arith.constant 0 : index
        %parallel_loop3A_614 = tpu.vector_load %arg7[%parallel_loop3A_612, %parallel_loop3A_613] {strides = array<i32>} : memref<1664x64xbf16, #tpu.memory_space<vmem>>, vector<32xbf16>,
        tpu.vector_store %arg7[%parallel_loop3A_612, %parallel_loop3A_613], %parallel_loop3A_611 {strides = array<i32>} : memref<1664x64xbf16, #tpu.memory_space<vmem>>, vector<32xbf16>,
        %parallel_loop3A_615 = arith.constant 64 : i32
        %parallel_loop3A_616 = arith.muli %add3A_559, %parallel_loop3A_615 : i32
        %parallel_loop3A_617 = arith.addi %parallel_loop3A_616, %parallel_loop3A_563 : i32
        %parallel_loop3A_618 = arith.constant 1 : i32
        %parallel_loop3A_619 = arith.addi %parallel_loop3A_617, %parallel_loop3A_618 : i32
        %parallel_loop3A_620 = arith.index_cast %parallel_loop3A_619 : i32 to index
        %parallel_loop3A_621 = arith.constant 32 : index
        %parallel_loop3A_622 = tpu.vector_load %arg7[%parallel_loop3A_620, %parallel_loop3A_621] {strides = array<i32>} : memref<1664x64xbf16, #tpu.memory_space<vmem>>, vector<32xbf16>,
        %parallel_loop3A_623 = arith.constant 1 : i32
        %parallel_loop3A_624 = arith.addi %parallel_loop3A_563, %parallel_loop3A_623 : i32
        %parallel_loop3A_625 = arith.index_cast %parallel_loop3A_624 : i32 to index
        %parallel_loop3A_626 = arith.constant 32 : index
        %parallel_loop3A_627 = tpu.vector_load %arg9[%parallel_loop3A_625, %parallel_loop3A_626] {strides = array<i32>} : memref<64x64xbf16, #tpu.memory_space<vmem>>, vector<32xbf16>,
        %parallel_loop3A_628 = arith.addf %parallel_loop3A_622, %parallel_loop3A_627 : vector<32xbf16>
        %parallel_loop3A_629 = arith.index_cast %parallel_loop3A_619 : i32 to index
        %parallel_loop3A_630 = arith.constant 32 : index
        %parallel_loop3A_631 = tpu.vector_load %arg7[%parallel_loop3A_629, %parallel_loop3A_630] {strides = array<i32>} : memref<1664x64xbf16, #tpu.memory_space<vmem>>, vector<32xbf16>,
        tpu.vector_store %arg7[%parallel_loop3A_629, %parallel_loop3A_630], %parallel_loop3A_628 {strides = array<i32>} : memref<1664x64xbf16, #tpu.memory_space<vmem>>, vector<32xbf16>,
      } {sc.loop_unroll_factor = 4 : i64, sc.parallel_access}
    }
    %scan3A_427 = arith.constant 13 : i32
    %lt3A_428 = arith.constant 30 : i32
    %lt3A_429 = arith.cmpi slt, %add3A, %lt3A_428 : i32
    %convert_element_type3A_430 = arith.extui %lt3A_429 : i1 to i32
    %cond3A_431 = arith.constant 0 : i32
    %cond3A_432 = arith.cmpi ne, %convert_element_type3A_430, %cond3A_431 : i32
    scf.if %cond3A_432 {
      %mul3A_526 = arith.constant 1664 : i32
      %mul3A_527 = arith.muli %add3A, %mul3A_526 : i32
      %dma_start3A_528 = arith.constant 8 : i32
      %dma_start3A_529 = tpu.memref_slice %arg3[%dma_start3A_528, %mul3A_527] : memref<9x50000xi32, #tpu.memory_space<hbm>> -> memref<1x1664xi32, #tpu.memory_space<hbm>>
      %dma_start3A_530 = tpu.memref_squeeze %dma_start3A_529 : memref<1x1664xi32, #tpu.memory_space<hbm>> -> memref<1664xi32, #tpu.memory_space<hbm>>
      %dma_start3A_531 = tpu.memref_slice %arg3[%dma_start3A_528, %mul3A_527] : memref<9x50000xi32, #tpu.memory_space<hbm>> -> memref<1x1664xi32, #tpu.memory_space<hbm>>
      %dma_start3A_532 = tpu.memref_squeeze %dma_start3A_531 : memref<1x1664xi32, #tpu.memory_space<hbm>> -> memref<1664xi32, #tpu.memory_space<hbm>>
      tpu.enqueue_dma source(%dma_start3A_532 : memref<1664xi32, #tpu.memory_space<hbm>>) target(%arg10 : memref<1664xi32, #tpu.memory_space<vmem>>) target_semaphore(%arg18 : memref<!tpu.dma_semaphore, #tpu.memory_space<semaphore_mem>>)
    } else {
    }
    %eq3A_433 = arith.constant 30 : i32
    %eq3A_434 = arith.cmpi eq, %add3A, %eq3A_433 : i32
    %convert_element_type3A_435 = arith.extui %eq3A_434 : i1 to i32
    %cond3A_436 = arith.constant 0 : i32
    %cond3A_437 = arith.cmpi ne, %convert_element_type3A_435, %cond3A_436 : i32
    scf.if %cond3A_437 {
      %dma_start3A_526 = arith.constant 8 : i32
      %dma_start3A_527 = arith.constant 0 : i32
      %dma_start3A_528 = tpu.memref_slice %arg10[%dma_start3A_527] : memref<1664xi32, #tpu.memory_space<vmem>> -> memref<80xi32, #tpu.memory_space<vmem>>
      %dma_start3A_529 = arith.constant 49920 : i32
      %dma_start3A_530 = tpu.memref_slice %arg3[%dma_start3A_526, %dma_start3A_529] : memref<9x50000xi32, #tpu.memory_space<hbm>> -> memref<1x80xi32, #tpu.memory_space<hbm>>
      %dma_start3A_531 = tpu.memref_squeeze %dma_start3A_530 : memref<1x80xi32, #tpu.memory_space<hbm>> -> memref<80xi32, #tpu.memory_space<hbm>>
      %dma_start3A_532 = arith.constant 0 : i32
      %dma_start3A_533 = tpu.memref_slice %arg10[%dma_start3A_532] : memref<1664xi32, #tpu.memory_space<vmem>> -> memref<80xi32, #tpu.memory_space<vmem>>
      %dma_start3A_534 = arith.constant 49920 : i32
      %dma_start3A_535 = tpu.memref_slice %arg3[%dma_start3A_526, %dma_start3A_534] : memref<9x50000xi32, #tpu.memory_space<hbm>> -> memref<1x80xi32, #tpu.memory_space<hbm>>
      %dma_start3A_536 = tpu.memref_squeeze %dma_start3A_535 : memref<1x80xi32, #tpu.memory_space<hbm>> -> memref<80xi32, #tpu.memory_space<hbm>>
      tpu.enqueue_dma source(%dma_start3A_536 : memref<80xi32, #tpu.memory_space<hbm>>) target(%dma_start3A_533 : memref<80xi32, #tpu.memory_space<vmem>>) target_semaphore(%arg18 : memref<!tpu.dma_semaphore, #tpu.memory_space<semaphore_mem>>)
      %parallel_loop3A = arith.constant 5 : i32
      %parallel_loop3A_537 = arith.constant 104 : i32
      %parallel_loop3A_538 = arith.constant 1 : i32
      scf.for %parallel_loop3A_539 = %parallel_loop3A to %parallel_loop3A_537 step %parallel_loop3A_538  : i32 {
        %parallel_loop3A_540 = arith.constant 16 : i32
        %parallel_loop3A_541 = arith.muli %parallel_loop3A_539, %parallel_loop3A_540 : i32
        %parallel_loop3A_542 = arith.index_cast %parallel_loop3A_541 : i32 to index
        %parallel_loop3A_543 = tpu.vector_load %arg10[%parallel_loop3A_542] {strides = array<i32>} : memref<1664xi32, #tpu.memory_space<vmem>>, vector<16xi32>,
        tpu.vector_store %arg10[%parallel_loop3A_542], %broadcast_in_dim3A_1 {strides = array<i32>} : memref<1664xi32, #tpu.memory_space<vmem>>, vector<16xi32>,
      } {sc.loop_unroll_factor = 4 : i64, sc.parallel_access}
    } else {
    }
    %gt3A_438 = arith.constant 30 : i32
    %gt3A_439 = arith.cmpi sgt, %add3A, %gt3A_438 : i32
    %convert_element_type3A_440 = arith.extui %gt3A_439 : i1 to i32
    %cond3A_441 = arith.constant 0 : i32
    %cond3A_442 = arith.cmpi ne, %convert_element_type3A_440, %cond3A_441 : i32
    scf.if %cond3A_442 {
      %parallel_loop3A = arith.constant 0 : i32
      %parallel_loop3A_526 = arith.constant 104 : i32
      %parallel_loop3A_527 = arith.constant 1 : i32
      scf.for %parallel_loop3A_528 = %parallel_loop3A to %parallel_loop3A_526 step %parallel_loop3A_527  : i32 {
        %parallel_loop3A_529 = arith.constant 16 : i32
        %parallel_loop3A_530 = arith.muli %parallel_loop3A_528, %parallel_loop3A_529 : i32
        %parallel_loop3A_531 = arith.index_cast %parallel_loop3A_530 : i32 to index
        %parallel_loop3A_532 = tpu.vector_load %arg10[%parallel_loop3A_531] {strides = array<i32>} : memref<1664xi32, #tpu.memory_space<vmem>>, vector<16xi32>,
        tpu.vector_store %arg10[%parallel_loop3A_531], %broadcast_in_dim3A_1 {strides = array<i32>} : memref<1664xi32, #tpu.memory_space<vmem>>, vector<16xi32>,
      } {sc.loop_unroll_factor = 4 : i64, sc.parallel_access}
    } else {
    }
    %lt3A_443 = arith.constant 30 : i32
    %lt3A_444 = arith.cmpi slt, %add3A, %lt3A_443 : i32
    %convert_element_type3A_445 = arith.extui %lt3A_444 : i1 to i32
    %cond3A_446 = arith.constant 0 : i32
    %cond3A_447 = arith.cmpi ne, %convert_element_type3A_445, %cond3A_446 : i32
    scf.if %cond3A_447 {
      %mul3A_526 = arith.constant 1664 : i32
      %mul3A_527 = arith.muli %add3A, %mul3A_526 : i32
      %dma_wait3A_528 = arith.constant 7 : i32
      %dma_wait3A_529 = tpu.memref_slice %arg3[%dma_wait3A_528, %mul3A_527] : memref<9x50000xi32, #tpu.memory_space<hbm>> -> memref<1x1664xi32, #tpu.memory_space<hbm>>
      %dma_wait3A_530 = tpu.memref_squeeze %dma_wait3A_529 : memref<1x1664xi32, #tpu.memory_space<hbm>> -> memref<1664xi32, #tpu.memory_space<hbm>>
      %dma_wait3A_531 = tpu.memref_slice %arg3[%dma_wait3A_528, %mul3A_527] : memref<9x50000xi32, #tpu.memory_space<hbm>> -> memref<1x1664xi32, #tpu.memory_space<hbm>>
      %dma_wait3A_532 = tpu.memref_squeeze %dma_wait3A_531 : memref<1x1664xi32, #tpu.memory_space<hbm>> -> memref<1664xi32, #tpu.memory_space<hbm>>
      tpu.wait_dma2 semaphore(%arg19 : memref<!tpu.dma_semaphore, #tpu.memory_space<semaphore_mem>>) src(%dma_wait3A_532 : memref<1664xi32, #tpu.memory_space<hbm>>) dst(%arg11 : memref<1664xi32, #tpu.memory_space<vmem>>)
    } else {
    }
    %eq3A_448 = arith.constant 30 : i32
    %eq3A_449 = arith.cmpi eq, %add3A, %eq3A_448 : i32
    %convert_element_type3A_450 = arith.extui %eq3A_449 : i1 to i32
    %cond3A_451 = arith.constant 0 : i32
    %cond3A_452 = arith.cmpi ne, %convert_element_type3A_450, %cond3A_451 : i32
    scf.if %cond3A_452 {
      %dma_wait3A_526 = arith.constant 7 : i32
      %dma_wait3A_527 = arith.constant 0 : i32
      %dma_wait3A_528 = tpu.memref_slice %arg11[%dma_wait3A_527] : memref<1664xi32, #tpu.memory_space<vmem>> -> memref<80xi32, #tpu.memory_space<vmem>>
      %dma_wait3A_529 = arith.constant 49920 : i32
      %dma_wait3A_530 = tpu.memref_slice %arg3[%dma_wait3A_526, %dma_wait3A_529] : memref<9x50000xi32, #tpu.memory_space<hbm>> -> memref<1x80xi32, #tpu.memory_space<hbm>>
      %dma_wait3A_531 = tpu.memref_squeeze %dma_wait3A_530 : memref<1x80xi32, #tpu.memory_space<hbm>> -> memref<80xi32, #tpu.memory_space<hbm>>
      %dma_wait3A_532 = arith.constant 0 : i32
      %dma_wait3A_533 = tpu.memref_slice %arg11[%dma_wait3A_532] : memref<1664xi32, #tpu.memory_space<vmem>> -> memref<80xi32, #tpu.memory_space<vmem>>
      %dma_wait3A_534 = arith.constant 49920 : i32
      %dma_wait3A_535 = tpu.memref_slice %arg3[%dma_wait3A_526, %dma_wait3A_534] : memref<9x50000xi32, #tpu.memory_space<hbm>> -> memref<1x80xi32, #tpu.memory_space<hbm>>
      %dma_wait3A_536 = tpu.memref_squeeze %dma_wait3A_535 : memref<1x80xi32, #tpu.memory_space<hbm>> -> memref<80xi32, #tpu.memory_space<hbm>>
      tpu.wait_dma2 semaphore(%arg19 : memref<!tpu.dma_semaphore, #tpu.memory_space<semaphore_mem>>) src(%dma_wait3A_536 : memref<80xi32, #tpu.memory_space<hbm>>) dst(%dma_wait3A_533 : memref<80xi32, #tpu.memory_space<vmem>>)
    } else {
    }
    %mul3A_453 = arith.constant 624 : i32
    %mul3A_454 = arith.muli %arg1, %mul3A_453 : i32
    %dma_wait3A_455 = arith.constant 0 : i32
    %dma_wait3A_456 = tpu.memref_slice %arg6[%mul3A_454, %dma_wait3A_455] : memref<10000x64xbf16, #tpu.memory_space<vmem_shared>> -> memref<624x64xbf16, #tpu.memory_space<vmem_shared>>
    %dma_wait3A_457 = arith.constant 448 : i32
    %dma_wait3A_458 = tpu.memref_slice %arg2[%mul3A_454, %dma_wait3A_457] : memref<10000x576xbf16, #tpu.memory_space<hbm>> -> memref<624x64xbf16, #tpu.memory_space<hbm>>
    tpu.wait_dma2 semaphore(%arg15 : memref<!tpu.dma_semaphore, #tpu.memory_space<semaphore_mem>>) src(%dma_wait3A_458 : memref<624x64xbf16, #tpu.memory_space<hbm>>) dst(%dma_wait3A_456 : memref<624x64xbf16, #tpu.memory_space<vmem_shared>>)
    %eq3A_459 = arith.constant 0 : i32
    %eq3A_460 = arith.cmpi eq, %arg1, %eq3A_459 : i32
    %convert_element_type3A_461 = arith.extui %eq3A_460 : i1 to i32
    %cond3A_462 = arith.constant 0 : i32
    %cond3A_463 = arith.cmpi ne, %convert_element_type3A_461, %cond3A_462 : i32
    scf.if %cond3A_463 {
      %dma_wait3A_526 = arith.constant 9984 : i32
      %dma_wait3A_527 = arith.constant 0 : i32
      %dma_wait3A_528 = tpu.memref_slice %arg6[%dma_wait3A_526, %dma_wait3A_527] : memref<10000x64xbf16, #tpu.memory_space<vmem_shared>> -> memref<16x64xbf16, #tpu.memory_space<vmem_shared>>
      %dma_wait3A_529 = arith.constant 9984 : i32
      %dma_wait3A_530 = arith.constant 448 : i32
      %dma_wait3A_531 = tpu.memref_slice %arg2[%dma_wait3A_529, %dma_wait3A_530] : memref<10000x576xbf16, #tpu.memory_space<hbm>> -> memref<16x64xbf16, #tpu.memory_space<hbm>>
      tpu.wait_dma2 semaphore(%arg15 : memref<!tpu.dma_semaphore, #tpu.memory_space<semaphore_mem>>) src(%dma_wait3A_531 : memref<16x64xbf16, #tpu.memory_space<hbm>>) dst(%dma_wait3A_528 : memref<16x64xbf16, #tpu.memory_space<vmem_shared>>)
    } else {
    }
    %barrier3A_464 = arith.constant 0 : index
    tpu.barrier barrier_id(%barrier3A_464)
    %mul3A_465 = arith.constant 624 : i32
    %mul3A_466 = arith.muli %arg1, %mul3A_465 : i32
    %dma_start3A_467 = arith.constant 0 : i32
    %dma_start3A_468 = tpu.memref_slice %arg5[%mul3A_466, %dma_start3A_467] : memref<10000x64xbf16, #tpu.memory_space<vmem_shared>> -> memref<624x64xbf16, #tpu.memory_space<vmem_shared>>
    %dma_start3A_469 = arith.constant 512 : i32
    %dma_start3A_470 = tpu.memref_slice %arg2[%mul3A_466, %dma_start3A_469] : memref<10000x576xbf16, #tpu.memory_space<hbm>> -> memref<624x64xbf16, #tpu.memory_space<hbm>>
    tpu.enqueue_dma source(%dma_start3A_470 : memref<624x64xbf16, #tpu.memory_space<hbm>>) target(%dma_start3A_468 : memref<624x64xbf16, #tpu.memory_space<vmem_shared>>) target_semaphore(%arg14 : memref<!tpu.dma_semaphore, #tpu.memory_space<semaphore_mem>>)
    %eq3A_471 = arith.constant 0 : i32
    %eq3A_472 = arith.cmpi eq, %arg1, %eq3A_471 : i32
    %convert_element_type3A_473 = arith.extui %eq3A_472 : i1 to i32
    %cond3A_474 = arith.constant 0 : i32
    %cond3A_475 = arith.cmpi ne, %convert_element_type3A_473, %cond3A_474 : i32
    scf.if %cond3A_475 {
      %dma_start3A_526 = arith.constant 9984 : i32
      %dma_start3A_527 = arith.constant 0 : i32
      %dma_start3A_528 = tpu.memref_slice %arg5[%dma_start3A_526, %dma_start3A_527] : memref<10000x64xbf16, #tpu.memory_space<vmem_shared>> -> memref<16x64xbf16, #tpu.memory_space<vmem_shared>>
      %dma_start3A_529 = arith.constant 9984 : i32
      %dma_start3A_530 = arith.constant 512 : i32
      %dma_start3A_531 = tpu.memref_slice %arg2[%dma_start3A_529, %dma_start3A_530] : memref<10000x576xbf16, #tpu.memory_space<hbm>> -> memref<16x64xbf16, #tpu.memory_space<hbm>>
      tpu.enqueue_dma source(%dma_start3A_531 : memref<16x64xbf16, #tpu.memory_space<hbm>>) target(%dma_start3A_528 : memref<16x64xbf16, #tpu.memory_space<vmem_shared>>) target_semaphore(%arg14 : memref<!tpu.dma_semaphore, #tpu.memory_space<semaphore_mem>>)
    } else {
    }
    %dma_start3A_476 = arith.constant 0 : i32
    %dma_start3A_477 = tpu.memref_slice %arg11[%dma_start3A_476] : memref<1664xi32, #tpu.memory_space<vmem>> -> memref<64xi32, #tpu.memory_space<vmem>>
    %dma_start3A_478 = arith.constant 0 : i32
    %dma_start3A_479 = arith.constant 0 : i32
    %dma_start3A_480 = tpu.memref_slice %arg6[%dma_start3A_478, %dma_start3A_479] : memref<10000x64xbf16, #tpu.memory_space<vmem_shared>> -> memref<10000x64xbf16, #tpu.memory_space<vmem_shared>>
    tpu.enqueue_indirect_dma source(%dma_start3A_480 : memref<10000x64xbf16, #tpu.memory_space<vmem_shared>>) target(%arg8 : memref<64x64xbf16, #tpu.memory_space<vmem>>) offsets(%dma_start3A_477 : memref<64xi32, #tpu.memory_space<vmem>>) semaphore(%arg16 : memref<!tpu.dma_semaphore, #tpu.memory_space<semaphore_mem>>)
    %scan3A_481 = arith.constant 0 : i32
    %scan3A_482 = arith.constant 13 : i32
    %scan3A_483 = arith.addi %scan3A_481, %scan3A_482 : i32
    %scan3A_484 = arith.constant 1 : i32
    scf.for %scan3A_526 = %scan3A_481 to %scan3A_483 step %scan3A_484  : i32 {
      %mul3A_527 = arith.constant 2 : i32
      %mul3A_528 = arith.muli %scan3A_526, %mul3A_527 : i32
      %add3A_529 = arith.constant 0 : i32
      %add3A_530 = arith.addi %add3A_529, %mul3A_528 : i32
      %dma_wait3A_531 = arith.constant 0 : i32
      %dma_wait3A_532 = tpu.memref_slice %arg11[%dma_wait3A_531] : memref<1664xi32, #tpu.memory_space<vmem>> -> memref<64xi32, #tpu.memory_space<vmem>>
      %dma_wait3A_533 = arith.constant 0 : i32
      %dma_wait3A_534 = arith.constant 0 : i32
      %dma_wait3A_535 = tpu.memref_slice %arg6[%dma_wait3A_533, %dma_wait3A_534] : memref<10000x64xbf16, #tpu.memory_space<vmem_shared>> -> memref<10000x64xbf16, #tpu.memory_space<vmem_shared>>
      tpu.wait_indirect_dma semaphore(%arg16 : memref<!tpu.dma_semaphore, #tpu.memory_space<semaphore_mem>>) src(%dma_wait3A_535 : memref<10000x64xbf16, #tpu.memory_space<vmem_shared>>) dst(%arg8 : memref<64x64xbf16, #tpu.memory_space<vmem>>)
      %add3A_536 = arith.constant 1 : i32
      %add3A_537 = arith.addi %add3A_530, %add3A_536 : i32
      %mul3A_538 = arith.constant 64 : i32
      %mul3A_539 = arith.muli %add3A_537, %mul3A_538 : i32
      %dma_start3A_540 = tpu.memref_slice %arg11[%mul3A_539] : memref<1664xi32, #tpu.memory_space<vmem>> -> memref<64xi32, #tpu.memory_space<vmem>>
      %dma_start3A_541 = arith.constant 0 : i32
      %dma_start3A_542 = arith.constant 0 : i32
      %dma_start3A_543 = tpu.memref_slice %arg6[%dma_start3A_541, %dma_start3A_542] : memref<10000x64xbf16, #tpu.memory_space<vmem_shared>> -> memref<10000x64xbf16, #tpu.memory_space<vmem_shared>>
      tpu.enqueue_indirect_dma source(%dma_start3A_543 : memref<10000x64xbf16, #tpu.memory_space<vmem_shared>>) target(%arg9 : memref<64x64xbf16, #tpu.memory_space<vmem>>) offsets(%dma_start3A_540 : memref<64xi32, #tpu.memory_space<vmem>>) semaphore(%arg17 : memref<!tpu.dma_semaphore, #tpu.memory_space<semaphore_mem>>)
      %parallel_loop3A = arith.constant 0 : i32
      %parallel_loop3A_544 = arith.constant 64 : i32
      %parallel_loop3A_545 = arith.constant 2 : i32
      scf.for %parallel_loop3A_563 = %parallel_loop3A to %parallel_loop3A_544 step %parallel_loop3A_545  : i32 {
        %parallel_loop3A_564 = arith.constant 64 : i32
        %parallel_loop3A_565 = arith.muli %add3A_530, %parallel_loop3A_564 : i32
        %parallel_loop3A_566 = arith.addi %parallel_loop3A_565, %parallel_loop3A_563 : i32
        %parallel_loop3A_567 = arith.constant 0 : i32
        %parallel_loop3A_568 = arith.addi %parallel_loop3A_566, %parallel_loop3A_567 : i32
        %parallel_loop3A_569 = arith.index_cast %parallel_loop3A_568 : i32 to index
        %parallel_loop3A_570 = arith.constant 0 : index
        %parallel_loop3A_571 = tpu.vector_load %arg7[%parallel_loop3A_569, %parallel_loop3A_570] {strides = array<i32>} : memref<1664x64xbf16, #tpu.memory_space<vmem>>, vector<32xbf16>,
        %parallel_loop3A_572 = arith.constant 0 : i32
        %parallel_loop3A_573 = arith.addi %parallel_loop3A_563, %parallel_loop3A_572 : i32
        %parallel_loop3A_574 = arith.index_cast %parallel_loop3A_573 : i32 to index
        %parallel_loop3A_575 = arith.constant 0 : index
        %parallel_loop3A_576 = tpu.vector_load %arg8[%parallel_loop3A_574, %parallel_loop3A_575] {strides = array<i32>} : memref<64x64xbf16, #tpu.memory_space<vmem>>, vector<32xbf16>,
        %parallel_loop3A_577 = arith.addf %parallel_loop3A_571, %parallel_loop3A_576 : vector<32xbf16>
        %parallel_loop3A_578 = arith.index_cast %parallel_loop3A_568 : i32 to index
        %parallel_loop3A_579 = arith.constant 0 : index
        %parallel_loop3A_580 = tpu.vector_load %arg7[%parallel_loop3A_578, %parallel_loop3A_579] {strides = array<i32>} : memref<1664x64xbf16, #tpu.memory_space<vmem>>, vector<32xbf16>,
        tpu.vector_store %arg7[%parallel_loop3A_578, %parallel_loop3A_579], %parallel_loop3A_577 {strides = array<i32>} : memref<1664x64xbf16, #tpu.memory_space<vmem>>, vector<32xbf16>,
        %parallel_loop3A_581 = arith.constant 64 : i32
        %parallel_loop3A_582 = arith.muli %add3A_530, %parallel_loop3A_581 : i32
        %parallel_loop3A_583 = arith.addi %parallel_loop3A_582, %parallel_loop3A_563 : i32
        %parallel_loop3A_584 = arith.constant 0 : i32
        %parallel_loop3A_585 = arith.addi %parallel_loop3A_583, %parallel_loop3A_584 : i32
        %parallel_loop3A_586 = arith.index_cast %parallel_loop3A_585 : i32 to index
        %parallel_loop3A_587 = arith.constant 32 : index
        %parallel_loop3A_588 = tpu.vector_load %arg7[%parallel_loop3A_586, %parallel_loop3A_587] {strides = array<i32>} : memref<1664x64xbf16, #tpu.memory_space<vmem>>, vector<32xbf16>,
        %parallel_loop3A_589 = arith.constant 0 : i32
        %parallel_loop3A_590 = arith.addi %parallel_loop3A_563, %parallel_loop3A_589 : i32
        %parallel_loop3A_591 = arith.index_cast %parallel_loop3A_590 : i32 to index
        %parallel_loop3A_592 = arith.constant 32 : index
        %parallel_loop3A_593 = tpu.vector_load %arg8[%parallel_loop3A_591, %parallel_loop3A_592] {strides = array<i32>} : memref<64x64xbf16, #tpu.memory_space<vmem>>, vector<32xbf16>,
        %parallel_loop3A_594 = arith.addf %parallel_loop3A_588, %parallel_loop3A_593 : vector<32xbf16>
        %parallel_loop3A_595 = arith.index_cast %parallel_loop3A_585 : i32 to index
        %parallel_loop3A_596 = arith.constant 32 : index
        %parallel_loop3A_597 = tpu.vector_load %arg7[%parallel_loop3A_595, %parallel_loop3A_596] {strides = array<i32>} : memref<1664x64xbf16, #tpu.memory_space<vmem>>, vector<32xbf16>,
        tpu.vector_store %arg7[%parallel_loop3A_595, %parallel_loop3A_596], %parallel_loop3A_594 {strides = array<i32>} : memref<1664x64xbf16, #tpu.memory_space<vmem>>, vector<32xbf16>,
        %parallel_loop3A_598 = arith.constant 64 : i32
        %parallel_loop3A_599 = arith.muli %add3A_530, %parallel_loop3A_598 : i32
        %parallel_loop3A_600 = arith.addi %parallel_loop3A_599, %parallel_loop3A_563 : i32
        %parallel_loop3A_601 = arith.constant 1 : i32
        %parallel_loop3A_602 = arith.addi %parallel_loop3A_600, %parallel_loop3A_601 : i32
        %parallel_loop3A_603 = arith.index_cast %parallel_loop3A_602 : i32 to index
        %parallel_loop3A_604 = arith.constant 0 : index
        %parallel_loop3A_605 = tpu.vector_load %arg7[%parallel_loop3A_603, %parallel_loop3A_604] {strides = array<i32>} : memref<1664x64xbf16, #tpu.memory_space<vmem>>, vector<32xbf16>,
        %parallel_loop3A_606 = arith.constant 1 : i32
        %parallel_loop3A_607 = arith.addi %parallel_loop3A_563, %parallel_loop3A_606 : i32
        %parallel_loop3A_608 = arith.index_cast %parallel_loop3A_607 : i32 to index
        %parallel_loop3A_609 = arith.constant 0 : index
        %parallel_loop3A_610 = tpu.vector_load %arg8[%parallel_loop3A_608, %parallel_loop3A_609] {strides = array<i32>} : memref<64x64xbf16, #tpu.memory_space<vmem>>, vector<32xbf16>,
        %parallel_loop3A_611 = arith.addf %parallel_loop3A_605, %parallel_loop3A_610 : vector<32xbf16>
        %parallel_loop3A_612 = arith.index_cast %parallel_loop3A_602 : i32 to index
        %parallel_loop3A_613 = arith.constant 0 : index
        %parallel_loop3A_614 = tpu.vector_load %arg7[%parallel_loop3A_612, %parallel_loop3A_613] {strides = array<i32>} : memref<1664x64xbf16, #tpu.memory_space<vmem>>, vector<32xbf16>,
        tpu.vector_store %arg7[%parallel_loop3A_612, %parallel_loop3A_613], %parallel_loop3A_611 {strides = array<i32>} : memref<1664x64xbf16, #tpu.memory_space<vmem>>, vector<32xbf16>,
        %parallel_loop3A_615 = arith.constant 64 : i32
        %parallel_loop3A_616 = arith.muli %add3A_530, %parallel_loop3A_615 : i32
        %parallel_loop3A_617 = arith.addi %parallel_loop3A_616, %parallel_loop3A_563 : i32
        %parallel_loop3A_618 = arith.constant 1 : i32
        %parallel_loop3A_619 = arith.addi %parallel_loop3A_617, %parallel_loop3A_618 : i32
        %parallel_loop3A_620 = arith.index_cast %parallel_loop3A_619 : i32 to index
        %parallel_loop3A_621 = arith.constant 32 : index
        %parallel_loop3A_622 = tpu.vector_load %arg7[%parallel_loop3A_620, %parallel_loop3A_621] {strides = array<i32>} : memref<1664x64xbf16, #tpu.memory_space<vmem>>, vector<32xbf16>,
        %parallel_loop3A_623 = arith.constant 1 : i32
        %parallel_loop3A_624 = arith.addi %parallel_loop3A_563, %parallel_loop3A_623 : i32
        %parallel_loop3A_625 = arith.index_cast %parallel_loop3A_624 : i32 to index
        %parallel_loop3A_626 = arith.constant 32 : index
        %parallel_loop3A_627 = tpu.vector_load %arg8[%parallel_loop3A_625, %parallel_loop3A_626] {strides = array<i32>} : memref<64x64xbf16, #tpu.memory_space<vmem>>, vector<32xbf16>,
        %parallel_loop3A_628 = arith.addf %parallel_loop3A_622, %parallel_loop3A_627 : vector<32xbf16>
        %parallel_loop3A_629 = arith.index_cast %parallel_loop3A_619 : i32 to index
        %parallel_loop3A_630 = arith.constant 32 : index
        %parallel_loop3A_631 = tpu.vector_load %arg7[%parallel_loop3A_629, %parallel_loop3A_630] {strides = array<i32>} : memref<1664x64xbf16, #tpu.memory_space<vmem>>, vector<32xbf16>,
        tpu.vector_store %arg7[%parallel_loop3A_629, %parallel_loop3A_630], %parallel_loop3A_628 {strides = array<i32>} : memref<1664x64xbf16, #tpu.memory_space<vmem>>, vector<32xbf16>,
      } {sc.loop_unroll_factor = 4 : i64, sc.parallel_access}
      %dma_wait3A_546 = arith.constant 0 : i32
      %dma_wait3A_547 = tpu.memref_slice %arg11[%dma_wait3A_546] : memref<1664xi32, #tpu.memory_space<vmem>> -> memref<64xi32, #tpu.memory_space<vmem>>
      %dma_wait3A_548 = arith.constant 0 : i32
      %dma_wait3A_549 = arith.constant 0 : i32
      %dma_wait3A_550 = tpu.memref_slice %arg6[%dma_wait3A_548, %dma_wait3A_549] : memref<10000x64xbf16, #tpu.memory_space<vmem_shared>> -> memref<10000x64xbf16, #tpu.memory_space<vmem_shared>>
      tpu.wait_indirect_dma semaphore(%arg17 : memref<!tpu.dma_semaphore, #tpu.memory_space<semaphore_mem>>) src(%dma_wait3A_550 : memref<10000x64xbf16, #tpu.memory_space<vmem_shared>>) dst(%arg9 : memref<64x64xbf16, #tpu.memory_space<vmem>>)
      %add3A_551 = arith.constant 2 : i32
      %add3A_552 = arith.addi %add3A_530, %add3A_551 : i32
      %lt3A_553 = arith.constant 26 : i32
      %lt3A_554 = arith.cmpi slt, %add3A_552, %lt3A_553 : i32
      %convert_element_type3A_555 = arith.extui %lt3A_554 : i1 to i32
      %cond3A_556 = arith.constant 0 : i32
      %cond3A_557 = arith.cmpi ne, %convert_element_type3A_555, %cond3A_556 : i32
      scf.if %cond3A_557 {
        %add3A_563 = arith.constant 2 : i32
        %add3A_564 = arith.addi %add3A_530, %add3A_563 : i32
        %mul3A_565 = arith.constant 64 : i32
        %mul3A_566 = arith.muli %add3A_564, %mul3A_565 : i32
        %dma_start3A_567 = tpu.memref_slice %arg11[%mul3A_566] : memref<1664xi32, #tpu.memory_space<vmem>> -> memref<64xi32, #tpu.memory_space<vmem>>
        %dma_start3A_568 = arith.constant 0 : i32
        %dma_start3A_569 = arith.constant 0 : i32
        %dma_start3A_570 = tpu.memref_slice %arg6[%dma_start3A_568, %dma_start3A_569] : memref<10000x64xbf16, #tpu.memory_space<vmem_shared>> -> memref<10000x64xbf16, #tpu.memory_space<vmem_shared>>
        tpu.enqueue_indirect_dma source(%dma_start3A_570 : memref<10000x64xbf16, #tpu.memory_space<vmem_shared>>) target(%arg8 : memref<64x64xbf16, #tpu.memory_space<vmem>>) offsets(%dma_start3A_567 : memref<64xi32, #tpu.memory_space<vmem>>) semaphore(%arg16 : memref<!tpu.dma_semaphore, #tpu.memory_space<semaphore_mem>>)
      } else {
      }
      %add3A_558 = arith.constant 1 : i32
      %add3A_559 = arith.addi %add3A_530, %add3A_558 : i32
      %parallel_loop3A_560 = arith.constant 0 : i32
      %parallel_loop3A_561 = arith.constant 64 : i32
      %parallel_loop3A_562 = arith.constant 2 : i32
      scf.for %parallel_loop3A_563 = %parallel_loop3A_560 to %parallel_loop3A_561 step %parallel_loop3A_562  : i32 {
        %parallel_loop3A_564 = arith.constant 64 : i32
        %parallel_loop3A_565 = arith.muli %add3A_559, %parallel_loop3A_564 : i32
        %parallel_loop3A_566 = arith.addi %parallel_loop3A_565, %parallel_loop3A_563 : i32
        %parallel_loop3A_567 = arith.constant 0 : i32
        %parallel_loop3A_568 = arith.addi %parallel_loop3A_566, %parallel_loop3A_567 : i32
        %parallel_loop3A_569 = arith.index_cast %parallel_loop3A_568 : i32 to index
        %parallel_loop3A_570 = arith.constant 0 : index
        %parallel_loop3A_571 = tpu.vector_load %arg7[%parallel_loop3A_569, %parallel_loop3A_570] {strides = array<i32>} : memref<1664x64xbf16, #tpu.memory_space<vmem>>, vector<32xbf16>,
        %parallel_loop3A_572 = arith.constant 0 : i32
        %parallel_loop3A_573 = arith.addi %parallel_loop3A_563, %parallel_loop3A_572 : i32
        %parallel_loop3A_574 = arith.index_cast %parallel_loop3A_573 : i32 to index
        %parallel_loop3A_575 = arith.constant 0 : index
        %parallel_loop3A_576 = tpu.vector_load %arg9[%parallel_loop3A_574, %parallel_loop3A_575] {strides = array<i32>} : memref<64x64xbf16, #tpu.memory_space<vmem>>, vector<32xbf16>,
        %parallel_loop3A_577 = arith.addf %parallel_loop3A_571, %parallel_loop3A_576 : vector<32xbf16>
        %parallel_loop3A_578 = arith.index_cast %parallel_loop3A_568 : i32 to index
        %parallel_loop3A_579 = arith.constant 0 : index
        %parallel_loop3A_580 = tpu.vector_load %arg7[%parallel_loop3A_578, %parallel_loop3A_579] {strides = array<i32>} : memref<1664x64xbf16, #tpu.memory_space<vmem>>, vector<32xbf16>,
        tpu.vector_store %arg7[%parallel_loop3A_578, %parallel_loop3A_579], %parallel_loop3A_577 {strides = array<i32>} : memref<1664x64xbf16, #tpu.memory_space<vmem>>, vector<32xbf16>,
        %parallel_loop3A_581 = arith.constant 64 : i32
        %parallel_loop3A_582 = arith.muli %add3A_559, %parallel_loop3A_581 : i32
        %parallel_loop3A_583 = arith.addi %parallel_loop3A_582, %parallel_loop3A_563 : i32
        %parallel_loop3A_584 = arith.constant 0 : i32
        %parallel_loop3A_585 = arith.addi %parallel_loop3A_583, %parallel_loop3A_584 : i32
        %parallel_loop3A_586 = arith.index_cast %parallel_loop3A_585 : i32 to index
        %parallel_loop3A_587 = arith.constant 32 : index
        %parallel_loop3A_588 = tpu.vector_load %arg7[%parallel_loop3A_586, %parallel_loop3A_587] {strides = array<i32>} : memref<1664x64xbf16, #tpu.memory_space<vmem>>, vector<32xbf16>,
        %parallel_loop3A_589 = arith.constant 0 : i32
        %parallel_loop3A_590 = arith.addi %parallel_loop3A_563, %parallel_loop3A_589 : i32
        %parallel_loop3A_591 = arith.index_cast %parallel_loop3A_590 : i32 to index
        %parallel_loop3A_592 = arith.constant 32 : index
        %parallel_loop3A_593 = tpu.vector_load %arg9[%parallel_loop3A_591, %parallel_loop3A_592] {strides = array<i32>} : memref<64x64xbf16, #tpu.memory_space<vmem>>, vector<32xbf16>,
        %parallel_loop3A_594 = arith.addf %parallel_loop3A_588, %parallel_loop3A_593 : vector<32xbf16>
        %parallel_loop3A_595 = arith.index_cast %parallel_loop3A_585 : i32 to index
        %parallel_loop3A_596 = arith.constant 32 : index
        %parallel_loop3A_597 = tpu.vector_load %arg7[%parallel_loop3A_595, %parallel_loop3A_596] {strides = array<i32>} : memref<1664x64xbf16, #tpu.memory_space<vmem>>, vector<32xbf16>,
        tpu.vector_store %arg7[%parallel_loop3A_595, %parallel_loop3A_596], %parallel_loop3A_594 {strides = array<i32>} : memref<1664x64xbf16, #tpu.memory_space<vmem>>, vector<32xbf16>,
        %parallel_loop3A_598 = arith.constant 64 : i32
        %parallel_loop3A_599 = arith.muli %add3A_559, %parallel_loop3A_598 : i32
        %parallel_loop3A_600 = arith.addi %parallel_loop3A_599, %parallel_loop3A_563 : i32
        %parallel_loop3A_601 = arith.constant 1 : i32
        %parallel_loop3A_602 = arith.addi %parallel_loop3A_600, %parallel_loop3A_601 : i32
        %parallel_loop3A_603 = arith.index_cast %parallel_loop3A_602 : i32 to index
        %parallel_loop3A_604 = arith.constant 0 : index
        %parallel_loop3A_605 = tpu.vector_load %arg7[%parallel_loop3A_603, %parallel_loop3A_604] {strides = array<i32>} : memref<1664x64xbf16, #tpu.memory_space<vmem>>, vector<32xbf16>,
        %parallel_loop3A_606 = arith.constant 1 : i32
        %parallel_loop3A_607 = arith.addi %parallel_loop3A_563, %parallel_loop3A_606 : i32
        %parallel_loop3A_608 = arith.index_cast %parallel_loop3A_607 : i32 to index
        %parallel_loop3A_609 = arith.constant 0 : index
        %parallel_loop3A_610 = tpu.vector_load %arg9[%parallel_loop3A_608, %parallel_loop3A_609] {strides = array<i32>} : memref<64x64xbf16, #tpu.memory_space<vmem>>, vector<32xbf16>,
        %parallel_loop3A_611 = arith.addf %parallel_loop3A_605, %parallel_loop3A_610 : vector<32xbf16>
        %parallel_loop3A_612 = arith.index_cast %parallel_loop3A_602 : i32 to index
        %parallel_loop3A_613 = arith.constant 0 : index
        %parallel_loop3A_614 = tpu.vector_load %arg7[%parallel_loop3A_612, %parallel_loop3A_613] {strides = array<i32>} : memref<1664x64xbf16, #tpu.memory_space<vmem>>, vector<32xbf16>,
        tpu.vector_store %arg7[%parallel_loop3A_612, %parallel_loop3A_613], %parallel_loop3A_611 {strides = array<i32>} : memref<1664x64xbf16, #tpu.memory_space<vmem>>, vector<32xbf16>,
        %parallel_loop3A_615 = arith.constant 64 : i32
        %parallel_loop3A_616 = arith.muli %add3A_559, %parallel_loop3A_615 : i32
        %parallel_loop3A_617 = arith.addi %parallel_loop3A_616, %parallel_loop3A_563 : i32
        %parallel_loop3A_618 = arith.constant 1 : i32
        %parallel_loop3A_619 = arith.addi %parallel_loop3A_617, %parallel_loop3A_618 : i32
        %parallel_loop3A_620 = arith.index_cast %parallel_loop3A_619 : i32 to index
        %parallel_loop3A_621 = arith.constant 32 : index
        %parallel_loop3A_622 = tpu.vector_load %arg7[%parallel_loop3A_620, %parallel_loop3A_621] {strides = array<i32>} : memref<1664x64xbf16, #tpu.memory_space<vmem>>, vector<32xbf16>,
        %parallel_loop3A_623 = arith.constant 1 : i32
        %parallel_loop3A_624 = arith.addi %parallel_loop3A_563, %parallel_loop3A_623 : i32
        %parallel_loop3A_625 = arith.index_cast %parallel_loop3A_624 : i32 to index
        %parallel_loop3A_626 = arith.constant 32 : index
        %parallel_loop3A_627 = tpu.vector_load %arg9[%parallel_loop3A_625, %parallel_loop3A_626] {strides = array<i32>} : memref<64x64xbf16, #tpu.memory_space<vmem>>, vector<32xbf16>,
        %parallel_loop3A_628 = arith.addf %parallel_loop3A_622, %parallel_loop3A_627 : vector<32xbf16>
        %parallel_loop3A_629 = arith.index_cast %parallel_loop3A_619 : i32 to index
        %parallel_loop3A_630 = arith.constant 32 : index
        %parallel_loop3A_631 = tpu.vector_load %arg7[%parallel_loop3A_629, %parallel_loop3A_630] {strides = array<i32>} : memref<1664x64xbf16, #tpu.memory_space<vmem>>, vector<32xbf16>,
        tpu.vector_store %arg7[%parallel_loop3A_629, %parallel_loop3A_630], %parallel_loop3A_628 {strides = array<i32>} : memref<1664x64xbf16, #tpu.memory_space<vmem>>, vector<32xbf16>,
      } {sc.loop_unroll_factor = 4 : i64, sc.parallel_access}
    }
    %scan3A_485 = arith.constant 13 : i32
    %lt3A_486 = arith.constant 30 : i32
    %lt3A_487 = arith.cmpi slt, %add3A, %lt3A_486 : i32
    %convert_element_type3A_488 = arith.extui %lt3A_487 : i1 to i32
    %cond3A_489 = arith.constant 0 : i32
    %cond3A_490 = arith.cmpi ne, %convert_element_type3A_488, %cond3A_489 : i32
    scf.if %cond3A_490 {
      %mul3A_526 = arith.constant 1664 : i32
      %mul3A_527 = arith.muli %add3A, %mul3A_526 : i32
      %dma_wait3A_528 = arith.constant 8 : i32
      %dma_wait3A_529 = tpu.memref_slice %arg3[%dma_wait3A_528, %mul3A_527] : memref<9x50000xi32, #tpu.memory_space<hbm>> -> memref<1x1664xi32, #tpu.memory_space<hbm>>
      %dma_wait3A_530 = tpu.memref_squeeze %dma_wait3A_529 : memref<1x1664xi32, #tpu.memory_space<hbm>> -> memref<1664xi32, #tpu.memory_space<hbm>>
      %dma_wait3A_531 = tpu.memref_slice %arg3[%dma_wait3A_528, %mul3A_527] : memref<9x50000xi32, #tpu.memory_space<hbm>> -> memref<1x1664xi32, #tpu.memory_space<hbm>>
      %dma_wait3A_532 = tpu.memref_squeeze %dma_wait3A_531 : memref<1x1664xi32, #tpu.memory_space<hbm>> -> memref<1664xi32, #tpu.memory_space<hbm>>
      tpu.wait_dma2 semaphore(%arg18 : memref<!tpu.dma_semaphore, #tpu.memory_space<semaphore_mem>>) src(%dma_wait3A_532 : memref<1664xi32, #tpu.memory_space<hbm>>) dst(%arg10 : memref<1664xi32, #tpu.memory_space<vmem>>)
    } else {
    }
    %eq3A_491 = arith.constant 30 : i32
    %eq3A_492 = arith.cmpi eq, %add3A, %eq3A_491 : i32
    %convert_element_type3A_493 = arith.extui %eq3A_492 : i1 to i32
    %cond3A_494 = arith.constant 0 : i32
    %cond3A_495 = arith.cmpi ne, %convert_element_type3A_493, %cond3A_494 : i32
    scf.if %cond3A_495 {
      %dma_wait3A_526 = arith.constant 8 : i32
      %dma_wait3A_527 = arith.constant 0 : i32
      %dma_wait3A_528 = tpu.memref_slice %arg10[%dma_wait3A_527] : memref<1664xi32, #tpu.memory_space<vmem>> -> memref<80xi32, #tpu.memory_space<vmem>>
      %dma_wait3A_529 = arith.constant 49920 : i32
      %dma_wait3A_530 = tpu.memref_slice %arg3[%dma_wait3A_526, %dma_wait3A_529] : memref<9x50000xi32, #tpu.memory_space<hbm>> -> memref<1x80xi32, #tpu.memory_space<hbm>>
      %dma_wait3A_531 = tpu.memref_squeeze %dma_wait3A_530 : memref<1x80xi32, #tpu.memory_space<hbm>> -> memref<80xi32, #tpu.memory_space<hbm>>
      %dma_wait3A_532 = arith.constant 0 : i32
      %dma_wait3A_533 = tpu.memref_slice %arg10[%dma_wait3A_532] : memref<1664xi32, #tpu.memory_space<vmem>> -> memref<80xi32, #tpu.memory_space<vmem>>
      %dma_wait3A_534 = arith.constant 49920 : i32
      %dma_wait3A_535 = tpu.memref_slice %arg3[%dma_wait3A_526, %dma_wait3A_534] : memref<9x50000xi32, #tpu.memory_space<hbm>> -> memref<1x80xi32, #tpu.memory_space<hbm>>
      %dma_wait3A_536 = tpu.memref_squeeze %dma_wait3A_535 : memref<1x80xi32, #tpu.memory_space<hbm>> -> memref<80xi32, #tpu.memory_space<hbm>>
      tpu.wait_dma2 semaphore(%arg18 : memref<!tpu.dma_semaphore, #tpu.memory_space<semaphore_mem>>) src(%dma_wait3A_536 : memref<80xi32, #tpu.memory_space<hbm>>) dst(%dma_wait3A_533 : memref<80xi32, #tpu.memory_space<vmem>>)
    } else {
    }
    %mul3A_496 = arith.constant 624 : i32
    %mul3A_497 = arith.muli %arg1, %mul3A_496 : i32
    %dma_wait3A_498 = arith.constant 0 : i32
    %dma_wait3A_499 = tpu.memref_slice %arg5[%mul3A_497, %dma_wait3A_498] : memref<10000x64xbf16, #tpu.memory_space<vmem_shared>> -> memref<624x64xbf16, #tpu.memory_space<vmem_shared>>
    %dma_wait3A_500 = arith.constant 512 : i32
    %dma_wait3A_501 = tpu.memref_slice %arg2[%mul3A_497, %dma_wait3A_500] : memref<10000x576xbf16, #tpu.memory_space<hbm>> -> memref<624x64xbf16, #tpu.memory_space<hbm>>
    tpu.wait_dma2 semaphore(%arg14 : memref<!tpu.dma_semaphore, #tpu.memory_space<semaphore_mem>>) src(%dma_wait3A_501 : memref<624x64xbf16, #tpu.memory_space<hbm>>) dst(%dma_wait3A_499 : memref<624x64xbf16, #tpu.memory_space<vmem_shared>>)
    %eq3A_502 = arith.constant 0 : i32
    %eq3A_503 = arith.cmpi eq, %arg1, %eq3A_502 : i32
    %convert_element_type3A_504 = arith.extui %eq3A_503 : i1 to i32
    %cond3A_505 = arith.constant 0 : i32
    %cond3A_506 = arith.cmpi ne, %convert_element_type3A_504, %cond3A_505 : i32
    scf.if %cond3A_506 {
      %dma_wait3A_526 = arith.constant 9984 : i32
      %dma_wait3A_527 = arith.constant 0 : i32
      %dma_wait3A_528 = tpu.memref_slice %arg5[%dma_wait3A_526, %dma_wait3A_527] : memref<10000x64xbf16, #tpu.memory_space<vmem_shared>> -> memref<16x64xbf16, #tpu.memory_space<vmem_shared>>
      %dma_wait3A_529 = arith.constant 9984 : i32
      %dma_wait3A_530 = arith.constant 512 : i32
      %dma_wait3A_531 = tpu.memref_slice %arg2[%dma_wait3A_529, %dma_wait3A_530] : memref<10000x576xbf16, #tpu.memory_space<hbm>> -> memref<16x64xbf16, #tpu.memory_space<hbm>>
      tpu.wait_dma2 semaphore(%arg14 : memref<!tpu.dma_semaphore, #tpu.memory_space<semaphore_mem>>) src(%dma_wait3A_531 : memref<16x64xbf16, #tpu.memory_space<hbm>>) dst(%dma_wait3A_528 : memref<16x64xbf16, #tpu.memory_space<vmem_shared>>)
    } else {
    }
    %barrier3A_507 = arith.constant 0 : index
    tpu.barrier barrier_id(%barrier3A_507)
    %dma_start3A_508 = arith.constant 0 : i32
    %dma_start3A_509 = tpu.memref_slice %arg10[%dma_start3A_508] : memref<1664xi32, #tpu.memory_space<vmem>> -> memref<64xi32, #tpu.memory_space<vmem>>
    %dma_start3A_510 = arith.constant 0 : i32
    %dma_start3A_511 = arith.constant 0 : i32
    %dma_start3A_512 = tpu.memref_slice %arg5[%dma_start3A_510, %dma_start3A_511] : memref<10000x64xbf16, #tpu.memory_space<vmem_shared>> -> memref<10000x64xbf16, #tpu.memory_space<vmem_shared>>
    tpu.enqueue_indirect_dma source(%dma_start3A_512 : memref<10000x64xbf16, #tpu.memory_space<vmem_shared>>) target(%arg8 : memref<64x64xbf16, #tpu.memory_space<vmem>>) offsets(%dma_start3A_509 : memref<64xi32, #tpu.memory_space<vmem>>) semaphore(%arg16 : memref<!tpu.dma_semaphore, #tpu.memory_space<semaphore_mem>>)
    %scan3A_513 = arith.constant 0 : i32
    %scan3A_514 = arith.constant 13 : i32
    %scan3A_515 = arith.addi %scan3A_513, %scan3A_514 : i32
    %scan3A_516 = arith.constant 1 : i32
    scf.for %scan3A_526 = %scan3A_513 to %scan3A_515 step %scan3A_516  : i32 {
      %mul3A_527 = arith.constant 2 : i32
      %mul3A_528 = arith.muli %scan3A_526, %mul3A_527 : i32
      %add3A_529 = arith.constant 0 : i32
      %add3A_530 = arith.addi %add3A_529, %mul3A_528 : i32
      %dma_wait3A_531 = arith.constant 0 : i32
      %dma_wait3A_532 = tpu.memref_slice %arg10[%dma_wait3A_531] : memref<1664xi32, #tpu.memory_space<vmem>> -> memref<64xi32, #tpu.memory_space<vmem>>
      %dma_wait3A_533 = arith.constant 0 : i32
      %dma_wait3A_534 = arith.constant 0 : i32
      %dma_wait3A_535 = tpu.memref_slice %arg5[%dma_wait3A_533, %dma_wait3A_534] : memref<10000x64xbf16, #tpu.memory_space<vmem_shared>> -> memref<10000x64xbf16, #tpu.memory_space<vmem_shared>>
      tpu.wait_indirect_dma semaphore(%arg16 : memref<!tpu.dma_semaphore, #tpu.memory_space<semaphore_mem>>) src(%dma_wait3A_535 : memref<10000x64xbf16, #tpu.memory_space<vmem_shared>>) dst(%arg8 : memref<64x64xbf16, #tpu.memory_space<vmem>>)
      %add3A_536 = arith.constant 1 : i32
      %add3A_537 = arith.addi %add3A_530, %add3A_536 : i32
      %mul3A_538 = arith.constant 64 : i32
      %mul3A_539 = arith.muli %add3A_537, %mul3A_538 : i32
      %dma_start3A_540 = tpu.memref_slice %arg10[%mul3A_539] : memref<1664xi32, #tpu.memory_space<vmem>> -> memref<64xi32, #tpu.memory_space<vmem>>
      %dma_start3A_541 = arith.constant 0 : i32
      %dma_start3A_542 = arith.constant 0 : i32
      %dma_start3A_543 = tpu.memref_slice %arg5[%dma_start3A_541, %dma_start3A_542] : memref<10000x64xbf16, #tpu.memory_space<vmem_shared>> -> memref<10000x64xbf16, #tpu.memory_space<vmem_shared>>
      tpu.enqueue_indirect_dma source(%dma_start3A_543 : memref<10000x64xbf16, #tpu.memory_space<vmem_shared>>) target(%arg9 : memref<64x64xbf16, #tpu.memory_space<vmem>>) offsets(%dma_start3A_540 : memref<64xi32, #tpu.memory_space<vmem>>) semaphore(%arg17 : memref<!tpu.dma_semaphore, #tpu.memory_space<semaphore_mem>>)
      %ge3A = arith.constant 2 : i32
      %ge3A_544 = arith.cmpi sge, %add3A_530, %ge3A : i32
      %convert_element_type3A_545 = arith.extui %ge3A_544 : i1 to i32
      %cond3A_546 = arith.constant 0 : i32
      %cond3A_547 = arith.cmpi ne, %convert_element_type3A_545, %cond3A_546 : i32
      scf.if %cond3A_547 {
        %dma_wait3A_590 = arith.constant 0 : i32
        %dma_wait3A_591 = tpu.memref_slice %arg4[%dma_wait3A_590] : memref<3407872xf32, #tpu.memory_space<hbm>> -> memref<4096xf32, #tpu.memory_space<hbm>>
        %dma_wait3A_592 = arith.constant 0 : i32
        %dma_wait3A_593 = tpu.memref_slice %arg4[%dma_wait3A_592] : memref<3407872xf32, #tpu.memory_space<hbm>> -> memref<4096xf32, #tpu.memory_space<hbm>>
        tpu.wait_dma2 semaphore(%arg20 : memref<!tpu.dma_semaphore, #tpu.memory_space<semaphore_mem>>) src(%arg12 : memref<4096xf32, #tpu.memory_space<vmem>>) dst(%dma_wait3A_593 : memref<4096xf32, #tpu.memory_space<hbm>>)
      } else {
      }
      %parallel_loop3A = arith.constant 0 : i32
      %parallel_loop3A_548 = arith.constant 64 : i32
      %parallel_loop3A_549 = arith.constant 1 : i32
      scf.for %parallel_loop3A_590 = %parallel_loop3A to %parallel_loop3A_548 step %parallel_loop3A_549  : i32 {
        %parallel_loop3A_591 = arith.constant 64 : i32
        %parallel_loop3A_592 = arith.muli %add3A_530, %parallel_loop3A_591 : i32
        %parallel_loop3A_593 = arith.addi %parallel_loop3A_592, %parallel_loop3A_590 : i32
        %parallel_loop3A_594 = arith.index_cast %parallel_loop3A_593 : i32 to index
        %parallel_loop3A_595 = arith.constant 0 : index
        %parallel_loop3A_596 = tpu.vector_load %arg7[%parallel_loop3A_594, %parallel_loop3A_595] {strides = array<i32>} : memref<1664x64xbf16, #tpu.memory_space<vmem>>, vector<32xbf16>,
        %parallel_loop3A_597 = arith.index_cast %parallel_loop3A_590 : i32 to index
        %parallel_loop3A_598 = arith.constant 0 : index
        %parallel_loop3A_599 = tpu.vector_load %arg8[%parallel_loop3A_597, %parallel_loop3A_598] {strides = array<i32>} : memref<64x64xbf16, #tpu.memory_space<vmem>>, vector<32xbf16>,
        %parallel_loop3A_600 = arith.addf %parallel_loop3A_596, %parallel_loop3A_599 : vector<32xbf16>
        %parallel_loop3A_601 = tpu.unpack_subelements %parallel_loop3A_600, 0 {pack_format = #tpu.pack_format<interleaved>} : vector<32xbf16> -> vector<16xf32>
        %parallel_loop3A_602 = tpu.unpack_subelements %parallel_loop3A_600, 1 {pack_format = #tpu.pack_format<interleaved>} : vector<32xbf16> -> vector<16xf32>
        %parallel_loop3A_603 = arith.constant 64 : i32
        %parallel_loop3A_604 = arith.muli %parallel_loop3A_590, %parallel_loop3A_603 : i32
        %parallel_loop3A_605 = arith.constant 0 : i32
        %parallel_loop3A_606 = arith.addi %parallel_loop3A_604, %parallel_loop3A_605 : i32
        %parallel_loop3A_607 = arith.index_cast %parallel_loop3A_606 : i32 to index
        %parallel_loop3A_608 = tpu.vector_load %arg12[%parallel_loop3A_607] {strides = array<i32>} : memref<4096xf32, #tpu.memory_space<vmem>>, vector<16xf32>,
        tpu.vector_store %arg12[%parallel_loop3A_607], %parallel_loop3A_601 {strides = array<i32>} : memref<4096xf32, #tpu.memory_space<vmem>>, vector<16xf32>,
        %parallel_loop3A_609 = arith.constant 16 : i32
        %parallel_loop3A_610 = arith.addi %parallel_loop3A_606, %parallel_loop3A_609 : i32
        %parallel_loop3A_611 = arith.index_cast %parallel_loop3A_610 : i32 to index
        %parallel_loop3A_612 = tpu.vector_load %arg12[%parallel_loop3A_611] {strides = array<i32>} : memref<4096xf32, #tpu.memory_space<vmem>>, vector<16xf32>,
        tpu.vector_store %arg12[%parallel_loop3A_611], %parallel_loop3A_602 {strides = array<i32>} : memref<4096xf32, #tpu.memory_space<vmem>>, vector<16xf32>,
        %parallel_loop3A_613 = arith.constant 64 : i32
        %parallel_loop3A_614 = arith.muli %add3A_530, %parallel_loop3A_613 : i32
        %parallel_loop3A_615 = arith.addi %parallel_loop3A_614, %parallel_loop3A_590 : i32
        %parallel_loop3A_616 = arith.index_cast %parallel_loop3A_615 : i32 to index
        %parallel_loop3A_617 = arith.constant 32 : index
        %parallel_loop3A_618 = tpu.vector_load %arg7[%parallel_loop3A_616, %parallel_loop3A_617] {strides = array<i32>} : memref<1664x64xbf16, #tpu.memory_space<vmem>>, vector<32xbf16>,
        %parallel_loop3A_619 = arith.index_cast %parallel_loop3A_590 : i32 to index
        %parallel_loop3A_620 = arith.constant 32 : index
        %parallel_loop3A_621 = tpu.vector_load %arg8[%parallel_loop3A_619, %parallel_loop3A_620] {strides = array<i32>} : memref<64x64xbf16, #tpu.memory_space<vmem>>, vector<32xbf16>,
        %parallel_loop3A_622 = arith.addf %parallel_loop3A_618, %parallel_loop3A_621 : vector<32xbf16>
        %parallel_loop3A_623 = tpu.unpack_subelements %parallel_loop3A_622, 0 {pack_format = #tpu.pack_format<interleaved>} : vector<32xbf16> -> vector<16xf32>
        %parallel_loop3A_624 = tpu.unpack_subelements %parallel_loop3A_622, 1 {pack_format = #tpu.pack_format<interleaved>} : vector<32xbf16> -> vector<16xf32>
        %parallel_loop3A_625 = arith.constant 64 : i32
        %parallel_loop3A_626 = arith.muli %parallel_loop3A_590, %parallel_loop3A_625 : i32
        %parallel_loop3A_627 = arith.constant 32 : i32
        %parallel_loop3A_628 = arith.addi %parallel_loop3A_626, %parallel_loop3A_627 : i32
        %parallel_loop3A_629 = arith.index_cast %parallel_loop3A_628 : i32 to index
        %parallel_loop3A_630 = tpu.vector_load %arg12[%parallel_loop3A_629] {strides = array<i32>} : memref<4096xf32, #tpu.memory_space<vmem>>, vector<16xf32>,
        tpu.vector_store %arg12[%parallel_loop3A_629], %parallel_loop3A_623 {strides = array<i32>} : memref<4096xf32, #tpu.memory_space<vmem>>, vector<16xf32>,
        %parallel_loop3A_631 = arith.constant 16 : i32
        %parallel_loop3A_632 = arith.addi %parallel_loop3A_628, %parallel_loop3A_631 : i32
        %parallel_loop3A_633 = arith.index_cast %parallel_loop3A_632 : i32 to index
        %parallel_loop3A_634 = tpu.vector_load %arg12[%parallel_loop3A_633] {strides = array<i32>} : memref<4096xf32, #tpu.memory_space<vmem>>, vector<16xf32>,
        tpu.vector_store %arg12[%parallel_loop3A_633], %parallel_loop3A_624 {strides = array<i32>} : memref<4096xf32, #tpu.memory_space<vmem>>, vector<16xf32>,
      } {sc.loop_unroll_factor = 4 : i64, sc.parallel_access}
      %mul3A_550 = arith.constant 1664 : i32
      %mul3A_551 = arith.muli %add3A, %mul3A_550 : i32
      %mul3A_552 = arith.constant 64 : i32
      %mul3A_553 = arith.muli %add3A_530, %mul3A_552 : i32
      %add3A_554 = arith.addi %mul3A_551, %mul3A_553 : i32
      %mul3A_555 = arith.constant 64 : i32
      %mul3A_556 = arith.muli %add3A_554, %mul3A_555 : i32
      %dma_start3A_557 = tpu.memref_slice %arg4[%mul3A_556] : memref<3407872xf32, #tpu.memory_space<hbm>> -> memref<4096xf32, #tpu.memory_space<hbm>>
      %dma_start3A_558 = tpu.memref_slice %arg4[%mul3A_556] : memref<3407872xf32, #tpu.memory_space<hbm>> -> memref<4096xf32, #tpu.memory_space<hbm>>
      tpu.enqueue_dma source(%arg12 : memref<4096xf32, #tpu.memory_space<vmem>>) target(%dma_start3A_558 : memref<4096xf32, #tpu.memory_space<hbm>>) target_semaphore(%arg20 : memref<!tpu.dma_semaphore, #tpu.memory_space<semaphore_mem>>)
      %dma_wait3A_559 = arith.constant 0 : i32
      %dma_wait3A_560 = tpu.memref_slice %arg10[%dma_wait3A_559] : memref<1664xi32, #tpu.memory_space<vmem>> -> memref<64xi32, #tpu.memory_space<vmem>>
      %dma_wait3A_561 = arith.constant 0 : i32
      %dma_wait3A_562 = arith.constant 0 : i32
      %dma_wait3A_563 = tpu.memref_slice %arg5[%dma_wait3A_561, %dma_wait3A_562] : memref<10000x64xbf16, #tpu.memory_space<vmem_shared>> -> memref<10000x64xbf16, #tpu.memory_space<vmem_shared>>
      tpu.wait_indirect_dma semaphore(%arg17 : memref<!tpu.dma_semaphore, #tpu.memory_space<semaphore_mem>>) src(%dma_wait3A_563 : memref<10000x64xbf16, #tpu.memory_space<vmem_shared>>) dst(%arg9 : memref<64x64xbf16, #tpu.memory_space<vmem>>)
      %add3A_564 = arith.constant 2 : i32
      %add3A_565 = arith.addi %add3A_530, %add3A_564 : i32
      %lt3A_566 = arith.constant 26 : i32
      %lt3A_567 = arith.cmpi slt, %add3A_565, %lt3A_566 : i32
      %convert_element_type3A_568 = arith.extui %lt3A_567 : i1 to i32
      %cond3A_569 = arith.constant 0 : i32
      %cond3A_570 = arith.cmpi ne, %convert_element_type3A_568, %cond3A_569 : i32
      scf.if %cond3A_570 {
        %add3A_590 = arith.constant 2 : i32
        %add3A_591 = arith.addi %add3A_530, %add3A_590 : i32
        %mul3A_592 = arith.constant 64 : i32
        %mul3A_593 = arith.muli %add3A_591, %mul3A_592 : i32
        %dma_start3A_594 = tpu.memref_slice %arg10[%mul3A_593] : memref<1664xi32, #tpu.memory_space<vmem>> -> memref<64xi32, #tpu.memory_space<vmem>>
        %dma_start3A_595 = arith.constant 0 : i32
        %dma_start3A_596 = arith.constant 0 : i32
        %dma_start3A_597 = tpu.memref_slice %arg5[%dma_start3A_595, %dma_start3A_596] : memref<10000x64xbf16, #tpu.memory_space<vmem_shared>> -> memref<10000x64xbf16, #tpu.memory_space<vmem_shared>>
        tpu.enqueue_indirect_dma source(%dma_start3A_597 : memref<10000x64xbf16, #tpu.memory_space<vmem_shared>>) target(%arg8 : memref<64x64xbf16, #tpu.memory_space<vmem>>) offsets(%dma_start3A_594 : memref<64xi32, #tpu.memory_space<vmem>>) semaphore(%arg16 : memref<!tpu.dma_semaphore, #tpu.memory_space<semaphore_mem>>)
      } else {
      }
      %add3A_571 = arith.constant 1 : i32
      %add3A_572 = arith.addi %add3A_530, %add3A_571 : i32
      %ge3A_573 = arith.constant 2 : i32
      %ge3A_574 = arith.cmpi sge, %add3A_572, %ge3A_573 : i32
      %convert_element_type3A_575 = arith.extui %ge3A_574 : i1 to i32
      %cond3A_576 = arith.constant 0 : i32
      %cond3A_577 = arith.cmpi ne, %convert_element_type3A_575, %cond3A_576 : i32
      scf.if %cond3A_577 {
        %dma_wait3A_590 = arith.constant 0 : i32
        %dma_wait3A_591 = tpu.memref_slice %arg4[%dma_wait3A_590] : memref<3407872xf32, #tpu.memory_space<hbm>> -> memref<4096xf32, #tpu.memory_space<hbm>>
        %dma_wait3A_592 = arith.constant 0 : i32
        %dma_wait3A_593 = tpu.memref_slice %arg4[%dma_wait3A_592] : memref<3407872xf32, #tpu.memory_space<hbm>> -> memref<4096xf32, #tpu.memory_space<hbm>>
        tpu.wait_dma2 semaphore(%arg21 : memref<!tpu.dma_semaphore, #tpu.memory_space<semaphore_mem>>) src(%arg13 : memref<4096xf32, #tpu.memory_space<vmem>>) dst(%dma_wait3A_593 : memref<4096xf32, #tpu.memory_space<hbm>>)
      } else {
      }
      %parallel_loop3A_578 = arith.constant 0 : i32
      %parallel_loop3A_579 = arith.constant 64 : i32
      %parallel_loop3A_580 = arith.constant 1 : i32
      scf.for %parallel_loop3A_590 = %parallel_loop3A_578 to %parallel_loop3A_579 step %parallel_loop3A_580  : i32 {
        %parallel_loop3A_591 = arith.constant 64 : i32
        %parallel_loop3A_592 = arith.muli %add3A_572, %parallel_loop3A_591 : i32
        %parallel_loop3A_593 = arith.addi %parallel_loop3A_592, %parallel_loop3A_590 : i32
        %parallel_loop3A_594 = arith.index_cast %parallel_loop3A_593 : i32 to index
        %parallel_loop3A_595 = arith.constant 0 : index
        %parallel_loop3A_596 = tpu.vector_load %arg7[%parallel_loop3A_594, %parallel_loop3A_595] {strides = array<i32>} : memref<1664x64xbf16, #tpu.memory_space<vmem>>, vector<32xbf16>,
        %parallel_loop3A_597 = arith.index_cast %parallel_loop3A_590 : i32 to index
        %parallel_loop3A_598 = arith.constant 0 : index
        %parallel_loop3A_599 = tpu.vector_load %arg9[%parallel_loop3A_597, %parallel_loop3A_598] {strides = array<i32>} : memref<64x64xbf16, #tpu.memory_space<vmem>>, vector<32xbf16>,
        %parallel_loop3A_600 = arith.addf %parallel_loop3A_596, %parallel_loop3A_599 : vector<32xbf16>
        %parallel_loop3A_601 = tpu.unpack_subelements %parallel_loop3A_600, 0 {pack_format = #tpu.pack_format<interleaved>} : vector<32xbf16> -> vector<16xf32>
        %parallel_loop3A_602 = tpu.unpack_subelements %parallel_loop3A_600, 1 {pack_format = #tpu.pack_format<interleaved>} : vector<32xbf16> -> vector<16xf32>
        %parallel_loop3A_603 = arith.constant 64 : i32
        %parallel_loop3A_604 = arith.muli %parallel_loop3A_590, %parallel_loop3A_603 : i32
        %parallel_loop3A_605 = arith.constant 0 : i32
        %parallel_loop3A_606 = arith.addi %parallel_loop3A_604, %parallel_loop3A_605 : i32
        %parallel_loop3A_607 = arith.index_cast %parallel_loop3A_606 : i32 to index
        %parallel_loop3A_608 = tpu.vector_load %arg13[%parallel_loop3A_607] {strides = array<i32>} : memref<4096xf32, #tpu.memory_space<vmem>>, vector<16xf32>,
        tpu.vector_store %arg13[%parallel_loop3A_607], %parallel_loop3A_601 {strides = array<i32>} : memref<4096xf32, #tpu.memory_space<vmem>>, vector<16xf32>,
        %parallel_loop3A_609 = arith.constant 16 : i32
        %parallel_loop3A_610 = arith.addi %parallel_loop3A_606, %parallel_loop3A_609 : i32
        %parallel_loop3A_611 = arith.index_cast %parallel_loop3A_610 : i32 to index
        %parallel_loop3A_612 = tpu.vector_load %arg13[%parallel_loop3A_611] {strides = array<i32>} : memref<4096xf32, #tpu.memory_space<vmem>>, vector<16xf32>,
        tpu.vector_store %arg13[%parallel_loop3A_611], %parallel_loop3A_602 {strides = array<i32>} : memref<4096xf32, #tpu.memory_space<vmem>>, vector<16xf32>,
        %parallel_loop3A_613 = arith.constant 64 : i32
        %parallel_loop3A_614 = arith.muli %add3A_572, %parallel_loop3A_613 : i32
        %parallel_loop3A_615 = arith.addi %parallel_loop3A_614, %parallel_loop3A_590 : i32
        %parallel_loop3A_616 = arith.index_cast %parallel_loop3A_615 : i32 to index
        %parallel_loop3A_617 = arith.constant 32 : index
        %parallel_loop3A_618 = tpu.vector_load %arg7[%parallel_loop3A_616, %parallel_loop3A_617] {strides = array<i32>} : memref<1664x64xbf16, #tpu.memory_space<vmem>>, vector<32xbf16>,
        %parallel_loop3A_619 = arith.index_cast %parallel_loop3A_590 : i32 to index
        %parallel_loop3A_620 = arith.constant 32 : index
        %parallel_loop3A_621 = tpu.vector_load %arg9[%parallel_loop3A_619, %parallel_loop3A_620] {strides = array<i32>} : memref<64x64xbf16, #tpu.memory_space<vmem>>, vector<32xbf16>,
        %parallel_loop3A_622 = arith.addf %parallel_loop3A_618, %parallel_loop3A_621 : vector<32xbf16>
        %parallel_loop3A_623 = tpu.unpack_subelements %parallel_loop3A_622, 0 {pack_format = #tpu.pack_format<interleaved>} : vector<32xbf16> -> vector<16xf32>
        %parallel_loop3A_624 = tpu.unpack_subelements %parallel_loop3A_622, 1 {pack_format = #tpu.pack_format<interleaved>} : vector<32xbf16> -> vector<16xf32>
        %parallel_loop3A_625 = arith.constant 64 : i32
        %parallel_loop3A_626 = arith.muli %parallel_loop3A_590, %parallel_loop3A_625 : i32
        %parallel_loop3A_627 = arith.constant 32 : i32
        %parallel_loop3A_628 = arith.addi %parallel_loop3A_626, %parallel_loop3A_627 : i32
        %parallel_loop3A_629 = arith.index_cast %parallel_loop3A_628 : i32 to index
        %parallel_loop3A_630 = tpu.vector_load %arg13[%parallel_loop3A_629] {strides = array<i32>} : memref<4096xf32, #tpu.memory_space<vmem>>, vector<16xf32>,
        tpu.vector_store %arg13[%parallel_loop3A_629], %parallel_loop3A_623 {strides = array<i32>} : memref<4096xf32, #tpu.memory_space<vmem>>, vector<16xf32>,
        %parallel_loop3A_631 = arith.constant 16 : i32
        %parallel_loop3A_632 = arith.addi %parallel_loop3A_628, %parallel_loop3A_631 : i32
        %parallel_loop3A_633 = arith.index_cast %parallel_loop3A_632 : i32 to index
        %parallel_loop3A_634 = tpu.vector_load %arg13[%parallel_loop3A_633] {strides = array<i32>} : memref<4096xf32, #tpu.memory_space<vmem>>, vector<16xf32>,
        tpu.vector_store %arg13[%parallel_loop3A_633], %parallel_loop3A_624 {strides = array<i32>} : memref<4096xf32, #tpu.memory_space<vmem>>, vector<16xf32>,
      } {sc.loop_unroll_factor = 4 : i64, sc.parallel_access}
      %mul3A_581 = arith.constant 1664 : i32
      %mul3A_582 = arith.muli %add3A, %mul3A_581 : i32
      %mul3A_583 = arith.constant 64 : i32
      %mul3A_584 = arith.muli %add3A_572, %mul3A_583 : i32
      %add3A_585 = arith.addi %mul3A_582, %mul3A_584 : i32
      %mul3A_586 = arith.constant 64 : i32
      %mul3A_587 = arith.muli %add3A_585, %mul3A_586 : i32
      %dma_start3A_588 = tpu.memref_slice %arg4[%mul3A_587] : memref<3407872xf32, #tpu.memory_space<hbm>> -> memref<4096xf32, #tpu.memory_space<hbm>>
      %dma_start3A_589 = tpu.memref_slice %arg4[%mul3A_587] : memref<3407872xf32, #tpu.memory_space<hbm>> -> memref<4096xf32, #tpu.memory_space<hbm>>
      tpu.enqueue_dma source(%arg13 : memref<4096xf32, #tpu.memory_space<vmem>>) target(%dma_start3A_589 : memref<4096xf32, #tpu.memory_space<hbm>>) target_semaphore(%arg21 : memref<!tpu.dma_semaphore, #tpu.memory_space<semaphore_mem>>)
    }
    %scan3A_517 = arith.constant 13 : i32
    %dma_wait3A_518 = arith.constant 0 : i32
    %dma_wait3A_519 = tpu.memref_slice %arg4[%dma_wait3A_518] : memref<3407872xf32, #tpu.memory_space<hbm>> -> memref<4096xf32, #tpu.memory_space<hbm>>
    %dma_wait3A_520 = arith.constant 0 : i32
    %dma_wait3A_521 = tpu.memref_slice %arg4[%dma_wait3A_520] : memref<3407872xf32, #tpu.memory_space<hbm>> -> memref<4096xf32, #tpu.memory_space<hbm>>
    tpu.wait_dma2 semaphore(%arg20 : memref<!tpu.dma_semaphore, #tpu.memory_space<semaphore_mem>>) src(%arg12 : memref<4096xf32, #tpu.memory_space<vmem>>) dst(%dma_wait3A_521 : memref<4096xf32, #tpu.memory_space<hbm>>)
    %dma_wait3A_522 = arith.constant 0 : i32
    %dma_wait3A_523 = tpu.memref_slice %arg4[%dma_wait3A_522] : memref<3407872xf32, #tpu.memory_space<hbm>> -> memref<4096xf32, #tpu.memory_space<hbm>>
    %dma_wait3A_524 = arith.constant 0 : i32
    %dma_wait3A_525 = tpu.memref_slice %arg4[%dma_wait3A_524] : memref<3407872xf32, #tpu.memory_space<hbm>> -> memref<4096xf32, #tpu.memory_space<hbm>>
    tpu.wait_dma2 semaphore(%arg21 : memref<!tpu.dma_semaphore, #tpu.memory_space<semaphore_mem>>) src(%arg13 : memref<4096xf32, #tpu.memory_space<vmem>>) dst(%dma_wait3A_525 : memref<4096xf32, #tpu.memory_space<hbm>>)
    return
  }
}

module attributes {stable_mosaic.version = 14 : i64} {
  func.func @body(%arg0: i32, %arg1: memref<2000x128xf32, #tpu.memory_space<vmem>>, %arg2: memref<128x576xbf16, #tpu.memory_space<vmem>>, %arg3: memref<2000x576xbf16, #tpu.memory_space<vmem>>) attributes {dimension_semantics = [#tpu.dimension_semantics<arbitrary>], iteration_bounds = array<i64: 5>, scalar_prefetch = 0 : i64, scratch_operands = 0 : i64, tpu.core_type = #tpu.core_type<tc>, window_params = [{transform_indices = @transform_0, window_bounds = array<i64: 2000, 128>}, {pipeline_mode = #tpu.pipeline_mode<synchronous>, transform_indices = @transform_1, window_bounds = array<i64: 128, 576>}, {transform_indices = @transform_2, window_bounds = array<i64: 2000, 576>}]} {
    %get3A = arith.constant 0 : index
    %get3A_0 = arith.constant 0 : index
    %get3A_1 = vector.load %arg1[%get3A, %get3A_0] : memref<2000x128xf32, #tpu.memory_space<vmem>>, vector<2000x128xf32>
    %convert_element_type3A = arith.truncf %get3A_1 : vector<2000x128xf32> to vector<2000x128xbf16>
    %get3A_2 = arith.constant 0 : index
    %get3A_3 = arith.constant 0 : index
    %get3A_4 = vector.load %arg2[%get3A_2, %get3A_3] : memref<128x576xbf16, #tpu.memory_space<vmem>>, vector<128x576xbf16>
    %dot_general3A = arith.constant dense<0.000000e+00> : vector<2000x576xf32>
    %dot_general3A_5 = tpu.matmul %convert_element_type3A, %get3A_4, %dot_general3A {dimension_numbers = #tpu.dot_dimension_numbers<[1], [0], [0], [1], [0, 0, 1, 1], [], []>, transpose_lhs_hint = false} : vector<2000x128xbf16>, vector<128x576xbf16>, vector<2000x576xf32> -> vector<2000x576xf32>
    %convert_element_type3A_6 = arith.truncf %dot_general3A_5 : vector<2000x576xf32> to vector<2000x576xbf16>
    %swap3A = arith.constant 0 : index
    %swap3A_7 = arith.constant 0 : index
    %swap3A_8 = vector.load %arg3[%swap3A, %swap3A_7] : memref<2000x576xbf16, #tpu.memory_space<vmem>>, vector<2000x576xbf16>
    tpu.vector_store %arg3[%swap3A, %swap3A_7], %convert_element_type3A_6 {strides = array<i32>} : memref<2000x576xbf16, #tpu.memory_space<vmem>>, vector<2000x576xbf16>,
    return
  }
  func.func @transform_0(%arg0: i32) -> (i32, i32) {
    %c0_i32 = arith.constant 0 : i32
    %c0_i32_0 = arith.constant 0 : i32
    return %arg0, %c0_i32 : i32, i32
  }
  func.func @transform_1(%arg0: i32) -> (i32, i32) {
    %c0_i32 = arith.constant 0 : i32
    %c0_i32_0 = arith.constant 0 : i32
    %c0_i32_1 = arith.constant 0 : i32
    return %c0_i32, %c0_i32_0 : i32, i32
  }
  func.func @transform_2(%arg0: i32) -> (i32, i32) {
    %c0_i32 = arith.constant 0 : i32
    %c0_i32_0 = arith.constant 0 : i32
    return %arg0, %c0_i32 : i32, i32
  }
}

</mosaic_0001>

<sc_bundles>
// kernel: kernel.4.cloned.1.call-start
scs
__scs_entry_jumppad:
0x0: {  	(pc) =	sbr.rel $0x88, $3  }
0x1: {  	(tag) =	ssettag $0x0;
	lr =	simm.s32 $0x1  }
0x2: {  	[smem:$0x3F9E] =	sst lr;
	_ =	strace $0xD0000000  }
0x3: {  	_ = 	snop  }
0x4: {  	_ = 	snop  }
0x5: {  	_ = 	snop  }
0x6: {  	_ = 	snop  }
0x7: {  	_ = 	snop  }
__scs_overlays_trampoline_lowered:
0x8: {  	[smem:$0x3FAD] =	sst s0  }
0x9: {  	[smem:$0x3FAE] =	sst s1  }
0xa: {  	[smem:$0x3FAF] =	sst s2  }
0xb: {  	[smem:$0x3FB0] =	sst s3  }
0xc: {  	[smem:$0x3FB1] =	sst s4  }
0xd: {  	[smem:$0x3FB2] =	sst s5  }
0xe: {  	[smem:$0x3FB3] =	sst s6  }
0xf: {  	[smem:$0x3FB4] =	sst s7  }
0x10: {  	[smem:$0x3FB5] =	sst s8  }
0x11: {  	[smem:$0x3FB6] =	sst s9;
	s0 =	simm.s32 @!p0 $0x0  }
0x12: {  	s1 =	sld [smem:$0x3F9C];
	s0 =	simm.s32 @p0 $0x1  }
0x13: {  	[smem:$0x3FB7] =	sst s0;
	s0 =	simm.s32 @!p1 $0x0  }
0x14: {  	s2 =	sld [smem:$0x3F9B];
	s0 =	simm.s32 @p1 $0x1  }
0x15: {  	[smem:$0x3FB8] =	sst s0;
	s0 =	simm.s32 @!p2 $0x0  }
0x16: {  	s3 =	sld [smem:$0x3FDB];
	s0 =	simm.s32 @p2 $0x1  }
0x17: {  	s4 =	simm.s32 $0x1BF5;
	[smem:$0x3FBA] =	sst s0  }
0x18: {  	s0 =	sld [smem:$0x3F9D];
	_ =	swait.ge [sflag:s4], $0x0  }
0x19: {  	s7 =	sld [smem:$0x3F9E]  }
0x1a: {  	s8 =	sadd.s32 $0xFFFFE003, lr  }
0x1b: {  	s9 =	sadd.s32 $0xFFFFFEF7, lr;
	s5 =	simm.s32 $0xFFFFFFFF;
	p2 =	slt.u32 s8, $0xFFFFF086  }
0x1c: {  	p1 =	slt.u32 s9, $0xF7A;
	s5 =	simm.s32 @!p2 $0x0  }
0x1d: {  	s5 =	simm.s32 @p1 $0x1;
	p0 =	seq.s32 s7, s2  }
0x1e: {  	s7 =	smul.u32 @!p0 $0xF7A, s2;
	p2 =	seq.s32 @!p0 s5, $0x0  }
0x1f: {  	s9 =	smul.u32 $0xF7A, s1;
	s8 =	simm.s32 @!p0 $0x1BF5;
	p2 =	por !p2, p0  }
0x20: {  	[sflag:s8] =	ssyncset.s32 @!p0 $0xFFFFF086;
	s6 =	sadd.s32 @!p0 s3, s7;
	s7 =	simm.s32 @!p0 $0x108  }
0x21: {  	s3 =	sadd.s32 s3, s9;
	s6 =	sadd.s32 @!p0 $0x88, s6;
	s7 =	simm.s32 @p2 $0x1082  }
0x22: {  	[simem:s7], [sflag:s8] =	dma.local @!p0 [hbm:s6], $0xF7A  }
0x23: {  	s9 =	sor.u32 $0xD0000000, s2;
	s6 =	simm.s32 $0x108;
	_ =	swait.ge @!p0 [sflag:s8], $0x0  }
0x24: {  	s3 =	sadd.s32 $0x88, s3;
	s6 =	simm.s32 @!p1 $0x1082;
	[sflag:s4] =	ssyncset.s32 $0xFFFFF086  }
0x25: {  	[simem:s6], [sflag:s4] =	dma.local [hbm:s3], $0xF7A  }
0x26: {  	[smem:$0x3F9E] =	sst s1;
	(tag) =	ssettag s2;
	_ =	strace s9  }
0x27: {  	s1 =	sld [smem:$0x3FAE]  }
0x28: {  	s2 =	sld [smem:$0x3FAF]  }
0x29: {  	s4 =	sld [smem:$0x3FB1]  }
0x2a: {  	p0 =	seq.s32 s5, $0x0;
	s5 =	sld [smem:$0x3FB2]  }
0x2b: {  	s6 =	sld [smem:$0x3FB3]  }
0x2c: {  	s7 =	sld [smem:$0x3FB4]  }
0x2d: {  	s3 =	simm.s32 $0x108;
	s8 =	sld [smem:$0x3FB5]  }
0x2e: {  	s3 =	simm.s32 @!p0 $0x1082;
	s9 =	sld [smem:$0x3FB6]  }
0x2f: {  	lr =	sadd.s32 s0, s3;
	s0 =	sld [smem:$0x3FAD]  }
0x30: {  	s3 =	sld [smem:$0x3FB0]  }
0x31: {  	[smem:$0x3FB9] =	sst s10  }
0x32: {  	s10 =	sld [smem:$0x3FB7];
	_ =	sdelay $0x3  }
0x33: {  	p0 =	seq.s32 s10, $0x1;
	s10 =	sld [smem:$0x3FB9];
	_ =	sdelay $0x3  }
0x34: {  	[smem:$0x3FB9] =	sst s10  }
0x35: {  	s10 =	sld [smem:$0x3FB8];
	_ =	sdelay $0x3  }
0x36: {  	p1 =	seq.s32 s10, $0x1;
	s10 =	sld [smem:$0x3FB9];
	_ =	sdelay $0x3  }
0x37: {  	[smem:$0x3FB9] =	sst s10  }
0x38: {  	s10 =	sld [smem:$0x3FBA]  }
0x39: {  	_ = 	snop;
	(pc) =	sbr.ind lr, $3  }
0x3a: {  	_ = 	snop  }
0x3b: {  	_ = 	snop  }
0x3c: {  	p2 =	seq.s32 s10, $0x1;
	s10 =	sld [smem:$0x3FB9]  }
0x3d: {  	_ =	shalt  }
0x3e: {  	_ =	shalt  }
0x3f: {  	_ =	shalt  }
0x40: {  	_ =	shalt  }
0x41: {  	_ =	shalt  }
0x42: {  	_ =	shalt  }
0x43: {  	_ =	shalt  }
0x44: {  	_ =	shalt  }
0x45: {  	_ =	shalt  }
0x46: {  	_ =	shalt  }
0x47: {  	_ =	shalt  }
0x48: {  	_ =	shalt  }
0x49: {  	_ =	shalt  }
0x4a: {  	_ =	shalt  }
0x4b: {  	_ =	shalt  }
0x4c: {  	_ =	shalt  }
0x4d: {  	_ =	shalt  }
0x4e: {  	_ =	shalt  }
0x4f: {  	_ =	shalt  }
0x50: {  	_ =	shalt  }
0x51: {  	_ =	shalt  }
0x52: {  	_ =	shalt  }
0x53: {  	_ =	shalt  }
0x54: {  	_ =	shalt  }
0x55: {  	_ =	shalt  }
0x56: {  	_ =	shalt  }
0x57: {  	_ =	shalt  }
0x58: {  	_ =	shalt  }
0x59: {  	_ =	shalt  }
0x5a: {  	_ =	shalt  }
0x5b: {  	_ =	shalt  }
0x5c: {  	_ =	shalt  }
0x5d: {  	_ =	shalt  }
0x5e: {  	_ =	shalt  }
0x5f: {  	_ =	shalt  }
0x60: {  	_ =	shalt  }
0x61: {  	_ =	shalt  }
0x62: {  	_ =	shalt  }
0x63: {  	_ =	shalt  }
0x64: {  	_ =	shalt  }
0x65: {  	_ =	shalt  }
0x66: {  	_ =	shalt  }
0x67: {  	_ =	shalt  }
0x68: {  	_ =	shalt  }
0x69: {  	_ =	shalt  }
0x6a: {  	_ =	shalt  }
0x6b: {  	_ =	shalt  }
0x6c: {  	_ =	shalt  }
0x6d: {  	_ =	shalt  }
0x6e: {  	_ =	shalt  }
0x6f: {  	_ =	shalt  }
0x70: {  	_ =	shalt  }
0x71: {  	_ =	shalt  }
0x72: {  	_ =	shalt  }
0x73: {  	_ =	shalt  }
0x74: {  	_ =	shalt  }
0x75: {  	_ =	shalt  }
0x76: {  	_ =	shalt  }
0x77: {  	_ =	shalt  }
0x78: {  	_ =	shalt  }
0x79: {  	_ =	shalt  }
0x7a: {  	_ =	shalt  }
0x7b: {  	_ =	shalt  }
0x7c: {  	_ =	shalt  }
0x7d: {  	_ =	shalt  }
0x7e: {  	_ =	shalt  }
0x7f: {  	_ =	shalt  }
0x80: {  	_ =	shalt  }
0x81: {  	_ =	shalt  }
0x82: {  	_ =	shalt  }
0x83: {  	_ =	shalt  }
0x84: {  	_ =	shalt  }
0x85: {  	_ =	shalt  }
0x86: {  	_ =	shalt  }
0x87: {  	_ =	shalt  }
.Lfunc_end0:
.L_simem_size_0:
called_computation_lowered:
.L_overlay_start_0:
0x88: {  	s2 =	sld [smem:$0x3FD9]  }
0x89: {  	s3 =	sld [smem:$0x3FFE];
	_ =	sdelay $0x1  }
0x8a: {  	s1 =	srdreg.scid  }
0x8b: {  	s0 =	sand.u32 $0x1, s1  }
0x8c: {  	s17 =	sshll.u32 s0, $0xA;
	s2 =	sadd.s32 s3, s2  }
0x8d: {  	s2 =	sadd.s32 s2, s17  }
0x8e: {  	[smem:$0x3FC5] =	sst s2  }
0x8f: {  	_ = 	snop  }
0x90: {  	s2 =	sld [smem:$0x3FD0];
	(tm) =	ssettm $0x1  }
0x91: {  	s18 =	sld [smem:$0x3FFB];
	_ =	sdelay $0x3  }
0x92: {  	_ =	strace s18  }
0x93: {  	s3 =	sld [smem:$0x3FFC];
	_ =	sdelay $0x3  }
0x94: {  	_ =	strace s3  }
0x95: {  	s3 =	sld [smem:$0x3FFD];
	_ =	sdelay $0x3  }
0x96: {  	_ =	strace s3  }
0x97: {  	_ =	strace $0x8FFFFFFF  }
0x98: {  	s19 =	sld [smem:$0x3FDB];
	_ =	sdelay $0x1  }
0x99: {  	s4 =	simm.s32 $_scs_section_size  }
0x9a: {  	s5 =	simm.s32 $_size__tile_overlayer_lowered;
	s6 =	simm.s32 $_tile_overlayer_lowered  }
0x9b: {  	s22 =	simm.s32 $0x1BFF;
	s21 =	sshll.u32 s6, $0x1;
	s3 =	sadd.s32 s4, s19  }
0x9c: {  	s7 =	simm.s32 $0x0;
	s20 =	sshll.u32 s5, $0x1;
	s5 =	sadd.s32 s21, s3  }
0x9d: {  	[timem:s7], [sflag:s22] =	dma.local [hbm:s5], s20  }
0x9e: {  	_ =	swait.ge [sflag:s22], s20  }
0x9f: {  	s4 =	ssub.s32 $0x0, s20;
	[sflag:s22] =	ssyncset.done $0x0  }
0xa0: {  	[sflag:s22] =	ssyncadd.s32 s4;
	_ =	sdelay $0x1  }
0xa1: {  	s23 =	simm.s32 $0x1B8B  }
0xa2: {  	_ =	swait.ge [sflag:s23], $0x1  }
0xa3: {  	[sflag:s23] =	ssyncset.done $0x0  }
0xa4: {  	s25 =	simm.s32 $0x1B8E;
	s24 =	sld [smem:$0x3FFE];
	[sflag:s23] =	ssyncadd.s32 $0xFFFFFFFF  }
0xa5: {  	s26 =	simm.s32 $execute0_lowered;
	[smem:$0x3FD2] =	sst s25  }
0xa6: {  	s5 =	sshll.u32 s26, $0x1;
	_ =	strace $0x80000046;
	[dreg:$0x1] =	wrdreg $0xFFFFFFFF  }
0xa7: {  	s28 =	simm.s32 $_size_execute0_lowered;
	s3 =	sadd.s32 s3, s5;
	[dreg:$0x0] =	wrdreg $0x0  }
0xa8: {  	s5 =	sshll.u32 s28, $0x1;
	[dreg:$0x2] =	wrdreg s3  }
0xa9: {  	[dreg:$0x3] =	wrdreg s5  }
0xaa: {  	[dreg:$0x4] =	wrdreg $0xC0  }
0xab: {  	_ =	task [dreg:s7], $0x5FFFF  }
0xac: {  	[dreg:$0x1] =	wrdreg $0xFFFFFFFF  }
0xad: {  	[dreg:$0x0] =	wrdreg $0x60  }
0xae: {  	[dreg:$0x2] =	wrdreg s2  }
0xaf: {  	[dreg:$0x3] =	wrdreg s24  }
0xb0: {  	[dreg:$0x4] =	wrdreg $0x0  }
0xb1: {  	[dreg:$0x5] =	wrdreg $0x4E200  }
0xb2: {  	[dreg:$0x6] =	wrdreg $0x9  }
0xb3: {  	_ =	task.clear_ibuf [dreg:s7], $0x7FFFF;
	_ =	strace $0x90000046  }
0xb4: {  	s29 =	simm.s32 $0x9;
	_ =	strace $0x80000048  }
0xb5: {  	_ =	swait.ge [sflag:s29], $0x1  }
0xb6: {  	[sflag:s29] =	ssyncadd.s32 $0xFFFFFFFF  }
0xb7: {  	_ =	strace $0x90000048  }
0xb8: {  	_ =	sfence  }
0xb9: {  	s30 =	sld [smem:$0x0];
	_ =	sdelay $0x2  }
0xba: {  	s31 =	sshll.u32 s1, $0xD;
	s1 =	sshrl.u32 s1, $0x2  }
0xbb: {  	s3 =	sand.u32 $0x4000, s31;
	s1 =	sadd.s32 s1, s30  }
0xbc: {  	s0 =	sor.u32 s3, s0;
	s1 =	sshll.u32 s1, $0x11  }
0xbd: {  	s0 =	sor.u32 s1, s0  }
0xbe: {  	s0 =	sadd.s32 $0x8F2B, s0  }
0xbf: {  	[sflag:s0] =	ssyncadd.remote.s32 $0x1  }
0xc0: {  	_ =	sfence.sel $0xFFFF  }
0xc1: {  	[dreg:$0x0] =	wrdreg $0xFFFFFFFF;
	(pc) =	sbr.abs _section_cstart, $3  }
0xc2: {  	[dreg:$0x1] =	wrdreg $0xFFFFFFFF  }
0xc3: {  	_ =	task.clear_ibuf [dreg:s7], $0x2FFFF;
	_ =	strace $0x9FFFFFFF  }
0xc4: {  	(tm) =	ssettm $0x7FFFFFFF  }
0xc5: {  	_ =	shalt  }
tec
execute0_lowered:
.L_overlay_start_1:
0x0: {  	(tag) =	ssettag $0x1  }
0x1: {  	s0 =	rddreg [dreg:$0x0]  }
0x2: {  	s6 =	rddreg [dreg:$0x1]  }
0x3: {  	s1 =	rddreg [dreg:$0x2]  }
0x4: {  	s2 =	rddreg [dreg:$0x3];
	s3 =	simm.s32 $0x0;
	s4 =	srdreg.scid  }
0x5: {  	s8 =	stileid.u32;
	[smem:$0x7FF] =	sst s3  }
0x6: {  	s7 =	sadd.s32 $0x200, s6;
	s5 =	sand.u32 $0x1, s4;
	s16 =	sadd.s32 $0x1A60, s6  }
0x7: {  	s19 =	sadd.s32 $0x32CA, s6;
	_ =	strace $0x80000047;
	[dreg:$0x9] =	wrdreg s16  }
0x8: {  	s9 =	sshll.u32 s8, $0x1;
	s21 =	sadd.s32 $0x4B34, s6;
	[dreg:$0xb] =	wrdreg s19  }
0x9: {  	s10 =	smul.u32 $0x9C00, s8;
	s18 =	sshll.u32 s8, $0x6;
	[dreg:$0xd] =	wrdreg s21  }
0xa: {  	s11 =	ssub.s32 $0x2, s5;
	s16 =	sadd.s32 $0xACDC, s6;
	[dreg:$0x6] =	wrdreg s18  }
0xb: {  	s9 =	sor.u32 s5, s9;
	s19 =	sadd.s32 $0x8, s0;
	[dreg:$0x17] =	wrdreg s16  }
0xc: {  	s21 =	sadd.s32 $0x10, s0;
	s12 =	sshrl.u32 s11, $0x1;
	[dreg:$0x1b] =	wrdreg s19  }
0xd: {  	s10 =	sshrl.u32 s10, $0x1;
	[dreg:$0x1e] =	wrdreg s21;
	s16 =	sadd.s32 $0x57C0C, s0  }
0xe: {  	s11 =	ssub.s32 s11, s12;
	s12 =	sadd.s32 $0x639E, s6;
	[smem:$0x7F4] =	sst s16  }
0xf: {  	s26 =	smul.u32 $0xD0, s9;
	s29 =	sadd.s32 s10, s1;
	[dreg:$0x14] =	wrdreg s12  }
0x10: {  	s5 =	smul.u32 $0x680, s9;
	s24 =	sadd.s32 s10, s2;
	[dreg:$0x5] =	wrdreg s29  }
0x11: {  	s15 =	sadd.s32 s7, s26;
	[dreg:$0x7] =	wrdreg s24  }
0x12: {  	s14 =	sshrl.u32 s5, $0x3;
	s12 =	sadd.s32 $0x20, s0;
	[dreg:$0x8] =	wrdreg s15  }
0x13: {  	s7 =	sadd.s32 s7, s14;
	s14 =	sadd.s32 $0x7C08, s6;
	[smem:$0x7EF] =	sst s12  }
0x14: {  	s15 =	sadd.s32 $0x9472, s6;
	[dreg:$0x15] =	wrdreg s14  }
0x15: {  	s17 =	sadd.s32 $0x186A, s7;
	[dreg:$0x16] =	wrdreg s15  }
0x16: {  	s20 =	sadd.s32 $0x30D4, s7;
	[dreg:$0xa] =	wrdreg s17  }
0x17: {  	s22 =	sadd.s32 $0x493E, s7;
	[dreg:$0xc] =	wrdreg s20  }
0x18: {  	s23 =	sadd.s32 $0x61A8, s7;
	[dreg:$0xe] =	wrdreg s22  }
0x19: {  	s25 =	sadd.s32 $0x7A12, s7;
	[dreg:$0xf] =	wrdreg s23  }
0x1a: {  	s26 =	sadd.s32 $0x927C, s7;
	[dreg:$0x10] =	wrdreg s25  }
0x1b: {  	s10 =	sadd.s32 $0xAAE6, s7;
	[dreg:$0x11] =	wrdreg s26  }
0x1c: {  	s7 =	sadd.s32 $0xC350, s7;
	[dreg:$0x12] =	wrdreg s10  }
0x1d: {  	s14 =	sadd.s32 $0x57C04, s0;
	[dreg:$0x13] =	wrdreg s7  }
0x1e: {  	s15 =	sadd.s32 $0x57C08, s0;
	[smem:$0x7F2] =	sst s14  }
0x1f: {  	s13 =	smul.u32 $0x57C0, s8;
	s17 =	sadd.s32 $0xC546, s6;
	[smem:$0x7F3] =	sst s15  }
0x20: {  	s4 =	sadd.s32 $0xDE00, s6;
	s6 =	sadd.s32 $0xDDB0, s6;
	[dreg:$0x18] =	wrdreg s17  }
0x21: {  	s7 =	sadd.s32 s13, s19;
	[dreg:$0x19] =	wrdreg s6  }
0x22: {  	s20 =	sadd.s32 $0xC, s0;
	[dreg:$0x1c] =	wrdreg s7  }
0x23: {  	s22 =	sadd.s32 s13, s21;
	[dreg:$0x1d] =	wrdreg s20  }
0x24: {  	s23 =	sadd.s32 $0x14, s0;
	[smem:$0x7E8] =	sst s22  }
0x25: {  	s25 =	sadd.s32 $0x18, s0;
	[smem:$0x7E9] =	sst s23  }
0x26: {  	s26 =	sadd.s32 $0x1C, s0;
	[smem:$0x7EB] =	sst s25  }
0x27: {  	s19 =	sadd.s32 $0x57C14, s0;
	[smem:$0x7ED] =	sst s26  }
0x28: {  	s30 =	simm.s32 $0x17440;
	s21 =	sadd.s32 $0x57C1C, s0;
	[smem:$0x7F6] =	sst s19  }
0x29: {  	s28 =	simm.s32 $0x19940;
	s7 =	sadd.s32 s13, s20;
	[smem:$0x7F8] =	sst s21  }
0x2a: {  	s31 =	simm.s32 $0x8;
	s10 =	sadd.s32 s13, s26;
	[dreg:$0x1f] =	wrdreg s7  }
0x2b: {  	p0 =	sne.s32 s8, $0x0;
	s17 =	sadd.s32 $0x57C10, s0;
	[smem:$0x7EE] =	sst s10  }
0x2c: {  	p1 =	seq.s32 s8, $0xF;
	s20 =	sadd.s32 $0x57C18, s0;
	[smem:$0x7F5] =	sst s17  }
0x2d: {  	p2 =	seq.s32 s9, $0x1F;
	s22 =	smax.u32 s11, $0x1;
	[smem:$0x7F7] =	sst s20  }
0x2e: {  	p3 =	sne.s32 s9, $0x1E;
	s6 =	sadd.s32 s0, s13;
	[smem:$0x7FA] =	sst s22  }
0x2f: {  	s16 =	simm.s32 $0x3;
	s26 =	sadd.s32 $0x4E000, s2;
	[dreg:$0x1a] =	wrdreg s6  }
0x30: {  	s15 =	simm.s32 $0x40;
	s7 =	sadd.s32 s13, s23;
	[smem:$0x7FD] =	sst s26  }
0x31: {  	s11 =	simm.s32 $0x24;
	s23 =	sadd.s32 $0x4E000, s1;
	[smem:$0x7EA] =	sst s7  }
0x32: {  	s21 =	simm.s32 $0x18940;
	s7 =	sadd.s32 s13, s25;
	[smem:$0x7FB] =	sst s23  }
0x33: {  	s20 =	smul.u32 $0x1A000, s9;
	s25 =	sadd.s32 $0x4, s6;
	[smem:$0x7EC] =	sst s7  }
0x34: {  	s10 =	sor.u32 $0x1C01, s18;
	s7 =	sadd.s32 s13, s12;
	[smem:$0x7FC] =	sst s25  }
0x35: {  	s9 =	simm.s32 $0x4;
	s13 =	sadd.s32 $0x57C00, s0;
	[smem:$0x7F0] =	sst s7  }
0x36: {  	s17 =	simm.s32 $0x2;
	s0 =	sadd.s32 $0x57C20, s0;
	[smem:$0x7F1] =	sst s13  }
0x37: {  	v0 =	vimm.s32 $0x0;
	s25 =	simm.s32 $0x1;
	[smem:$0x7F9] =	sst s0;
	s0 =	simm.s32 $0x0  }
.LBB2_1:
.Ltmp0:
0x38: {  	(pc) =	sbr.rel @!p0 .LBB2_2-.Ltmp0, $4  }
0x39: {  	_ = 	snop  }
0x3a: {  	s6 =	sshrl.u32 s29, $0x3;
	s7 =	rddreg [dreg:$0x1a]  }
0x3b: {  	[spmem:s6@s9], [sflag:s10] =	dma.strided [hbm:s7@s11], $0x9C0, s25, $0x4   }
0x3c: {  	s26 =	sor.u32 $0x1C02, s18;
	s6 =	sshrl.u32 s24, $0x3  }
.Ltmp1:
0x3d: {  	(pc) =	sbr.rel @p1 .LBB2_5-.Ltmp1, $4  }
.Ltmp2:
0x3e: {  	s7 =	sld [smem:$0x7FC];
	(pc) =	sbr.rel @!p1 .LBB2_4-.Ltmp2, $4  }
0x3f: {  	_ = 	snop  }
0x40: {  	p4 =	por $0x1, $0x1  }
0x41: {  	[spmem:s6@s9], [sflag:s26] =	dma.strided [hbm:s7@s11], $0x9C0, s25, $0x4   }
0x42: {  	_ = 	snop  }
.LBB2_2:
0x43: {  	s7 =	sld [smem:$0x7FB]  }
0x44: {  	s8 =	sld [smem:$0x7F1];
	_ =	sdelay $0x1  }
0x45: {  	s7 =	sshrl.u32 s7, $0x3  }
0x46: {  	[spmem:s7@s9], [sflag:s10] =	dma.strided [hbm:s8@s11], $0x40, s25, $0x4   }
0x47: {  	s7 =	sld [smem:$0x7FC];
	_ =	sdelay $0x1  }
0x48: {  	s26 =	sor.u32 $0x1C02, s18  }
0x49: {  	[spmem:s6@s9], [sflag:s26] =	dma.strided [hbm:s7@s11], $0x9C0, s25, $0x4   }
0x4a: {  	s6 =	sld [smem:$0x7FD]  }
0x4b: {  	s7 =	sld [smem:$0x7F2];
	_ =	sdelay $0x1  }
0x4c: {  	s6 =	sshrl.u32 s6, $0x3  }
0x4d: {  	[spmem:s6@s9], [sflag:s26] =	dma.strided [hbm:s7@s11], $0x40, s25, $0x4   }
.LBB2_4:
0x4e: {  	s6 =	rddreg [dreg:$0x8];
	s7 =	simm.s32 $0x17C40;
	p4 =	por $0x0, $0x0  }
0x4f: {  	[tilespmem:s7], [sflag:$0x5] =	stream.linear.gather [hbm4b:s6+s3], $0x680, $0x38;
	[tilespmem:$0x1A940] =	vst v63  }
.LBB2_5:
.Ltmp3:
0x50: {  	(pc) =	sbr.rel @p2 .LBB2_6-.Ltmp3, $1  }
0x51: {  	_ =	sdelay $0x3  }
.Ltmp4:
0x52: {  	(pc) =	sbr.rel @p3 .LBB2_14-.Ltmp4, $1  }
0x53: {  	_ =	sdelay $0x3  }
0x54: {  	s6 =	rddreg [dreg:$0x9];
	s7 =	simm.s32 $0x17C40  }
0x55: {  	[tilespmem:s7], [sflag:$0x5] =	stream.linear.gather [hbm4b:s6+s3], $0x50, $0x38;
	[tilespmem:$0x1A940] =	vst v63  }
0x56: {  	s6 =	simm.s32 $0x17CC0  }
0x57: {  	[tilespmem:s6+$0xFFFFFFD0] =	vst v0  }
0x58: {  	[tilespmem:s6+$0x0] =	vst v0  }
0x59: {  	s7 =	simm.s32 $0x5;
	[tilespmem:s6+$0xFFFFFFF0] =	vst v0  }
.LBB2_11:
0x5a: {  	s7 =	sadd.s32 $0x4, s7  }
0x5b: {  	[tilespmem:s6+$0xFFFFFFE0] =	vst v0;
	s6 =	sadd.s32 $0x40, s6;
	p5 =	slt.u32 s7, $0x61  }
.Ltmp5:
0x5c: {  	[tilespmem:s6+$0xFFFFFFD0] =	vst v0;
	(pc) =	sbr.rel @p5 .LBB2_11-.Ltmp5, $3  }
0x5d: {  	_ =	sdelay $0x1  }
0x5e: {  	[tilespmem:s6+$0x0] =	vst v0  }
0x5f: {  	[tilespmem:s6+$0xFFFFFFF0] =	vst v0  }
0x60: {  	[tilespmem:s6+$0xFFFFFFE0] =	vst v0;
	s6 =	simm.s32 $0x0  }
.LBB2_13:
0x61: {  	p5 =	seq.s32 s6, $0x80  }
.Ltmp6:
0x62: {  	_ = 	snop;
	(pc) =	sbr.rel @!p5 .LBB2_13-.Ltmp6, $3  }
0x63: {  	_ =	sdelay $0x1  }
0x64: {  	s7 =	sshra.s32 s6, $0x2  }
0x65: {  	s6 =	sadd.s32 $0x40, s6;
	[tilespmem:s7+$0x18290] =	vst v0  }
.Ltmp7:
0x66: {  	_ = 	snop;
	(pc) =	sbr.rel .LBB2_14-.Ltmp7, $1  }
0x67: {  	_ =	sdelay $0x3  }
.LBB2_6:
0x68: {  	s6 =	simm.s32 $0x17C60  }
0x69: {  	[tilespmem:s6+$0xFFFFFFE0] =	vst v0  }
0x6a: {  	[tilespmem:s6+$0x10] =	vst v0  }
0x6b: {  	s7 =	simm.s32 $0x0;
	[tilespmem:s6+$0x0] =	vst v0  }
.LBB2_7:
0x6c: {  	s7 =	sadd.s32 $0x4, s7  }
0x6d: {  	[tilespmem:s6+$0xFFFFFFF0] =	vst v0;
	s6 =	sadd.s32 $0x40, s6;
	p5 =	slt.u32 s7, $0x64  }
.Ltmp8:
0x6e: {  	[tilespmem:s6+$0xFFFFFFE0] =	vst v0;
	(pc) =	sbr.rel @p5 .LBB2_7-.Ltmp8, $3  }
0x6f: {  	_ =	sdelay $0x1  }
0x70: {  	[tilespmem:s6+$0x10] =	vst v0  }
0x71: {  	[tilespmem:s6+$0x0] =	vst v0  }
0x72: {  	[tilespmem:s6+$0xFFFFFFF0] =	vst v0  }
.LBB2_14:
.Ltmp9:
0x73: {  	(pc) =	sbr.rel @p2 .LBB2_15-.Ltmp9, $3  }
0x74: {  	_ =	sdelay $0x1  }
0x75: {  	s6 =	simm.s32 @!p4 $0x0;
	s7 =	simm.s32 @!p4 $0x182C0;
	s8 =	rddreg [dreg:$0xa]  }
0x76: {  	[tilespmem:s7], [sflag:$0x6] =	stream.linear.gather @!p4 [hbm4b:s8+s6], $0x680, $0x38;
	[tilespmem:$0x1A940] =	vst v63  }
.Ltmp10:
0x77: {  	(pc) =	sbr.rel @p3 .LBB2_23-.Ltmp10, $1  }
0x78: {  	_ =	sdelay $0x3  }
0x79: {  	s6 =	rddreg [dreg:$0xb];
	s7 =	simm.s32 $0x182C0  }
0x7a: {  	[tilespmem:s7], [sflag:$0x6] =	stream.linear.gather [hbm4b:s6+s3], $0x50, $0x38;
	[tilespmem:$0x1A940] =	vst v63  }
0x7b: {  	s6 =	simm.s32 $0x18340  }
0x7c: {  	[tilespmem:s6+$0xFFFFFFD0] =	vst v0  }
0x7d: {  	[tilespmem:s6+$0x0] =	vst v0  }
0x7e: {  	s7 =	simm.s32 $0x5;
	[tilespmem:s6+$0xFFFFFFF0] =	vst v0  }
.LBB2_20:
0x7f: {  	s7 =	sadd.s32 $0x4, s7  }
0x80: {  	[tilespmem:s6+$0xFFFFFFE0] =	vst v0;
	s6 =	sadd.s32 $0x40, s6;
	p5 =	slt.u32 s7, $0x61  }
.Ltmp11:
0x81: {  	[tilespmem:s6+$0xFFFFFFD0] =	vst v0;
	(pc) =	sbr.rel @p5 .LBB2_20-.Ltmp11, $3  }
0x82: {  	_ =	sdelay $0x1  }
0x83: {  	[tilespmem:s6+$0x0] =	vst v0  }
0x84: {  	[tilespmem:s6+$0xFFFFFFF0] =	vst v0  }
0x85: {  	[tilespmem:s6+$0xFFFFFFE0] =	vst v0;
	s6 =	simm.s32 $0x0  }
.LBB2_22:
0x86: {  	p5 =	seq.s32 s6, $0x80  }
.Ltmp12:
0x87: {  	_ = 	snop;
	(pc) =	sbr.rel @!p5 .LBB2_22-.Ltmp12, $3  }
0x88: {  	_ =	sdelay $0x1  }
0x89: {  	s7 =	sshra.s32 s6, $0x2  }
0x8a: {  	s6 =	sadd.s32 $0x40, s6;
	[tilespmem:s7+$0x18910] =	vst v0  }
.Ltmp13:
0x8b: {  	_ = 	snop;
	(pc) =	sbr.rel .LBB2_23-.Ltmp13, $1  }
0x8c: {  	_ =	sdelay $0x3  }
.LBB2_15:
0x8d: {  	s6 =	simm.s32 $0x182E0  }
0x8e: {  	[tilespmem:s6+$0xFFFFFFE0] =	vst v0  }
0x8f: {  	[tilespmem:s6+$0x10] =	vst v0  }
0x90: {  	s7 =	simm.s32 $0x0;
	[tilespmem:s6+$0x0] =	vst v0  }
.LBB2_16:
0x91: {  	s7 =	sadd.s32 $0x4, s7  }
0x92: {  	[tilespmem:s6+$0xFFFFFFF0] =	vst v0;
	s6 =	sadd.s32 $0x40, s6;
	p5 =	slt.u32 s7, $0x64  }
.Ltmp14:
0x93: {  	[tilespmem:s6+$0xFFFFFFE0] =	vst v0;
	(pc) =	sbr.rel @p5 .LBB2_16-.Ltmp14, $3  }
0x94: {  	_ =	sdelay $0x1  }
0x95: {  	[tilespmem:s6+$0x10] =	vst v0  }
0x96: {  	[tilespmem:s6+$0x0] =	vst v0  }
0x97: {  	[tilespmem:s6+$0xFFFFFFF0] =	vst v0  }
.LBB2_23:
0x98: {  	s6 =	simm.s32 @!p4 $0x5  }
0x99: {  	_ =	swait.ge @!p4 [sflag:s6], $0x680  }
0x9a: {  	[sflag:s6] =	ssyncset.done @!p4 $0x0  }
0x9b: {  	[sflag:s6] =	ssyncadd.s32 @!p4 $0xFFFFF980;
	s6 =	simm.s32 @!p3 $0x5  }
0x9c: {  	_ =	swait.ge @!p3 [sflag:s6], $0x50  }
0x9d: {  	[sflag:s6] =	ssyncset.done @!p3 $0x0  }
0x9e: {  	[sflag:s6] =	ssyncadd.s32 @!p3 $0xFFFFFFB0  }
0x9f: {  	_ =	swait.ge [sflag:s25], $0x9C0  }
0xa0: {  	[sflag:s25] =	ssyncset.done $0x0  }
0xa1: {  	s6 =	simm.s32 @!p0 $0x1;
	[sflag:s25] =	ssyncadd.s32 $0xFFFFF640  }
0xa2: {  	_ =	swait.ge @!p0 [sflag:s6], $0x40  }
0xa3: {  	[sflag:s6] =	ssyncset.done @!p0 $0x0  }
0xa4: {  	[sflag:s6] =	ssyncadd.s32 @!p0 $0xFFFFFFC0  }
0xa5: {  	s19 =	simm.s32 $0x17C40;
	s7 =	simm.s32 $0x9C40;
	[bflag:$0x0] =	sbarrier.arrive $0xFFFF  }
0xa6: {  	[tilespmem:s7], [sflag:$0x3] =	stream.indirect.gather [spmem:s1], $0x20, s19, s15, $0xb8;
	[tilespmem:$0x1A940] =	vst v63  }
0xa7: {  	_ =	swait.ge [sflag:s16], $0x800  }
0xa8: {  	[sflag:s16] =	ssyncset.done $0x0  }
0xa9: {  	s22 =	simm.s32 $0xA440;
	s23 =	simm.s32 $0x17C80;
	[sflag:s16] =	ssyncadd.s32 $0xFFFFF800  }
0xaa: {  	[tilespmem:s22], [sflag:$0x4] =	stream.indirect.gather [spmem:s1], $0x20, s23, s15, $0xb8;
	[tilespmem:$0x1A940] =	vst v63  }
0xab: {  	_ =	swait.ge [sflag:s9], $0x800  }
0xac: {  	s8 =	simm.s32 $0xAC40;
	s11 =	simm.s32 $0x17CC0;
	[sflag:s9] =	ssyncset.done $0x0  }
0xad: {  	s6 =	simm.s32 $0xFFFFEA00;
	s7 =	simm.s32 $0xB440;
	[sflag:s9] =	ssyncadd.s32 $0xFFFFF800  }
.LBB2_24:
0xae: {  	[tilespmem:s8], [sflag:$0x3] =	stream.indirect.gather [spmem:s1], $0x20, s11, s15, $0xb8;
	[tilespmem:$0x1A940] =	vst v63  }
0xaf: {  	s8 =	smov.u32 s6;
	s11 =	smov.u32 s7  }
0xb0: {  	p5 =	sne.s32 s6, $0xFFFFFE00;
	s6 =	sadd.s32 $0x200, s6;
	_ =	swait.ge [sflag:s16], $0x800  }
0xb1: {  	s12 =	sshra.s32 s8, $0x2;
	[sflag:s16] =	ssyncset.done $0x0  }
.Ltmp15:
0xb2: {  	s8 =	sadd.s32 $0x18280, s12;
	[sflag:s16] =	ssyncadd.s32 $0xFFFFF800;
	(pc) =	sbr.rel @p5 .LBB2_24-.Ltmp15, $4  }
0xb3: {  	[tilespmem:s7], [sflag:$0x4] =	stream.indirect.gather [spmem:s1], $0x20, s8, s15, $0xb8;
	[tilespmem:$0x1A940] =	vst v63  }
0xb4: {  	_ =	swait.ge [sflag:s9], $0x800  }
0xb5: {  	s7 =	sadd.s32 $0x1000, s7;
	[sflag:s9] =	ssyncset.done $0x0  }
0xb6: {  	s8 =	sadd.s32 $0x800, s11;
	s11 =	sadd.s32 $0x182C0, s12;
	[sflag:s9] =	ssyncadd.s32 $0xFFFFF800  }
0xb7: {  	[tilespmem:s8], [sflag:$0x3] =	stream.indirect.gather [spmem:s1], $0x20, s11, s15, $0xb8;
	[tilespmem:$0x1A940] =	vst v63  }
0xb8: {  	_ =	swait.ge [sflag:s16], $0x800  }
0xb9: {  	[sflag:s16] =	ssyncset.done $0x0  }
0xba: {  	s6 =	simm.s32 $0x18280;
	s7 =	simm.s32 $0x16440;
	[sflag:s16] =	ssyncadd.s32 $0xFFFFF800  }
0xbb: {  	[tilespmem:s7], [sflag:$0x4] =	stream.indirect.gather [spmem:s1], $0x20, s6, s15, $0xb8;
	[tilespmem:$0x1A940] =	vst v63  }
.Ltmp16:
0xbc: {  	_ = 	snop;
	(pc) =	sbr.rel @p2 .LBB2_26-.Ltmp16, $4  }
0xbd: {  	_ =	swait.ge [sflag:s9], $0x800  }
0xbe: {  	s6 =	simm.s32 @!p4 $0x0;
	[sflag:s9] =	ssyncset.done $0x0  }
0xbf: {  	s7 =	simm.s32 @!p4 $0x17C40;
	s8 =	rddreg [dreg:$0xc];
	[sflag:s9] =	ssyncadd.s32 $0xFFFFF800  }
0xc0: {  	[tilespmem:s7], [sflag:$0x5] =	stream.linear.gather @!p4 [hbm4b:s8+s6], $0x680, $0x38;
	[tilespmem:$0x1A940] =	vst v63  }
.Ltmp17:
0xc1: {  	(pc) =	sbr.rel @p3 .LBB2_34-.Ltmp17, $1  }
0xc2: {  	_ =	sdelay $0x3  }
0xc3: {  	s6 =	rddreg [dreg:$0xd];
	s7 =	simm.s32 $0x17C40  }
0xc4: {  	[tilespmem:s7], [sflag:$0x5] =	stream.linear.gather [hbm4b:s6+s3], $0x50, $0x38;
	[tilespmem:$0x1A940] =	vst v63  }
0xc5: {  	s6 =	simm.s32 $0x17CC0  }
0xc6: {  	[tilespmem:s6+$0xFFFFFFD0] =	vst v0  }
0xc7: {  	[tilespmem:s6+$0x0] =	vst v0  }
0xc8: {  	s7 =	simm.s32 $0x5;
	[tilespmem:s6+$0xFFFFFFF0] =	vst v0  }
.LBB2_31:
0xc9: {  	s7 =	sadd.s32 $0x4, s7  }
0xca: {  	[tilespmem:s6+$0xFFFFFFE0] =	vst v0;
	s6 =	sadd.s32 $0x40, s6;
	p5 =	slt.u32 s7, $0x61  }
.Ltmp18:
0xcb: {  	[tilespmem:s6+$0xFFFFFFD0] =	vst v0;
	(pc) =	sbr.rel @p5 .LBB2_31-.Ltmp18, $3  }
0xcc: {  	_ =	sdelay $0x1  }
0xcd: {  	[tilespmem:s6+$0x0] =	vst v0  }
0xce: {  	[tilespmem:s6+$0xFFFFFFF0] =	vst v0  }
0xcf: {  	[tilespmem:s6+$0xFFFFFFE0] =	vst v0;
	s6 =	simm.s32 $0x0  }
.LBB2_33:
0xd0: {  	p5 =	seq.s32 s6, $0x80  }
.Ltmp19:
0xd1: {  	_ = 	snop;
	(pc) =	sbr.rel @!p5 .LBB2_33-.Ltmp19, $3  }
0xd2: {  	_ =	sdelay $0x1  }
0xd3: {  	s7 =	sshra.s32 s6, $0x2  }
0xd4: {  	s6 =	sadd.s32 $0x40, s6;
	[tilespmem:s7+$0x18290] =	vst v0  }
.Ltmp20:
0xd5: {  	_ = 	snop;
	(pc) =	sbr.rel .LBB2_34-.Ltmp20, $1  }
0xd6: {  	_ =	sdelay $0x3  }
.LBB2_26:
0xd7: {  	s6 =	simm.s32 $0x17C60  }
0xd8: {  	[tilespmem:s6+$0xFFFFFFE0] =	vst v0  }
0xd9: {  	[tilespmem:s6+$0x10] =	vst v0  }
0xda: {  	s7 =	simm.s32 $0x0;
	[tilespmem:s6+$0x0] =	vst v0  }
.LBB2_27:
0xdb: {  	s7 =	sadd.s32 $0x4, s7  }
0xdc: {  	[tilespmem:s6+$0xFFFFFFF0] =	vst v0;
	s6 =	sadd.s32 $0x40, s6;
	p5 =	slt.u32 s7, $0x64  }
.Ltmp21:
0xdd: {  	[tilespmem:s6+$0xFFFFFFE0] =	vst v0;
	(pc) =	sbr.rel @p5 .LBB2_27-.Ltmp21, $3  }
0xde: {  	_ =	sdelay $0x1  }
0xdf: {  	[tilespmem:s6+$0x10] =	vst v0  }
0xe0: {  	[tilespmem:s6+$0x0] =	vst v0  }
0xe1: {  	[tilespmem:s6+$0xFFFFFFF0] =	vst v0  }
.LBB2_34:
0xe2: {  	s6 =	simm.s32 @!p4 $0x6  }
0xe3: {  	_ =	swait.ge @!p4 [sflag:s6], $0x680  }
0xe4: {  	[sflag:s6] =	ssyncset.done @!p4 $0x0  }
0xe5: {  	[sflag:s6] =	ssyncadd.s32 @!p4 $0xFFFFF980;
	s6 =	simm.s32 @!p3 $0x6  }
0xe6: {  	_ =	swait.ge @!p3 [sflag:s6], $0x50  }
0xe7: {  	[sflag:s6] =	ssyncset.done @!p3 $0x0  }
0xe8: {  	[sflag:s6] =	ssyncadd.s32 @!p3 $0xFFFFFFB0  }
0xe9: {  	_ =	swait.ge [sflag:s17], $0x9C0  }
0xea: {  	[sflag:s17] =	ssyncset.done $0x0  }
0xeb: {  	[sflag:s17] =	ssyncadd.s32 $0xFFFFF640  }
0xec: {  	s14 =	sshrl.u32 @p0 s29, $0x3;
	s7 =	simm.s32 @p0 $0x4;
	[bflag:$0x0] =	sbarrier.arrive @p0 $0xFFFF  }
0xed: {  	s8 =	simm.s32 @p0 $0x24;
	s6 =	simm.s32 @p0 $0x1;
	s11 =	rddreg [dreg:$0x1c]  }
0xee: {  	[spmem:s14@s7], [sflag:s10] =	dma.strided @p0 [hbm:s11@s8], $0x9C0, s6, $0x4   }
0xef: {  	s6 =	simm.s32 @!p0 $0x2  }
0xf0: {  	_ =	swait.ge @!p0 [sflag:s6], $0x40  }
0xf1: {  	[sflag:s6] =	ssyncset.done @!p0 $0x0  }
0xf2: {  	[sflag:s6] =	ssyncadd.s32 @!p0 $0xFFFFFFC0  }
0xf3: {  	s22 =	sshrl.u32 @!p0 s29, $0x3;
	s7 =	simm.s32 @!p0 $0x4;
	[bflag:$0x0] =	sbarrier.arrive @!p0 $0xFFFF  }
0xf4: {  	s8 =	simm.s32 @!p0 $0x24;
	s6 =	simm.s32 @!p0 $0x1;
	s11 =	rddreg [dreg:$0x1b]  }
0xf5: {  	[spmem:s22@s7], [sflag:s10] =	dma.strided @!p0 [hbm:s11@s8], $0x9C0, s6, $0x4   }
0xf6: {  	s11 =	sld [smem:$0x7FB];
	_ =	sdelay $0x2  }
0xf7: {  	s23 =	sshrl.u32 @!p0 s11, $0x3;
	s11 =	sld [smem:$0x7F3];
	_ =	sdelay $0x1  }
0xf8: {  	s19 =	simm.s32 $0x182C0;
	s29 =	simm.s32 $0x16C40  }
0xf9: {  	[spmem:s23@s7], [sflag:s10] =	dma.strided @!p0 [hbm:s11@s8], $0x40, s6, $0x4   }
0xfa: {  	s12 =	simm.s32 $0xA530;
	s11 =	simm.s32 $0x0;
	s7 =	simm.s32 $0x9CC0  }
0xfb: {  	[tilespmem:s29], [sflag:$0x3] =	stream.indirect.gather [spmem:s2], $0x20, s19, s15, $0xb8;
	[tilespmem:$0x1A940] =	vst v63  }
.LBB2_35:
0xfc: {  	_ =	swait.ge [sflag:s16], $0x800  }
0xfd: {  	s6 =	sshll.u32 s11, $0x7;
	[sflag:s16] =	ssyncset.done $0x0  }
0xfe: {  	s6 =	sadd.s32 $0x18300, s6;
	[sflag:s16] =	ssyncadd.s32 $0xFFFFF800  }
0xff: {  	[tilespmem:s30], [sflag:$0x4] =	stream.indirect.gather [spmem:s2], $0x20, s6, s15, $0xb8;
	[tilespmem:$0x1A940] =	vst v63  }
0x100: {  	s18 =	simm.s32 $0x16CC0;
	v1 =	vld [tilespmem:s7+$0x40]  }
0x101: {  	v2 =	vld [tilespmem:s18+$0x40]  }
0x102: {  	v3 =	vld [tilespmem:s7+$0xFFFFFFC0]  }
0x103: {  	v4 =	vld [tilespmem:s18+$0xFFFFFFC0]  }
0x104: {  	v5 =	vld [tilespmem:s7+$0x0]  }
0x105: {  	v6 =	vld [tilespmem:s18+$0x0]  }
0x106: {  	v7 =	vld [tilespmem:s7+$0xFFFFFF80];
	v1 =	vadd.bf16 v2, v1  }
0x107: {  	v2 =	vld [tilespmem:s18+$0xFFFFFF80]  }
0x108: {  	[tilespmem:s7+$0x40] =	vst v1;
	v1 =	vld [tilespmem:s7+$0x50]  }
0x109: {  	v3 =	vadd.bf16 v4, v3;
	v4 =	vld [tilespmem:s18+$0x50]  }
0x10a: {  	v8 =	vld [tilespmem:s7+$0xFFFFFF90]  }
0x10b: {  	[tilespmem:s7+$0xFFFFFFC0] =	vst v3;
	v3 =	vadd.bf16 v6, v5;
	v5 =	vld [tilespmem:s7+$0xFFFFFFD0]  }
0x10c: {  	v6 =	vld [tilespmem:s18+$0xFFFFFFD0];
	v2 =	vadd.bf16 v2, v7  }
0x10d: {  	[tilespmem:s7+$0x0] =	vst v3;
	v3 =	vld [tilespmem:s7+$0x10]  }
0x10e: {  	v7 =	vld [tilespmem:s18+$0x10];
	[tilespmem:s7+$0xFFFFFF80] =	vst v2;
	v1 =	vadd.bf16 v4, v1  }
0x10f: {  	v2 =	vld [tilespmem:s18+$0xFFFFFF90]  }
0x110: {  	[tilespmem:s7+$0x50] =	vst v1;
	v1 =	vld [tilespmem:s7+$0x60]  }
0x111: {  	v4 =	vadd.bf16 v6, v5;
	v5 =	vld [tilespmem:s18+$0x60]  }
0x112: {  	v6 =	vld [tilespmem:s7+$0xFFFFFFA0]  }
0x113: {  	[tilespmem:s7+$0xFFFFFFD0] =	vst v4;
	v3 =	vadd.bf16 v7, v3;
	v4 =	vld [tilespmem:s7+$0xFFFFFFE0]  }
0x114: {  	v7 =	vld [tilespmem:s18+$0xFFFFFFE0];
	v2 =	vadd.bf16 v2, v8  }
0x115: {  	[tilespmem:s7+$0x10] =	vst v3;
	v3 =	vld [tilespmem:s7+$0x20]  }
0x116: {  	v8 =	vld [tilespmem:s18+$0x20];
	[tilespmem:s7+$0xFFFFFF90] =	vst v2;
	v1 =	vadd.bf16 v5, v1  }
0x117: {  	v5 =	vld [tilespmem:s18+$0xFFFFFFA0]  }
0x118: {  	v9 =	vld [tilespmem:s7+$0x70];
	[tilespmem:s7+$0x60] =	vst v1  }
0x119: {  	v2 =	vadd.bf16 v7, v4;
	v7 =	vld [tilespmem:s18+$0x70]  }
0x11a: {  	v1 =	vld [tilespmem:s7+$0xFFFFFFB0]  }
0x11b: {  	[tilespmem:s7+$0xFFFFFFE0] =	vst v2;
	v3 =	vadd.bf16 v8, v3;
	v2 =	vld [tilespmem:s7+$0xFFFFFFF0]  }
0x11c: {  	v4 =	vld [tilespmem:s18+$0xFFFFFFF0];
	v5 =	vadd.bf16 v5, v6  }
0x11d: {  	[tilespmem:s7+$0x20] =	vst v3;
	v3 =	vld [tilespmem:s7+$0x30]  }
0x11e: {  	[tilespmem:s7+$0xFFFFFFA0] =	vst v5;
	v5 =	vld [tilespmem:s18+$0x30];
	v7 =	vadd.bf16 v7, v9  }
0x11f: {  	s8 =	simm.s32 $0x0;
	s13 =	sadd.s32 $0x100, s7;
	s6 =	smov.u32 s7;
	v6 =	vld [tilespmem:s18+$0xFFFFFFB0]  }
.LBB2_36:
0x120: {  	v8 =	vld [tilespmem:s13+$0x40];
	[tilespmem:s6+$0x70] =	vst v7;
	s18 =	sadd.s32 $0x100, s18  }
0x121: {  	s8 =	sadd.s32 $0x8, s8;
	v7 =	vld [tilespmem:s18+$0x40];
	v2 =	vadd.bf16 v4, v2  }
0x122: {  	p5 =	slt.u32 s8, $0x38;
	v4 =	vld [tilespmem:s18+$0xFFFFFF80]  }
0x123: {  	v9 =	vld [tilespmem:s13+$0xFFFFFFC0];
	[tilespmem:s6+$0xFFFFFFF0] =	vst v2;
	v2 =	vadd.bf16 v5, v3  }
0x124: {  	v3 =	vld [tilespmem:s18+$0xFFFFFFC0];
	v1 =	vadd.bf16 v6, v1  }
0x125: {  	v5 =	vld [tilespmem:s13+$0x0];
	[tilespmem:s6+$0x30] =	vst v2  }
0x126: {  	v2 =	vld [tilespmem:s18+$0x0];
	v6 =	vadd.bf16 v7, v8;
	[tilespmem:s6+$0xFFFFFFB0] =	vst v1;
	s6 =	smov.u32 s13  }
0x127: {  	v1 =	vld [tilespmem:s13+$0xFFFFFF80]  }
0x128: {  	[tilespmem:s13+$0x40] =	vst v6;
	v6 =	vld [tilespmem:s13+$0x50]  }
0x129: {  	v3 =	vadd.bf16 v3, v9;
	v7 =	vld [tilespmem:s18+$0x50]  }
0x12a: {  	v8 =	vld [tilespmem:s13+$0xFFFFFF90]  }
0x12b: {  	[tilespmem:s13+$0xFFFFFFC0] =	vst v3;
	v3 =	vld [tilespmem:s13+$0xFFFFFFD0];
	v2 =	vadd.bf16 v2, v5  }
0x12c: {  	v1 =	vadd.bf16 v4, v1;
	v4 =	vld [tilespmem:s18+$0xFFFFFFD0]  }
0x12d: {  	[tilespmem:s13+$0x0] =	vst v2;
	v2 =	vld [tilespmem:s13+$0x10]  }
0x12e: {  	[tilespmem:s13+$0xFFFFFF80] =	vst v1;
	v1 =	vld [tilespmem:s18+$0x10];
	v5 =	vadd.bf16 v7, v6  }
0x12f: {  	v6 =	vld [tilespmem:s18+$0xFFFFFF90]  }
0x130: {  	[tilespmem:s13+$0x50] =	vst v5;
	v5 =	vld [tilespmem:s13+$0x60]  }
0x131: {  	v3 =	vadd.bf16 v4, v3;
	v4 =	vld [tilespmem:s18+$0x60]  }
0x132: {  	v7 =	vld [tilespmem:s13+$0xFFFFFFA0]  }
0x133: {  	[tilespmem:s13+$0xFFFFFFD0] =	vst v3;
	v3 =	vld [tilespmem:s13+$0xFFFFFFE0];
	v1 =	vadd.bf16 v1, v2  }
0x134: {  	v2 =	vadd.bf16 v6, v8;
	v6 =	vld [tilespmem:s18+$0xFFFFFFE0]  }
0x135: {  	[tilespmem:s13+$0x10] =	vst v1;
	v8 =	vld [tilespmem:s13+$0x20]  }
0x136: {  	[tilespmem:s13+$0xFFFFFF90] =	vst v2;
	v9 =	vld [tilespmem:s18+$0x20];
	v1 =	vadd.bf16 v4, v5  }
0x137: {  	v4 =	vld [tilespmem:s18+$0xFFFFFFA0]  }
0x138: {  	[tilespmem:s13+$0x60] =	vst v1;
	v10 =	vld [tilespmem:s13+$0x70]  }
0x139: {  	v2 =	vadd.bf16 v6, v3;
	v6 =	vld [tilespmem:s18+$0x70]  }
0x13a: {  	v1 =	vld [tilespmem:s13+$0xFFFFFFB0]  }
.Ltmp22:
0x13b: {  	[tilespmem:s13+$0xFFFFFFE0] =	vst v2;
	v2 =	vld [tilespmem:s13+$0xFFFFFFF0];
	v3 =	vadd.bf16 v9, v8;
	(pc) =	sbr.rel @p5 .LBB2_36-.Ltmp22, $4  }
0x13c: {  	v5 =	vadd.bf16 v4, v7;
	v4 =	vld [tilespmem:s18+$0xFFFFFFF0]  }
0x13d: {  	[tilespmem:s13+$0x20] =	vst v3;
	v3 =	vld [tilespmem:s13+$0x30]  }
0x13e: {  	[tilespmem:s13+$0xFFFFFFA0] =	vst v5;
	v5 =	vld [tilespmem:s18+$0x30];
	v7 =	vadd.bf16 v6, v10  }
0x13f: {  	s13 =	sadd.s32 $0x100, s13;
	v6 =	vld [tilespmem:s18+$0xFFFFFFB0]  }
0x140: {  	_ =	sdelay $0x1  }
0x141: {  	v2 =	vadd.bf16 v4, v2  }
0x142: {  	[tilespmem:s6+$0x70] =	vst v7;
	v3 =	vadd.bf16 v5, v3  }
0x143: {  	[tilespmem:s6+$0xFFFFFFF0] =	vst v2;
	v1 =	vadd.bf16 v6, v1  }
0x144: {  	[tilespmem:s6+$0x30] =	vst v3  }
0x145: {  	p5 =	seq.s32 s11, $0xC;
	[tilespmem:s6+$0xFFFFFFB0] =	vst v1  }
0x146: {  	s6 =	sshll.u32 @!p5 s11, $0x7;
	_ =	swait.ge [sflag:s9], $0x800  }
0x147: {  	s8 =	simm.s32 @!p5 $0x40;
	s6 =	sand.u32 @!p5 $0x3FFFFF80, s6;
	[sflag:s9] =	ssyncset.done $0x0  }
0x148: {  	s13 =	simm.s32 @!p5 $0x16C40;
	s6 =	sadd.s32 @!p5 $0x18340, s6;
	[sflag:s9] =	ssyncadd.s32 $0xFFFFF800  }
0x149: {  	[tilespmem:s13], [sflag:$0x3] =	stream.indirect.gather @!p5 [spmem:s2], $0x20, s6, s8, $0xb8;
	[tilespmem:$0x1A940] =	vst v63  }
0x14a: {  	s18 =	simm.s32 $0x174C0;
	v1 =	vld [tilespmem:s12+$0xFFFFFFD0]  }
0x14b: {  	v2 =	vld [tilespmem:s18+$0x40]  }
0x14c: {  	v3 =	vld [tilespmem:s12+$0xFFFFFF50]  }
0x14d: {  	v4 =	vld [tilespmem:s18+$0xFFFFFFC0]  }
0x14e: {  	v5 =	vld [tilespmem:s12+$0xFFFFFF90]  }
0x14f: {  	v6 =	vld [tilespmem:s18+$0x0]  }
0x150: {  	v7 =	vld [tilespmem:s12+$0xFFFFFF10];
	v1 =	vadd.bf16 v2, v1  }
0x151: {  	v2 =	vld [tilespmem:s18+$0xFFFFFF80]  }
0x152: {  	[tilespmem:s12+$0xFFFFFFD0] =	vst v1;
	v1 =	vld [tilespmem:s12+$0xFFFFFFE0]  }
0x153: {  	v3 =	vadd.bf16 v4, v3;
	v4 =	vld [tilespmem:s18+$0x50]  }
0x154: {  	v8 =	vld [tilespmem:s12+$0xFFFFFF20]  }
0x155: {  	[tilespmem:s12+$0xFFFFFF50] =	vst v3;
	v3 =	vadd.bf16 v6, v5;
	v5 =	vld [tilespmem:s12+$0xFFFFFF60]  }
0x156: {  	v6 =	vld [tilespmem:s18+$0xFFFFFFD0];
	v2 =	vadd.bf16 v2, v7  }
0x157: {  	[tilespmem:s12+$0xFFFFFF90] =	vst v3;
	v3 =	vld [tilespmem:s12+$0xFFFFFFA0]  }
0x158: {  	v7 =	vld [tilespmem:s18+$0x10];
	[tilespmem:s12+$0xFFFFFF10] =	vst v2;
	v1 =	vadd.bf16 v4, v1  }
0x159: {  	v2 =	vld [tilespmem:s18+$0xFFFFFF90]  }
0x15a: {  	[tilespmem:s12+$0xFFFFFFE0] =	vst v1;
	v1 =	vld [tilespmem:s12+$0xFFFFFFF0]  }
0x15b: {  	v4 =	vadd.bf16 v6, v5;
	v5 =	vld [tilespmem:s18+$0x60]  }
0x15c: {  	v6 =	vld [tilespmem:s12+$0xFFFFFF30]  }
0x15d: {  	[tilespmem:s12+$0xFFFFFF60] =	vst v4;
	v3 =	vadd.bf16 v7, v3;
	v4 =	vld [tilespmem:s12+$0xFFFFFF70]  }
0x15e: {  	v7 =	vld [tilespmem:s18+$0xFFFFFFE0];
	v2 =	vadd.bf16 v2, v8  }
0x15f: {  	[tilespmem:s12+$0xFFFFFFA0] =	vst v3;
	v3 =	vld [tilespmem:s12+$0xFFFFFFB0]  }
0x160: {  	v8 =	vld [tilespmem:s18+$0x20];
	[tilespmem:s12+$0xFFFFFF20] =	vst v2;
	v1 =	vadd.bf16 v5, v1  }
0x161: {  	v5 =	vld [tilespmem:s18+$0xFFFFFFA0]  }
0x162: {  	v9 =	vld [tilespmem:s12+$0x0];
	[tilespmem:s12+$0xFFFFFFF0] =	vst v1  }
0x163: {  	v2 =	vadd.bf16 v7, v4;
	v7 =	vld [tilespmem:s18+$0x70]  }
0x164: {  	v1 =	vld [tilespmem:s12+$0xFFFFFF40]  }
0x165: {  	[tilespmem:s12+$0xFFFFFF70] =	vst v2;
	v3 =	vadd.bf16 v8, v3;
	v2 =	vld [tilespmem:s12+$0xFFFFFF80]  }
0x166: {  	v4 =	vld [tilespmem:s18+$0xFFFFFFF0];
	v5 =	vadd.bf16 v5, v6  }
0x167: {  	[tilespmem:s12+$0xFFFFFFB0] =	vst v3;
	v3 =	vld [tilespmem:s12+$0xFFFFFFC0]  }
0x168: {  	[tilespmem:s12+$0xFFFFFF30] =	vst v5;
	v5 =	vld [tilespmem:s18+$0x30];
	v7 =	vadd.bf16 v7, v9  }
0x169: {  	s8 =	simm.s32 $0x0;
	s13 =	sadd.s32 $0x100, s12;
	s6 =	smov.u32 s12;
	v6 =	vld [tilespmem:s18+$0xFFFFFFB0]  }
.LBB2_38:
0x16a: {  	v8 =	vld [tilespmem:s13+$0xFFFFFFD0];
	[tilespmem:s6+$0x0] =	vst v7;
	s18 =	sadd.s32 $0x100, s18  }
0x16b: {  	s8 =	sadd.s32 $0x8, s8;
	v7 =	vld [tilespmem:s18+$0x40];
	v2 =	vadd.bf16 v4, v2  }
0x16c: {  	p5 =	slt.u32 s8, $0x38;
	v4 =	vld [tilespmem:s18+$0xFFFFFF80]  }
0x16d: {  	v9 =	vld [tilespmem:s13+$0xFFFFFF50];
	[tilespmem:s6+$0xFFFFFF80] =	vst v2;
	v2 =	vadd.bf16 v5, v3  }
0x16e: {  	v3 =	vld [tilespmem:s18+$0xFFFFFFC0];
	v1 =	vadd.bf16 v6, v1  }
0x16f: {  	v5 =	vld [tilespmem:s13+$0xFFFFFF90];
	[tilespmem:s6+$0xFFFFFFC0] =	vst v2  }
0x170: {  	v2 =	vld [tilespmem:s18+$0x0];
	v6 =	vadd.bf16 v7, v8;
	[tilespmem:s6+$0xFFFFFF40] =	vst v1;
	s6 =	smov.u32 s13  }
0x171: {  	v1 =	vld [tilespmem:s13+$0xFFFFFF10]  }
0x172: {  	[tilespmem:s13+$0xFFFFFFD0] =	vst v6;
	v6 =	vld [tilespmem:s13+$0xFFFFFFE0]  }
0x173: {  	v3 =	vadd.bf16 v3, v9;
	v7 =	vld [tilespmem:s18+$0x50]  }
0x174: {  	v8 =	vld [tilespmem:s13+$0xFFFFFF20]  }
0x175: {  	[tilespmem:s13+$0xFFFFFF50] =	vst v3;
	v3 =	vld [tilespmem:s13+$0xFFFFFF60];
	v2 =	vadd.bf16 v2, v5  }
0x176: {  	v1 =	vadd.bf16 v4, v1;
	v4 =	vld [tilespmem:s18+$0xFFFFFFD0]  }
0x177: {  	[tilespmem:s13+$0xFFFFFF90] =	vst v2;
	v2 =	vld [tilespmem:s13+$0xFFFFFFA0]  }
0x178: {  	[tilespmem:s13+$0xFFFFFF10] =	vst v1;
	v1 =	vld [tilespmem:s18+$0x10];
	v5 =	vadd.bf16 v7, v6  }
0x179: {  	v6 =	vld [tilespmem:s18+$0xFFFFFF90]  }
0x17a: {  	[tilespmem:s13+$0xFFFFFFE0] =	vst v5;
	v5 =	vld [tilespmem:s13+$0xFFFFFFF0]  }
0x17b: {  	v3 =	vadd.bf16 v4, v3;
	v4 =	vld [tilespmem:s18+$0x60]  }
0x17c: {  	v7 =	vld [tilespmem:s13+$0xFFFFFF30]  }
0x17d: {  	[tilespmem:s13+$0xFFFFFF60] =	vst v3;
	v3 =	vld [tilespmem:s13+$0xFFFFFF70];
	v1 =	vadd.bf16 v1, v2  }
0x17e: {  	v2 =	vadd.bf16 v6, v8;
	v6 =	vld [tilespmem:s18+$0xFFFFFFE0]  }
0x17f: {  	[tilespmem:s13+$0xFFFFFFA0] =	vst v1;
	v8 =	vld [tilespmem:s13+$0xFFFFFFB0]  }
0x180: {  	[tilespmem:s13+$0xFFFFFF20] =	vst v2;
	v9 =	vld [tilespmem:s18+$0x20];
	v1 =	vadd.bf16 v4, v5  }
0x181: {  	v4 =	vld [tilespmem:s18+$0xFFFFFFA0]  }
0x182: {  	[tilespmem:s13+$0xFFFFFFF0] =	vst v1;
	v10 =	vld [tilespmem:s13+$0x0]  }
0x183: {  	v2 =	vadd.bf16 v6, v3;
	v6 =	vld [tilespmem:s18+$0x70]  }
0x184: {  	v1 =	vld [tilespmem:s13+$0xFFFFFF40]  }
.Ltmp23:
0x185: {  	[tilespmem:s13+$0xFFFFFF70] =	vst v2;
	v2 =	vld [tilespmem:s13+$0xFFFFFF80];
	v3 =	vadd.bf16 v9, v8;
	(pc) =	sbr.rel @p5 .LBB2_38-.Ltmp23, $4  }
0x186: {  	v5 =	vadd.bf16 v4, v7;
	v4 =	vld [tilespmem:s18+$0xFFFFFFF0]  }
0x187: {  	[tilespmem:s13+$0xFFFFFFB0] =	vst v3;
	v3 =	vld [tilespmem:s13+$0xFFFFFFC0]  }
0x188: {  	[tilespmem:s13+$0xFFFFFF30] =	vst v5;
	v5 =	vld [tilespmem:s18+$0x30];
	v7 =	vadd.bf16 v6, v10  }
0x189: {  	s13 =	sadd.s32 $0x100, s13;
	v6 =	vld [tilespmem:s18+$0xFFFFFFB0]  }
0x18a: {  	s11 =	sadd.s32 $0x1, s11  }
0x18b: {  	p5 =	sne.s32 s11, $0xD  }
.Ltmp24:
0x18c: {  	v2 =	vadd.bf16 v4, v2;
	(pc) =	sbr.rel @p5 .LBB2_35-.Ltmp24, $4  }
0x18d: {  	[tilespmem:s6+$0x0] =	vst v7;
	v3 =	vadd.bf16 v5, v3  }
0x18e: {  	[tilespmem:s6+$0xFFFFFF80] =	vst v2;
	v1 =	vadd.bf16 v6, v1  }
0x18f: {  	[tilespmem:s6+$0xFFFFFFC0] =	vst v3  }
0x190: {  	s7 =	sadd.s32 $0x1000, s7;
	s12 =	sadd.s32 $0x1000, s12;
	[tilespmem:s6+$0xFFFFFF40] =	vst v1  }
.Ltmp25:
0x191: {  	(pc) =	sbr.rel @p2 .LBB2_41-.Ltmp25, $3  }
0x192: {  	_ =	sdelay $0x1  }
0x193: {  	s6 =	simm.s32 @!p4 $0x0;
	s7 =	simm.s32 @!p4 $0x182C0;
	s8 =	rddreg [dreg:$0xe]  }
0x194: {  	[tilespmem:s7], [sflag:$0x6] =	stream.linear.gather @!p4 [hbm4b:s8+s6], $0x680, $0x38;
	[tilespmem:$0x1A940] =	vst v63  }
.Ltmp26:
0x195: {  	(pc) =	sbr.rel @p3 .LBB2_49-.Ltmp26, $1  }
0x196: {  	_ =	sdelay $0x3  }
0x197: {  	s6 =	rddreg [dreg:$0x14];
	s7 =	simm.s32 $0x182C0  }
0x198: {  	[tilespmem:s7], [sflag:$0x6] =	stream.linear.gather [hbm4b:s6+s3], $0x50, $0x38;
	[tilespmem:$0x1A940] =	vst v63  }
0x199: {  	s6 =	simm.s32 $0x18340  }
0x19a: {  	[tilespmem:s6+$0xFFFFFFD0] =	vst v0  }
0x19b: {  	[tilespmem:s6+$0x0] =	vst v0  }
0x19c: {  	s7 =	simm.s32 $0x5;
	[tilespmem:s6+$0xFFFFFFF0] =	vst v0  }
.LBB2_46:
0x19d: {  	s7 =	sadd.s32 $0x4, s7  }
0x19e: {  	[tilespmem:s6+$0xFFFFFFE0] =	vst v0;
	s6 =	sadd.s32 $0x40, s6;
	p5 =	slt.u32 s7, $0x61  }
.Ltmp27:
0x19f: {  	[tilespmem:s6+$0xFFFFFFD0] =	vst v0;
	(pc) =	sbr.rel @p5 .LBB2_46-.Ltmp27, $3  }
0x1a0: {  	_ =	sdelay $0x1  }
0x1a1: {  	[tilespmem:s6+$0x0] =	vst v0  }
0x1a2: {  	[tilespmem:s6+$0xFFFFFFF0] =	vst v0  }
0x1a3: {  	[tilespmem:s6+$0xFFFFFFE0] =	vst v0;
	s6 =	simm.s32 $0x0  }
.LBB2_48:
0x1a4: {  	p5 =	seq.s32 s6, $0x80  }
.Ltmp28:
0x1a5: {  	_ = 	snop;
	(pc) =	sbr.rel @!p5 .LBB2_48-.Ltmp28, $3  }
0x1a6: {  	_ =	sdelay $0x1  }
0x1a7: {  	s7 =	sshra.s32 s6, $0x2  }
0x1a8: {  	s6 =	sadd.s32 $0x40, s6;
	[tilespmem:s7+$0x18910] =	vst v0  }
.Ltmp29:
0x1a9: {  	_ = 	snop;
	(pc) =	sbr.rel .LBB2_49-.Ltmp29, $1  }
0x1aa: {  	_ =	sdelay $0x3  }
.LBB2_41:
0x1ab: {  	s6 =	simm.s32 $0x182E0  }
0x1ac: {  	[tilespmem:s6+$0xFFFFFFE0] =	vst v0  }
0x1ad: {  	[tilespmem:s6+$0x10] =	vst v0  }
0x1ae: {  	s7 =	simm.s32 $0x0;
	[tilespmem:s6+$0x0] =	vst v0  }
.LBB2_42:
0x1af: {  	s7 =	sadd.s32 $0x4, s7  }
0x1b0: {  	[tilespmem:s6+$0xFFFFFFF0] =	vst v0;
	s6 =	sadd.s32 $0x40, s6;
	p5 =	slt.u32 s7, $0x64  }
.Ltmp30:
0x1b1: {  	[tilespmem:s6+$0xFFFFFFE0] =	vst v0;
	(pc) =	sbr.rel @p5 .LBB2_42-.Ltmp30, $3  }
0x1b2: {  	_ =	sdelay $0x1  }
0x1b3: {  	[tilespmem:s6+$0x10] =	vst v0  }
0x1b4: {  	[tilespmem:s6+$0x0] =	vst v0  }
0x1b5: {  	[tilespmem:s6+$0xFFFFFFF0] =	vst v0  }
.LBB2_49:
0x1b6: {  	s6 =	simm.s32 @!p4 $0x5  }
0x1b7: {  	_ =	swait.ge @!p4 [sflag:s6], $0x680  }
0x1b8: {  	[sflag:s6] =	ssyncset.done @!p4 $0x0  }
0x1b9: {  	[sflag:s6] =	ssyncadd.s32 @!p4 $0xFFFFF980;
	s6 =	simm.s32 @!p3 $0x5  }
0x1ba: {  	_ =	swait.ge @!p3 [sflag:s6], $0x50  }
0x1bb: {  	[sflag:s6] =	ssyncset.done @!p3 $0x0  }
0x1bc: {  	[sflag:s6] =	ssyncadd.s32 @!p3 $0xFFFFFFB0  }
0x1bd: {  	_ =	swait.ge [sflag:s25], $0x9C0  }
0x1be: {  	[sflag:s25] =	ssyncset.done $0x0  }
0x1bf: {  	[sflag:s25] =	ssyncadd.s32 $0xFFFFF640  }
0x1c0: {  	s11 =	sshrl.u32 @p0 s24, $0x3;
	s7 =	simm.s32 @p0 $0x4;
	[bflag:$0x0] =	sbarrier.arrive @p0 $0xFFFF  }
0x1c1: {  	s8 =	simm.s32 @p0 $0x24;
	s6 =	simm.s32 @p0 $0x1;
	s12 =	rddreg [dreg:$0x1f]  }
0x1c2: {  	[spmem:s11@s7], [sflag:s26] =	dma.strided @p0 [hbm:s12@s8], $0x9C0, s6, $0x4   }
0x1c3: {  	s6 =	simm.s32 @!p0 $0x1  }
0x1c4: {  	_ =	swait.ge @!p0 [sflag:s6], $0x40  }
0x1c5: {  	[sflag:s6] =	ssyncset.done @!p0 $0x0  }
0x1c6: {  	[sflag:s6] =	ssyncadd.s32 @!p0 $0xFFFFFFC0  }
0x1c7: {  	s12 =	sshrl.u32 @!p0 s24, $0x3;
	[bflag:$0x0] =	sbarrier.arrive @!p0 $0xFFFF  }
0x1c8: {  	s7 =	simm.s32 @!p0 $0x4;
	s8 =	simm.s32 @!p0 $0x24;
	s13 =	rddreg [dreg:$0x1d]  }
0x1c9: {  	[spmem:s12@s7], [sflag:s26] =	dma.strided @!p0 [hbm:s13@s8], $0x9C0, s6, $0x4   }
0x1ca: {  	s13 =	sld [smem:$0x7FD];
	_ =	sdelay $0x2  }
0x1cb: {  	s24 =	sshrl.u32 @!p0 s13, $0x3;
	s13 =	sld [smem:$0x7F4];
	_ =	sdelay $0x1  }
0x1cc: {  	s18 =	simm.s32 $0x17C40;
	s19 =	simm.s32 $0x16C40  }
0x1cd: {  	[spmem:s24@s7], [sflag:s26] =	dma.strided @!p0 [hbm:s13@s8], $0x40, s6, $0x4   }
0x1ce: {  	s29 =	simm.s32 $0x9CC0;
	s7 =	simm.s32 $0x0;
	s8 =	simm.s32 $0xA530  }
0x1cf: {  	[tilespmem:s19], [sflag:$0x3] =	stream.indirect.gather [spmem:s1], $0x20, s18, s15, $0xb8;
	[tilespmem:$0x1A940] =	vst v63  }
.LBB2_50:
0x1d0: {  	_ =	swait.ge [sflag:s16], $0x800  }
0x1d1: {  	s6 =	sshll.u32 s7, $0x7;
	[sflag:s16] =	ssyncset.done $0x0  }
0x1d2: {  	s6 =	sadd.s32 $0x17C80, s6;
	[sflag:s16] =	ssyncadd.s32 $0xFFFFF800  }
0x1d3: {  	[tilespmem:s30], [sflag:$0x4] =	stream.indirect.gather [spmem:s1], $0x20, s6, s15, $0xb8;
	[tilespmem:$0x1A940] =	vst v63  }
0x1d4: {  	s6 =	simm.s32 $0x16CC0;
	v1 =	vld [tilespmem:s29+$0x40]  }
0x1d5: {  	v2 =	vld [tilespmem:s6+$0x40]  }
0x1d6: {  	v3 =	vld [tilespmem:s29+$0xFFFFFFC0]  }
0x1d7: {  	v4 =	vld [tilespmem:s6+$0xFFFFFFC0]  }
0x1d8: {  	v5 =	vld [tilespmem:s29+$0x0]  }
0x1d9: {  	v6 =	vld [tilespmem:s6+$0x0]  }
0x1da: {  	v7 =	vld [tilespmem:s29+$0xFFFFFF80];
	v1 =	vadd.bf16 v2, v1  }
0x1db: {  	v2 =	vld [tilespmem:s6+$0xFFFFFF80]  }
0x1dc: {  	[tilespmem:s29+$0x40] =	vst v1;
	v1 =	vld [tilespmem:s29+$0x50]  }
0x1dd: {  	v3 =	vadd.bf16 v4, v3;
	v4 =	vld [tilespmem:s6+$0x50]  }
0x1de: {  	v8 =	vld [tilespmem:s29+$0xFFFFFF90]  }
0x1df: {  	[tilespmem:s29+$0xFFFFFFC0] =	vst v3;
	v3 =	vadd.bf16 v6, v5;
	v5 =	vld [tilespmem:s29+$0xFFFFFFD0]  }
0x1e0: {  	v6 =	vld [tilespmem:s6+$0xFFFFFFD0];
	v2 =	vadd.bf16 v2, v7  }
0x1e1: {  	[tilespmem:s29+$0x0] =	vst v3;
	v3 =	vld [tilespmem:s29+$0x10]  }
0x1e2: {  	v7 =	vld [tilespmem:s6+$0x10];
	[tilespmem:s29+$0xFFFFFF80] =	vst v2;
	v1 =	vadd.bf16 v4, v1  }
0x1e3: {  	v2 =	vld [tilespmem:s6+$0xFFFFFF90]  }
0x1e4: {  	[tilespmem:s29+$0x50] =	vst v1;
	v1 =	vld [tilespmem:s29+$0x60]  }
0x1e5: {  	v4 =	vadd.bf16 v6, v5;
	v5 =	vld [tilespmem:s6+$0x60]  }
0x1e6: {  	v6 =	vld [tilespmem:s29+$0xFFFFFFA0]  }
0x1e7: {  	[tilespmem:s29+$0xFFFFFFD0] =	vst v4;
	v3 =	vadd.bf16 v7, v3;
	v4 =	vld [tilespmem:s29+$0xFFFFFFE0]  }
0x1e8: {  	v7 =	vld [tilespmem:s6+$0xFFFFFFE0];
	v2 =	vadd.bf16 v2, v8  }
0x1e9: {  	[tilespmem:s29+$0x10] =	vst v3;
	v3 =	vld [tilespmem:s29+$0x20]  }
0x1ea: {  	v8 =	vld [tilespmem:s6+$0x20];
	[tilespmem:s29+$0xFFFFFF90] =	vst v2;
	v1 =	vadd.bf16 v5, v1  }
0x1eb: {  	v5 =	vld [tilespmem:s6+$0xFFFFFFA0]  }
0x1ec: {  	v9 =	vld [tilespmem:s29+$0x70];
	[tilespmem:s29+$0x60] =	vst v1  }
0x1ed: {  	v2 =	vadd.bf16 v7, v4;
	v7 =	vld [tilespmem:s6+$0x70]  }
0x1ee: {  	v1 =	vld [tilespmem:s29+$0xFFFFFFB0]  }
0x1ef: {  	[tilespmem:s29+$0xFFFFFFE0] =	vst v2;
	v3 =	vadd.bf16 v8, v3;
	v2 =	vld [tilespmem:s29+$0xFFFFFFF0]  }
0x1f0: {  	v4 =	vld [tilespmem:s6+$0xFFFFFFF0];
	v5 =	vadd.bf16 v5, v6  }
0x1f1: {  	[tilespmem:s29+$0x20] =	vst v3;
	v3 =	vld [tilespmem:s29+$0x30]  }
0x1f2: {  	[tilespmem:s29+$0xFFFFFFA0] =	vst v5;
	v5 =	vld [tilespmem:s6+$0x30];
	v7 =	vadd.bf16 v7, v9  }
0x1f3: {  	s13 =	simm.s32 $0x0;
	s19 =	sadd.s32 $0x100, s29;
	s18 =	smov.u32 s29;
	v6 =	vld [tilespmem:s6+$0xFFFFFFB0]  }
.LBB2_51:
0x1f4: {  	v8 =	vld [tilespmem:s19+$0x40];
	[tilespmem:s18+$0x70] =	vst v7;
	s6 =	sadd.s32 $0x100, s6  }
0x1f5: {  	s13 =	sadd.s32 $0x8, s13;
	v7 =	vld [tilespmem:s6+$0x40];
	v2 =	vadd.bf16 v4, v2  }
0x1f6: {  	p5 =	slt.u32 s13, $0x38;
	v4 =	vld [tilespmem:s6+$0xFFFFFF80]  }
0x1f7: {  	v9 =	vld [tilespmem:s19+$0xFFFFFFC0];
	[tilespmem:s18+$0xFFFFFFF0] =	vst v2;
	v2 =	vadd.bf16 v5, v3  }
0x1f8: {  	v3 =	vld [tilespmem:s6+$0xFFFFFFC0];
	v1 =	vadd.bf16 v6, v1  }
0x1f9: {  	v5 =	vld [tilespmem:s19+$0x0];
	[tilespmem:s18+$0x30] =	vst v2  }
0x1fa: {  	v2 =	vld [tilespmem:s6+$0x0];
	v6 =	vadd.bf16 v7, v8;
	[tilespmem:s18+$0xFFFFFFB0] =	vst v1;
	s18 =	smov.u32 s19  }
0x1fb: {  	v1 =	vld [tilespmem:s19+$0xFFFFFF80]  }
0x1fc: {  	[tilespmem:s19+$0x40] =	vst v6;
	v6 =	vld [tilespmem:s19+$0x50]  }
0x1fd: {  	v3 =	vadd.bf16 v3, v9;
	v7 =	vld [tilespmem:s6+$0x50]  }
0x1fe: {  	v8 =	vld [tilespmem:s19+$0xFFFFFF90]  }
0x1ff: {  	[tilespmem:s19+$0xFFFFFFC0] =	vst v3;
	v3 =	vld [tilespmem:s19+$0xFFFFFFD0];
	v2 =	vadd.bf16 v2, v5  }
0x200: {  	v1 =	vadd.bf16 v4, v1;
	v4 =	vld [tilespmem:s6+$0xFFFFFFD0]  }
0x201: {  	[tilespmem:s19+$0x0] =	vst v2;
	v2 =	vld [tilespmem:s19+$0x10]  }
0x202: {  	[tilespmem:s19+$0xFFFFFF80] =	vst v1;
	v1 =	vld [tilespmem:s6+$0x10];
	v5 =	vadd.bf16 v7, v6  }
0x203: {  	v6 =	vld [tilespmem:s6+$0xFFFFFF90]  }
0x204: {  	[tilespmem:s19+$0x50] =	vst v5;
	v5 =	vld [tilespmem:s19+$0x60]  }
0x205: {  	v3 =	vadd.bf16 v4, v3;
	v4 =	vld [tilespmem:s6+$0x60]  }
0x206: {  	v7 =	vld [tilespmem:s19+$0xFFFFFFA0]  }
0x207: {  	[tilespmem:s19+$0xFFFFFFD0] =	vst v3;
	v3 =	vld [tilespmem:s19+$0xFFFFFFE0];
	v1 =	vadd.bf16 v1, v2  }
0x208: {  	v2 =	vadd.bf16 v6, v8;
	v6 =	vld [tilespmem:s6+$0xFFFFFFE0]  }
0x209: {  	[tilespmem:s19+$0x10] =	vst v1;
	v8 =	vld [tilespmem:s19+$0x20]  }
0x20a: {  	[tilespmem:s19+$0xFFFFFF90] =	vst v2;
	v9 =	vld [tilespmem:s6+$0x20];
	v1 =	vadd.bf16 v4, v5  }
0x20b: {  	v4 =	vld [tilespmem:s6+$0xFFFFFFA0]  }
0x20c: {  	[tilespmem:s19+$0x60] =	vst v1;
	v10 =	vld [tilespmem:s19+$0x70]  }
0x20d: {  	v2 =	vadd.bf16 v6, v3;
	v6 =	vld [tilespmem:s6+$0x70]  }
0x20e: {  	v1 =	vld [tilespmem:s19+$0xFFFFFFB0]  }
.Ltmp31:
0x20f: {  	[tilespmem:s19+$0xFFFFFFE0] =	vst v2;
	v2 =	vld [tilespmem:s19+$0xFFFFFFF0];
	v3 =	vadd.bf16 v9, v8;
	(pc) =	sbr.rel @p5 .LBB2_51-.Ltmp31, $4  }
0x210: {  	v5 =	vadd.bf16 v4, v7;
	v4 =	vld [tilespmem:s6+$0xFFFFFFF0]  }
0x211: {  	[tilespmem:s19+$0x20] =	vst v3;
	v3 =	vld [tilespmem:s19+$0x30]  }
0x212: {  	[tilespmem:s19+$0xFFFFFFA0] =	vst v5;
	v5 =	vld [tilespmem:s6+$0x30];
	v7 =	vadd.bf16 v6, v10  }
0x213: {  	s19 =	sadd.s32 $0x100, s19;
	v6 =	vld [tilespmem:s6+$0xFFFFFFB0]  }
0x214: {  	_ =	sdelay $0x1  }
0x215: {  	v2 =	vadd.bf16 v4, v2  }
0x216: {  	[tilespmem:s18+$0x70] =	vst v7;
	v3 =	vadd.bf16 v5, v3  }
0x217: {  	[tilespmem:s18+$0xFFFFFFF0] =	vst v2;
	v1 =	vadd.bf16 v6, v1  }
0x218: {  	[tilespmem:s18+$0x30] =	vst v3  }
0x219: {  	p5 =	seq.s32 s7, $0xC;
	[tilespmem:s18+$0xFFFFFFB0] =	vst v1  }
0x21a: {  	s6 =	sshll.u32 @!p5 s7, $0x7;
	_ =	swait.ge [sflag:s9], $0x800  }
0x21b: {  	s13 =	simm.s32 @!p5 $0x40;
	s6 =	sand.u32 @!p5 $0x3FFFFF80, s6;
	[sflag:s9] =	ssyncset.done $0x0  }
0x21c: {  	s6 =	sadd.s32 @!p5 $0x17CC0, s6;
	s18 =	simm.s32 @!p5 $0x16C40;
	[sflag:s9] =	ssyncadd.s32 $0xFFFFF800  }
0x21d: {  	[tilespmem:s18], [sflag:$0x3] =	stream.indirect.gather @!p5 [spmem:s1], $0x20, s6, s13, $0xb8;
	[tilespmem:$0x1A940] =	vst v63  }
0x21e: {  	s6 =	simm.s32 $0x174C0;
	v1 =	vld [tilespmem:s8+$0xFFFFFFD0]  }
0x21f: {  	v2 =	vld [tilespmem:s6+$0x40]  }
0x220: {  	v3 =	vld [tilespmem:s8+$0xFFFFFF50]  }
0x221: {  	v4 =	vld [tilespmem:s6+$0xFFFFFFC0]  }
0x222: {  	v5 =	vld [tilespmem:s8+$0xFFFFFF90]  }
0x223: {  	v6 =	vld [tilespmem:s6+$0x0]  }
0x224: {  	v7 =	vld [tilespmem:s8+$0xFFFFFF10];
	v1 =	vadd.bf16 v2, v1  }
0x225: {  	v2 =	vld [tilespmem:s6+$0xFFFFFF80]  }
0x226: {  	[tilespmem:s8+$0xFFFFFFD0] =	vst v1;
	v1 =	vld [tilespmem:s8+$0xFFFFFFE0]  }
0x227: {  	v3 =	vadd.bf16 v4, v3;
	v4 =	vld [tilespmem:s6+$0x50]  }
0x228: {  	v8 =	vld [tilespmem:s8+$0xFFFFFF20]  }
0x229: {  	[tilespmem:s8+$0xFFFFFF50] =	vst v3;
	v3 =	vadd.bf16 v6, v5;
	v5 =	vld [tilespmem:s8+$0xFFFFFF60]  }
0x22a: {  	v6 =	vld [tilespmem:s6+$0xFFFFFFD0];
	v2 =	vadd.bf16 v2, v7  }
0x22b: {  	[tilespmem:s8+$0xFFFFFF90] =	vst v3;
	v3 =	vld [tilespmem:s8+$0xFFFFFFA0]  }
0x22c: {  	v7 =	vld [tilespmem:s6+$0x10];
	[tilespmem:s8+$0xFFFFFF10] =	vst v2;
	v1 =	vadd.bf16 v4, v1  }
0x22d: {  	v2 =	vld [tilespmem:s6+$0xFFFFFF90]  }
0x22e: {  	[tilespmem:s8+$0xFFFFFFE0] =	vst v1;
	v1 =	vld [tilespmem:s8+$0xFFFFFFF0]  }
0x22f: {  	v4 =	vadd.bf16 v6, v5;
	v5 =	vld [tilespmem:s6+$0x60]  }
0x230: {  	v6 =	vld [tilespmem:s8+$0xFFFFFF30]  }
0x231: {  	[tilespmem:s8+$0xFFFFFF60] =	vst v4;
	v3 =	vadd.bf16 v7, v3;
	v4 =	vld [tilespmem:s8+$0xFFFFFF70]  }
0x232: {  	v7 =	vld [tilespmem:s6+$0xFFFFFFE0];
	v2 =	vadd.bf16 v2, v8  }
0x233: {  	[tilespmem:s8+$0xFFFFFFA0] =	vst v3;
	v3 =	vld [tilespmem:s8+$0xFFFFFFB0]  }
0x234: {  	v8 =	vld [tilespmem:s6+$0x20];
	[tilespmem:s8+$0xFFFFFF20] =	vst v2;
	v1 =	vadd.bf16 v5, v1  }
0x235: {  	v5 =	vld [tilespmem:s6+$0xFFFFFFA0]  }
0x236: {  	v9 =	vld [tilespmem:s8+$0x0];
	[tilespmem:s8+$0xFFFFFFF0] =	vst v1  }
0x237: {  	v2 =	vadd.bf16 v7, v4;
	v7 =	vld [tilespmem:s6+$0x70]  }
0x238: {  	v1 =	vld [tilespmem:s8+$0xFFFFFF40]  }
0x239: {  	[tilespmem:s8+$0xFFFFFF70] =	vst v2;
	v3 =	vadd.bf16 v8, v3;
	v2 =	vld [tilespmem:s8+$0xFFFFFF80]  }
0x23a: {  	v4 =	vld [tilespmem:s6+$0xFFFFFFF0];
	v5 =	vadd.bf16 v5, v6  }
0x23b: {  	[tilespmem:s8+$0xFFFFFFB0] =	vst v3;
	v3 =	vld [tilespmem:s8+$0xFFFFFFC0]  }
0x23c: {  	[tilespmem:s8+$0xFFFFFF30] =	vst v5;
	v5 =	vld [tilespmem:s6+$0x30];
	v7 =	vadd.bf16 v7, v9  }
0x23d: {  	s19 =	sadd.s32 $0x100, s8;
	s13 =	simm.s32 $0x0;
	s18 =	smov.u32 s8;
	v6 =	vld [tilespmem:s6+$0xFFFFFFB0]  }
.LBB2_53:
0x23e: {  	v8 =	vld [tilespmem:s19+$0xFFFFFFD0];
	[tilespmem:s18+$0x0] =	vst v7;
	s6 =	sadd.s32 $0x100, s6  }
0x23f: {  	s13 =	sadd.s32 $0x8, s13;
	v7 =	vld [tilespmem:s6+$0x40];
	v2 =	vadd.bf16 v4, v2  }
0x240: {  	p5 =	slt.u32 s13, $0x38;
	v4 =	vld [tilespmem:s6+$0xFFFFFF80]  }
0x241: {  	v9 =	vld [tilespmem:s19+$0xFFFFFF50];
	[tilespmem:s18+$0xFFFFFF80] =	vst v2;
	v2 =	vadd.bf16 v5, v3  }
0x242: {  	v3 =	vld [tilespmem:s6+$0xFFFFFFC0];
	v1 =	vadd.bf16 v6, v1  }
0x243: {  	v5 =	vld [tilespmem:s19+$0xFFFFFF90];
	[tilespmem:s18+$0xFFFFFFC0] =	vst v2  }
0x244: {  	v2 =	vld [tilespmem:s6+$0x0];
	v6 =	vadd.bf16 v7, v8;
	[tilespmem:s18+$0xFFFFFF40] =	vst v1;
	s18 =	smov.u32 s19  }
0x245: {  	v1 =	vld [tilespmem:s19+$0xFFFFFF10]  }
0x246: {  	[tilespmem:s19+$0xFFFFFFD0] =	vst v6;
	v6 =	vld [tilespmem:s19+$0xFFFFFFE0]  }
0x247: {  	v3 =	vadd.bf16 v3, v9;
	v7 =	vld [tilespmem:s6+$0x50]  }
0x248: {  	v8 =	vld [tilespmem:s19+$0xFFFFFF20]  }
0x249: {  	[tilespmem:s19+$0xFFFFFF50] =	vst v3;
	v3 =	vld [tilespmem:s19+$0xFFFFFF60];
	v2 =	vadd.bf16 v2, v5  }
0x24a: {  	v1 =	vadd.bf16 v4, v1;
	v4 =	vld [tilespmem:s6+$0xFFFFFFD0]  }
0x24b: {  	[tilespmem:s19+$0xFFFFFF90] =	vst v2;
	v2 =	vld [tilespmem:s19+$0xFFFFFFA0]  }
0x24c: {  	[tilespmem:s19+$0xFFFFFF10] =	vst v1;
	v1 =	vld [tilespmem:s6+$0x10];
	v5 =	vadd.bf16 v7, v6  }
0x24d: {  	v6 =	vld [tilespmem:s6+$0xFFFFFF90]  }
0x24e: {  	[tilespmem:s19+$0xFFFFFFE0] =	vst v5;
	v5 =	vld [tilespmem:s19+$0xFFFFFFF0]  }
0x24f: {  	v3 =	vadd.bf16 v4, v3;
	v4 =	vld [tilespmem:s6+$0x60]  }
0x250: {  	v7 =	vld [tilespmem:s19+$0xFFFFFF30]  }
0x251: {  	[tilespmem:s19+$0xFFFFFF60] =	vst v3;
	v3 =	vld [tilespmem:s19+$0xFFFFFF70];
	v1 =	vadd.bf16 v1, v2  }
0x252: {  	v2 =	vadd.bf16 v6, v8;
	v6 =	vld [tilespmem:s6+$0xFFFFFFE0]  }
0x253: {  	[tilespmem:s19+$0xFFFFFFA0] =	vst v1;
	v8 =	vld [tilespmem:s19+$0xFFFFFFB0]  }
0x254: {  	[tilespmem:s19+$0xFFFFFF20] =	vst v2;
	v9 =	vld [tilespmem:s6+$0x20];
	v1 =	vadd.bf16 v4, v5  }
0x255: {  	v4 =	vld [tilespmem:s6+$0xFFFFFFA0]  }
0x256: {  	[tilespmem:s19+$0xFFFFFFF0] =	vst v1;
	v10 =	vld [tilespmem:s19+$0x0]  }
0x257: {  	v2 =	vadd.bf16 v6, v3;
	v6 =	vld [tilespmem:s6+$0x70]  }
0x258: {  	v1 =	vld [tilespmem:s19+$0xFFFFFF40]  }
.Ltmp32:
0x259: {  	[tilespmem:s19+$0xFFFFFF70] =	vst v2;
	v2 =	vld [tilespmem:s19+$0xFFFFFF80];
	v3 =	vadd.bf16 v9, v8;
	(pc) =	sbr.rel @p5 .LBB2_53-.Ltmp32, $4  }
0x25a: {  	v5 =	vadd.bf16 v4, v7;
	v4 =	vld [tilespmem:s6+$0xFFFFFFF0]  }
0x25b: {  	[tilespmem:s19+$0xFFFFFFB0] =	vst v3;
	v3 =	vld [tilespmem:s19+$0xFFFFFFC0]  }
0x25c: {  	[tilespmem:s19+$0xFFFFFF30] =	vst v5;
	v5 =	vld [tilespmem:s6+$0x30];
	v7 =	vadd.bf16 v6, v10  }
0x25d: {  	s19 =	sadd.s32 $0x100, s19;
	v6 =	vld [tilespmem:s6+$0xFFFFFFB0]  }
0x25e: {  	s7 =	sadd.s32 $0x1, s7  }
0x25f: {  	p5 =	sne.s32 s7, $0xD  }
.Ltmp33:
0x260: {  	v2 =	vadd.bf16 v4, v2;
	(pc) =	sbr.rel @p5 .LBB2_50-.Ltmp33, $4  }
0x261: {  	[tilespmem:s18+$0x0] =	vst v7;
	v3 =	vadd.bf16 v5, v3  }
0x262: {  	[tilespmem:s18+$0xFFFFFF80] =	vst v2;
	v1 =	vadd.bf16 v6, v1  }
0x263: {  	[tilespmem:s18+$0xFFFFFFC0] =	vst v3  }
0x264: {  	s29 =	sadd.s32 $0x1000, s29;
	s8 =	sadd.s32 $0x1000, s8;
	[tilespmem:s18+$0xFFFFFF40] =	vst v1  }
.Ltmp34:
0x265: {  	(pc) =	sbr.rel @p2 .LBB2_56-.Ltmp34, $3  }
0x266: {  	_ =	sdelay $0x1  }
0x267: {  	s6 =	simm.s32 @!p4 $0x0;
	s7 =	simm.s32 @!p4 $0x17C40;
	s8 =	rddreg [dreg:$0xf]  }
0x268: {  	[tilespmem:s7], [sflag:$0x5] =	stream.linear.gather @!p4 [hbm4b:s8+s6], $0x680, $0x38;
	[tilespmem:$0x1A940] =	vst v63  }
.Ltmp35:
0x269: {  	(pc) =	sbr.rel @p3 .LBB2_64-.Ltmp35, $1  }
0x26a: {  	_ =	sdelay $0x3  }
0x26b: {  	s6 =	rddreg [dreg:$0x15];
	s7 =	simm.s32 $0x17C40  }
0x26c: {  	[tilespmem:s7], [sflag:$0x5] =	stream.linear.gather [hbm4b:s6+s3], $0x50, $0x38;
	[tilespmem:$0x1A940] =	vst v63  }
0x26d: {  	s6 =	simm.s32 $0x17CC0  }
0x26e: {  	[tilespmem:s6+$0xFFFFFFD0] =	vst v0  }
0x26f: {  	[tilespmem:s6+$0x0] =	vst v0  }
0x270: {  	s7 =	simm.s32 $0x5;
	[tilespmem:s6+$0xFFFFFFF0] =	vst v0  }
.LBB2_61:
0x271: {  	s7 =	sadd.s32 $0x4, s7  }
0x272: {  	[tilespmem:s6+$0xFFFFFFE0] =	vst v0;
	s6 =	sadd.s32 $0x40, s6;
	p5 =	slt.u32 s7, $0x61  }
.Ltmp36:
0x273: {  	[tilespmem:s6+$0xFFFFFFD0] =	vst v0;
	(pc) =	sbr.rel @p5 .LBB2_61-.Ltmp36, $3  }
0x274: {  	_ =	sdelay $0x1  }
0x275: {  	[tilespmem:s6+$0x0] =	vst v0  }
0x276: {  	[tilespmem:s6+$0xFFFFFFF0] =	vst v0  }
0x277: {  	[tilespmem:s6+$0xFFFFFFE0] =	vst v0;
	s6 =	simm.s32 $0x0  }
.LBB2_63:
0x278: {  	p5 =	seq.s32 s6, $0x80  }
.Ltmp37:
0x279: {  	_ = 	snop;
	(pc) =	sbr.rel @!p5 .LBB2_63-.Ltmp37, $3  }
0x27a: {  	_ =	sdelay $0x1  }
0x27b: {  	s7 =	sshra.s32 s6, $0x2  }
0x27c: {  	s6 =	sadd.s32 $0x40, s6;
	[tilespmem:s7+$0x18290] =	vst v0  }
.Ltmp38:
0x27d: {  	_ = 	snop;
	(pc) =	sbr.rel .LBB2_64-.Ltmp38, $1  }
0x27e: {  	_ =	sdelay $0x3  }
.LBB2_56:
0x27f: {  	s6 =	simm.s32 $0x17C60  }
0x280: {  	[tilespmem:s6+$0xFFFFFFE0] =	vst v0  }
0x281: {  	[tilespmem:s6+$0x10] =	vst v0  }
0x282: {  	s7 =	simm.s32 $0x0;
	[tilespmem:s6+$0x0] =	vst v0  }
.LBB2_57:
0x283: {  	s7 =	sadd.s32 $0x4, s7  }
0x284: {  	[tilespmem:s6+$0xFFFFFFF0] =	vst v0;
	s6 =	sadd.s32 $0x40, s6;
	p5 =	slt.u32 s7, $0x64  }
.Ltmp39:
0x285: {  	[tilespmem:s6+$0xFFFFFFE0] =	vst v0;
	(pc) =	sbr.rel @p5 .LBB2_57-.Ltmp39, $3  }
0x286: {  	_ =	sdelay $0x1  }
0x287: {  	[tilespmem:s6+$0x10] =	vst v0  }
0x288: {  	[tilespmem:s6+$0x0] =	vst v0  }
0x289: {  	[tilespmem:s6+$0xFFFFFFF0] =	vst v0  }
.LBB2_64:
0x28a: {  	s6 =	simm.s32 @!p4 $0x6  }
0x28b: {  	_ =	swait.ge @!p4 [sflag:s6], $0x680  }
0x28c: {  	[sflag:s6] =	ssyncset.done @!p4 $0x0  }
0x28d: {  	[sflag:s6] =	ssyncadd.s32 @!p4 $0xFFFFF980;
	s6 =	simm.s32 @!p3 $0x6  }
0x28e: {  	_ =	swait.ge @!p3 [sflag:s6], $0x50  }
0x28f: {  	[sflag:s6] =	ssyncset.done @!p3 $0x0  }
0x290: {  	[sflag:s6] =	ssyncadd.s32 @!p3 $0xFFFFFFB0  }
0x291: {  	_ =	swait.ge [sflag:s17], $0x9C0  }
0x292: {  	[sflag:s17] =	ssyncset.done $0x0  }
0x293: {  	[sflag:s17] =	ssyncadd.s32 $0xFFFFF640  }
0x294: {  	[bflag:$0x0] =	sbarrier.arrive @p0 $0xFFFF  }
0x295: {  	s13 =	sld [smem:$0x7E8];
	_ =	sdelay $0x1  }
0x296: {  	s7 =	simm.s32 @p0 $0x4;
	s8 =	simm.s32 @p0 $0x24;
	s6 =	simm.s32 @p0 $0x1  }
0x297: {  	[spmem:s14@s7], [sflag:s10] =	dma.strided @p0 [hbm:s13@s8], $0x9C0, s6, $0x4   }
0x298: {  	s6 =	simm.s32 @!p0 $0x2  }
0x299: {  	_ =	swait.ge @!p0 [sflag:s6], $0x40  }
0x29a: {  	[sflag:s6] =	ssyncset.done @!p0 $0x0  }
0x29b: {  	[sflag:s6] =	ssyncadd.s32 @!p0 $0xFFFFFFC0  }
0x29c: {  	s7 =	simm.s32 @!p0 $0x4;
	[bflag:$0x0] =	sbarrier.arrive @!p0 $0xFFFF  }
0x29d: {  	s8 =	simm.s32 @!p0 $0x24;
	s6 =	simm.s32 @!p0 $0x1;
	s13 =	rddreg [dreg:$0x1e]  }
0x29e: {  	[spmem:s22@s7], [sflag:s10] =	dma.strided @!p0 [hbm:s13@s8], $0x9C0, s6, $0x4   }
0x29f: {  	s13 =	sld [smem:$0x7F5];
	_ =	sdelay $0x1  }
0x2a0: {  	s18 =	simm.s32 $0x182C0;
	s19 =	simm.s32 $0x16C40  }
0x2a1: {  	[spmem:s23@s7], [sflag:s10] =	dma.strided @!p0 [hbm:s13@s8], $0x40, s6, $0x4   }
0x2a2: {  	[tilespmem:s19], [sflag:$0x3] =	stream.indirect.gather [spmem:s2], $0x20, s18, s15, $0xb8;
	[tilespmem:$0x1A940] =	vst v63  }
0x2a3: {  	s29 =	simm.s32 $0x9CC0;
	s7 =	simm.s32 $0x0;
	s18 =	simm.s32 $0xA530  }
.LBB2_65:
0x2a4: {  	_ =	swait.ge [sflag:s16], $0x800  }
0x2a5: {  	s6 =	sshll.u32 s7, $0x7;
	[sflag:s16] =	ssyncset.done $0x0  }
0x2a6: {  	s6 =	sadd.s32 $0x18300, s6;
	[sflag:s16] =	ssyncadd.s32 $0xFFFFF800  }
0x2a7: {  	[tilespmem:s30], [sflag:$0x4] =	stream.indirect.gather [spmem:s2], $0x20, s6, s15, $0xb8;
	[tilespmem:$0x1A940] =	vst v63  }
0x2a8: {  	s6 =	simm.s32 $0x16CC0;
	v1 =	vld [tilespmem:s29+$0x40]  }
0x2a9: {  	v2 =	vld [tilespmem:s6+$0x40]  }
0x2aa: {  	v3 =	vld [tilespmem:s29+$0xFFFFFFC0]  }
0x2ab: {  	v4 =	vld [tilespmem:s6+$0xFFFFFFC0]  }
0x2ac: {  	v5 =	vld [tilespmem:s29+$0x0]  }
0x2ad: {  	v6 =	vld [tilespmem:s6+$0x0]  }
0x2ae: {  	v7 =	vld [tilespmem:s29+$0xFFFFFF80];
	v1 =	vadd.bf16 v2, v1  }
0x2af: {  	v2 =	vld [tilespmem:s6+$0xFFFFFF80]  }
0x2b0: {  	[tilespmem:s29+$0x40] =	vst v1;
	v1 =	vld [tilespmem:s29+$0x50]  }
0x2b1: {  	v3 =	vadd.bf16 v4, v3;
	v4 =	vld [tilespmem:s6+$0x50]  }
0x2b2: {  	v8 =	vld [tilespmem:s29+$0xFFFFFF90]  }
0x2b3: {  	[tilespmem:s29+$0xFFFFFFC0] =	vst v3;
	v3 =	vadd.bf16 v6, v5;
	v5 =	vld [tilespmem:s29+$0xFFFFFFD0]  }
0x2b4: {  	v6 =	vld [tilespmem:s6+$0xFFFFFFD0];
	v2 =	vadd.bf16 v2, v7  }
0x2b5: {  	[tilespmem:s29+$0x0] =	vst v3;
	v3 =	vld [tilespmem:s29+$0x10]  }
0x2b6: {  	v7 =	vld [tilespmem:s6+$0x10];
	[tilespmem:s29+$0xFFFFFF80] =	vst v2;
	v1 =	vadd.bf16 v4, v1  }
0x2b7: {  	v2 =	vld [tilespmem:s6+$0xFFFFFF90]  }
0x2b8: {  	[tilespmem:s29+$0x50] =	vst v1;
	v1 =	vld [tilespmem:s29+$0x60]  }
0x2b9: {  	v4 =	vadd.bf16 v6, v5;
	v5 =	vld [tilespmem:s6+$0x60]  }
0x2ba: {  	v6 =	vld [tilespmem:s29+$0xFFFFFFA0]  }
0x2bb: {  	[tilespmem:s29+$0xFFFFFFD0] =	vst v4;
	v3 =	vadd.bf16 v7, v3;
	v4 =	vld [tilespmem:s29+$0xFFFFFFE0]  }
0x2bc: {  	v7 =	vld [tilespmem:s6+$0xFFFFFFE0];
	v2 =	vadd.bf16 v2, v8  }
0x2bd: {  	[tilespmem:s29+$0x10] =	vst v3;
	v3 =	vld [tilespmem:s29+$0x20]  }
0x2be: {  	v8 =	vld [tilespmem:s6+$0x20];
	[tilespmem:s29+$0xFFFFFF90] =	vst v2;
	v1 =	vadd.bf16 v5, v1  }
0x2bf: {  	v5 =	vld [tilespmem:s6+$0xFFFFFFA0]  }
0x2c0: {  	v9 =	vld [tilespmem:s29+$0x70];
	[tilespmem:s29+$0x60] =	vst v1  }
0x2c1: {  	v2 =	vadd.bf16 v7, v4;
	v7 =	vld [tilespmem:s6+$0x70]  }
0x2c2: {  	v1 =	vld [tilespmem:s29+$0xFFFFFFB0]  }
0x2c3: {  	[tilespmem:s29+$0xFFFFFFE0] =	vst v2;
	v3 =	vadd.bf16 v8, v3;
	v2 =	vld [tilespmem:s29+$0xFFFFFFF0]  }
0x2c4: {  	v4 =	vld [tilespmem:s6+$0xFFFFFFF0];
	v5 =	vadd.bf16 v5, v6  }
0x2c5: {  	[tilespmem:s29+$0x20] =	vst v3;
	v3 =	vld [tilespmem:s29+$0x30]  }
0x2c6: {  	[tilespmem:s29+$0xFFFFFFA0] =	vst v5;
	v5 =	vld [tilespmem:s6+$0x30];
	v7 =	vadd.bf16 v7, v9  }
0x2c7: {  	s13 =	simm.s32 $0x0;
	s19 =	sadd.s32 $0x100, s29;
	s8 =	smov.u32 s29;
	v6 =	vld [tilespmem:s6+$0xFFFFFFB0]  }
.LBB2_66:
0x2c8: {  	v8 =	vld [tilespmem:s19+$0x40];
	[tilespmem:s8+$0x70] =	vst v7;
	s6 =	sadd.s32 $0x100, s6  }
0x2c9: {  	s13 =	sadd.s32 $0x8, s13;
	v7 =	vld [tilespmem:s6+$0x40];
	v2 =	vadd.bf16 v4, v2  }
0x2ca: {  	p5 =	slt.u32 s13, $0x38;
	v4 =	vld [tilespmem:s6+$0xFFFFFF80]  }
0x2cb: {  	v9 =	vld [tilespmem:s19+$0xFFFFFFC0];
	[tilespmem:s8+$0xFFFFFFF0] =	vst v2;
	v2 =	vadd.bf16 v5, v3  }
0x2cc: {  	v3 =	vld [tilespmem:s6+$0xFFFFFFC0];
	v1 =	vadd.bf16 v6, v1  }
0x2cd: {  	v5 =	vld [tilespmem:s19+$0x0];
	[tilespmem:s8+$0x30] =	vst v2  }
0x2ce: {  	v2 =	vld [tilespmem:s6+$0x0];
	v6 =	vadd.bf16 v7, v8;
	[tilespmem:s8+$0xFFFFFFB0] =	vst v1;
	s8 =	smov.u32 s19  }
0x2cf: {  	v1 =	vld [tilespmem:s19+$0xFFFFFF80]  }
0x2d0: {  	[tilespmem:s19+$0x40] =	vst v6;
	v6 =	vld [tilespmem:s19+$0x50]  }
0x2d1: {  	v3 =	vadd.bf16 v3, v9;
	v7 =	vld [tilespmem:s6+$0x50]  }
0x2d2: {  	v8 =	vld [tilespmem:s19+$0xFFFFFF90]  }
0x2d3: {  	[tilespmem:s19+$0xFFFFFFC0] =	vst v3;
	v3 =	vld [tilespmem:s19+$0xFFFFFFD0];
	v2 =	vadd.bf16 v2, v5  }
0x2d4: {  	v1 =	vadd.bf16 v4, v1;
	v4 =	vld [tilespmem:s6+$0xFFFFFFD0]  }
0x2d5: {  	[tilespmem:s19+$0x0] =	vst v2;
	v2 =	vld [tilespmem:s19+$0x10]  }
0x2d6: {  	[tilespmem:s19+$0xFFFFFF80] =	vst v1;
	v1 =	vld [tilespmem:s6+$0x10];
	v5 =	vadd.bf16 v7, v6  }
0x2d7: {  	v6 =	vld [tilespmem:s6+$0xFFFFFF90]  }
0x2d8: {  	[tilespmem:s19+$0x50] =	vst v5;
	v5 =	vld [tilespmem:s19+$0x60]  }
0x2d9: {  	v3 =	vadd.bf16 v4, v3;
	v4 =	vld [tilespmem:s6+$0x60]  }
0x2da: {  	v7 =	vld [tilespmem:s19+$0xFFFFFFA0]  }
0x2db: {  	[tilespmem:s19+$0xFFFFFFD0] =	vst v3;
	v3 =	vld [tilespmem:s19+$0xFFFFFFE0];
	v1 =	vadd.bf16 v1, v2  }
0x2dc: {  	v2 =	vadd.bf16 v6, v8;
	v6 =	vld [tilespmem:s6+$0xFFFFFFE0]  }
0x2dd: {  	[tilespmem:s19+$0x10] =	vst v1;
	v8 =	vld [tilespmem:s19+$0x20]  }
0x2de: {  	[tilespmem:s19+$0xFFFFFF90] =	vst v2;
	v9 =	vld [tilespmem:s6+$0x20];
	v1 =	vadd.bf16 v4, v5  }
0x2df: {  	v4 =	vld [tilespmem:s6+$0xFFFFFFA0]  }
0x2e0: {  	[tilespmem:s19+$0x60] =	vst v1;
	v10 =	vld [tilespmem:s19+$0x70]  }
0x2e1: {  	v2 =	vadd.bf16 v6, v3;
	v6 =	vld [tilespmem:s6+$0x70]  }
0x2e2: {  	v1 =	vld [tilespmem:s19+$0xFFFFFFB0]  }
.Ltmp40:
0x2e3: {  	[tilespmem:s19+$0xFFFFFFE0] =	vst v2;
	v2 =	vld [tilespmem:s19+$0xFFFFFFF0];
	v3 =	vadd.bf16 v9, v8;
	(pc) =	sbr.rel @p5 .LBB2_66-.Ltmp40, $4  }
0x2e4: {  	v5 =	vadd.bf16 v4, v7;
	v4 =	vld [tilespmem:s6+$0xFFFFFFF0]  }
0x2e5: {  	[tilespmem:s19+$0x20] =	vst v3;
	v3 =	vld [tilespmem:s19+$0x30]  }
0x2e6: {  	[tilespmem:s19+$0xFFFFFFA0] =	vst v5;
	v5 =	vld [tilespmem:s6+$0x30];
	v7 =	vadd.bf16 v6, v10  }
0x2e7: {  	s19 =	sadd.s32 $0x100, s19;
	v6 =	vld [tilespmem:s6+$0xFFFFFFB0]  }
0x2e8: {  	_ =	sdelay $0x1  }
0x2e9: {  	v2 =	vadd.bf16 v4, v2  }
0x2ea: {  	[tilespmem:s8+$0x70] =	vst v7;
	v3 =	vadd.bf16 v5, v3  }
0x2eb: {  	[tilespmem:s8+$0xFFFFFFF0] =	vst v2;
	v1 =	vadd.bf16 v6, v1  }
0x2ec: {  	[tilespmem:s8+$0x30] =	vst v3  }
0x2ed: {  	p5 =	seq.s32 s7, $0xC;
	[tilespmem:s8+$0xFFFFFFB0] =	vst v1  }
0x2ee: {  	s6 =	sshll.u32 @!p5 s7, $0x7;
	_ =	swait.ge [sflag:s9], $0x800  }
0x2ef: {  	s13 =	simm.s32 @!p5 $0x16C40;
	s6 =	sand.u32 @!p5 $0x3FFFFF80, s6;
	[sflag:s9] =	ssyncset.done $0x0  }
0x2f0: {  	s6 =	sadd.s32 @!p5 $0x18340, s6;
	s8 =	simm.s32 @!p5 $0x40;
	[sflag:s9] =	ssyncadd.s32 $0xFFFFF800  }
0x2f1: {  	[tilespmem:s13], [sflag:$0x3] =	stream.indirect.gather @!p5 [spmem:s2], $0x20, s6, s8, $0xb8;
	[tilespmem:$0x1A940] =	vst v63  }
0x2f2: {  	s6 =	simm.s32 $0x174C0;
	v1 =	vld [tilespmem:s18+$0xFFFFFFD0]  }
0x2f3: {  	v2 =	vld [tilespmem:s6+$0x40]  }
0x2f4: {  	v3 =	vld [tilespmem:s18+$0xFFFFFF50]  }
0x2f5: {  	v4 =	vld [tilespmem:s6+$0xFFFFFFC0]  }
0x2f6: {  	v5 =	vld [tilespmem:s18+$0xFFFFFF90]  }
0x2f7: {  	v6 =	vld [tilespmem:s6+$0x0]  }
0x2f8: {  	v7 =	vld [tilespmem:s18+$0xFFFFFF10];
	v1 =	vadd.bf16 v2, v1  }
0x2f9: {  	v2 =	vld [tilespmem:s6+$0xFFFFFF80]  }
0x2fa: {  	[tilespmem:s18+$0xFFFFFFD0] =	vst v1;
	v1 =	vld [tilespmem:s18+$0xFFFFFFE0]  }
0x2fb: {  	v3 =	vadd.bf16 v4, v3;
	v4 =	vld [tilespmem:s6+$0x50]  }
0x2fc: {  	v8 =	vld [tilespmem:s18+$0xFFFFFF20]  }
0x2fd: {  	[tilespmem:s18+$0xFFFFFF50] =	vst v3;
	v3 =	vadd.bf16 v6, v5;
	v5 =	vld [tilespmem:s18+$0xFFFFFF60]  }
0x2fe: {  	v6 =	vld [tilespmem:s6+$0xFFFFFFD0];
	v2 =	vadd.bf16 v2, v7  }
0x2ff: {  	[tilespmem:s18+$0xFFFFFF90] =	vst v3;
	v3 =	vld [tilespmem:s18+$0xFFFFFFA0]  }
0x300: {  	v7 =	vld [tilespmem:s6+$0x10];
	[tilespmem:s18+$0xFFFFFF10] =	vst v2;
	v1 =	vadd.bf16 v4, v1  }
0x301: {  	v2 =	vld [tilespmem:s6+$0xFFFFFF90]  }
0x302: {  	[tilespmem:s18+$0xFFFFFFE0] =	vst v1;
	v1 =	vld [tilespmem:s18+$0xFFFFFFF0]  }
0x303: {  	v4 =	vadd.bf16 v6, v5;
	v5 =	vld [tilespmem:s6+$0x60]  }
0x304: {  	v6 =	vld [tilespmem:s18+$0xFFFFFF30]  }
0x305: {  	[tilespmem:s18+$0xFFFFFF60] =	vst v4;
	v3 =	vadd.bf16 v7, v3;
	v4 =	vld [tilespmem:s18+$0xFFFFFF70]  }
0x306: {  	v7 =	vld [tilespmem:s6+$0xFFFFFFE0];
	v2 =	vadd.bf16 v2, v8  }
0x307: {  	[tilespmem:s18+$0xFFFFFFA0] =	vst v3;
	v3 =	vld [tilespmem:s18+$0xFFFFFFB0]  }
0x308: {  	v8 =	vld [tilespmem:s6+$0x20];
	[tilespmem:s18+$0xFFFFFF20] =	vst v2;
	v1 =	vadd.bf16 v5, v1  }
0x309: {  	v5 =	vld [tilespmem:s6+$0xFFFFFFA0]  }
0x30a: {  	v9 =	vld [tilespmem:s18+$0x0];
	[tilespmem:s18+$0xFFFFFFF0] =	vst v1  }
0x30b: {  	v2 =	vadd.bf16 v7, v4;
	v7 =	vld [tilespmem:s6+$0x70]  }
0x30c: {  	v1 =	vld [tilespmem:s18+$0xFFFFFF40]  }
0x30d: {  	[tilespmem:s18+$0xFFFFFF70] =	vst v2;
	v3 =	vadd.bf16 v8, v3;
	v2 =	vld [tilespmem:s18+$0xFFFFFF80]  }
0x30e: {  	v4 =	vld [tilespmem:s6+$0xFFFFFFF0];
	v5 =	vadd.bf16 v5, v6  }
0x30f: {  	[tilespmem:s18+$0xFFFFFFB0] =	vst v3;
	v3 =	vld [tilespmem:s18+$0xFFFFFFC0]  }
0x310: {  	[tilespmem:s18+$0xFFFFFF30] =	vst v5;
	v5 =	vld [tilespmem:s6+$0x30];
	v7 =	vadd.bf16 v7, v9  }
0x311: {  	s19 =	sadd.s32 $0x100, s18;
	s13 =	simm.s32 $0x0;
	s8 =	smov.u32 s18;
	v6 =	vld [tilespmem:s6+$0xFFFFFFB0]  }
.LBB2_68:
0x312: {  	v8 =	vld [tilespmem:s19+$0xFFFFFFD0];
	[tilespmem:s8+$0x0] =	vst v7;
	s6 =	sadd.s32 $0x100, s6  }
0x313: {  	s13 =	sadd.s32 $0x8, s13;
	v7 =	vld [tilespmem:s6+$0x40];
	v2 =	vadd.bf16 v4, v2  }
0x314: {  	p5 =	slt.u32 s13, $0x38;
	v4 =	vld [tilespmem:s6+$0xFFFFFF80]  }
0x315: {  	v9 =	vld [tilespmem:s19+$0xFFFFFF50];
	[tilespmem:s8+$0xFFFFFF80] =	vst v2;
	v2 =	vadd.bf16 v5, v3  }
0x316: {  	v3 =	vld [tilespmem:s6+$0xFFFFFFC0];
	v1 =	vadd.bf16 v6, v1  }
0x317: {  	v5 =	vld [tilespmem:s19+$0xFFFFFF90];
	[tilespmem:s8+$0xFFFFFFC0] =	vst v2  }
0x318: {  	v2 =	vld [tilespmem:s6+$0x0];
	v6 =	vadd.bf16 v7, v8;
	[tilespmem:s8+$0xFFFFFF40] =	vst v1;
	s8 =	smov.u32 s19  }
0x319: {  	v1 =	vld [tilespmem:s19+$0xFFFFFF10]  }
0x31a: {  	[tilespmem:s19+$0xFFFFFFD0] =	vst v6;
	v6 =	vld [tilespmem:s19+$0xFFFFFFE0]  }
0x31b: {  	v3 =	vadd.bf16 v3, v9;
	v7 =	vld [tilespmem:s6+$0x50]  }
0x31c: {  	v8 =	vld [tilespmem:s19+$0xFFFFFF20]  }
0x31d: {  	[tilespmem:s19+$0xFFFFFF50] =	vst v3;
	v3 =	vld [tilespmem:s19+$0xFFFFFF60];
	v2 =	vadd.bf16 v2, v5  }
0x31e: {  	v1 =	vadd.bf16 v4, v1;
	v4 =	vld [tilespmem:s6+$0xFFFFFFD0]  }
0x31f: {  	[tilespmem:s19+$0xFFFFFF90] =	vst v2;
	v2 =	vld [tilespmem:s19+$0xFFFFFFA0]  }
0x320: {  	[tilespmem:s19+$0xFFFFFF10] =	vst v1;
	v1 =	vld [tilespmem:s6+$0x10];
	v5 =	vadd.bf16 v7, v6  }
0x321: {  	v6 =	vld [tilespmem:s6+$0xFFFFFF90]  }
0x322: {  	[tilespmem:s19+$0xFFFFFFE0] =	vst v5;
	v5 =	vld [tilespmem:s19+$0xFFFFFFF0]  }
0x323: {  	v3 =	vadd.bf16 v4, v3;
	v4 =	vld [tilespmem:s6+$0x60]  }
0x324: {  	v7 =	vld [tilespmem:s19+$0xFFFFFF30]  }
0x325: {  	[tilespmem:s19+$0xFFFFFF60] =	vst v3;
	v3 =	vld [tilespmem:s19+$0xFFFFFF70];
	v1 =	vadd.bf16 v1, v2  }
0x326: {  	v2 =	vadd.bf16 v6, v8;
	v6 =	vld [tilespmem:s6+$0xFFFFFFE0]  }
0x327: {  	[tilespmem:s19+$0xFFFFFFA0] =	vst v1;
	v8 =	vld [tilespmem:s19+$0xFFFFFFB0]  }
0x328: {  	[tilespmem:s19+$0xFFFFFF20] =	vst v2;
	v9 =	vld [tilespmem:s6+$0x20];
	v1 =	vadd.bf16 v4, v5  }
0x329: {  	v4 =	vld [tilespmem:s6+$0xFFFFFFA0]  }
0x32a: {  	[tilespmem:s19+$0xFFFFFFF0] =	vst v1;
	v10 =	vld [tilespmem:s19+$0x0]  }
0x32b: {  	v2 =	vadd.bf16 v6, v3;
	v6 =	vld [tilespmem:s6+$0x70]  }
0x32c: {  	v1 =	vld [tilespmem:s19+$0xFFFFFF40]  }
.Ltmp41:
0x32d: {  	[tilespmem:s19+$0xFFFFFF70] =	vst v2;
	v2 =	vld [tilespmem:s19+$0xFFFFFF80];
	v3 =	vadd.bf16 v9, v8;
	(pc) =	sbr.rel @p5 .LBB2_68-.Ltmp41, $4  }
0x32e: {  	v5 =	vadd.bf16 v4, v7;
	v4 =	vld [tilespmem:s6+$0xFFFFFFF0]  }
0x32f: {  	[tilespmem:s19+$0xFFFFFFB0] =	vst v3;
	v3 =	vld [tilespmem:s19+$0xFFFFFFC0]  }
0x330: {  	[tilespmem:s19+$0xFFFFFF30] =	vst v5;
	v5 =	vld [tilespmem:s6+$0x30];
	v7 =	vadd.bf16 v6, v10  }
0x331: {  	s19 =	sadd.s32 $0x100, s19;
	v6 =	vld [tilespmem:s6+$0xFFFFFFB0]  }
0x332: {  	s7 =	sadd.s32 $0x1, s7  }
0x333: {  	p5 =	sne.s32 s7, $0xD  }
.Ltmp42:
0x334: {  	v2 =	vadd.bf16 v4, v2;
	(pc) =	sbr.rel @p5 .LBB2_65-.Ltmp42, $4  }
0x335: {  	[tilespmem:s8+$0x0] =	vst v7;
	v3 =	vadd.bf16 v5, v3  }
0x336: {  	[tilespmem:s8+$0xFFFFFF80] =	vst v2;
	v1 =	vadd.bf16 v6, v1  }
0x337: {  	[tilespmem:s8+$0xFFFFFFC0] =	vst v3  }
0x338: {  	s29 =	sadd.s32 $0x1000, s29;
	s18 =	sadd.s32 $0x1000, s18;
	[tilespmem:s8+$0xFFFFFF40] =	vst v1  }
.Ltmp43:
0x339: {  	(pc) =	sbr.rel @p2 .LBB2_71-.Ltmp43, $3  }
0x33a: {  	_ =	sdelay $0x1  }
0x33b: {  	s6 =	simm.s32 @!p4 $0x0;
	s7 =	simm.s32 @!p4 $0x182C0;
	s8 =	rddreg [dreg:$0x10]  }
0x33c: {  	[tilespmem:s7], [sflag:$0x6] =	stream.linear.gather @!p4 [hbm4b:s8+s6], $0x680, $0x38;
	[tilespmem:$0x1A940] =	vst v63  }
.Ltmp44:
0x33d: {  	(pc) =	sbr.rel @p3 .LBB2_79-.Ltmp44, $1  }
0x33e: {  	_ =	sdelay $0x3  }
0x33f: {  	s6 =	rddreg [dreg:$0x16];
	s7 =	simm.s32 $0x182C0  }
0x340: {  	[tilespmem:s7], [sflag:$0x6] =	stream.linear.gather [hbm4b:s6+s3], $0x50, $0x38;
	[tilespmem:$0x1A940] =	vst v63  }
0x341: {  	s6 =	simm.s32 $0x18340  }
0x342: {  	[tilespmem:s6+$0xFFFFFFD0] =	vst v0  }
0x343: {  	[tilespmem:s6+$0x0] =	vst v0  }
0x344: {  	s7 =	simm.s32 $0x5;
	[tilespmem:s6+$0xFFFFFFF0] =	vst v0  }
.LBB2_76:
0x345: {  	s7 =	sadd.s32 $0x4, s7  }
0x346: {  	[tilespmem:s6+$0xFFFFFFE0] =	vst v0;
	s6 =	sadd.s32 $0x40, s6;
	p5 =	slt.u32 s7, $0x61  }
.Ltmp45:
0x347: {  	[tilespmem:s6+$0xFFFFFFD0] =	vst v0;
	(pc) =	sbr.rel @p5 .LBB2_76-.Ltmp45, $3  }
0x348: {  	_ =	sdelay $0x1  }
0x349: {  	[tilespmem:s6+$0x0] =	vst v0  }
0x34a: {  	[tilespmem:s6+$0xFFFFFFF0] =	vst v0  }
0x34b: {  	[tilespmem:s6+$0xFFFFFFE0] =	vst v0;
	s6 =	simm.s32 $0x0  }
.LBB2_78:
0x34c: {  	p5 =	seq.s32 s6, $0x80  }
.Ltmp46:
0x34d: {  	_ = 	snop;
	(pc) =	sbr.rel @!p5 .LBB2_78-.Ltmp46, $3  }
0x34e: {  	_ =	sdelay $0x1  }
0x34f: {  	s7 =	sshra.s32 s6, $0x2  }
0x350: {  	s6 =	sadd.s32 $0x40, s6;
	[tilespmem:s7+$0x18910] =	vst v0  }
.Ltmp47:
0x351: {  	_ = 	snop;
	(pc) =	sbr.rel .LBB2_79-.Ltmp47, $1  }
0x352: {  	_ =	sdelay $0x3  }
.LBB2_71:
0x353: {  	s6 =	simm.s32 $0x182E0  }
0x354: {  	[tilespmem:s6+$0xFFFFFFE0] =	vst v0  }
0x355: {  	[tilespmem:s6+$0x10] =	vst v0  }
0x356: {  	s7 =	simm.s32 $0x0;
	[tilespmem:s6+$0x0] =	vst v0  }
.LBB2_72:
0x357: {  	s7 =	sadd.s32 $0x4, s7  }
0x358: {  	[tilespmem:s6+$0xFFFFFFF0] =	vst v0;
	s6 =	sadd.s32 $0x40, s6;
	p5 =	slt.u32 s7, $0x64  }
.Ltmp48:
0x359: {  	[tilespmem:s6+$0xFFFFFFE0] =	vst v0;
	(pc) =	sbr.rel @p5 .LBB2_72-.Ltmp48, $3  }
0x35a: {  	_ =	sdelay $0x1  }
0x35b: {  	[tilespmem:s6+$0x10] =	vst v0  }
0x35c: {  	[tilespmem:s6+$0x0] =	vst v0  }
0x35d: {  	[tilespmem:s6+$0xFFFFFFF0] =	vst v0  }
.LBB2_79:
0x35e: {  	s6 =	simm.s32 @!p4 $0x5  }
0x35f: {  	_ =	swait.ge @!p4 [sflag:s6], $0x680  }
0x360: {  	[sflag:s6] =	ssyncset.done @!p4 $0x0  }
0x361: {  	[sflag:s6] =	ssyncadd.s32 @!p4 $0xFFFFF980;
	s6 =	simm.s32 @!p3 $0x5  }
0x362: {  	_ =	swait.ge @!p3 [sflag:s6], $0x50  }
0x363: {  	[sflag:s6] =	ssyncset.done @!p3 $0x0  }
0x364: {  	[sflag:s6] =	ssyncadd.s32 @!p3 $0xFFFFFFB0  }
0x365: {  	_ =	swait.ge [sflag:s25], $0x9C0  }
0x366: {  	[sflag:s25] =	ssyncset.done $0x0  }
0x367: {  	[sflag:s25] =	ssyncadd.s32 $0xFFFFF640  }
0x368: {  	[bflag:$0x0] =	sbarrier.arrive @p0 $0xFFFF  }
0x369: {  	s13 =	sld [smem:$0x7EA];
	_ =	sdelay $0x1  }
0x36a: {  	s7 =	simm.s32 @p0 $0x4;
	s8 =	simm.s32 @p0 $0x24;
	s6 =	simm.s32 @p0 $0x1  }
0x36b: {  	[spmem:s11@s7], [sflag:s26] =	dma.strided @p0 [hbm:s13@s8], $0x9C0, s6, $0x4   }
0x36c: {  	s6 =	simm.s32 @!p0 $0x1  }
0x36d: {  	_ =	swait.ge @!p0 [sflag:s6], $0x40  }
0x36e: {  	[sflag:s6] =	ssyncset.done @!p0 $0x0  }
0x36f: {  	[sflag:s6] =	ssyncadd.s32 @!p0 $0xFFFFFFC0  }
0x370: {  	[bflag:$0x0] =	sbarrier.arrive @!p0 $0xFFFF  }
0x371: {  	s13 =	sld [smem:$0x7E9];
	_ =	sdelay $0x1  }
0x372: {  	s7 =	simm.s32 @!p0 $0x4;
	s8 =	simm.s32 @!p0 $0x24  }
0x373: {  	[spmem:s12@s7], [sflag:s26] =	dma.strided @!p0 [hbm:s13@s8], $0x9C0, s6, $0x4   }
0x374: {  	s13 =	sld [smem:$0x7F6];
	_ =	sdelay $0x1  }
0x375: {  	s18 =	simm.s32 $0x17C40;
	s19 =	simm.s32 $0x16C40  }
0x376: {  	[spmem:s24@s7], [sflag:s26] =	dma.strided @!p0 [hbm:s13@s8], $0x40, s6, $0x4   }
0x377: {  	[tilespmem:s19], [sflag:$0x3] =	stream.indirect.gather [spmem:s1], $0x20, s18, s15, $0xb8;
	[tilespmem:$0x1A940] =	vst v63  }
0x378: {  	s29 =	simm.s32 $0x9CC0;
	s7 =	simm.s32 $0x0;
	s18 =	simm.s32 $0xA530  }
.LBB2_80:
0x379: {  	_ =	swait.ge [sflag:s16], $0x800  }
0x37a: {  	s6 =	sshll.u32 s7, $0x7;
	[sflag:s16] =	ssyncset.done $0x0  }
0x37b: {  	s6 =	sadd.s32 $0x17C80, s6;
	[sflag:s16] =	ssyncadd.s32 $0xFFFFF800  }
0x37c: {  	[tilespmem:s30], [sflag:$0x4] =	stream.indirect.gather [spmem:s1], $0x20, s6, s15, $0xb8;
	[tilespmem:$0x1A940] =	vst v63  }
0x37d: {  	s6 =	simm.s32 $0x16CC0;
	v1 =	vld [tilespmem:s29+$0x40]  }
0x37e: {  	v2 =	vld [tilespmem:s6+$0x40]  }
0x37f: {  	v3 =	vld [tilespmem:s29+$0xFFFFFFC0]  }
0x380: {  	v4 =	vld [tilespmem:s6+$0xFFFFFFC0]  }
0x381: {  	v5 =	vld [tilespmem:s29+$0x0]  }
0x382: {  	v6 =	vld [tilespmem:s6+$0x0]  }
0x383: {  	v7 =	vld [tilespmem:s29+$0xFFFFFF80];
	v1 =	vadd.bf16 v2, v1  }
0x384: {  	v2 =	vld [tilespmem:s6+$0xFFFFFF80]  }
0x385: {  	[tilespmem:s29+$0x40] =	vst v1;
	v1 =	vld [tilespmem:s29+$0x50]  }
0x386: {  	v3 =	vadd.bf16 v4, v3;
	v4 =	vld [tilespmem:s6+$0x50]  }
0x387: {  	v8 =	vld [tilespmem:s29+$0xFFFFFF90]  }
0x388: {  	[tilespmem:s29+$0xFFFFFFC0] =	vst v3;
	v3 =	vadd.bf16 v6, v5;
	v5 =	vld [tilespmem:s29+$0xFFFFFFD0]  }
0x389: {  	v6 =	vld [tilespmem:s6+$0xFFFFFFD0];
	v2 =	vadd.bf16 v2, v7  }
0x38a: {  	[tilespmem:s29+$0x0] =	vst v3;
	v3 =	vld [tilespmem:s29+$0x10]  }
0x38b: {  	v7 =	vld [tilespmem:s6+$0x10];
	[tilespmem:s29+$0xFFFFFF80] =	vst v2;
	v1 =	vadd.bf16 v4, v1  }
0x38c: {  	v2 =	vld [tilespmem:s6+$0xFFFFFF90]  }
0x38d: {  	[tilespmem:s29+$0x50] =	vst v1;
	v1 =	vld [tilespmem:s29+$0x60]  }
0x38e: {  	v4 =	vadd.bf16 v6, v5;
	v5 =	vld [tilespmem:s6+$0x60]  }
0x38f: {  	v6 =	vld [tilespmem:s29+$0xFFFFFFA0]  }
0x390: {  	[tilespmem:s29+$0xFFFFFFD0] =	vst v4;
	v3 =	vadd.bf16 v7, v3;
	v4 =	vld [tilespmem:s29+$0xFFFFFFE0]  }
0x391: {  	v7 =	vld [tilespmem:s6+$0xFFFFFFE0];
	v2 =	vadd.bf16 v2, v8  }
0x392: {  	[tilespmem:s29+$0x10] =	vst v3;
	v3 =	vld [tilespmem:s29+$0x20]  }
0x393: {  	v8 =	vld [tilespmem:s6+$0x20];
	[tilespmem:s29+$0xFFFFFF90] =	vst v2;
	v1 =	vadd.bf16 v5, v1  }
0x394: {  	v5 =	vld [tilespmem:s6+$0xFFFFFFA0]  }
0x395: {  	v9 =	vld [tilespmem:s29+$0x70];
	[tilespmem:s29+$0x60] =	vst v1  }
0x396: {  	v2 =	vadd.bf16 v7, v4;
	v7 =	vld [tilespmem:s6+$0x70]  }
0x397: {  	v1 =	vld [tilespmem:s29+$0xFFFFFFB0]  }
0x398: {  	[tilespmem:s29+$0xFFFFFFE0] =	vst v2;
	v3 =	vadd.bf16 v8, v3;
	v2 =	vld [tilespmem:s29+$0xFFFFFFF0]  }
0x399: {  	v4 =	vld [tilespmem:s6+$0xFFFFFFF0];
	v5 =	vadd.bf16 v5, v6  }
0x39a: {  	[tilespmem:s29+$0x20] =	vst v3;
	v3 =	vld [tilespmem:s29+$0x30]  }
0x39b: {  	[tilespmem:s29+$0xFFFFFFA0] =	vst v5;
	v5 =	vld [tilespmem:s6+$0x30];
	v7 =	vadd.bf16 v7, v9  }
0x39c: {  	s13 =	simm.s32 $0x0;
	s19 =	sadd.s32 $0x100, s29;
	s8 =	smov.u32 s29;
	v6 =	vld [tilespmem:s6+$0xFFFFFFB0]  }
.LBB2_81:
0x39d: {  	v8 =	vld [tilespmem:s19+$0x40];
	[tilespmem:s8+$0x70] =	vst v7;
	s6 =	sadd.s32 $0x100, s6  }
0x39e: {  	s13 =	sadd.s32 $0x8, s13;
	v7 =	vld [tilespmem:s6+$0x40];
	v2 =	vadd.bf16 v4, v2  }
0x39f: {  	p5 =	slt.u32 s13, $0x38;
	v4 =	vld [tilespmem:s6+$0xFFFFFF80]  }
0x3a0: {  	v9 =	vld [tilespmem:s19+$0xFFFFFFC0];
	[tilespmem:s8+$0xFFFFFFF0] =	vst v2;
	v2 =	vadd.bf16 v5, v3  }
0x3a1: {  	v3 =	vld [tilespmem:s6+$0xFFFFFFC0];
	v1 =	vadd.bf16 v6, v1  }
0x3a2: {  	v5 =	vld [tilespmem:s19+$0x0];
	[tilespmem:s8+$0x30] =	vst v2  }
0x3a3: {  	v2 =	vld [tilespmem:s6+$0x0];
	v6 =	vadd.bf16 v7, v8;
	[tilespmem:s8+$0xFFFFFFB0] =	vst v1;
	s8 =	smov.u32 s19  }
0x3a4: {  	v1 =	vld [tilespmem:s19+$0xFFFFFF80]  }
0x3a5: {  	[tilespmem:s19+$0x40] =	vst v6;
	v6 =	vld [tilespmem:s19+$0x50]  }
0x3a6: {  	v3 =	vadd.bf16 v3, v9;
	v7 =	vld [tilespmem:s6+$0x50]  }
0x3a7: {  	v8 =	vld [tilespmem:s19+$0xFFFFFF90]  }
0x3a8: {  	[tilespmem:s19+$0xFFFFFFC0] =	vst v3;
	v3 =	vld [tilespmem:s19+$0xFFFFFFD0];
	v2 =	vadd.bf16 v2, v5  }
0x3a9: {  	v1 =	vadd.bf16 v4, v1;
	v4 =	vld [tilespmem:s6+$0xFFFFFFD0]  }
0x3aa: {  	[tilespmem:s19+$0x0] =	vst v2;
	v2 =	vld [tilespmem:s19+$0x10]  }
0x3ab: {  	[tilespmem:s19+$0xFFFFFF80] =	vst v1;
	v1 =	vld [tilespmem:s6+$0x10];
	v5 =	vadd.bf16 v7, v6  }
0x3ac: {  	v6 =	vld [tilespmem:s6+$0xFFFFFF90]  }
0x3ad: {  	[tilespmem:s19+$0x50] =	vst v5;
	v5 =	vld [tilespmem:s19+$0x60]  }
0x3ae: {  	v3 =	vadd.bf16 v4, v3;
	v4 =	vld [tilespmem:s6+$0x60]  }
0x3af: {  	v7 =	vld [tilespmem:s19+$0xFFFFFFA0]  }
0x3b0: {  	[tilespmem:s19+$0xFFFFFFD0] =	vst v3;
	v3 =	vld [tilespmem:s19+$0xFFFFFFE0];
	v1 =	vadd.bf16 v1, v2  }
0x3b1: {  	v2 =	vadd.bf16 v6, v8;
	v6 =	vld [tilespmem:s6+$0xFFFFFFE0]  }
0x3b2: {  	[tilespmem:s19+$0x10] =	vst v1;
	v8 =	vld [tilespmem:s19+$0x20]  }
0x3b3: {  	[tilespmem:s19+$0xFFFFFF90] =	vst v2;
	v9 =	vld [tilespmem:s6+$0x20];
	v1 =	vadd.bf16 v4, v5  }
0x3b4: {  	v4 =	vld [tilespmem:s6+$0xFFFFFFA0]  }
0x3b5: {  	[tilespmem:s19+$0x60] =	vst v1;
	v10 =	vld [tilespmem:s19+$0x70]  }
0x3b6: {  	v2 =	vadd.bf16 v6, v3;
	v6 =	vld [tilespmem:s6+$0x70]  }
0x3b7: {  	v1 =	vld [tilespmem:s19+$0xFFFFFFB0]  }
.Ltmp49:
0x3b8: {  	[tilespmem:s19+$0xFFFFFFE0] =	vst v2;
	v2 =	vld [tilespmem:s19+$0xFFFFFFF0];
	v3 =	vadd.bf16 v9, v8;
	(pc) =	sbr.rel @p5 .LBB2_81-.Ltmp49, $4  }
0x3b9: {  	v5 =	vadd.bf16 v4, v7;
	v4 =	vld [tilespmem:s6+$0xFFFFFFF0]  }
0x3ba: {  	[tilespmem:s19+$0x20] =	vst v3;
	v3 =	vld [tilespmem:s19+$0x30]  }
0x3bb: {  	[tilespmem:s19+$0xFFFFFFA0] =	vst v5;
	v5 =	vld [tilespmem:s6+$0x30];
	v7 =	vadd.bf16 v6, v10  }
0x3bc: {  	s19 =	sadd.s32 $0x100, s19;
	v6 =	vld [tilespmem:s6+$0xFFFFFFB0]  }
0x3bd: {  	_ =	sdelay $0x1  }
0x3be: {  	v2 =	vadd.bf16 v4, v2  }
0x3bf: {  	[tilespmem:s8+$0x70] =	vst v7;
	v3 =	vadd.bf16 v5, v3  }
0x3c0: {  	[tilespmem:s8+$0xFFFFFFF0] =	vst v2;
	v1 =	vadd.bf16 v6, v1  }
0x3c1: {  	[tilespmem:s8+$0x30] =	vst v3  }
0x3c2: {  	p5 =	seq.s32 s7, $0xC;
	[tilespmem:s8+$0xFFFFFFB0] =	vst v1  }
0x3c3: {  	s6 =	sshll.u32 @!p5 s7, $0x7;
	_ =	swait.ge [sflag:s9], $0x800  }
0x3c4: {  	s13 =	simm.s32 @!p5 $0x16C40;
	s6 =	sand.u32 @!p5 $0x3FFFFF80, s6;
	[sflag:s9] =	ssyncset.done $0x0  }
0x3c5: {  	s6 =	sadd.s32 @!p5 $0x17CC0, s6;
	s8 =	simm.s32 @!p5 $0x40;
	[sflag:s9] =	ssyncadd.s32 $0xFFFFF800  }
0x3c6: {  	[tilespmem:s13], [sflag:$0x3] =	stream.indirect.gather @!p5 [spmem:s1], $0x20, s6, s8, $0xb8;
	[tilespmem:$0x1A940] =	vst v63  }
0x3c7: {  	s6 =	simm.s32 $0x174C0;
	v1 =	vld [tilespmem:s18+$0xFFFFFFD0]  }
0x3c8: {  	v2 =	vld [tilespmem:s6+$0x40]  }
0x3c9: {  	v3 =	vld [tilespmem:s18+$0xFFFFFF50]  }
0x3ca: {  	v4 =	vld [tilespmem:s6+$0xFFFFFFC0]  }
0x3cb: {  	v5 =	vld [tilespmem:s18+$0xFFFFFF90]  }
0x3cc: {  	v6 =	vld [tilespmem:s6+$0x0]  }
0x3cd: {  	v7 =	vld [tilespmem:s18+$0xFFFFFF10];
	v1 =	vadd.bf16 v2, v1  }
0x3ce: {  	v2 =	vld [tilespmem:s6+$0xFFFFFF80]  }
0x3cf: {  	[tilespmem:s18+$0xFFFFFFD0] =	vst v1;
	v1 =	vld [tilespmem:s18+$0xFFFFFFE0]  }
0x3d0: {  	v3 =	vadd.bf16 v4, v3;
	v4 =	vld [tilespmem:s6+$0x50]  }
0x3d1: {  	v8 =	vld [tilespmem:s18+$0xFFFFFF20]  }
0x3d2: {  	[tilespmem:s18+$0xFFFFFF50] =	vst v3;
	v3 =	vadd.bf16 v6, v5;
	v5 =	vld [tilespmem:s18+$0xFFFFFF60]  }
0x3d3: {  	v6 =	vld [tilespmem:s6+$0xFFFFFFD0];
	v2 =	vadd.bf16 v2, v7  }
0x3d4: {  	[tilespmem:s18+$0xFFFFFF90] =	vst v3;
	v3 =	vld [tilespmem:s18+$0xFFFFFFA0]  }
0x3d5: {  	v7 =	vld [tilespmem:s6+$0x10];
	[tilespmem:s18+$0xFFFFFF10] =	vst v2;
	v1 =	vadd.bf16 v4, v1  }
0x3d6: {  	v2 =	vld [tilespmem:s6+$0xFFFFFF90]  }
0x3d7: {  	[tilespmem:s18+$0xFFFFFFE0] =	vst v1;
	v1 =	vld [tilespmem:s18+$0xFFFFFFF0]  }
0x3d8: {  	v4 =	vadd.bf16 v6, v5;
	v5 =	vld [tilespmem:s6+$0x60]  }
0x3d9: {  	v6 =	vld [tilespmem:s18+$0xFFFFFF30]  }
0x3da: {  	[tilespmem:s18+$0xFFFFFF60] =	vst v4;
	v3 =	vadd.bf16 v7, v3;
	v4 =	vld [tilespmem:s18+$0xFFFFFF70]  }
0x3db: {  	v7 =	vld [tilespmem:s6+$0xFFFFFFE0];
	v2 =	vadd.bf16 v2, v8  }
0x3dc: {  	[tilespmem:s18+$0xFFFFFFA0] =	vst v3;
	v3 =	vld [tilespmem:s18+$0xFFFFFFB0]  }
0x3dd: {  	v8 =	vld [tilespmem:s6+$0x20];
	[tilespmem:s18+$0xFFFFFF20] =	vst v2;
	v1 =	vadd.bf16 v5, v1  }
0x3de: {  	v5 =	vld [tilespmem:s6+$0xFFFFFFA0]  }
0x3df: {  	v9 =	vld [tilespmem:s18+$0x0];
	[tilespmem:s18+$0xFFFFFFF0] =	vst v1  }
0x3e0: {  	v2 =	vadd.bf16 v7, v4;
	v7 =	vld [tilespmem:s6+$0x70]  }
0x3e1: {  	v1 =	vld [tilespmem:s18+$0xFFFFFF40]  }
0x3e2: {  	[tilespmem:s18+$0xFFFFFF70] =	vst v2;
	v3 =	vadd.bf16 v8, v3;
	v2 =	vld [tilespmem:s18+$0xFFFFFF80]  }
0x3e3: {  	v4 =	vld [tilespmem:s6+$0xFFFFFFF0];
	v5 =	vadd.bf16 v5, v6  }
0x3e4: {  	[tilespmem:s18+$0xFFFFFFB0] =	vst v3;
	v3 =	vld [tilespmem:s18+$0xFFFFFFC0]  }
0x3e5: {  	[tilespmem:s18+$0xFFFFFF30] =	vst v5;
	v5 =	vld [tilespmem:s6+$0x30];
	v7 =	vadd.bf16 v7, v9  }
0x3e6: {  	s19 =	sadd.s32 $0x100, s18;
	s13 =	simm.s32 $0x0;
	s8 =	smov.u32 s18;
	v6 =	vld [tilespmem:s6+$0xFFFFFFB0]  }
.LBB2_83:
0x3e7: {  	v8 =	vld [tilespmem:s19+$0xFFFFFFD0];
	[tilespmem:s8+$0x0] =	vst v7;
	s6 =	sadd.s32 $0x100, s6  }
0x3e8: {  	s13 =	sadd.s32 $0x8, s13;
	v7 =	vld [tilespmem:s6+$0x40];
	v2 =	vadd.bf16 v4, v2  }
0x3e9: {  	p5 =	slt.u32 s13, $0x38;
	v4 =	vld [tilespmem:s6+$0xFFFFFF80]  }
0x3ea: {  	v9 =	vld [tilespmem:s19+$0xFFFFFF50];
	[tilespmem:s8+$0xFFFFFF80] =	vst v2;
	v2 =	vadd.bf16 v5, v3  }
0x3eb: {  	v3 =	vld [tilespmem:s6+$0xFFFFFFC0];
	v1 =	vadd.bf16 v6, v1  }
0x3ec: {  	v5 =	vld [tilespmem:s19+$0xFFFFFF90];
	[tilespmem:s8+$0xFFFFFFC0] =	vst v2  }
0x3ed: {  	v2 =	vld [tilespmem:s6+$0x0];
	v6 =	vadd.bf16 v7, v8;
	[tilespmem:s8+$0xFFFFFF40] =	vst v1;
	s8 =	smov.u32 s19  }
0x3ee: {  	v1 =	vld [tilespmem:s19+$0xFFFFFF10]  }
0x3ef: {  	[tilespmem:s19+$0xFFFFFFD0] =	vst v6;
	v6 =	vld [tilespmem:s19+$0xFFFFFFE0]  }
0x3f0: {  	v3 =	vadd.bf16 v3, v9;
	v7 =	vld [tilespmem:s6+$0x50]  }
0x3f1: {  	v8 =	vld [tilespmem:s19+$0xFFFFFF20]  }
0x3f2: {  	[tilespmem:s19+$0xFFFFFF50] =	vst v3;
	v3 =	vld [tilespmem:s19+$0xFFFFFF60];
	v2 =	vadd.bf16 v2, v5  }
0x3f3: {  	v1 =	vadd.bf16 v4, v1;
	v4 =	vld [tilespmem:s6+$0xFFFFFFD0]  }
0x3f4: {  	[tilespmem:s19+$0xFFFFFF90] =	vst v2;
	v2 =	vld [tilespmem:s19+$0xFFFFFFA0]  }
0x3f5: {  	[tilespmem:s19+$0xFFFFFF10] =	vst v1;
	v1 =	vld [tilespmem:s6+$0x10];
	v5 =	vadd.bf16 v7, v6  }
0x3f6: {  	v6 =	vld [tilespmem:s6+$0xFFFFFF90]  }
0x3f7: {  	[tilespmem:s19+$0xFFFFFFE0] =	vst v5;
	v5 =	vld [tilespmem:s19+$0xFFFFFFF0]  }
0x3f8: {  	v3 =	vadd.bf16 v4, v3;
	v4 =	vld [tilespmem:s6+$0x60]  }
0x3f9: {  	v7 =	vld [tilespmem:s19+$0xFFFFFF30]  }
0x3fa: {  	[tilespmem:s19+$0xFFFFFF60] =	vst v3;
	v3 =	vld [tilespmem:s19+$0xFFFFFF70];
	v1 =	vadd.bf16 v1, v2  }
0x3fb: {  	v2 =	vadd.bf16 v6, v8;
	v6 =	vld [tilespmem:s6+$0xFFFFFFE0]  }
0x3fc: {  	[tilespmem:s19+$0xFFFFFFA0] =	vst v1;
	v8 =	vld [tilespmem:s19+$0xFFFFFFB0]  }
0x3fd: {  	[tilespmem:s19+$0xFFFFFF20] =	vst v2;
	v9 =	vld [tilespmem:s6+$0x20];
	v1 =	vadd.bf16 v4, v5  }
0x3fe: {  	v4 =	vld [tilespmem:s6+$0xFFFFFFA0]  }
0x3ff: {  	[tilespmem:s19+$0xFFFFFFF0] =	vst v1;
	v10 =	vld [tilespmem:s19+$0x0]  }
0x400: {  	v2 =	vadd.bf16 v6, v3;
	v6 =	vld [tilespmem:s6+$0x70]  }
0x401: {  	v1 =	vld [tilespmem:s19+$0xFFFFFF40]  }
.Ltmp50:
0x402: {  	[tilespmem:s19+$0xFFFFFF70] =	vst v2;
	v2 =	vld [tilespmem:s19+$0xFFFFFF80];
	v3 =	vadd.bf16 v9, v8;
	(pc) =	sbr.rel @p5 .LBB2_83-.Ltmp50, $4  }
0x403: {  	v5 =	vadd.bf16 v4, v7;
	v4 =	vld [tilespmem:s6+$0xFFFFFFF0]  }
0x404: {  	[tilespmem:s19+$0xFFFFFFB0] =	vst v3;
	v3 =	vld [tilespmem:s19+$0xFFFFFFC0]  }
0x405: {  	[tilespmem:s19+$0xFFFFFF30] =	vst v5;
	v5 =	vld [tilespmem:s6+$0x30];
	v7 =	vadd.bf16 v6, v10  }
0x406: {  	s19 =	sadd.s32 $0x100, s19;
	v6 =	vld [tilespmem:s6+$0xFFFFFFB0]  }
0x407: {  	s7 =	sadd.s32 $0x1, s7  }
0x408: {  	p5 =	sne.s32 s7, $0xD  }
.Ltmp51:
0x409: {  	v2 =	vadd.bf16 v4, v2;
	(pc) =	sbr.rel @p5 .LBB2_80-.Ltmp51, $4  }
0x40a: {  	[tilespmem:s8+$0x0] =	vst v7;
	v3 =	vadd.bf16 v5, v3  }
0x40b: {  	[tilespmem:s8+$0xFFFFFF80] =	vst v2;
	v1 =	vadd.bf16 v6, v1  }
0x40c: {  	[tilespmem:s8+$0xFFFFFFC0] =	vst v3  }
0x40d: {  	s29 =	sadd.s32 $0x1000, s29;
	s18 =	sadd.s32 $0x1000, s18;
	[tilespmem:s8+$0xFFFFFF40] =	vst v1  }
.Ltmp52:
0x40e: {  	(pc) =	sbr.rel @p2 .LBB2_86-.Ltmp52, $3  }
0x40f: {  	_ =	sdelay $0x1  }
0x410: {  	s6 =	simm.s32 @!p4 $0x0;
	s7 =	simm.s32 @!p4 $0x17C40;
	s8 =	rddreg [dreg:$0x11]  }
0x411: {  	[tilespmem:s7], [sflag:$0x5] =	stream.linear.gather @!p4 [hbm4b:s8+s6], $0x680, $0x38;
	[tilespmem:$0x1A940] =	vst v63  }
.Ltmp53:
0x412: {  	(pc) =	sbr.rel @p3 .LBB2_94-.Ltmp53, $1  }
0x413: {  	_ =	sdelay $0x3  }
0x414: {  	s6 =	rddreg [dreg:$0x17];
	s7 =	simm.s32 $0x17C40  }
0x415: {  	[tilespmem:s7], [sflag:$0x5] =	stream.linear.gather [hbm4b:s6+s3], $0x50, $0x38;
	[tilespmem:$0x1A940] =	vst v63  }
0x416: {  	s6 =	simm.s32 $0x17CC0  }
0x417: {  	[tilespmem:s6+$0xFFFFFFD0] =	vst v0  }
0x418: {  	[tilespmem:s6+$0x0] =	vst v0  }
0x419: {  	s7 =	simm.s32 $0x5;
	[tilespmem:s6+$0xFFFFFFF0] =	vst v0  }
.LBB2_91:
0x41a: {  	s7 =	sadd.s32 $0x4, s7  }
0x41b: {  	[tilespmem:s6+$0xFFFFFFE0] =	vst v0;
	s6 =	sadd.s32 $0x40, s6;
	p5 =	slt.u32 s7, $0x61  }
.Ltmp54:
0x41c: {  	[tilespmem:s6+$0xFFFFFFD0] =	vst v0;
	(pc) =	sbr.rel @p5 .LBB2_91-.Ltmp54, $3  }
0x41d: {  	_ =	sdelay $0x1  }
0x41e: {  	[tilespmem:s6+$0x0] =	vst v0  }
0x41f: {  	[tilespmem:s6+$0xFFFFFFF0] =	vst v0  }
0x420: {  	[tilespmem:s6+$0xFFFFFFE0] =	vst v0;
	s6 =	simm.s32 $0x0  }
.LBB2_93:
0x421: {  	p5 =	seq.s32 s6, $0x80  }
.Ltmp55:
0x422: {  	_ = 	snop;
	(pc) =	sbr.rel @!p5 .LBB2_93-.Ltmp55, $3  }
0x423: {  	_ =	sdelay $0x1  }
0x424: {  	s7 =	sshra.s32 s6, $0x2  }
0x425: {  	s6 =	sadd.s32 $0x40, s6;
	[tilespmem:s7+$0x18290] =	vst v0  }
.Ltmp56:
0x426: {  	_ = 	snop;
	(pc) =	sbr.rel .LBB2_94-.Ltmp56, $1  }
0x427: {  	_ =	sdelay $0x3  }
.LBB2_86:
0x428: {  	s6 =	simm.s32 $0x17C60  }
0x429: {  	[tilespmem:s6+$0xFFFFFFE0] =	vst v0  }
0x42a: {  	[tilespmem:s6+$0x10] =	vst v0  }
0x42b: {  	s7 =	simm.s32 $0x0;
	[tilespmem:s6+$0x0] =	vst v0  }
.LBB2_87:
0x42c: {  	s7 =	sadd.s32 $0x4, s7  }
0x42d: {  	[tilespmem:s6+$0xFFFFFFF0] =	vst v0;
	s6 =	sadd.s32 $0x40, s6;
	p5 =	slt.u32 s7, $0x64  }
.Ltmp57:
0x42e: {  	[tilespmem:s6+$0xFFFFFFE0] =	vst v0;
	(pc) =	sbr.rel @p5 .LBB2_87-.Ltmp57, $3  }
0x42f: {  	_ =	sdelay $0x1  }
0x430: {  	[tilespmem:s6+$0x10] =	vst v0  }
0x431: {  	[tilespmem:s6+$0x0] =	vst v0  }
0x432: {  	[tilespmem:s6+$0xFFFFFFF0] =	vst v0  }
.LBB2_94:
0x433: {  	s6 =	simm.s32 @!p4 $0x6  }
0x434: {  	_ =	swait.ge @!p4 [sflag:s6], $0x680  }
0x435: {  	[sflag:s6] =	ssyncset.done @!p4 $0x0  }
0x436: {  	[sflag:s6] =	ssyncadd.s32 @!p4 $0xFFFFF980;
	s6 =	simm.s32 @!p3 $0x6  }
0x437: {  	_ =	swait.ge @!p3 [sflag:s6], $0x50  }
0x438: {  	[sflag:s6] =	ssyncset.done @!p3 $0x0  }
0x439: {  	[sflag:s6] =	ssyncadd.s32 @!p3 $0xFFFFFFB0  }
0x43a: {  	_ =	swait.ge [sflag:s17], $0x9C0  }
0x43b: {  	[sflag:s17] =	ssyncset.done $0x0  }
0x43c: {  	[sflag:s17] =	ssyncadd.s32 $0xFFFFF640  }
0x43d: {  	[bflag:$0x0] =	sbarrier.arrive @p0 $0xFFFF  }
0x43e: {  	s13 =	sld [smem:$0x7EC];
	_ =	sdelay $0x1  }
0x43f: {  	s7 =	simm.s32 @p0 $0x4;
	s8 =	simm.s32 @p0 $0x24;
	s6 =	simm.s32 @p0 $0x1  }
0x440: {  	[spmem:s14@s7], [sflag:s10] =	dma.strided @p0 [hbm:s13@s8], $0x9C0, s6, $0x4   }
0x441: {  	s6 =	simm.s32 @!p0 $0x2  }
0x442: {  	_ =	swait.ge @!p0 [sflag:s6], $0x40  }
0x443: {  	[sflag:s6] =	ssyncset.done @!p0 $0x0  }
0x444: {  	[sflag:s6] =	ssyncadd.s32 @!p0 $0xFFFFFFC0  }
0x445: {  	[bflag:$0x0] =	sbarrier.arrive @!p0 $0xFFFF  }
0x446: {  	s13 =	sld [smem:$0x7EB];
	_ =	sdelay $0x1  }
0x447: {  	s7 =	simm.s32 @!p0 $0x4;
	s8 =	simm.s32 @!p0 $0x24;
	s6 =	simm.s32 @!p0 $0x1  }
0x448: {  	[spmem:s22@s7], [sflag:s10] =	dma.strided @!p0 [hbm:s13@s8], $0x9C0, s6, $0x4   }
0x449: {  	s13 =	sld [smem:$0x7F7];
	_ =	sdelay $0x1  }
0x44a: {  	s18 =	simm.s32 $0x182C0;
	s19 =	simm.s32 $0x16C40  }
0x44b: {  	[spmem:s23@s7], [sflag:s10] =	dma.strided @!p0 [hbm:s13@s8], $0x40, s6, $0x4   }
0x44c: {  	[tilespmem:s19], [sflag:$0x3] =	stream.indirect.gather [spmem:s2], $0x20, s18, s15, $0xb8;
	[tilespmem:$0x1A940] =	vst v63  }
0x44d: {  	s29 =	simm.s32 $0x9CC0;
	s7 =	simm.s32 $0x0;
	s18 =	simm.s32 $0xA530  }
.LBB2_95:
0x44e: {  	_ =	swait.ge [sflag:s16], $0x800  }
0x44f: {  	s6 =	sshll.u32 s7, $0x7;
	[sflag:s16] =	ssyncset.done $0x0  }
0x450: {  	s6 =	sadd.s32 $0x18300, s6;
	[sflag:s16] =	ssyncadd.s32 $0xFFFFF800  }
0x451: {  	[tilespmem:s30], [sflag:$0x4] =	stream.indirect.gather [spmem:s2], $0x20, s6, s15, $0xb8;
	[tilespmem:$0x1A940] =	vst v63  }
0x452: {  	s6 =	simm.s32 $0x16CC0;
	v1 =	vld [tilespmem:s29+$0x40]  }
0x453: {  	v2 =	vld [tilespmem:s6+$0x40]  }
0x454: {  	v3 =	vld [tilespmem:s29+$0xFFFFFFC0]  }
0x455: {  	v4 =	vld [tilespmem:s6+$0xFFFFFFC0]  }
0x456: {  	v5 =	vld [tilespmem:s29+$0x0]  }
0x457: {  	v6 =	vld [tilespmem:s6+$0x0]  }
0x458: {  	v7 =	vld [tilespmem:s29+$0xFFFFFF80];
	v1 =	vadd.bf16 v2, v1  }
0x459: {  	v2 =	vld [tilespmem:s6+$0xFFFFFF80]  }
0x45a: {  	[tilespmem:s29+$0x40] =	vst v1;
	v1 =	vld [tilespmem:s29+$0x50]  }
0x45b: {  	v3 =	vadd.bf16 v4, v3;
	v4 =	vld [tilespmem:s6+$0x50]  }
0x45c: {  	v8 =	vld [tilespmem:s29+$0xFFFFFF90]  }
0x45d: {  	[tilespmem:s29+$0xFFFFFFC0] =	vst v3;
	v3 =	vadd.bf16 v6, v5;
	v5 =	vld [tilespmem:s29+$0xFFFFFFD0]  }
0x45e: {  	v6 =	vld [tilespmem:s6+$0xFFFFFFD0];
	v2 =	vadd.bf16 v2, v7  }
0x45f: {  	[tilespmem:s29+$0x0] =	vst v3;
	v3 =	vld [tilespmem:s29+$0x10]  }
0x460: {  	v7 =	vld [tilespmem:s6+$0x10];
	[tilespmem:s29+$0xFFFFFF80] =	vst v2;
	v1 =	vadd.bf16 v4, v1  }
0x461: {  	v2 =	vld [tilespmem:s6+$0xFFFFFF90]  }
0x462: {  	[tilespmem:s29+$0x50] =	vst v1;
	v1 =	vld [tilespmem:s29+$0x60]  }
0x463: {  	v4 =	vadd.bf16 v6, v5;
	v5 =	vld [tilespmem:s6+$0x60]  }
0x464: {  	v6 =	vld [tilespmem:s29+$0xFFFFFFA0]  }
0x465: {  	[tilespmem:s29+$0xFFFFFFD0] =	vst v4;
	v3 =	vadd.bf16 v7, v3;
	v4 =	vld [tilespmem:s29+$0xFFFFFFE0]  }
0x466: {  	v7 =	vld [tilespmem:s6+$0xFFFFFFE0];
	v2 =	vadd.bf16 v2, v8  }
0x467: {  	[tilespmem:s29+$0x10] =	vst v3;
	v3 =	vld [tilespmem:s29+$0x20]  }
0x468: {  	v8 =	vld [tilespmem:s6+$0x20];
	[tilespmem:s29+$0xFFFFFF90] =	vst v2;
	v1 =	vadd.bf16 v5, v1  }
0x469: {  	v5 =	vld [tilespmem:s6+$0xFFFFFFA0]  }
0x46a: {  	v9 =	vld [tilespmem:s29+$0x70];
	[tilespmem:s29+$0x60] =	vst v1  }
0x46b: {  	v2 =	vadd.bf16 v7, v4;
	v7 =	vld [tilespmem:s6+$0x70]  }
0x46c: {  	v1 =	vld [tilespmem:s29+$0xFFFFFFB0]  }
0x46d: {  	[tilespmem:s29+$0xFFFFFFE0] =	vst v2;
	v3 =	vadd.bf16 v8, v3;
	v2 =	vld [tilespmem:s29+$0xFFFFFFF0]  }
0x46e: {  	v4 =	vld [tilespmem:s6+$0xFFFFFFF0];
	v5 =	vadd.bf16 v5, v6  }
0x46f: {  	[tilespmem:s29+$0x20] =	vst v3;
	v3 =	vld [tilespmem:s29+$0x30]  }
0x470: {  	[tilespmem:s29+$0xFFFFFFA0] =	vst v5;
	v5 =	vld [tilespmem:s6+$0x30];
	v7 =	vadd.bf16 v7, v9  }
0x471: {  	s13 =	simm.s32 $0x0;
	s19 =	sadd.s32 $0x100, s29;
	s8 =	smov.u32 s29;
	v6 =	vld [tilespmem:s6+$0xFFFFFFB0]  }
.LBB2_96:
0x472: {  	v8 =	vld [tilespmem:s19+$0x40];
	[tilespmem:s8+$0x70] =	vst v7;
	s6 =	sadd.s32 $0x100, s6  }
0x473: {  	s13 =	sadd.s32 $0x8, s13;
	v7 =	vld [tilespmem:s6+$0x40];
	v2 =	vadd.bf16 v4, v2  }
0x474: {  	p5 =	slt.u32 s13, $0x38;
	v4 =	vld [tilespmem:s6+$0xFFFFFF80]  }
0x475: {  	v9 =	vld [tilespmem:s19+$0xFFFFFFC0];
	[tilespmem:s8+$0xFFFFFFF0] =	vst v2;
	v2 =	vadd.bf16 v5, v3  }
0x476: {  	v3 =	vld [tilespmem:s6+$0xFFFFFFC0];
	v1 =	vadd.bf16 v6, v1  }
0x477: {  	v5 =	vld [tilespmem:s19+$0x0];
	[tilespmem:s8+$0x30] =	vst v2  }
0x478: {  	v2 =	vld [tilespmem:s6+$0x0];
	v6 =	vadd.bf16 v7, v8;
	[tilespmem:s8+$0xFFFFFFB0] =	vst v1;
	s8 =	smov.u32 s19  }
0x479: {  	v1 =	vld [tilespmem:s19+$0xFFFFFF80]  }
0x47a: {  	[tilespmem:s19+$0x40] =	vst v6;
	v6 =	vld [tilespmem:s19+$0x50]  }
0x47b: {  	v3 =	vadd.bf16 v3, v9;
	v7 =	vld [tilespmem:s6+$0x50]  }
0x47c: {  	v8 =	vld [tilespmem:s19+$0xFFFFFF90]  }
0x47d: {  	[tilespmem:s19+$0xFFFFFFC0] =	vst v3;
	v3 =	vld [tilespmem:s19+$0xFFFFFFD0];
	v2 =	vadd.bf16 v2, v5  }
0x47e: {  	v1 =	vadd.bf16 v4, v1;
	v4 =	vld [tilespmem:s6+$0xFFFFFFD0]  }
0x47f: {  	[tilespmem:s19+$0x0] =	vst v2;
	v2 =	vld [tilespmem:s19+$0x10]  }
0x480: {  	[tilespmem:s19+$0xFFFFFF80] =	vst v1;
	v1 =	vld [tilespmem:s6+$0x10];
	v5 =	vadd.bf16 v7, v6  }
0x481: {  	v6 =	vld [tilespmem:s6+$0xFFFFFF90]  }
0x482: {  	[tilespmem:s19+$0x50] =	vst v5;
	v5 =	vld [tilespmem:s19+$0x60]  }
0x483: {  	v3 =	vadd.bf16 v4, v3;
	v4 =	vld [tilespmem:s6+$0x60]  }
0x484: {  	v7 =	vld [tilespmem:s19+$0xFFFFFFA0]  }
0x485: {  	[tilespmem:s19+$0xFFFFFFD0] =	vst v3;
	v3 =	vld [tilespmem:s19+$0xFFFFFFE0];
	v1 =	vadd.bf16 v1, v2  }
0x486: {  	v2 =	vadd.bf16 v6, v8;
	v6 =	vld [tilespmem:s6+$0xFFFFFFE0]  }
0x487: {  	[tilespmem:s19+$0x10] =	vst v1;
	v8 =	vld [tilespmem:s19+$0x20]  }
0x488: {  	[tilespmem:s19+$0xFFFFFF90] =	vst v2;
	v9 =	vld [tilespmem:s6+$0x20];
	v1 =	vadd.bf16 v4, v5  }
0x489: {  	v4 =	vld [tilespmem:s6+$0xFFFFFFA0]  }
0x48a: {  	[tilespmem:s19+$0x60] =	vst v1;
	v10 =	vld [tilespmem:s19+$0x70]  }
0x48b: {  	v2 =	vadd.bf16 v6, v3;
	v6 =	vld [tilespmem:s6+$0x70]  }
0x48c: {  	v1 =	vld [tilespmem:s19+$0xFFFFFFB0]  }
.Ltmp58:
0x48d: {  	[tilespmem:s19+$0xFFFFFFE0] =	vst v2;
	v2 =	vld [tilespmem:s19+$0xFFFFFFF0];
	v3 =	vadd.bf16 v9, v8;
	(pc) =	sbr.rel @p5 .LBB2_96-.Ltmp58, $4  }
0x48e: {  	v5 =	vadd.bf16 v4, v7;
	v4 =	vld [tilespmem:s6+$0xFFFFFFF0]  }
0x48f: {  	[tilespmem:s19+$0x20] =	vst v3;
	v3 =	vld [tilespmem:s19+$0x30]  }
0x490: {  	[tilespmem:s19+$0xFFFFFFA0] =	vst v5;
	v5 =	vld [tilespmem:s6+$0x30];
	v7 =	vadd.bf16 v6, v10  }
0x491: {  	s19 =	sadd.s32 $0x100, s19;
	v6 =	vld [tilespmem:s6+$0xFFFFFFB0]  }
0x492: {  	_ =	sdelay $0x1  }
0x493: {  	v2 =	vadd.bf16 v4, v2  }
0x494: {  	[tilespmem:s8+$0x70] =	vst v7;
	v3 =	vadd.bf16 v5, v3  }
0x495: {  	[tilespmem:s8+$0xFFFFFFF0] =	vst v2;
	v1 =	vadd.bf16 v6, v1  }
0x496: {  	[tilespmem:s8+$0x30] =	vst v3  }
0x497: {  	p5 =	seq.s32 s7, $0xC;
	[tilespmem:s8+$0xFFFFFFB0] =	vst v1  }
0x498: {  	s6 =	sshll.u32 @!p5 s7, $0x7;
	_ =	swait.ge [sflag:s9], $0x800  }
0x499: {  	s13 =	simm.s32 @!p5 $0x16C40;
	s6 =	sand.u32 @!p5 $0x3FFFFF80, s6;
	[sflag:s9] =	ssyncset.done $0x0  }
0x49a: {  	s6 =	sadd.s32 @!p5 $0x18340, s6;
	s8 =	simm.s32 @!p5 $0x40;
	[sflag:s9] =	ssyncadd.s32 $0xFFFFF800  }
0x49b: {  	[tilespmem:s13], [sflag:$0x3] =	stream.indirect.gather @!p5 [spmem:s2], $0x20, s6, s8, $0xb8;
	[tilespmem:$0x1A940] =	vst v63  }
0x49c: {  	s6 =	simm.s32 $0x174C0;
	v1 =	vld [tilespmem:s18+$0xFFFFFFD0]  }
0x49d: {  	v2 =	vld [tilespmem:s6+$0x40]  }
0x49e: {  	v3 =	vld [tilespmem:s18+$0xFFFFFF50]  }
0x49f: {  	v4 =	vld [tilespmem:s6+$0xFFFFFFC0]  }
0x4a0: {  	v5 =	vld [tilespmem:s18+$0xFFFFFF90]  }
0x4a1: {  	v6 =	vld [tilespmem:s6+$0x0]  }
0x4a2: {  	v7 =	vld [tilespmem:s18+$0xFFFFFF10];
	v1 =	vadd.bf16 v2, v1  }
0x4a3: {  	v2 =	vld [tilespmem:s6+$0xFFFFFF80]  }
0x4a4: {  	[tilespmem:s18+$0xFFFFFFD0] =	vst v1;
	v1 =	vld [tilespmem:s18+$0xFFFFFFE0]  }
0x4a5: {  	v3 =	vadd.bf16 v4, v3;
	v4 =	vld [tilespmem:s6+$0x50]  }
0x4a6: {  	v8 =	vld [tilespmem:s18+$0xFFFFFF20]  }
0x4a7: {  	[tilespmem:s18+$0xFFFFFF50] =	vst v3;
	v3 =	vadd.bf16 v6, v5;
	v5 =	vld [tilespmem:s18+$0xFFFFFF60]  }
0x4a8: {  	v6 =	vld [tilespmem:s6+$0xFFFFFFD0];
	v2 =	vadd.bf16 v2, v7  }
0x4a9: {  	[tilespmem:s18+$0xFFFFFF90] =	vst v3;
	v3 =	vld [tilespmem:s18+$0xFFFFFFA0]  }
0x4aa: {  	v7 =	vld [tilespmem:s6+$0x10];
	[tilespmem:s18+$0xFFFFFF10] =	vst v2;
	v1 =	vadd.bf16 v4, v1  }
0x4ab: {  	v2 =	vld [tilespmem:s6+$0xFFFFFF90]  }
0x4ac: {  	[tilespmem:s18+$0xFFFFFFE0] =	vst v1;
	v1 =	vld [tilespmem:s18+$0xFFFFFFF0]  }
0x4ad: {  	v4 =	vadd.bf16 v6, v5;
	v5 =	vld [tilespmem:s6+$0x60]  }
0x4ae: {  	v6 =	vld [tilespmem:s18+$0xFFFFFF30]  }
0x4af: {  	[tilespmem:s18+$0xFFFFFF60] =	vst v4;
	v3 =	vadd.bf16 v7, v3;
	v4 =	vld [tilespmem:s18+$0xFFFFFF70]  }
0x4b0: {  	v7 =	vld [tilespmem:s6+$0xFFFFFFE0];
	v2 =	vadd.bf16 v2, v8  }
0x4b1: {  	[tilespmem:s18+$0xFFFFFFA0] =	vst v3;
	v3 =	vld [tilespmem:s18+$0xFFFFFFB0]  }
0x4b2: {  	v8 =	vld [tilespmem:s6+$0x20];
	[tilespmem:s18+$0xFFFFFF20] =	vst v2;
	v1 =	vadd.bf16 v5, v1  }
0x4b3: {  	v5 =	vld [tilespmem:s6+$0xFFFFFFA0]  }
0x4b4: {  	v9 =	vld [tilespmem:s18+$0x0];
	[tilespmem:s18+$0xFFFFFFF0] =	vst v1  }
0x4b5: {  	v2 =	vadd.bf16 v7, v4;
	v7 =	vld [tilespmem:s6+$0x70]  }
0x4b6: {  	v1 =	vld [tilespmem:s18+$0xFFFFFF40]  }
0x4b7: {  	[tilespmem:s18+$0xFFFFFF70] =	vst v2;
	v3 =	vadd.bf16 v8, v3;
	v2 =	vld [tilespmem:s18+$0xFFFFFF80]  }
0x4b8: {  	v4 =	vld [tilespmem:s6+$0xFFFFFFF0];
	v5 =	vadd.bf16 v5, v6  }
0x4b9: {  	[tilespmem:s18+$0xFFFFFFB0] =	vst v3;
	v3 =	vld [tilespmem:s18+$0xFFFFFFC0]  }
0x4ba: {  	[tilespmem:s18+$0xFFFFFF30] =	vst v5;
	v5 =	vld [tilespmem:s6+$0x30];
	v7 =	vadd.bf16 v7, v9  }
0x4bb: {  	s19 =	sadd.s32 $0x100, s18;
	s13 =	simm.s32 $0x0;
	s8 =	smov.u32 s18;
	v6 =	vld [tilespmem:s6+$0xFFFFFFB0]  }
.LBB2_98:
0x4bc: {  	v8 =	vld [tilespmem:s19+$0xFFFFFFD0];
	[tilespmem:s8+$0x0] =	vst v7;
	s6 =	sadd.s32 $0x100, s6  }
0x4bd: {  	s13 =	sadd.s32 $0x8, s13;
	v7 =	vld [tilespmem:s6+$0x40];
	v2 =	vadd.bf16 v4, v2  }
0x4be: {  	p5 =	slt.u32 s13, $0x38;
	v4 =	vld [tilespmem:s6+$0xFFFFFF80]  }
0x4bf: {  	v9 =	vld [tilespmem:s19+$0xFFFFFF50];
	[tilespmem:s8+$0xFFFFFF80] =	vst v2;
	v2 =	vadd.bf16 v5, v3  }
0x4c0: {  	v3 =	vld [tilespmem:s6+$0xFFFFFFC0];
	v1 =	vadd.bf16 v6, v1  }
0x4c1: {  	v5 =	vld [tilespmem:s19+$0xFFFFFF90];
	[tilespmem:s8+$0xFFFFFFC0] =	vst v2  }
0x4c2: {  	v2 =	vld [tilespmem:s6+$0x0];
	v6 =	vadd.bf16 v7, v8;
	[tilespmem:s8+$0xFFFFFF40] =	vst v1;
	s8 =	smov.u32 s19  }
0x4c3: {  	v1 =	vld [tilespmem:s19+$0xFFFFFF10]  }
0x4c4: {  	[tilespmem:s19+$0xFFFFFFD0] =	vst v6;
	v6 =	vld [tilespmem:s19+$0xFFFFFFE0]  }
0x4c5: {  	v3 =	vadd.bf16 v3, v9;
	v7 =	vld [tilespmem:s6+$0x50]  }
0x4c6: {  	v8 =	vld [tilespmem:s19+$0xFFFFFF20]  }
0x4c7: {  	[tilespmem:s19+$0xFFFFFF50] =	vst v3;
	v3 =	vld [tilespmem:s19+$0xFFFFFF60];
	v2 =	vadd.bf16 v2, v5  }
0x4c8: {  	v1 =	vadd.bf16 v4, v1;
	v4 =	vld [tilespmem:s6+$0xFFFFFFD0]  }
0x4c9: {  	[tilespmem:s19+$0xFFFFFF90] =	vst v2;
	v2 =	vld [tilespmem:s19+$0xFFFFFFA0]  }
0x4ca: {  	[tilespmem:s19+$0xFFFFFF10] =	vst v1;
	v1 =	vld [tilespmem:s6+$0x10];
	v5 =	vadd.bf16 v7, v6  }
0x4cb: {  	v6 =	vld [tilespmem:s6+$0xFFFFFF90]  }
0x4cc: {  	[tilespmem:s19+$0xFFFFFFE0] =	vst v5;
	v5 =	vld [tilespmem:s19+$0xFFFFFFF0]  }
0x4cd: {  	v3 =	vadd.bf16 v4, v3;
	v4 =	vld [tilespmem:s6+$0x60]  }
0x4ce: {  	v7 =	vld [tilespmem:s19+$0xFFFFFF30]  }
0x4cf: {  	[tilespmem:s19+$0xFFFFFF60] =	vst v3;
	v3 =	vld [tilespmem:s19+$0xFFFFFF70];
	v1 =	vadd.bf16 v1, v2  }
0x4d0: {  	v2 =	vadd.bf16 v6, v8;
	v6 =	vld [tilespmem:s6+$0xFFFFFFE0]  }
0x4d1: {  	[tilespmem:s19+$0xFFFFFFA0] =	vst v1;
	v8 =	vld [tilespmem:s19+$0xFFFFFFB0]  }
0x4d2: {  	[tilespmem:s19+$0xFFFFFF20] =	vst v2;
	v9 =	vld [tilespmem:s6+$0x20];
	v1 =	vadd.bf16 v4, v5  }
0x4d3: {  	v4 =	vld [tilespmem:s6+$0xFFFFFFA0]  }
0x4d4: {  	[tilespmem:s19+$0xFFFFFFF0] =	vst v1;
	v10 =	vld [tilespmem:s19+$0x0]  }
0x4d5: {  	v2 =	vadd.bf16 v6, v3;
	v6 =	vld [tilespmem:s6+$0x70]  }
0x4d6: {  	v1 =	vld [tilespmem:s19+$0xFFFFFF40]  }
.Ltmp59:
0x4d7: {  	[tilespmem:s19+$0xFFFFFF70] =	vst v2;
	v2 =	vld [tilespmem:s19+$0xFFFFFF80];
	v3 =	vadd.bf16 v9, v8;
	(pc) =	sbr.rel @p5 .LBB2_98-.Ltmp59, $4  }
0x4d8: {  	v5 =	vadd.bf16 v4, v7;
	v4 =	vld [tilespmem:s6+$0xFFFFFFF0]  }
0x4d9: {  	[tilespmem:s19+$0xFFFFFFB0] =	vst v3;
	v3 =	vld [tilespmem:s19+$0xFFFFFFC0]  }
0x4da: {  	[tilespmem:s19+$0xFFFFFF30] =	vst v5;
	v5 =	vld [tilespmem:s6+$0x30];
	v7 =	vadd.bf16 v6, v10  }
0x4db: {  	s19 =	sadd.s32 $0x100, s19;
	v6 =	vld [tilespmem:s6+$0xFFFFFFB0]  }
0x4dc: {  	s7 =	sadd.s32 $0x1, s7  }
0x4dd: {  	p5 =	sne.s32 s7, $0xD  }
.Ltmp60:
0x4de: {  	v2 =	vadd.bf16 v4, v2;
	(pc) =	sbr.rel @p5 .LBB2_95-.Ltmp60, $4  }
0x4df: {  	[tilespmem:s8+$0x0] =	vst v7;
	v3 =	vadd.bf16 v5, v3  }
0x4e0: {  	[tilespmem:s8+$0xFFFFFF80] =	vst v2;
	v1 =	vadd.bf16 v6, v1  }
0x4e1: {  	[tilespmem:s8+$0xFFFFFFC0] =	vst v3  }
0x4e2: {  	s29 =	sadd.s32 $0x1000, s29;
	s18 =	sadd.s32 $0x1000, s18;
	[tilespmem:s8+$0xFFFFFF40] =	vst v1  }
.Ltmp61:
0x4e3: {  	(pc) =	sbr.rel @p2 .LBB2_101-.Ltmp61, $3  }
0x4e4: {  	_ =	sdelay $0x1  }
0x4e5: {  	s6 =	simm.s32 @!p4 $0x0;
	s7 =	simm.s32 @!p4 $0x182C0;
	s8 =	rddreg [dreg:$0x12]  }
0x4e6: {  	[tilespmem:s7], [sflag:$0x6] =	stream.linear.gather @!p4 [hbm4b:s8+s6], $0x680, $0x38;
	[tilespmem:$0x1A940] =	vst v63  }
.Ltmp62:
0x4e7: {  	(pc) =	sbr.rel @p3 .LBB2_109-.Ltmp62, $2  }
0x4e8: {  	_ =	sdelay $0x2  }
0x4e9: {  	s29 =	rddreg [dreg:$0x5]  }
0x4ea: {  	s6 =	rddreg [dreg:$0x18];
	s7 =	simm.s32 $0x182C0  }
0x4eb: {  	[tilespmem:s7], [sflag:$0x6] =	stream.linear.gather [hbm4b:s6+s3], $0x50, $0x38;
	[tilespmem:$0x1A940] =	vst v63  }
0x4ec: {  	s6 =	simm.s32 $0x18340  }
0x4ed: {  	[tilespmem:s6+$0xFFFFFFD0] =	vst v0  }
0x4ee: {  	[tilespmem:s6+$0x0] =	vst v0  }
0x4ef: {  	s7 =	simm.s32 $0x5;
	[tilespmem:s6+$0xFFFFFFF0] =	vst v0  }
.LBB2_106:
0x4f0: {  	s7 =	sadd.s32 $0x4, s7  }
0x4f1: {  	[tilespmem:s6+$0xFFFFFFE0] =	vst v0;
	s6 =	sadd.s32 $0x40, s6;
	p5 =	slt.u32 s7, $0x61  }
.Ltmp63:
0x4f2: {  	[tilespmem:s6+$0xFFFFFFD0] =	vst v0;
	(pc) =	sbr.rel @p5 .LBB2_106-.Ltmp63, $3  }
0x4f3: {  	_ =	sdelay $0x1  }
0x4f4: {  	[tilespmem:s6+$0x0] =	vst v0  }
0x4f5: {  	[tilespmem:s6+$0xFFFFFFF0] =	vst v0  }
0x4f6: {  	[tilespmem:s6+$0xFFFFFFE0] =	vst v0;
	s6 =	simm.s32 $0x0  }
.LBB2_108:
0x4f7: {  	p5 =	seq.s32 s6, $0x80  }
.Ltmp64:
0x4f8: {  	_ = 	snop;
	(pc) =	sbr.rel @!p5 .LBB2_108-.Ltmp64, $3  }
0x4f9: {  	_ =	sdelay $0x1  }
0x4fa: {  	s7 =	sshra.s32 s6, $0x2  }
0x4fb: {  	s6 =	sadd.s32 $0x40, s6;
	[tilespmem:s7+$0x18910] =	vst v0  }
.Ltmp65:
0x4fc: {  	_ = 	snop;
	(pc) =	sbr.rel .LBB2_109-.Ltmp65, $1  }
0x4fd: {  	_ =	sdelay $0x3  }
.LBB2_101:
0x4fe: {  	s6 =	simm.s32 $0x182E0  }
0x4ff: {  	s29 =	rddreg [dreg:$0x5];
	[tilespmem:s6+$0xFFFFFFE0] =	vst v0  }
0x500: {  	[tilespmem:s6+$0x10] =	vst v0  }
0x501: {  	s7 =	simm.s32 $0x0;
	[tilespmem:s6+$0x0] =	vst v0  }
.LBB2_102:
0x502: {  	s7 =	sadd.s32 $0x4, s7  }
0x503: {  	[tilespmem:s6+$0xFFFFFFF0] =	vst v0;
	s6 =	sadd.s32 $0x40, s6;
	p5 =	slt.u32 s7, $0x64  }
.Ltmp66:
0x504: {  	[tilespmem:s6+$0xFFFFFFE0] =	vst v0;
	(pc) =	sbr.rel @p5 .LBB2_102-.Ltmp66, $3  }
0x505: {  	_ =	sdelay $0x1  }
0x506: {  	[tilespmem:s6+$0x10] =	vst v0  }
0x507: {  	[tilespmem:s6+$0x0] =	vst v0  }
0x508: {  	[tilespmem:s6+$0xFFFFFFF0] =	vst v0  }
.LBB2_109:
0x509: {  	s6 =	simm.s32 @!p4 $0x5  }
0x50a: {  	_ =	swait.ge @!p4 [sflag:s6], $0x680  }
0x50b: {  	[sflag:s6] =	ssyncset.done @!p4 $0x0  }
0x50c: {  	[sflag:s6] =	ssyncadd.s32 @!p4 $0xFFFFF980;
	s6 =	simm.s32 @!p3 $0x5  }
0x50d: {  	_ =	swait.ge @!p3 [sflag:s6], $0x50  }
0x50e: {  	[sflag:s6] =	ssyncset.done @!p3 $0x0  }
0x50f: {  	[sflag:s6] =	ssyncadd.s32 @!p3 $0xFFFFFFB0  }
0x510: {  	_ =	swait.ge [sflag:s25], $0x9C0  }
0x511: {  	[sflag:s25] =	ssyncset.done $0x0  }
0x512: {  	[sflag:s25] =	ssyncadd.s32 $0xFFFFF640  }
0x513: {  	[bflag:$0x0] =	sbarrier.arrive @p0 $0xFFFF  }
0x514: {  	s13 =	sld [smem:$0x7EE];
	_ =	sdelay $0x1  }
0x515: {  	s7 =	simm.s32 @p0 $0x4;
	s8 =	simm.s32 @p0 $0x24;
	s6 =	simm.s32 @p0 $0x1  }
0x516: {  	[spmem:s11@s7], [sflag:s26] =	dma.strided @p0 [hbm:s13@s8], $0x9C0, s6, $0x4   }
0x517: {  	s6 =	simm.s32 @!p0 $0x1  }
0x518: {  	_ =	swait.ge @!p0 [sflag:s6], $0x40  }
0x519: {  	[sflag:s6] =	ssyncset.done @!p0 $0x0  }
0x51a: {  	[sflag:s6] =	ssyncadd.s32 @!p0 $0xFFFFFFC0  }
0x51b: {  	[bflag:$0x0] =	sbarrier.arrive @!p0 $0xFFFF  }
0x51c: {  	s11 =	sld [smem:$0x7ED];
	_ =	sdelay $0x1  }
0x51d: {  	s7 =	simm.s32 @!p0 $0x4;
	s8 =	simm.s32 @!p0 $0x24  }
0x51e: {  	[spmem:s12@s7], [sflag:s26] =	dma.strided @!p0 [hbm:s11@s8], $0x9C0, s6, $0x4   }
0x51f: {  	s11 =	sld [smem:$0x7F8];
	_ =	sdelay $0x2  }
0x520: {  	[spmem:s24@s7], [sflag:s26] =	dma.strided @!p0 [hbm:s11@s8], $0x40, s6, $0x4   }
0x521: {  	s12 =	simm.s32 $0xA530;
	s24 =	simm.s32 $0x17C40;
	s26 =	simm.s32 $0x16C40  }
0x522: {  	[tilespmem:s26], [sflag:$0x3] =	stream.indirect.gather [spmem:s1], $0x20, s24, s15, $0xb8;
	[tilespmem:$0x1A940] =	vst v63  }
0x523: {  	s7 =	simm.s32 $0x0;
	s11 =	simm.s32 $0x9CC0;
	s24 =	rddreg [dreg:$0x7]  }
.LBB2_110:
0x524: {  	_ =	swait.ge [sflag:s16], $0x800  }
0x525: {  	s6 =	sshll.u32 s7, $0x7;
	[sflag:s16] =	ssyncset.done $0x0  }
0x526: {  	s6 =	sadd.s32 $0x17C80, s6;
	[sflag:s16] =	ssyncadd.s32 $0xFFFFF800  }
0x527: {  	[tilespmem:s30], [sflag:$0x4] =	stream.indirect.gather [spmem:s1], $0x20, s6, s15, $0xb8;
	[tilespmem:$0x1A940] =	vst v63  }
0x528: {  	s6 =	simm.s32 $0x16CC0;
	v1 =	vld [tilespmem:s11+$0x40]  }
0x529: {  	v2 =	vld [tilespmem:s6+$0x40]  }
0x52a: {  	v3 =	vld [tilespmem:s11+$0xFFFFFFC0]  }
0x52b: {  	v4 =	vld [tilespmem:s6+$0xFFFFFFC0]  }
0x52c: {  	v5 =	vld [tilespmem:s11+$0x0]  }
0x52d: {  	v6 =	vld [tilespmem:s6+$0x0]  }
0x52e: {  	v7 =	vld [tilespmem:s11+$0xFFFFFF80];
	v1 =	vadd.bf16 v2, v1  }
0x52f: {  	v2 =	vld [tilespmem:s6+$0xFFFFFF80]  }
0x530: {  	[tilespmem:s11+$0x40] =	vst v1;
	v1 =	vld [tilespmem:s11+$0x50]  }
0x531: {  	v3 =	vadd.bf16 v4, v3;
	v4 =	vld [tilespmem:s6+$0x50]  }
0x532: {  	v8 =	vld [tilespmem:s11+$0xFFFFFF90]  }
0x533: {  	[tilespmem:s11+$0xFFFFFFC0] =	vst v3;
	v3 =	vadd.bf16 v6, v5;
	v5 =	vld [tilespmem:s11+$0xFFFFFFD0]  }
0x534: {  	v6 =	vld [tilespmem:s6+$0xFFFFFFD0];
	v2 =	vadd.bf16 v2, v7  }
0x535: {  	[tilespmem:s11+$0x0] =	vst v3;
	v3 =	vld [tilespmem:s11+$0x10]  }
0x536: {  	v7 =	vld [tilespmem:s6+$0x10];
	[tilespmem:s11+$0xFFFFFF80] =	vst v2;
	v1 =	vadd.bf16 v4, v1  }
0x537: {  	v2 =	vld [tilespmem:s6+$0xFFFFFF90]  }
0x538: {  	[tilespmem:s11+$0x50] =	vst v1;
	v1 =	vld [tilespmem:s11+$0x60]  }
0x539: {  	v4 =	vadd.bf16 v6, v5;
	v5 =	vld [tilespmem:s6+$0x60]  }
0x53a: {  	v6 =	vld [tilespmem:s11+$0xFFFFFFA0]  }
0x53b: {  	[tilespmem:s11+$0xFFFFFFD0] =	vst v4;
	v3 =	vadd.bf16 v7, v3;
	v4 =	vld [tilespmem:s11+$0xFFFFFFE0]  }
0x53c: {  	v7 =	vld [tilespmem:s6+$0xFFFFFFE0];
	v2 =	vadd.bf16 v2, v8  }
0x53d: {  	[tilespmem:s11+$0x10] =	vst v3;
	v3 =	vld [tilespmem:s11+$0x20]  }
0x53e: {  	v8 =	vld [tilespmem:s6+$0x20];
	[tilespmem:s11+$0xFFFFFF90] =	vst v2;
	v1 =	vadd.bf16 v5, v1  }
0x53f: {  	v5 =	vld [tilespmem:s6+$0xFFFFFFA0]  }
0x540: {  	v9 =	vld [tilespmem:s11+$0x70];
	[tilespmem:s11+$0x60] =	vst v1  }
0x541: {  	v2 =	vadd.bf16 v7, v4;
	v7 =	vld [tilespmem:s6+$0x70]  }
0x542: {  	v1 =	vld [tilespmem:s11+$0xFFFFFFB0]  }
0x543: {  	[tilespmem:s11+$0xFFFFFFE0] =	vst v2;
	v3 =	vadd.bf16 v8, v3;
	v2 =	vld [tilespmem:s11+$0xFFFFFFF0]  }
0x544: {  	v4 =	vld [tilespmem:s6+$0xFFFFFFF0];
	v5 =	vadd.bf16 v5, v6  }
0x545: {  	[tilespmem:s11+$0x20] =	vst v3;
	v3 =	vld [tilespmem:s11+$0x30]  }
0x546: {  	[tilespmem:s11+$0xFFFFFFA0] =	vst v5;
	v5 =	vld [tilespmem:s6+$0x30];
	v7 =	vadd.bf16 v7, v9  }
0x547: {  	s13 =	simm.s32 $0x0;
	s18 =	sadd.s32 $0x100, s11;
	s8 =	smov.u32 s11;
	v6 =	vld [tilespmem:s6+$0xFFFFFFB0]  }
.LBB2_111:
0x548: {  	v8 =	vld [tilespmem:s18+$0x40];
	[tilespmem:s8+$0x70] =	vst v7;
	s6 =	sadd.s32 $0x100, s6  }
0x549: {  	s13 =	sadd.s32 $0x8, s13;
	v7 =	vld [tilespmem:s6+$0x40];
	v2 =	vadd.bf16 v4, v2  }
0x54a: {  	p5 =	slt.u32 s13, $0x38;
	v4 =	vld [tilespmem:s6+$0xFFFFFF80]  }
0x54b: {  	v9 =	vld [tilespmem:s18+$0xFFFFFFC0];
	[tilespmem:s8+$0xFFFFFFF0] =	vst v2;
	v2 =	vadd.bf16 v5, v3  }
0x54c: {  	v3 =	vld [tilespmem:s6+$0xFFFFFFC0];
	v1 =	vadd.bf16 v6, v1  }
0x54d: {  	v5 =	vld [tilespmem:s18+$0x0];
	[tilespmem:s8+$0x30] =	vst v2  }
0x54e: {  	v2 =	vld [tilespmem:s6+$0x0];
	v6 =	vadd.bf16 v7, v8;
	[tilespmem:s8+$0xFFFFFFB0] =	vst v1;
	s8 =	smov.u32 s18  }
0x54f: {  	v1 =	vld [tilespmem:s18+$0xFFFFFF80]  }
0x550: {  	[tilespmem:s18+$0x40] =	vst v6;
	v6 =	vld [tilespmem:s18+$0x50]  }
0x551: {  	v3 =	vadd.bf16 v3, v9;
	v7 =	vld [tilespmem:s6+$0x50]  }
0x552: {  	v8 =	vld [tilespmem:s18+$0xFFFFFF90]  }
0x553: {  	[tilespmem:s18+$0xFFFFFFC0] =	vst v3;
	v3 =	vld [tilespmem:s18+$0xFFFFFFD0];
	v2 =	vadd.bf16 v2, v5  }
0x554: {  	v1 =	vadd.bf16 v4, v1;
	v4 =	vld [tilespmem:s6+$0xFFFFFFD0]  }
0x555: {  	[tilespmem:s18+$0x0] =	vst v2;
	v2 =	vld [tilespmem:s18+$0x10]  }
0x556: {  	[tilespmem:s18+$0xFFFFFF80] =	vst v1;
	v1 =	vld [tilespmem:s6+$0x10];
	v5 =	vadd.bf16 v7, v6  }
0x557: {  	v6 =	vld [tilespmem:s6+$0xFFFFFF90]  }
0x558: {  	[tilespmem:s18+$0x50] =	vst v5;
	v5 =	vld [tilespmem:s18+$0x60]  }
0x559: {  	v3 =	vadd.bf16 v4, v3;
	v4 =	vld [tilespmem:s6+$0x60]  }
0x55a: {  	v7 =	vld [tilespmem:s18+$0xFFFFFFA0]  }
0x55b: {  	[tilespmem:s18+$0xFFFFFFD0] =	vst v3;
	v3 =	vld [tilespmem:s18+$0xFFFFFFE0];
	v1 =	vadd.bf16 v1, v2  }
0x55c: {  	v2 =	vadd.bf16 v6, v8;
	v6 =	vld [tilespmem:s6+$0xFFFFFFE0]  }
0x55d: {  	[tilespmem:s18+$0x10] =	vst v1;
	v8 =	vld [tilespmem:s18+$0x20]  }
0x55e: {  	[tilespmem:s18+$0xFFFFFF90] =	vst v2;
	v9 =	vld [tilespmem:s6+$0x20];
	v1 =	vadd.bf16 v4, v5  }
0x55f: {  	v4 =	vld [tilespmem:s6+$0xFFFFFFA0]  }
0x560: {  	[tilespmem:s18+$0x60] =	vst v1;
	v10 =	vld [tilespmem:s18+$0x70]  }
0x561: {  	v2 =	vadd.bf16 v6, v3;
	v6 =	vld [tilespmem:s6+$0x70]  }
0x562: {  	v1 =	vld [tilespmem:s18+$0xFFFFFFB0]  }
.Ltmp67:
0x563: {  	[tilespmem:s18+$0xFFFFFFE0] =	vst v2;
	v2 =	vld [tilespmem:s18+$0xFFFFFFF0];
	v3 =	vadd.bf16 v9, v8;
	(pc) =	sbr.rel @p5 .LBB2_111-.Ltmp67, $4  }
0x564: {  	v5 =	vadd.bf16 v4, v7;
	v4 =	vld [tilespmem:s6+$0xFFFFFFF0]  }
0x565: {  	[tilespmem:s18+$0x20] =	vst v3;
	v3 =	vld [tilespmem:s18+$0x30]  }
0x566: {  	[tilespmem:s18+$0xFFFFFFA0] =	vst v5;
	v5 =	vld [tilespmem:s6+$0x30];
	v7 =	vadd.bf16 v6, v10  }
0x567: {  	s18 =	sadd.s32 $0x100, s18;
	v6 =	vld [tilespmem:s6+$0xFFFFFFB0]  }
0x568: {  	_ =	sdelay $0x1  }
0x569: {  	v2 =	vadd.bf16 v4, v2  }
0x56a: {  	[tilespmem:s8+$0x70] =	vst v7;
	v3 =	vadd.bf16 v5, v3  }
0x56b: {  	[tilespmem:s8+$0xFFFFFFF0] =	vst v2;
	v1 =	vadd.bf16 v6, v1  }
0x56c: {  	[tilespmem:s8+$0x30] =	vst v3  }
0x56d: {  	p5 =	seq.s32 s7, $0xC;
	[tilespmem:s8+$0xFFFFFFB0] =	vst v1  }
0x56e: {  	s6 =	sshll.u32 @!p5 s7, $0x7;
	_ =	swait.ge [sflag:s9], $0x800  }
0x56f: {  	s13 =	simm.s32 @!p5 $0x16C40;
	s6 =	sand.u32 @!p5 $0x3FFFFF80, s6;
	[sflag:s9] =	ssyncset.done $0x0  }
0x570: {  	s6 =	sadd.s32 @!p5 $0x17CC0, s6;
	s8 =	simm.s32 @!p5 $0x40;
	[sflag:s9] =	ssyncadd.s32 $0xFFFFF800  }
0x571: {  	[tilespmem:s13], [sflag:$0x3] =	stream.indirect.gather @!p5 [spmem:s1], $0x20, s6, s8, $0xb8;
	[tilespmem:$0x1A940] =	vst v63  }
0x572: {  	s6 =	simm.s32 $0x174C0;
	v1 =	vld [tilespmem:s12+$0xFFFFFFD0]  }
0x573: {  	v2 =	vld [tilespmem:s6+$0x40]  }
0x574: {  	v3 =	vld [tilespmem:s12+$0xFFFFFF50]  }
0x575: {  	v4 =	vld [tilespmem:s6+$0xFFFFFFC0]  }
0x576: {  	v5 =	vld [tilespmem:s12+$0xFFFFFF90]  }
0x577: {  	v6 =	vld [tilespmem:s6+$0x0]  }
0x578: {  	v7 =	vld [tilespmem:s12+$0xFFFFFF10];
	v1 =	vadd.bf16 v2, v1  }
0x579: {  	v2 =	vld [tilespmem:s6+$0xFFFFFF80]  }
0x57a: {  	[tilespmem:s12+$0xFFFFFFD0] =	vst v1;
	v1 =	vld [tilespmem:s12+$0xFFFFFFE0]  }
0x57b: {  	v3 =	vadd.bf16 v4, v3;
	v4 =	vld [tilespmem:s6+$0x50]  }
0x57c: {  	v8 =	vld [tilespmem:s12+$0xFFFFFF20]  }
0x57d: {  	[tilespmem:s12+$0xFFFFFF50] =	vst v3;
	v3 =	vadd.bf16 v6, v5;
	v5 =	vld [tilespmem:s12+$0xFFFFFF60]  }
0x57e: {  	v6 =	vld [tilespmem:s6+$0xFFFFFFD0];
	v2 =	vadd.bf16 v2, v7  }
0x57f: {  	[tilespmem:s12+$0xFFFFFF90] =	vst v3;
	v3 =	vld [tilespmem:s12+$0xFFFFFFA0]  }
0x580: {  	v7 =	vld [tilespmem:s6+$0x10];
	[tilespmem:s12+$0xFFFFFF10] =	vst v2;
	v1 =	vadd.bf16 v4, v1  }
0x581: {  	v2 =	vld [tilespmem:s6+$0xFFFFFF90]  }
0x582: {  	[tilespmem:s12+$0xFFFFFFE0] =	vst v1;
	v1 =	vld [tilespmem:s12+$0xFFFFFFF0]  }
0x583: {  	v4 =	vadd.bf16 v6, v5;
	v5 =	vld [tilespmem:s6+$0x60]  }
0x584: {  	v6 =	vld [tilespmem:s12+$0xFFFFFF30]  }
0x585: {  	[tilespmem:s12+$0xFFFFFF60] =	vst v4;
	v3 =	vadd.bf16 v7, v3;
	v4 =	vld [tilespmem:s12+$0xFFFFFF70]  }
0x586: {  	v7 =	vld [tilespmem:s6+$0xFFFFFFE0];
	v2 =	vadd.bf16 v2, v8  }
0x587: {  	[tilespmem:s12+$0xFFFFFFA0] =	vst v3;
	v3 =	vld [tilespmem:s12+$0xFFFFFFB0]  }
0x588: {  	v8 =	vld [tilespmem:s6+$0x20];
	[tilespmem:s12+$0xFFFFFF20] =	vst v2;
	v1 =	vadd.bf16 v5, v1  }
0x589: {  	v5 =	vld [tilespmem:s6+$0xFFFFFFA0]  }
0x58a: {  	v9 =	vld [tilespmem:s12+$0x0];
	[tilespmem:s12+$0xFFFFFFF0] =	vst v1  }
0x58b: {  	v2 =	vadd.bf16 v7, v4;
	v7 =	vld [tilespmem:s6+$0x70]  }
0x58c: {  	v1 =	vld [tilespmem:s12+$0xFFFFFF40]  }
0x58d: {  	[tilespmem:s12+$0xFFFFFF70] =	vst v2;
	v3 =	vadd.bf16 v8, v3;
	v2 =	vld [tilespmem:s12+$0xFFFFFF80]  }
0x58e: {  	v4 =	vld [tilespmem:s6+$0xFFFFFFF0];
	v5 =	vadd.bf16 v5, v6  }
0x58f: {  	[tilespmem:s12+$0xFFFFFFB0] =	vst v3;
	v3 =	vld [tilespmem:s12+$0xFFFFFFC0]  }
0x590: {  	[tilespmem:s12+$0xFFFFFF30] =	vst v5;
	v5 =	vld [tilespmem:s6+$0x30];
	v7 =	vadd.bf16 v7, v9  }
0x591: {  	s18 =	sadd.s32 $0x100, s12;
	s13 =	simm.s32 $0x0;
	s8 =	smov.u32 s12;
	v6 =	vld [tilespmem:s6+$0xFFFFFFB0]  }
.LBB2_113:
0x592: {  	v8 =	vld [tilespmem:s18+$0xFFFFFFD0];
	[tilespmem:s8+$0x0] =	vst v7;
	s6 =	sadd.s32 $0x100, s6  }
0x593: {  	s13 =	sadd.s32 $0x8, s13;
	v7 =	vld [tilespmem:s6+$0x40];
	v2 =	vadd.bf16 v4, v2  }
0x594: {  	p5 =	slt.u32 s13, $0x38;
	v4 =	vld [tilespmem:s6+$0xFFFFFF80]  }
0x595: {  	v9 =	vld [tilespmem:s18+$0xFFFFFF50];
	[tilespmem:s8+$0xFFFFFF80] =	vst v2;
	v2 =	vadd.bf16 v5, v3  }
0x596: {  	v3 =	vld [tilespmem:s6+$0xFFFFFFC0];
	v1 =	vadd.bf16 v6, v1  }
0x597: {  	v5 =	vld [tilespmem:s18+$0xFFFFFF90];
	[tilespmem:s8+$0xFFFFFFC0] =	vst v2  }
0x598: {  	v2 =	vld [tilespmem:s6+$0x0];
	v6 =	vadd.bf16 v7, v8;
	[tilespmem:s8+$0xFFFFFF40] =	vst v1;
	s8 =	smov.u32 s18  }
0x599: {  	v1 =	vld [tilespmem:s18+$0xFFFFFF10]  }
0x59a: {  	[tilespmem:s18+$0xFFFFFFD0] =	vst v6;
	v6 =	vld [tilespmem:s18+$0xFFFFFFE0]  }
0x59b: {  	v3 =	vadd.bf16 v3, v9;
	v7 =	vld [tilespmem:s6+$0x50]  }
0x59c: {  	v8 =	vld [tilespmem:s18+$0xFFFFFF20]  }
0x59d: {  	[tilespmem:s18+$0xFFFFFF50] =	vst v3;
	v3 =	vld [tilespmem:s18+$0xFFFFFF60];
	v2 =	vadd.bf16 v2, v5  }
0x59e: {  	v1 =	vadd.bf16 v4, v1;
	v4 =	vld [tilespmem:s6+$0xFFFFFFD0]  }
0x59f: {  	[tilespmem:s18+$0xFFFFFF90] =	vst v2;
	v2 =	vld [tilespmem:s18+$0xFFFFFFA0]  }
0x5a0: {  	[tilespmem:s18+$0xFFFFFF10] =	vst v1;
	v1 =	vld [tilespmem:s6+$0x10];
	v5 =	vadd.bf16 v7, v6  }
0x5a1: {  	v6 =	vld [tilespmem:s6+$0xFFFFFF90]  }
0x5a2: {  	[tilespmem:s18+$0xFFFFFFE0] =	vst v5;
	v5 =	vld [tilespmem:s18+$0xFFFFFFF0]  }
0x5a3: {  	v3 =	vadd.bf16 v4, v3;
	v4 =	vld [tilespmem:s6+$0x60]  }
0x5a4: {  	v7 =	vld [tilespmem:s18+$0xFFFFFF30]  }
0x5a5: {  	[tilespmem:s18+$0xFFFFFF60] =	vst v3;
	v3 =	vld [tilespmem:s18+$0xFFFFFF70];
	v1 =	vadd.bf16 v1, v2  }
0x5a6: {  	v2 =	vadd.bf16 v6, v8;
	v6 =	vld [tilespmem:s6+$0xFFFFFFE0]  }
0x5a7: {  	[tilespmem:s18+$0xFFFFFFA0] =	vst v1;
	v8 =	vld [tilespmem:s18+$0xFFFFFFB0]  }
0x5a8: {  	[tilespmem:s18+$0xFFFFFF20] =	vst v2;
	v9 =	vld [tilespmem:s6+$0x20];
	v1 =	vadd.bf16 v4, v5  }
0x5a9: {  	v4 =	vld [tilespmem:s6+$0xFFFFFFA0]  }
0x5aa: {  	[tilespmem:s18+$0xFFFFFFF0] =	vst v1;
	v10 =	vld [tilespmem:s18+$0x0]  }
0x5ab: {  	v2 =	vadd.bf16 v6, v3;
	v6 =	vld [tilespmem:s6+$0x70]  }
0x5ac: {  	v1 =	vld [tilespmem:s18+$0xFFFFFF40]  }
.Ltmp68:
0x5ad: {  	[tilespmem:s18+$0xFFFFFF70] =	vst v2;
	v2 =	vld [tilespmem:s18+$0xFFFFFF80];
	v3 =	vadd.bf16 v9, v8;
	(pc) =	sbr.rel @p5 .LBB2_113-.Ltmp68, $4  }
0x5ae: {  	v5 =	vadd.bf16 v4, v7;
	v4 =	vld [tilespmem:s6+$0xFFFFFFF0]  }
0x5af: {  	[tilespmem:s18+$0xFFFFFFB0] =	vst v3;
	v3 =	vld [tilespmem:s18+$0xFFFFFFC0]  }
0x5b0: {  	[tilespmem:s18+$0xFFFFFF30] =	vst v5;
	v5 =	vld [tilespmem:s6+$0x30];
	v7 =	vadd.bf16 v6, v10  }
0x5b1: {  	s18 =	sadd.s32 $0x100, s18;
	v6 =	vld [tilespmem:s6+$0xFFFFFFB0]  }
0x5b2: {  	s7 =	sadd.s32 $0x1, s7  }
0x5b3: {  	p5 =	sne.s32 s7, $0xD  }
.Ltmp69:
0x5b4: {  	v2 =	vadd.bf16 v4, v2;
	(pc) =	sbr.rel @p5 .LBB2_110-.Ltmp69, $4  }
0x5b5: {  	[tilespmem:s8+$0x0] =	vst v7;
	v3 =	vadd.bf16 v5, v3  }
0x5b6: {  	[tilespmem:s8+$0xFFFFFF80] =	vst v2;
	v1 =	vadd.bf16 v6, v1  }
0x5b7: {  	[tilespmem:s8+$0xFFFFFFC0] =	vst v3  }
0x5b8: {  	s11 =	sadd.s32 $0x1000, s11;
	s12 =	sadd.s32 $0x1000, s12;
	[tilespmem:s8+$0xFFFFFF40] =	vst v1  }
.Ltmp70:
0x5b9: {  	(pc) =	sbr.rel @p2 .LBB2_116-.Ltmp70, $3  }
0x5ba: {  	_ =	sdelay $0x1  }
0x5bb: {  	s6 =	simm.s32 @!p4 $0x0;
	s7 =	simm.s32 @!p4 $0x17C40;
	s8 =	rddreg [dreg:$0x13]  }
0x5bc: {  	[tilespmem:s7], [sflag:$0x5] =	stream.linear.gather @!p4 [hbm4b:s8+s6], $0x680, $0x38;
	[tilespmem:$0x1A940] =	vst v63  }
.Ltmp71:
0x5bd: {  	(pc) =	sbr.rel @p3 .LBB2_124-.Ltmp71, $1  }
0x5be: {  	_ =	sdelay $0x3  }
0x5bf: {  	s6 =	rddreg [dreg:$0x19];
	s7 =	simm.s32 $0x17C40  }
0x5c0: {  	[tilespmem:s7], [sflag:$0x5] =	stream.linear.gather [hbm4b:s6+s3], $0x50, $0x38;
	[tilespmem:$0x1A940] =	vst v63  }
0x5c1: {  	s6 =	simm.s32 $0x17CC0  }
0x5c2: {  	[tilespmem:s6+$0xFFFFFFD0] =	vst v0  }
0x5c3: {  	[tilespmem:s6+$0x0] =	vst v0  }
0x5c4: {  	s7 =	simm.s32 $0x5;
	[tilespmem:s6+$0xFFFFFFF0] =	vst v0  }
.LBB2_121:
0x5c5: {  	s7 =	sadd.s32 $0x4, s7  }
0x5c6: {  	[tilespmem:s6+$0xFFFFFFE0] =	vst v0;
	s6 =	sadd.s32 $0x40, s6;
	p5 =	slt.u32 s7, $0x61  }
.Ltmp72:
0x5c7: {  	[tilespmem:s6+$0xFFFFFFD0] =	vst v0;
	(pc) =	sbr.rel @p5 .LBB2_121-.Ltmp72, $3  }
0x5c8: {  	_ =	sdelay $0x1  }
0x5c9: {  	[tilespmem:s6+$0x0] =	vst v0  }
0x5ca: {  	[tilespmem:s6+$0xFFFFFFF0] =	vst v0  }
0x5cb: {  	[tilespmem:s6+$0xFFFFFFE0] =	vst v0;
	s6 =	simm.s32 $0x0  }
.LBB2_123:
0x5cc: {  	p5 =	seq.s32 s6, $0x80  }
.Ltmp73:
0x5cd: {  	_ = 	snop;
	(pc) =	sbr.rel @!p5 .LBB2_123-.Ltmp73, $3  }
0x5ce: {  	_ =	sdelay $0x1  }
0x5cf: {  	s7 =	sshra.s32 s6, $0x2  }
0x5d0: {  	s6 =	sadd.s32 $0x40, s6;
	[tilespmem:s7+$0x18290] =	vst v0  }
.Ltmp74:
0x5d1: {  	_ = 	snop;
	(pc) =	sbr.rel .LBB2_124-.Ltmp74, $1  }
0x5d2: {  	_ =	sdelay $0x3  }
.LBB2_116:
0x5d3: {  	s6 =	simm.s32 $0x17C60  }
0x5d4: {  	[tilespmem:s6+$0xFFFFFFE0] =	vst v0  }
0x5d5: {  	[tilespmem:s6+$0x10] =	vst v0  }
0x5d6: {  	s7 =	simm.s32 $0x0;
	[tilespmem:s6+$0x0] =	vst v0  }
.LBB2_117:
0x5d7: {  	s7 =	sadd.s32 $0x4, s7  }
0x5d8: {  	[tilespmem:s6+$0xFFFFFFF0] =	vst v0;
	s6 =	sadd.s32 $0x40, s6;
	p5 =	slt.u32 s7, $0x64  }
.Ltmp75:
0x5d9: {  	[tilespmem:s6+$0xFFFFFFE0] =	vst v0;
	(pc) =	sbr.rel @p5 .LBB2_117-.Ltmp75, $3  }
0x5da: {  	_ =	sdelay $0x1  }
0x5db: {  	[tilespmem:s6+$0x10] =	vst v0  }
0x5dc: {  	[tilespmem:s6+$0x0] =	vst v0  }
0x5dd: {  	[tilespmem:s6+$0xFFFFFFF0] =	vst v0  }
.LBB2_124:
0x5de: {  	s6 =	simm.s32 @!p4 $0x6  }
0x5df: {  	_ =	swait.ge @!p4 [sflag:s6], $0x680  }
0x5e0: {  	[sflag:s6] =	ssyncset.done @!p4 $0x0  }
0x5e1: {  	[sflag:s6] =	ssyncadd.s32 @!p4 $0xFFFFF980;
	s6 =	simm.s32 @!p3 $0x6  }
0x5e2: {  	_ =	swait.ge @!p3 [sflag:s6], $0x50  }
0x5e3: {  	[sflag:s6] =	ssyncset.done @!p3 $0x0  }
0x5e4: {  	[sflag:s6] =	ssyncadd.s32 @!p3 $0xFFFFFFB0  }
0x5e5: {  	_ =	swait.ge [sflag:s17], $0x9C0  }
0x5e6: {  	[sflag:s17] =	ssyncset.done $0x0  }
0x5e7: {  	[sflag:s17] =	ssyncadd.s32 $0xFFFFF640  }
0x5e8: {  	[bflag:$0x0] =	sbarrier.arrive @p0 $0xFFFF  }
0x5e9: {  	s11 =	sld [smem:$0x7F0];
	_ =	sdelay $0x1  }
0x5ea: {  	s7 =	simm.s32 @p0 $0x4;
	s8 =	simm.s32 @p0 $0x24;
	s6 =	simm.s32 @p0 $0x1  }
0x5eb: {  	[spmem:s14@s7], [sflag:s10] =	dma.strided @p0 [hbm:s11@s8], $0x9C0, s6, $0x4   }
0x5ec: {  	s6 =	simm.s32 @!p0 $0x2  }
0x5ed: {  	_ =	swait.ge @!p0 [sflag:s6], $0x40  }
0x5ee: {  	[sflag:s6] =	ssyncset.done @!p0 $0x0  }
0x5ef: {  	[sflag:s6] =	ssyncadd.s32 @!p0 $0xFFFFFFC0  }
0x5f0: {  	[bflag:$0x0] =	sbarrier.arrive @!p0 $0xFFFF  }
0x5f1: {  	s11 =	sld [smem:$0x7EF];
	_ =	sdelay $0x1  }
0x5f2: {  	s7 =	simm.s32 @!p0 $0x4;
	s8 =	simm.s32 @!p0 $0x24;
	s6 =	simm.s32 @!p0 $0x1  }
0x5f3: {  	[spmem:s22@s7], [sflag:s10] =	dma.strided @!p0 [hbm:s11@s8], $0x9C0, s6, $0x4   }
0x5f4: {  	s11 =	sld [smem:$0x7F9];
	_ =	sdelay $0x1  }
0x5f5: {  	s26 =	simm.s32 $0x16C40;
	s12 =	simm.s32 $0xA530  }
0x5f6: {  	[spmem:s23@s7], [sflag:s10] =	dma.strided @!p0 [hbm:s11@s8], $0x40, s6, $0x4   }
0x5f7: {  	s23 =	simm.s32 $0x182C0;
	s7 =	simm.s32 $0x0;
	s11 =	simm.s32 $0x9CC0  }
0x5f8: {  	[tilespmem:s26], [sflag:$0x3] =	stream.indirect.gather [spmem:s2], $0x20, s23, s15, $0xb8;
	[tilespmem:$0x1A940] =	vst v63  }
.LBB2_125:
0x5f9: {  	_ =	swait.ge [sflag:s16], $0x800  }
0x5fa: {  	s6 =	sshll.u32 s7, $0x7;
	[sflag:s16] =	ssyncset.done $0x0  }
0x5fb: {  	s6 =	sadd.s32 $0x18300, s6;
	[sflag:s16] =	ssyncadd.s32 $0xFFFFF800  }
0x5fc: {  	[tilespmem:s30], [sflag:$0x4] =	stream.indirect.gather [spmem:s2], $0x20, s6, s15, $0xb8;
	[tilespmem:$0x1A940] =	vst v63  }
0x5fd: {  	s6 =	simm.s32 $0x16CC0;
	v1 =	vld [tilespmem:s11+$0x40]  }
0x5fe: {  	v2 =	vld [tilespmem:s6+$0x40]  }
0x5ff: {  	v3 =	vld [tilespmem:s11+$0xFFFFFFC0]  }
0x600: {  	v4 =	vld [tilespmem:s6+$0xFFFFFFC0]  }
0x601: {  	v5 =	vld [tilespmem:s11+$0x0]  }
0x602: {  	v6 =	vld [tilespmem:s6+$0x0]  }
0x603: {  	v7 =	vld [tilespmem:s11+$0xFFFFFF80];
	v1 =	vadd.bf16 v2, v1  }
0x604: {  	v2 =	vld [tilespmem:s6+$0xFFFFFF80]  }
0x605: {  	[tilespmem:s11+$0x40] =	vst v1;
	v1 =	vld [tilespmem:s11+$0x50]  }
0x606: {  	v3 =	vadd.bf16 v4, v3;
	v4 =	vld [tilespmem:s6+$0x50]  }
0x607: {  	v8 =	vld [tilespmem:s11+$0xFFFFFF90]  }
0x608: {  	[tilespmem:s11+$0xFFFFFFC0] =	vst v3;
	v3 =	vadd.bf16 v6, v5;
	v5 =	vld [tilespmem:s11+$0xFFFFFFD0]  }
0x609: {  	v6 =	vld [tilespmem:s6+$0xFFFFFFD0];
	v2 =	vadd.bf16 v2, v7  }
0x60a: {  	[tilespmem:s11+$0x0] =	vst v3;
	v3 =	vld [tilespmem:s11+$0x10]  }
0x60b: {  	v7 =	vld [tilespmem:s6+$0x10];
	[tilespmem:s11+$0xFFFFFF80] =	vst v2;
	v1 =	vadd.bf16 v4, v1  }
0x60c: {  	v2 =	vld [tilespmem:s6+$0xFFFFFF90]  }
0x60d: {  	[tilespmem:s11+$0x50] =	vst v1;
	v1 =	vld [tilespmem:s11+$0x60]  }
0x60e: {  	v4 =	vadd.bf16 v6, v5;
	v5 =	vld [tilespmem:s6+$0x60]  }
0x60f: {  	v6 =	vld [tilespmem:s11+$0xFFFFFFA0]  }
0x610: {  	[tilespmem:s11+$0xFFFFFFD0] =	vst v4;
	v3 =	vadd.bf16 v7, v3;
	v4 =	vld [tilespmem:s11+$0xFFFFFFE0]  }
0x611: {  	v7 =	vld [tilespmem:s6+$0xFFFFFFE0];
	v2 =	vadd.bf16 v2, v8  }
0x612: {  	[tilespmem:s11+$0x10] =	vst v3;
	v3 =	vld [tilespmem:s11+$0x20]  }
0x613: {  	v8 =	vld [tilespmem:s6+$0x20];
	[tilespmem:s11+$0xFFFFFF90] =	vst v2;
	v1 =	vadd.bf16 v5, v1  }
0x614: {  	v5 =	vld [tilespmem:s6+$0xFFFFFFA0]  }
0x615: {  	v9 =	vld [tilespmem:s11+$0x70];
	[tilespmem:s11+$0x60] =	vst v1  }
0x616: {  	v2 =	vadd.bf16 v7, v4;
	v7 =	vld [tilespmem:s6+$0x70]  }
0x617: {  	v1 =	vld [tilespmem:s11+$0xFFFFFFB0]  }
0x618: {  	[tilespmem:s11+$0xFFFFFFE0] =	vst v2;
	v3 =	vadd.bf16 v8, v3;
	v2 =	vld [tilespmem:s11+$0xFFFFFFF0]  }
0x619: {  	v4 =	vld [tilespmem:s6+$0xFFFFFFF0];
	v5 =	vadd.bf16 v5, v6  }
0x61a: {  	[tilespmem:s11+$0x20] =	vst v3;
	v3 =	vld [tilespmem:s11+$0x30]  }
0x61b: {  	[tilespmem:s11+$0xFFFFFFA0] =	vst v5;
	v5 =	vld [tilespmem:s6+$0x30];
	v7 =	vadd.bf16 v7, v9  }
0x61c: {  	s13 =	simm.s32 $0x0;
	s14 =	sadd.s32 $0x100, s11;
	s8 =	smov.u32 s11;
	v6 =	vld [tilespmem:s6+$0xFFFFFFB0]  }
.LBB2_126:
0x61d: {  	v8 =	vld [tilespmem:s14+$0x40];
	[tilespmem:s8+$0x70] =	vst v7;
	s6 =	sadd.s32 $0x100, s6  }
0x61e: {  	s13 =	sadd.s32 $0x8, s13;
	v7 =	vld [tilespmem:s6+$0x40];
	v2 =	vadd.bf16 v4, v2  }
0x61f: {  	p5 =	slt.u32 s13, $0x38;
	v4 =	vld [tilespmem:s6+$0xFFFFFF80]  }
0x620: {  	v9 =	vld [tilespmem:s14+$0xFFFFFFC0];
	[tilespmem:s8+$0xFFFFFFF0] =	vst v2;
	v2 =	vadd.bf16 v5, v3  }
0x621: {  	v3 =	vld [tilespmem:s6+$0xFFFFFFC0];
	v1 =	vadd.bf16 v6, v1  }
0x622: {  	v5 =	vld [tilespmem:s14+$0x0];
	[tilespmem:s8+$0x30] =	vst v2  }
0x623: {  	v2 =	vld [tilespmem:s6+$0x0];
	v6 =	vadd.bf16 v7, v8;
	[tilespmem:s8+$0xFFFFFFB0] =	vst v1;
	s8 =	smov.u32 s14  }
0x624: {  	v1 =	vld [tilespmem:s14+$0xFFFFFF80]  }
0x625: {  	[tilespmem:s14+$0x40] =	vst v6;
	v6 =	vld [tilespmem:s14+$0x50]  }
0x626: {  	v3 =	vadd.bf16 v3, v9;
	v7 =	vld [tilespmem:s6+$0x50]  }
0x627: {  	v8 =	vld [tilespmem:s14+$0xFFFFFF90]  }
0x628: {  	[tilespmem:s14+$0xFFFFFFC0] =	vst v3;
	v3 =	vld [tilespmem:s14+$0xFFFFFFD0];
	v2 =	vadd.bf16 v2, v5  }
0x629: {  	v1 =	vadd.bf16 v4, v1;
	v4 =	vld [tilespmem:s6+$0xFFFFFFD0]  }
0x62a: {  	[tilespmem:s14+$0x0] =	vst v2;
	v2 =	vld [tilespmem:s14+$0x10]  }
0x62b: {  	[tilespmem:s14+$0xFFFFFF80] =	vst v1;
	v1 =	vld [tilespmem:s6+$0x10];
	v5 =	vadd.bf16 v7, v6  }
0x62c: {  	v6 =	vld [tilespmem:s6+$0xFFFFFF90]  }
0x62d: {  	[tilespmem:s14+$0x50] =	vst v5;
	v5 =	vld [tilespmem:s14+$0x60]  }
0x62e: {  	v3 =	vadd.bf16 v4, v3;
	v4 =	vld [tilespmem:s6+$0x60]  }
0x62f: {  	v7 =	vld [tilespmem:s14+$0xFFFFFFA0]  }
0x630: {  	[tilespmem:s14+$0xFFFFFFD0] =	vst v3;
	v3 =	vld [tilespmem:s14+$0xFFFFFFE0];
	v1 =	vadd.bf16 v1, v2  }
0x631: {  	v2 =	vadd.bf16 v6, v8;
	v6 =	vld [tilespmem:s6+$0xFFFFFFE0]  }
0x632: {  	[tilespmem:s14+$0x10] =	vst v1;
	v8 =	vld [tilespmem:s14+$0x20]  }
0x633: {  	[tilespmem:s14+$0xFFFFFF90] =	vst v2;
	v9 =	vld [tilespmem:s6+$0x20];
	v1 =	vadd.bf16 v4, v5  }
0x634: {  	v4 =	vld [tilespmem:s6+$0xFFFFFFA0]  }
0x635: {  	[tilespmem:s14+$0x60] =	vst v1;
	v10 =	vld [tilespmem:s14+$0x70]  }
0x636: {  	v2 =	vadd.bf16 v6, v3;
	v6 =	vld [tilespmem:s6+$0x70]  }
0x637: {  	v1 =	vld [tilespmem:s14+$0xFFFFFFB0]  }
.Ltmp76:
0x638: {  	[tilespmem:s14+$0xFFFFFFE0] =	vst v2;
	v2 =	vld [tilespmem:s14+$0xFFFFFFF0];
	v3 =	vadd.bf16 v9, v8;
	(pc) =	sbr.rel @p5 .LBB2_126-.Ltmp76, $4  }
0x639: {  	v5 =	vadd.bf16 v4, v7;
	v4 =	vld [tilespmem:s6+$0xFFFFFFF0]  }
0x63a: {  	[tilespmem:s14+$0x20] =	vst v3;
	v3 =	vld [tilespmem:s14+$0x30]  }
0x63b: {  	[tilespmem:s14+$0xFFFFFFA0] =	vst v5;
	v5 =	vld [tilespmem:s6+$0x30];
	v7 =	vadd.bf16 v6, v10  }
0x63c: {  	s14 =	sadd.s32 $0x100, s14;
	v6 =	vld [tilespmem:s6+$0xFFFFFFB0]  }
0x63d: {  	_ =	sdelay $0x1  }
0x63e: {  	v2 =	vadd.bf16 v4, v2  }
0x63f: {  	[tilespmem:s8+$0x70] =	vst v7;
	v3 =	vadd.bf16 v5, v3  }
0x640: {  	[tilespmem:s8+$0xFFFFFFF0] =	vst v2;
	v1 =	vadd.bf16 v6, v1  }
0x641: {  	[tilespmem:s8+$0x30] =	vst v3  }
0x642: {  	p5 =	seq.s32 s7, $0xC;
	[tilespmem:s8+$0xFFFFFFB0] =	vst v1  }
0x643: {  	s6 =	sshll.u32 @!p5 s7, $0x7;
	_ =	swait.ge [sflag:s9], $0x800  }
0x644: {  	s13 =	simm.s32 @!p5 $0x16C40;
	s6 =	sand.u32 @!p5 $0x3FFFFF80, s6;
	[sflag:s9] =	ssyncset.done $0x0  }
0x645: {  	s6 =	sadd.s32 @!p5 $0x18340, s6;
	s8 =	simm.s32 @!p5 $0x40;
	[sflag:s9] =	ssyncadd.s32 $0xFFFFF800  }
0x646: {  	[tilespmem:s13], [sflag:$0x3] =	stream.indirect.gather @!p5 [spmem:s2], $0x20, s6, s8, $0xb8;
	[tilespmem:$0x1A940] =	vst v63  }
0x647: {  	s6 =	simm.s32 $0x174C0;
	v1 =	vld [tilespmem:s12+$0xFFFFFFD0]  }
0x648: {  	v2 =	vld [tilespmem:s6+$0x40]  }
0x649: {  	v3 =	vld [tilespmem:s12+$0xFFFFFF50]  }
0x64a: {  	v4 =	vld [tilespmem:s6+$0xFFFFFFC0]  }
0x64b: {  	v5 =	vld [tilespmem:s12+$0xFFFFFF90]  }
0x64c: {  	v6 =	vld [tilespmem:s6+$0x0]  }
0x64d: {  	v7 =	vld [tilespmem:s12+$0xFFFFFF10];
	v1 =	vadd.bf16 v2, v1  }
0x64e: {  	v2 =	vld [tilespmem:s6+$0xFFFFFF80]  }
0x64f: {  	[tilespmem:s12+$0xFFFFFFD0] =	vst v1;
	v1 =	vld [tilespmem:s12+$0xFFFFFFE0]  }
0x650: {  	v3 =	vadd.bf16 v4, v3;
	v4 =	vld [tilespmem:s6+$0x50]  }
0x651: {  	v8 =	vld [tilespmem:s12+$0xFFFFFF20]  }
0x652: {  	[tilespmem:s12+$0xFFFFFF50] =	vst v3;
	v3 =	vadd.bf16 v6, v5;
	v5 =	vld [tilespmem:s12+$0xFFFFFF60]  }
0x653: {  	v6 =	vld [tilespmem:s6+$0xFFFFFFD0];
	v2 =	vadd.bf16 v2, v7  }
0x654: {  	[tilespmem:s12+$0xFFFFFF90] =	vst v3;
	v3 =	vld [tilespmem:s12+$0xFFFFFFA0]  }
0x655: {  	v7 =	vld [tilespmem:s6+$0x10];
	[tilespmem:s12+$0xFFFFFF10] =	vst v2;
	v1 =	vadd.bf16 v4, v1  }
0x656: {  	v2 =	vld [tilespmem:s6+$0xFFFFFF90]  }
0x657: {  	[tilespmem:s12+$0xFFFFFFE0] =	vst v1;
	v1 =	vld [tilespmem:s12+$0xFFFFFFF0]  }
0x658: {  	v4 =	vadd.bf16 v6, v5;
	v5 =	vld [tilespmem:s6+$0x60]  }
0x659: {  	v6 =	vld [tilespmem:s12+$0xFFFFFF30]  }
0x65a: {  	[tilespmem:s12+$0xFFFFFF60] =	vst v4;
	v3 =	vadd.bf16 v7, v3;
	v4 =	vld [tilespmem:s12+$0xFFFFFF70]  }
0x65b: {  	v7 =	vld [tilespmem:s6+$0xFFFFFFE0];
	v2 =	vadd.bf16 v2, v8  }
0x65c: {  	[tilespmem:s12+$0xFFFFFFA0] =	vst v3;
	v3 =	vld [tilespmem:s12+$0xFFFFFFB0]  }
0x65d: {  	v8 =	vld [tilespmem:s6+$0x20];
	[tilespmem:s12+$0xFFFFFF20] =	vst v2;
	v1 =	vadd.bf16 v5, v1  }
0x65e: {  	v5 =	vld [tilespmem:s6+$0xFFFFFFA0]  }
0x65f: {  	v9 =	vld [tilespmem:s12+$0x0];
	[tilespmem:s12+$0xFFFFFFF0] =	vst v1  }
0x660: {  	v2 =	vadd.bf16 v7, v4;
	v7 =	vld [tilespmem:s6+$0x70]  }
0x661: {  	v1 =	vld [tilespmem:s12+$0xFFFFFF40]  }
0x662: {  	[tilespmem:s12+$0xFFFFFF70] =	vst v2;
	v3 =	vadd.bf16 v8, v3;
	v2 =	vld [tilespmem:s12+$0xFFFFFF80]  }
0x663: {  	v4 =	vld [tilespmem:s6+$0xFFFFFFF0];
	v5 =	vadd.bf16 v5, v6  }
0x664: {  	[tilespmem:s12+$0xFFFFFFB0] =	vst v3;
	v3 =	vld [tilespmem:s12+$0xFFFFFFC0]  }
0x665: {  	[tilespmem:s12+$0xFFFFFF30] =	vst v5;
	v5 =	vld [tilespmem:s6+$0x30];
	v7 =	vadd.bf16 v7, v9  }
0x666: {  	s14 =	sadd.s32 $0x100, s12;
	s13 =	simm.s32 $0x0;
	s8 =	smov.u32 s12;
	v6 =	vld [tilespmem:s6+$0xFFFFFFB0]  }
.LBB2_128:
0x667: {  	v8 =	vld [tilespmem:s14+$0xFFFFFFD0];
	[tilespmem:s8+$0x0] =	vst v7;
	s6 =	sadd.s32 $0x100, s6  }
0x668: {  	s13 =	sadd.s32 $0x8, s13;
	v7 =	vld [tilespmem:s6+$0x40];
	v2 =	vadd.bf16 v4, v2  }
0x669: {  	p5 =	slt.u32 s13, $0x38;
	v4 =	vld [tilespmem:s6+$0xFFFFFF80]  }
0x66a: {  	v9 =	vld [tilespmem:s14+$0xFFFFFF50];
	[tilespmem:s8+$0xFFFFFF80] =	vst v2;
	v2 =	vadd.bf16 v5, v3  }
0x66b: {  	v3 =	vld [tilespmem:s6+$0xFFFFFFC0];
	v1 =	vadd.bf16 v6, v1  }
0x66c: {  	v5 =	vld [tilespmem:s14+$0xFFFFFF90];
	[tilespmem:s8+$0xFFFFFFC0] =	vst v2  }
0x66d: {  	v2 =	vld [tilespmem:s6+$0x0];
	v6 =	vadd.bf16 v7, v8;
	[tilespmem:s8+$0xFFFFFF40] =	vst v1;
	s8 =	smov.u32 s14  }
0x66e: {  	v1 =	vld [tilespmem:s14+$0xFFFFFF10]  }
0x66f: {  	[tilespmem:s14+$0xFFFFFFD0] =	vst v6;
	v6 =	vld [tilespmem:s14+$0xFFFFFFE0]  }
0x670: {  	v3 =	vadd.bf16 v3, v9;
	v7 =	vld [tilespmem:s6+$0x50]  }
0x671: {  	v8 =	vld [tilespmem:s14+$0xFFFFFF20]  }
0x672: {  	[tilespmem:s14+$0xFFFFFF50] =	vst v3;
	v3 =	vld [tilespmem:s14+$0xFFFFFF60];
	v2 =	vadd.bf16 v2, v5  }
0x673: {  	v1 =	vadd.bf16 v4, v1;
	v4 =	vld [tilespmem:s6+$0xFFFFFFD0]  }
0x674: {  	[tilespmem:s14+$0xFFFFFF90] =	vst v2;
	v2 =	vld [tilespmem:s14+$0xFFFFFFA0]  }
0x675: {  	[tilespmem:s14+$0xFFFFFF10] =	vst v1;
	v1 =	vld [tilespmem:s6+$0x10];
	v5 =	vadd.bf16 v7, v6  }
0x676: {  	v6 =	vld [tilespmem:s6+$0xFFFFFF90]  }
0x677: {  	[tilespmem:s14+$0xFFFFFFE0] =	vst v5;
	v5 =	vld [tilespmem:s14+$0xFFFFFFF0]  }
0x678: {  	v3 =	vadd.bf16 v4, v3;
	v4 =	vld [tilespmem:s6+$0x60]  }
0x679: {  	v7 =	vld [tilespmem:s14+$0xFFFFFF30]  }
0x67a: {  	[tilespmem:s14+$0xFFFFFF60] =	vst v3;
	v3 =	vld [tilespmem:s14+$0xFFFFFF70];
	v1 =	vadd.bf16 v1, v2  }
0x67b: {  	v2 =	vadd.bf16 v6, v8;
	v6 =	vld [tilespmem:s6+$0xFFFFFFE0]  }
0x67c: {  	[tilespmem:s14+$0xFFFFFFA0] =	vst v1;
	v8 =	vld [tilespmem:s14+$0xFFFFFFB0]  }
0x67d: {  	[tilespmem:s14+$0xFFFFFF20] =	vst v2;
	v9 =	vld [tilespmem:s6+$0x20];
	v1 =	vadd.bf16 v4, v5  }
0x67e: {  	v4 =	vld [tilespmem:s6+$0xFFFFFFA0]  }
0x67f: {  	[tilespmem:s14+$0xFFFFFFF0] =	vst v1;
	v10 =	vld [tilespmem:s14+$0x0]  }
0x680: {  	v2 =	vadd.bf16 v6, v3;
	v6 =	vld [tilespmem:s6+$0x70]  }
0x681: {  	v1 =	vld [tilespmem:s14+$0xFFFFFF40]  }
.Ltmp77:
0x682: {  	[tilespmem:s14+$0xFFFFFF70] =	vst v2;
	v2 =	vld [tilespmem:s14+$0xFFFFFF80];
	v3 =	vadd.bf16 v9, v8;
	(pc) =	sbr.rel @p5 .LBB2_128-.Ltmp77, $4  }
0x683: {  	v5 =	vadd.bf16 v4, v7;
	v4 =	vld [tilespmem:s6+$0xFFFFFFF0]  }
0x684: {  	[tilespmem:s14+$0xFFFFFFB0] =	vst v3;
	v3 =	vld [tilespmem:s14+$0xFFFFFFC0]  }
0x685: {  	[tilespmem:s14+$0xFFFFFF30] =	vst v5;
	v5 =	vld [tilespmem:s6+$0x30];
	v7 =	vadd.bf16 v6, v10  }
0x686: {  	s14 =	sadd.s32 $0x100, s14;
	v6 =	vld [tilespmem:s6+$0xFFFFFFB0]  }
0x687: {  	s7 =	sadd.s32 $0x1, s7  }
0x688: {  	p5 =	sne.s32 s7, $0xD  }
.Ltmp78:
0x689: {  	v2 =	vadd.bf16 v4, v2;
	(pc) =	sbr.rel @p5 .LBB2_125-.Ltmp78, $4  }
0x68a: {  	[tilespmem:s8+$0x0] =	vst v7;
	v3 =	vadd.bf16 v5, v3  }
0x68b: {  	[tilespmem:s8+$0xFFFFFF80] =	vst v2;
	v1 =	vadd.bf16 v6, v1  }
0x68c: {  	[tilespmem:s8+$0xFFFFFFC0] =	vst v3  }
0x68d: {  	s11 =	sadd.s32 $0x1000, s11;
	s12 =	sadd.s32 $0x1000, s12;
	[tilespmem:s8+$0xFFFFFF40] =	vst v1  }
0x68e: {  	s6 =	simm.s32 @!p4 $0x5  }
0x68f: {  	_ =	swait.ge @!p4 [sflag:s6], $0x680  }
0x690: {  	[sflag:s6] =	ssyncset.done @!p4 $0x0  }
0x691: {  	[sflag:s6] =	ssyncadd.s32 @!p4 $0xFFFFF980;
	s6 =	simm.s32 @!p3 $0x5  }
0x692: {  	_ =	swait.ge @!p3 [sflag:s6], $0x50  }
0x693: {  	[sflag:s6] =	ssyncset.done @!p3 $0x0  }
0x694: {  	[sflag:s6] =	ssyncadd.s32 @!p3 $0xFFFFFFB0  }
0x695: {  	_ =	swait.ge [sflag:s25], $0x9C0  }
0x696: {  	[sflag:s25] =	ssyncset.done $0x0  }
0x697: {  	s6 =	simm.s32 @!p0 $0x1;
	[sflag:s25] =	ssyncadd.s32 $0xFFFFF640  }
0x698: {  	_ =	swait.ge @!p0 [sflag:s6], $0x40  }
0x699: {  	s26 =	simm.s32 $0x17C40;
	[sflag:s6] =	ssyncset.done @!p0 $0x0  }
0x69a: {  	s7 =	simm.s32 $0x16C40;
	s11 =	simm.s32 $0x0;
	[sflag:s6] =	ssyncadd.s32 @!p0 $0xFFFFFFC0  }
0x69b: {  	s12 =	simm.s32 $0x9C80;
	s14 =	simm.s32 $0xA4B0;
	[bflag:$0x0] =	sbarrier.arrive $0xFFFF  }
0x69c: {  	[tilespmem:s7], [sflag:$0x3] =	stream.indirect.gather [spmem:s1], $0x20, s26, s15, $0xb8;
	[tilespmem:$0x1A940] =	vst v63  }
.LBB2_131:
0x69d: {  	_ =	swait.ge [sflag:s16], $0x800  }
0x69e: {  	s7 =	sshll.u32 s11, $0x7;
	[sflag:s16] =	ssyncset.done $0x0  }
0x69f: {  	p4 =	seq.s32 s11, $0x0;
	s6 =	sadd.s32 $0x17C80, s7;
	[sflag:s16] =	ssyncadd.s32 $0xFFFFF800  }
0x6a0: {  	[tilespmem:s30], [sflag:$0x4] =	stream.indirect.gather [spmem:s1], $0x20, s6, s15, $0xb8;
	[tilespmem:$0x1A940] =	vst v63  }
0x6a1: {  	s6 =	simm.s32 @!p4 $0x7  }
0x6a2: {  	_ =	swait.ge @!p4 [sflag:s6], $0x1000  }
0x6a3: {  	[sflag:s6] =	ssyncset.done @!p4 $0x0  }
0x6a4: {  	[sflag:s6] =	ssyncadd.s32 @!p4 $0xFFFFF000  }
0x6a5: {  	s8 =	simm.s32 $0x16C80;
	v1 =	vld [tilespmem:s12+$0x20]  }
0x6a6: {  	v2 =	vld [tilespmem:s8+$0x20]  }
0x6a7: {  	v3 =	vld [tilespmem:s12+$0xFFFFFFE0]  }
0x6a8: {  	v4 =	vld [tilespmem:s8+$0xFFFFFFE0];
	_ =	sdelay $0x2  }
0x6a9: {  	v1 =	vadd.bf16 v2, v1  }
0x6aa: {  	v5 =	vld [tilespmem:s12+$0x0]  }
0x6ab: {  	s18 =	simm.s32 $0x189C0;
	v2 =	vld [tilespmem:s8+$0xFFFFFFC0];
	v3 =	vadd.bf16 v4, v3;
	v6 =	vunpack.i.l.bf16.f32 v1  }
0x6ac: {  	v4 =	vld [tilespmem:s8+$0x0];
	v1 =	vunpack.i.u.bf16.f32 v1;
	[tilespmem:s18+$0x40] =	vst v6  }
0x6ad: {  	v6 =	vld [tilespmem:s12+$0xFFFFFFC0];
	[tilespmem:s18+$0x50] =	vst v1;
	v1 =	vunpack.i.l.bf16.f32 v3  }
0x6ae: {  	v3 =	vunpack.i.u.bf16.f32 v3;
	v7 =	vld [tilespmem:s12+$0x30];
	[tilespmem:s18+$0xFFFFFFC0] =	vst v1  }
0x6af: {  	v1 =	vld [tilespmem:s8+$0x30];
	[tilespmem:s18+$0xFFFFFFD0] =	vst v3  }
0x6b0: {  	v3 =	vld [tilespmem:s12+$0xFFFFFFF0]  }
0x6b1: {  	s23 =	simm.s32 $0x16D00;
	v4 =	vadd.bf16 v4, v5;
	v5 =	vld [tilespmem:s8+$0xFFFFFFF0]  }
0x6b2: {  	s6 =	sadd.s32 $0x80, s12;
	v9 =	vld [tilespmem:s23+$0x20]  }
0x6b3: {  	v8 =	vunpack.i.l.bf16.f32 v4;
	v2 =	vadd.bf16 v2, v6;
	v6 =	vld [tilespmem:s6+$0x20]  }
0x6b4: {  	v4 =	vunpack.i.u.bf16.f32 v4;
	[tilespmem:s18+$0x0] =	vst v8;
	v8 =	vld [tilespmem:s23+$0xFFFFFFC0]  }
0x6b5: {  	[tilespmem:s18+$0x10] =	vst v4;
	v1 =	vadd.bf16 v1, v7;
	v7 =	vld [tilespmem:s6+$0xFFFFFFE0];
	v10 =	vunpack.i.l.bf16.f32 v2;
	v2 =	vunpack.i.u.bf16.f32 v2  }
0x6b6: {  	v3 =	vadd.bf16 v5, v3;
	[tilespmem:s18+$0xFFFFFF90] =	vst v2;
	v2 =	vld [tilespmem:s23+$0xFFFFFFE0]  }
0x6b7: {  	v5 =	vld [tilespmem:s6+$0x0];
	[tilespmem:s18+$0xFFFFFF80] =	vst v10;
	v4 =	vunpack.i.u.bf16.f32 v1  }
0x6b8: {  	v10 =	vld [tilespmem:s6+$0xFFFFFFC0];
	[tilespmem:s18+$0x70] =	vst v4;
	v6 =	vadd.bf16 v9, v6;
	v9 =	vunpack.i.l.bf16.f32 v3  }
0x6b9: {  	v4 =	vld [tilespmem:s23+$0x0];
	v3 =	vunpack.i.u.bf16.f32 v3;
	[tilespmem:s18+$0xFFFFFFE0] =	vst v9  }
0x6ba: {  	s22 =	simm.s32 $0x18AC0;
	v11 =	vld [tilespmem:s12+$0xFFFFFFD0];
	[tilespmem:s18+$0xFFFFFFF0] =	vst v3;
	v9 =	vunpack.i.l.bf16.f32 v6  }
0x6bb: {  	v3 =	vadd.bf16 v2, v7;
	v2 =	vunpack.i.u.bf16.f32 v6;
	[tilespmem:s22+$0x40] =	vst v9;
	v6 =	vld [tilespmem:s8+$0xFFFFFFD0]  }
0x6bc: {  	v7 =	vunpack.i.l.bf16.f32 v1;
	v1 =	vld [tilespmem:s12+$0x10];
	[tilespmem:s22+$0x50] =	vst v2  }
0x6bd: {  	v8 =	vadd.bf16 v8, v10;
	[tilespmem:s18+$0x60] =	vst v7;
	v9 =	vunpack.i.l.bf16.f32 v3;
	v2 =	vld [tilespmem:s6+$0x30]  }
0x6be: {  	v12 =	vadd.bf16 v4, v5;
	v3 =	vunpack.i.u.bf16.f32 v3;
	v4 =	vld [tilespmem:s23+$0x30];
	[tilespmem:s22+$0xFFFFFFC0] =	vst v9  }
0x6bf: {  	v5 =	vld [tilespmem:s8+$0x10];
	v10 =	vunpack.i.l.bf16.f32 v8;
	[tilespmem:s22+$0xFFFFFFD0] =	vst v3  }
0x6c0: {  	s13 =	simm.s32 $0x4;
	v7 =	vunpack.i.l.bf16.f32 v12;
	v9 =	vunpack.i.u.bf16.f32 v8;
	[tilespmem:s22+$0xFFFFFF80] =	vst v10;
	v3 =	vld [tilespmem:s6+$0xFFFFFFF0];
	v8 =	vadd.bf16 v6, v11  }
0x6c1: {  	s7 =	sor.u32 $0x40, s7;
	s19 =	sadd.s32 $0x80, s6;
	s8 =	simm.s32 $0x16D00;
	[tilespmem:s22+$0x0] =	vst v7;
	v7 =	vunpack.i.u.bf16.f32 v12;
	v6 =	vld [tilespmem:s23+$0xFFFFFFF0]  }
.LBB2_132:
0x6c2: {  	v10 =	vld [tilespmem:s19+$0x20];
	[tilespmem:s22+$0xFFFFFF90] =	vst v9;
	s23 =	sadd.s32 $0x80, s23;
	v9 =	vunpack.i.u.bf16.f32 v8;
	v8 =	vunpack.i.l.bf16.f32 v8  }
0x6c3: {  	v11 =	vld [tilespmem:s23+$0x20];
	[tilespmem:s22+$0x10] =	vst v7;
	v2 =	vadd.bf16 v4, v2  }
0x6c4: {  	v4 =	vld [tilespmem:s23+$0xFFFFFFC0];
	[tilespmem:s18+$0xFFFFFFA0] =	vst v8;
	v1 =	vadd.bf16 v5, v1  }
0x6c5: {  	s13 =	sadd.s32 $0x4, s13;
	v5 =	vld [tilespmem:s19+$0xFFFFFFE0];
	v7 =	vunpack.i.u.bf16.f32 v2;
	v8 =	vunpack.i.l.bf16.f32 v2;
	[tilespmem:s18+$0xFFFFFFB0] =	vst v9  }
0x6c6: {  	p4 =	slt.u32 s13, $0x3C;
	v2 =	vld [tilespmem:s23+$0xFFFFFFE0];
	v3 =	vadd.bf16 v6, v3;
	[tilespmem:s22+$0x70] =	vst v7;
	v6 =	vunpack.i.u.bf16.f32 v1;
	v1 =	vunpack.i.l.bf16.f32 v1  }
0x6c7: {  	v7 =	vld [tilespmem:s19+$0x0];
	[tilespmem:s18+$0x20] =	vst v1  }
0x6c8: {  	v9 =	vld [tilespmem:s23+$0x0];
	v1 =	vadd.bf16 v11, v10;
	v10 =	vunpack.i.u.bf16.f32 v3;
	v3 =	vunpack.i.l.bf16.f32 v3;
	[tilespmem:s18+$0x30] =	vst v6;
	s18 =	smov.u32 s22  }
0x6c9: {  	v6 =	vld [tilespmem:s19+$0xFFFFFFC0];
	[tilespmem:s22+$0xFFFFFFE0] =	vst v3  }
0x6ca: {  	s22 =	sadd.s32 $0x100, s22;
	v3 =	vunpack.i.l.bf16.f32 v1;
	v11 =	vld [tilespmem:s6+$0xFFFFFFD0];
	[tilespmem:s18+$0xFFFFFFF0] =	vst v10  }
0x6cb: {  	v1 =	vunpack.i.u.bf16.f32 v1;
	v2 =	vadd.bf16 v2, v5;
	[tilespmem:s22+$0x40] =	vst v3;
	v10 =	vld [tilespmem:s8+$0xFFFFFFD0]  }
0x6cc: {  	[tilespmem:s22+$0x50] =	vst v1;
	v1 =	vld [tilespmem:s6+$0x10];
	s6 =	smov.u32 s19  }
.Ltmp79:
0x6cd: {  	v3 =	vunpack.i.u.bf16.f32 v2;
	v5 =	vunpack.i.l.bf16.f32 v2;
	v9 =	vadd.bf16 v9, v7;
	v2 =	vld [tilespmem:s19+$0x30];
	[tilespmem:s18+$0x60] =	vst v8;
	(pc) =	sbr.rel @p4 .LBB2_132-.Ltmp79, $4  }
0x6ce: {  	v6 =	vadd.bf16 v4, v6;
	[tilespmem:s22+$0xFFFFFFC0] =	vst v5;
	v4 =	vld [tilespmem:s23+$0x30]  }
0x6cf: {  	[tilespmem:s22+$0xFFFFFFD0] =	vst v3;
	v7 =	vunpack.i.u.bf16.f32 v9;
	v8 =	vunpack.i.l.bf16.f32 v9;
	v5 =	vld [tilespmem:s8+$0x10];
	s8 =	smov.u32 s23  }
0x6d0: {  	v9 =	vunpack.i.u.bf16.f32 v6;
	v6 =	vunpack.i.l.bf16.f32 v6;
	v3 =	vld [tilespmem:s19+$0xFFFFFFF0];
	[tilespmem:s22+$0x0] =	vst v8;
	v8 =	vadd.bf16 v10, v11  }
0x6d1: {  	s19 =	sadd.s32 $0x80, s19;
	[tilespmem:s22+$0xFFFFFF80] =	vst v6;
	v6 =	vld [tilespmem:s23+$0xFFFFFFF0]  }
0x6d2: {  	[tilespmem:s22+$0xFFFFFF90] =	vst v9  }
0x6d3: {  	v9 =	vunpack.i.l.bf16.f32 v8;
	[tilespmem:s22+$0x10] =	vst v7;
	v2 =	vadd.bf16 v4, v2;
	v4 =	vld [tilespmem:s6+$0xFFFFFFD0]  }
0x6d4: {  	v7 =	vunpack.i.u.bf16.f32 v8;
	[tilespmem:s18+$0xFFFFFFA0] =	vst v9;
	v1 =	vadd.bf16 v5, v1;
	v5 =	vld [tilespmem:s8+$0xFFFFFFD0]  }
0x6d5: {  	[tilespmem:s18+$0xFFFFFFB0] =	vst v7;
	v7 =	vld [tilespmem:s6+$0x10];
	v8 =	vunpack.i.u.bf16.f32 v2  }
0x6d6: {  	v2 =	vunpack.i.l.bf16.f32 v2;
	[tilespmem:s22+$0x70] =	vst v8;
	v8 =	vld [tilespmem:s8+$0x10]  }
0x6d7: {  	v3 =	vadd.bf16 v6, v3;
	v6 =	vunpack.i.l.bf16.f32 v1;
	[tilespmem:s22+$0x60] =	vst v2  }
0x6d8: {  	v1 =	vunpack.i.u.bf16.f32 v1;
	[tilespmem:s18+$0x20] =	vst v6  }
0x6d9: {  	[tilespmem:s18+$0x30] =	vst v1;
	v6 =	vunpack.i.l.bf16.f32 v3;
	v1 =	vunpack.i.u.bf16.f32 v3;
	v3 =	vadd.bf16 v5, v4  }
0x6da: {  	[tilespmem:s22+$0xFFFFFFE0] =	vst v6  }
0x6db: {  	[tilespmem:s22+$0xFFFFFFF0] =	vst v1;
	v1 =	vunpack.i.l.bf16.f32 v3;
	v2 =	vadd.bf16 v8, v7  }
0x6dc: {  	s23 =	sshll.u32 s11, $0xD;
	v3 =	vunpack.i.u.bf16.f32 v3;
	[tilespmem:s22+$0xFFFFFFA0] =	vst v1  }
0x6dd: {  	s6 =	sadd.s32 s20, s23;
	[tilespmem:s22+$0xFFFFFFB0] =	vst v3;
	v1 =	vunpack.i.l.bf16.f32 v2  }
0x6de: {  	s6 =	sshrl.u32 s6, $0x3;
	v2 =	vunpack.i.u.bf16.f32 v2;
	[tilespmem:s22+$0x20] =	vst v1  }
0x6df: {  	p4 =	seq.s32 s11, $0xC;
	s6 =	sadd.s32 s4, s6;
	[tilespmem:s22+$0x30] =	vst v2  }
0x6e0: {  	[hbm4b:s6+s3] =	stream.linear.scatter [tilespmem:s21], [sflag:$0x7], $0x1000, $0x38;
	[tilespmem:$0x1A940] =	vst v63  }
0x6e1: {  	p5 =	seq.s32 @!p4 s11, $0x0;
	s6 =	sshll.u32 @!p4 s11, $0x7;
	_ =	swait.ge [sflag:s9], $0x800  }
0x6e2: {  	s13 =	simm.s32 @!p4 $0x16C40;
	s6 =	sand.u32 @!p4 $0x3FFFFF80, s6;
	[sflag:s9] =	ssyncset.done $0x0  }
0x6e3: {  	s8 =	simm.s32 @!p4 $0x40;
	s6 =	sadd.s32 @!p4 $0x17CC0, s6;
	[sflag:s9] =	ssyncadd.s32 $0xFFFFF800  }
0x6e4: {  	[tilespmem:s13], [sflag:$0x3] =	stream.indirect.gather @!p4 [spmem:s1], $0x20, s6, s8, $0xb8;
	[tilespmem:$0x1A940] =	vst v63  }
0x6e5: {  	p4 =	por p4, !p5  }
0x6e6: {  	_ =	swait.ge @p4 [sflag:s31], $0x1000  }
0x6e7: {  	[sflag:s31] =	ssyncset.done @p4 $0x0  }
0x6e8: {  	[sflag:s31] =	ssyncadd.s32 @p4 $0xFFFFF000  }
0x6e9: {  	s26 =	simm.s32 $0x17480;
	v1 =	vld [tilespmem:s14+$0xFFFFFFF0]  }
0x6ea: {  	v2 =	vld [tilespmem:s26+$0x20]  }
0x6eb: {  	v3 =	vld [tilespmem:s14+$0xFFFFFFB0]  }
0x6ec: {  	v4 =	vld [tilespmem:s26+$0xFFFFFFE0];
	_ =	sdelay $0x2  }
0x6ed: {  	v1 =	vadd.bf16 v2, v1  }
0x6ee: {  	v5 =	vld [tilespmem:s14+$0xFFFFFFD0]  }
0x6ef: {  	s18 =	simm.s32 $0x199C0;
	v2 =	vld [tilespmem:s26+$0xFFFFFFC0];
	v3 =	vadd.bf16 v4, v3;
	v6 =	vunpack.i.l.bf16.f32 v1  }
0x6f0: {  	v4 =	vld [tilespmem:s26+$0x0];
	v1 =	vunpack.i.u.bf16.f32 v1;
	[tilespmem:s18+$0x40] =	vst v6  }
0x6f1: {  	v6 =	vld [tilespmem:s14+$0xFFFFFF90];
	[tilespmem:s18+$0x50] =	vst v1;
	v1 =	vunpack.i.l.bf16.f32 v3  }
0x6f2: {  	v3 =	vunpack.i.u.bf16.f32 v3;
	v7 =	vld [tilespmem:s14+$0x0];
	[tilespmem:s18+$0xFFFFFFC0] =	vst v1  }
0x6f3: {  	v1 =	vld [tilespmem:s26+$0x30];
	[tilespmem:s18+$0xFFFFFFD0] =	vst v3  }
0x6f4: {  	v3 =	vld [tilespmem:s14+$0xFFFFFFC0]  }
0x6f5: {  	s23 =	simm.s32 $0x17500;
	v4 =	vadd.bf16 v4, v5;
	v5 =	vld [tilespmem:s26+$0xFFFFFFF0]  }
0x6f6: {  	s6 =	sadd.s32 $0x80, s14;
	v9 =	vld [tilespmem:s23+$0x20]  }
0x6f7: {  	v8 =	vunpack.i.l.bf16.f32 v4;
	v2 =	vadd.bf16 v2, v6;
	v6 =	vld [tilespmem:s6+$0xFFFFFFF0]  }
0x6f8: {  	v4 =	vunpack.i.u.bf16.f32 v4;
	[tilespmem:s18+$0x0] =	vst v8;
	v8 =	vld [tilespmem:s23+$0xFFFFFFC0]  }
0x6f9: {  	[tilespmem:s18+$0x10] =	vst v4;
	v1 =	vadd.bf16 v1, v7;
	v7 =	vld [tilespmem:s6+$0xFFFFFFB0];
	v10 =	vunpack.i.l.bf16.f32 v2;
	v2 =	vunpack.i.u.bf16.f32 v2  }
0x6fa: {  	v3 =	vadd.bf16 v5, v3;
	[tilespmem:s18+$0xFFFFFF90] =	vst v2;
	v2 =	vld [tilespmem:s23+$0xFFFFFFE0]  }
0x6fb: {  	v5 =	vld [tilespmem:s6+$0xFFFFFFD0];
	[tilespmem:s18+$0xFFFFFF80] =	vst v10;
	v4 =	vunpack.i.u.bf16.f32 v1  }
0x6fc: {  	v10 =	vld [tilespmem:s6+$0xFFFFFF90];
	[tilespmem:s18+$0x70] =	vst v4;
	v6 =	vadd.bf16 v9, v6;
	v9 =	vunpack.i.l.bf16.f32 v3  }
0x6fd: {  	v4 =	vld [tilespmem:s23+$0x0];
	v3 =	vunpack.i.u.bf16.f32 v3;
	[tilespmem:s18+$0xFFFFFFE0] =	vst v9  }
0x6fe: {  	s22 =	simm.s32 $0x19AC0;
	v11 =	vld [tilespmem:s14+$0xFFFFFFA0];
	[tilespmem:s18+$0xFFFFFFF0] =	vst v3;
	v9 =	vunpack.i.l.bf16.f32 v6  }
0x6ff: {  	v3 =	vadd.bf16 v2, v7;
	v2 =	vunpack.i.u.bf16.f32 v6;
	[tilespmem:s22+$0x40] =	vst v9;
	v6 =	vld [tilespmem:s26+$0xFFFFFFD0]  }
0x700: {  	v7 =	vunpack.i.l.bf16.f32 v1;
	v1 =	vld [tilespmem:s14+$0xFFFFFFE0];
	[tilespmem:s22+$0x50] =	vst v2  }
0x701: {  	v8 =	vadd.bf16 v8, v10;
	[tilespmem:s18+$0x60] =	vst v7;
	v9 =	vunpack.i.l.bf16.f32 v3;
	v2 =	vld [tilespmem:s6+$0x0]  }
0x702: {  	v12 =	vadd.bf16 v4, v5;
	v3 =	vunpack.i.u.bf16.f32 v3;
	v4 =	vld [tilespmem:s23+$0x30];
	[tilespmem:s22+$0xFFFFFFC0] =	vst v9  }
0x703: {  	v5 =	vld [tilespmem:s26+$0x10];
	v10 =	vunpack.i.l.bf16.f32 v8;
	[tilespmem:s22+$0xFFFFFFD0] =	vst v3  }
0x704: {  	v7 =	vunpack.i.l.bf16.f32 v12;
	v9 =	vunpack.i.u.bf16.f32 v8;
	[tilespmem:s22+$0xFFFFFF80] =	vst v10;
	v3 =	vld [tilespmem:s6+$0xFFFFFFC0];
	v8 =	vadd.bf16 v6, v11  }
0x705: {  	s13 =	simm.s32 $0x4;
	s8 =	simm.s32 $0x17500;
	s19 =	sadd.s32 $0x80, s6;
	[tilespmem:s22+$0x0] =	vst v7;
	v7 =	vunpack.i.u.bf16.f32 v12;
	v6 =	vld [tilespmem:s23+$0xFFFFFFF0]  }
.LBB2_134:
0x706: {  	v10 =	vld [tilespmem:s19+$0xFFFFFFF0];
	[tilespmem:s22+$0xFFFFFF90] =	vst v9;
	s23 =	sadd.s32 $0x80, s23;
	v9 =	vunpack.i.u.bf16.f32 v8;
	v8 =	vunpack.i.l.bf16.f32 v8  }
0x707: {  	v11 =	vld [tilespmem:s23+$0x20];
	[tilespmem:s22+$0x10] =	vst v7;
	v2 =	vadd.bf16 v4, v2  }
0x708: {  	v4 =	vld [tilespmem:s23+$0xFFFFFFC0];
	[tilespmem:s18+$0xFFFFFFA0] =	vst v8;
	v1 =	vadd.bf16 v5, v1  }
0x709: {  	s13 =	sadd.s32 $0x4, s13;
	v5 =	vld [tilespmem:s19+$0xFFFFFFB0];
	v7 =	vunpack.i.u.bf16.f32 v2;
	v8 =	vunpack.i.l.bf16.f32 v2;
	[tilespmem:s18+$0xFFFFFFB0] =	vst v9  }
0x70a: {  	p4 =	slt.u32 s13, $0x3C;
	v2 =	vld [tilespmem:s23+$0xFFFFFFE0];
	v3 =	vadd.bf16 v6, v3;
	[tilespmem:s22+$0x70] =	vst v7;
	v6 =	vunpack.i.u.bf16.f32 v1;
	v1 =	vunpack.i.l.bf16.f32 v1  }
0x70b: {  	v7 =	vld [tilespmem:s19+$0xFFFFFFD0];
	[tilespmem:s18+$0x20] =	vst v1  }
0x70c: {  	v9 =	vld [tilespmem:s23+$0x0];
	v1 =	vadd.bf16 v11, v10;
	v10 =	vunpack.i.u.bf16.f32 v3;
	v3 =	vunpack.i.l.bf16.f32 v3;
	[tilespmem:s18+$0x30] =	vst v6;
	s18 =	smov.u32 s22  }
0x70d: {  	v6 =	vld [tilespmem:s19+$0xFFFFFF90];
	[tilespmem:s22+$0xFFFFFFE0] =	vst v3  }
0x70e: {  	s22 =	sadd.s32 $0x100, s22;
	v3 =	vunpack.i.l.bf16.f32 v1;
	v11 =	vld [tilespmem:s6+$0xFFFFFFA0];
	[tilespmem:s18+$0xFFFFFFF0] =	vst v10  }
0x70f: {  	v1 =	vunpack.i.u.bf16.f32 v1;
	v2 =	vadd.bf16 v2, v5;
	[tilespmem:s22+$0x40] =	vst v3;
	v10 =	vld [tilespmem:s8+$0xFFFFFFD0]  }
0x710: {  	[tilespmem:s22+$0x50] =	vst v1;
	v1 =	vld [tilespmem:s6+$0xFFFFFFE0];
	s6 =	smov.u32 s19  }
.Ltmp80:
0x711: {  	v3 =	vunpack.i.u.bf16.f32 v2;
	v5 =	vunpack.i.l.bf16.f32 v2;
	v9 =	vadd.bf16 v9, v7;
	v2 =	vld [tilespmem:s19+$0x0];
	[tilespmem:s18+$0x60] =	vst v8;
	(pc) =	sbr.rel @p4 .LBB2_134-.Ltmp80, $4  }
0x712: {  	v6 =	vadd.bf16 v4, v6;
	[tilespmem:s22+$0xFFFFFFC0] =	vst v5;
	v4 =	vld [tilespmem:s23+$0x30]  }
0x713: {  	[tilespmem:s22+$0xFFFFFFD0] =	vst v3;
	v7 =	vunpack.i.u.bf16.f32 v9;
	v8 =	vunpack.i.l.bf16.f32 v9;
	v5 =	vld [tilespmem:s8+$0x10];
	s8 =	smov.u32 s23  }
0x714: {  	v9 =	vunpack.i.u.bf16.f32 v6;
	v6 =	vunpack.i.l.bf16.f32 v6;
	v3 =	vld [tilespmem:s19+$0xFFFFFFC0];
	[tilespmem:s22+$0x0] =	vst v8;
	v8 =	vadd.bf16 v10, v11  }
0x715: {  	s19 =	sadd.s32 $0x80, s19;
	[tilespmem:s22+$0xFFFFFF80] =	vst v6;
	v6 =	vld [tilespmem:s23+$0xFFFFFFF0]  }
0x716: {  	[tilespmem:s22+$0xFFFFFF90] =	vst v9  }
0x717: {  	v55 =	vunpack.i.l.bf16.f32 v8;
	[tilespmem:s22+$0x10] =	vst v7;
	v2 =	vadd.bf16 v4, v2;
	v56 =	vld [tilespmem:s6+$0xFFFFFFA0]  }
0x718: {  	v57 =	vunpack.i.u.bf16.f32 v8;
	[tilespmem:s18+$0xFFFFFFA0] =	vst v55;
	v58 =	vld [tilespmem:s8+$0xFFFFFFD0]  }
0x719: {  	[tilespmem:s18+$0xFFFFFFB0] =	vst v57;
	v60 =	vld [tilespmem:s6+$0xFFFFFFE0];
	v1 =	vadd.bf16 v5, v1;
	v59 =	vunpack.i.u.bf16.f32 v2  }
0x71a: {  	v62 =	vld [tilespmem:s8+$0x10];
	v2 =	vunpack.i.l.bf16.f32 v2;
	[tilespmem:s22+$0x70] =	vst v59  }
0x71b: {  	v3 =	vadd.bf16 v6, v3;
	v61 =	vunpack.i.l.bf16.f32 v1;
	[tilespmem:s22+$0x60] =	vst v2  }
0x71c: {  	v1 =	vunpack.i.u.bf16.f32 v1;
	[tilespmem:s18+$0x20] =	vst v61  }
0x71d: {  	[tilespmem:s18+$0x30] =	vst v1;
	v63 =	vunpack.i.l.bf16.f32 v3;
	v1 =	vunpack.i.u.bf16.f32 v3;
	v3 =	vadd.bf16 v58, v56  }
0x71e: {  	s11 =	sadd.s32 $0x1, s11;
	[tilespmem:s22+$0xFFFFFFE0] =	vst v63  }
0x71f: {  	p4 =	sne.s32 s11, $0xD;
	v2 =	vadd.bf16 v62, v60;
	[tilespmem:s22+$0xFFFFFFF0] =	vst v1;
	v1 =	vunpack.i.l.bf16.f32 v3  }
.Ltmp81:
0x720: {  	s26 =	sadd.s32 s5, s7;
	v3 =	vunpack.i.u.bf16.f32 v3;
	[tilespmem:s22+$0xFFFFFFA0] =	vst v1;
	(pc) =	sbr.rel @p4 .LBB2_131-.Ltmp81, $4  }
0x721: {  	s6 =	sshll.u32 s26, $0x3;
	[tilespmem:s22+$0xFFFFFFB0] =	vst v3;
	v1 =	vunpack.i.l.bf16.f32 v2  }
0x722: {  	s6 =	sand.u32 $0x1FFFFE00, s6;
	v2 =	vunpack.i.u.bf16.f32 v2;
	[tilespmem:s22+$0x20] =	vst v1  }
0x723: {  	s12 =	sadd.s32 $0x1000, s12;
	s14 =	sadd.s32 $0x1000, s14;
	s6 =	sadd.s32 s4, s6;
	[tilespmem:s22+$0x30] =	vst v2  }
0x724: {  	[hbm4b:s6+s3] =	stream.linear.scatter [tilespmem:s28], [sflag:$0x8], $0x1000, $0x38;
	[tilespmem:$0x1A940] =	vst v63  }
0x725: {  	s6 =	simm.s32 $0x7  }
0x726: {  	_ =	swait.ge [sflag:s6], $0x1000  }
0x727: {  	[sflag:s6] =	ssyncset.done $0x0  }
0x728: {  	[sflag:s6] =	ssyncadd.s32 $0xFFFFF000  }
0x729: {  	_ =	swait.ge [sflag:s31], $0x1000  }
0x72a: {  	s26 =	sld [smem:$0x7FA];
	_ =	sdelay $0x1  }
0x72b: {  	s0 =	sadd.s32 $0x1, s0  }
0x72c: {  	p4 =	sne.s32 s0, s26  }
.Ltmp82:
0x72d: {  	_ = 	snop;
	(pc) =	sbr.rel @p4 .LBB2_1-.Ltmp82, $3  }
0x72e: {  	_ =	sdelay $0x1  }
0x72f: {  	[sflag:s31] =	ssyncset.done $0x0  }
0x730: {  	s11 =	simm.s32 $0x24;
	s18 =	rddreg [dreg:$0x6];
	[sflag:s31] =	ssyncadd.s32 $0xFFFFF000  }
0x731: {  	_ =	sfence.sel $0x180000  }
0x732: {  	[bflag:$0x0] =	sbarrier.arrive $0xFFFF  }
0x733: {  	_ =	strace $0x90000047  }
0x734: {  	[bflag:$0x2] =	sbarrier.arrive $0xFFFF  }
0x735: {  	s0 =	rddreg [dreg:$0x4]  }
0x736: {  	s0 =	sadd.s32 @!p0 $0x100000, s0  }
0x737: {  	[sflag:s0] =	ssyncadd.tile.s32 @!p0 $0x1;
	_ =	shalt  }
.Lfunc_end2:
_tile_overlayer_lowered:
.L_overlay_start_2:
0x738: {  	(tag) =	ssettag $0x2  }
0x739: {  	s0 =	rddreg [dreg:$0x0];
	s2 =	stileid.u32  }
0x73a: {  	s1 =	rddreg [dreg:$0x1];
	p0 =	sne.s32 s2, $0x0  }
0x73b: {  	s3 =	rddreg [dreg:$0x2];
	[bflag:$0x3] =	sbarrier.arrive $0xFFFF;
	s2 =	simm.s32 @!p0 $0x1C09  }
0x73c: {  	[timem:s3], [sflag:s2] =	dma.local @!p0 [hbm:s0], s1  }
0x73d: {  	s0 =	simm.s32 @!p0 $0x9  }
0x73e: {  	_ =	swait.ge @!p0 [sflag:s0], s1  }
0x73f: {  	s1 =	ssub.s32 @!p0 $0x0, s1;
	[sflag:s0] =	ssyncset.done @!p0 $0x0  }
0x740: {  	[sflag:s0] =	ssyncadd.s32 @!p0 s1  }
0x741: {  	[bflag:$0x3] =	sbarrier.arrive $0xFFFF  }
0x742: {  	_ =	shalt  }

</sc_bundles>
